<compile_context>
chip_gen: v7x
topology: tpu7x:2x2x1
jax: 0.10.2.dev20260603
libtpu: 0.0.44.dev20260713+nightly
codegen_flags: <defaults>
</compile_context>

<pallas_src>
import jax
import jax.numpy as jnp
from jax import lax
from jax.experimental import pallas as pl
from jax.experimental.pallas import tpu as pltpu
from jax.experimental.pallas import tpu_sc as plsc

N = 10000
E = 320000
D = 128
NP = 10240
NC = 2
NS = 16
NW = NC * NS
LN = 16

RB = 1000
EB = 2000

EPT_DEG = E // NS


def _deg_body(eidx, out, idx_v, acc):
  c = lax.axis_index("c")
  s = lax.axis_index("s")
  zero16 = jnp.zeros((LN,), jnp.float32)

  def zbody(i, carry):
    acc[pl.ds(i * LN, LN)] = zero16
    return carry

  lax.fori_loop(0, NP // LN, zbody, None)
  src_off = pl.multiple_of(c * E + s * EPT_DEG, 8)
  pltpu.sync_copy(eidx.at[pl.ds(src_off, EPT_DEG)], idx_v)
  ones16 = jnp.ones((LN,), jnp.float32)

  def sbody(i, carry):
    iv = idx_v[pl.ds(i * LN, LN)]
    plsc.addupdate_scatter(acc, [iv], ones16)
    return carry

  lax.fori_loop(0, EPT_DEG // LN, sbody, None)
  out_off = pl.multiple_of((c * NS + s) * NP, 8)
  pltpu.sync_copy(acc, out.at[pl.ds(out_off, NP)])


def _degrees(eidx_flat):
  mesh = plsc.VectorSubcoreMesh(core_axis_name="c", subcore_axis_name="s")
  f = pl.kernel(
      _deg_body,
      out_type=jax.ShapeDtypeStruct((NC * NS * NP,), jnp.float32),
      mesh=mesh,
      scratch_types=[
          pltpu.VMEM((EPT_DEG,), jnp.int32),
          pltpu.VMEM((NP,), jnp.float32),
      ],
      compiler_params=pltpu.CompilerParams(needs_layout_passes=False),
  )
  return f(eidx_flat).reshape(NC, NS, NP)


SK = 2048
SSCALE = SK / 16.0


def _pre_kernel(x_ref, wsrc_ref, bsrc_ref, wdst_ref, bdst_ref, degp_ref,
                t1_ref, t2_ref, stbl_ref):
  x = x_ref[...]
  deg_out = jnp.sum(degp_ref[0], axis=0)[:N]
  r = lax.rsqrt(jnp.maximum(deg_out, 1.0))
  t1_ref[:, :D] = (
      jnp.dot(x, wsrc_ref[...], preferred_element_type=jnp.float32)
      + bsrc_ref[...])
  t1_ref[:, D:] = x * r[:, None]
  t2_ref[...] = (
      jnp.dot(x, wdst_ref[...], preferred_element_type=jnp.float32)
      + bdst_ref[...])
  k2d = (lax.broadcasted_iota(jnp.int32, (SK // D, D), 0) * D
         + lax.broadcasted_iota(jnp.int32, (SK // D, D), 1)).astype(jnp.float32)
  stbl_ref[...] = jax.nn.sigmoid((k2d + 0.5 - SK / 2) / SSCALE)


def _pre(x, wsrc, bsrc, wdst, bdst, degp):
  return pl.pallas_call(
      _pre_kernel,
      out_shape=[
          jax.ShapeDtypeStruct((N, 2 * D), jnp.float32),
          jax.ShapeDtypeStruct((N, D), jnp.float32),
          jax.ShapeDtypeStruct((SK // D, D), jnp.float32),
      ],
  )(x, wsrc, bsrc, wdst, bdst, degp)


def _mm_kernel(ef_ref, w_ref, b_ref, out_ref):
  out_ref[...] = (
      jnp.dot(ef_ref[...], w_ref[...], preferred_element_type=jnp.float32)
      + b_ref[...])


def _edgemm(ef, w, b):
  return pl.pallas_call(
      _mm_kernel,
      grid=(E // EB,),
      in_specs=[
          pl.BlockSpec((EB, D), lambda i: (i, 0)),
          pl.BlockSpec((D, D), lambda i: (0, 0)),
          pl.BlockSpec((1, D), lambda i: (0, 0)),
      ],
      out_specs=pl.BlockSpec((EB, D), lambda i: (i, 0)),
      out_shape=jax.ShapeDtypeStruct((E, D), jnp.float32),
  )(ef, w, b)


EPT = E // NW
CH = 40
NCHK = EPT // CH
HF = NCHK // 2
RPT = NP // NS
SLAB = 40
NSLAB = RPT // SLAB


def _edge_body(t1, t2, ew, src, dst, zrows, stbl, m_out, part,
               src_v0, dst_v0, g1_0, g2_0, ewv0,
               src_v1, dst_v1, g1_1, g2_1, ewv1,
               stbl_v, shared,
               sem_idx0, sem_idx1, sem_in0, sem_in1, sem_m0, sem_m1):
  c = lax.axis_index("c")
  s = lax.axis_index("s")
  wid = c * NS + s
  ebase = wid * EPT

  src_v = [src_v0, src_v1]
  dst_v = [dst_v0, dst_v1]
  g1 = [g1_0, g1_1]
  g2 = [g2_0, g2_1]
  ewv = [ewv0, ewv1]
  sem_idx = [sem_idx0, sem_idx1]
  sem_in = [sem_in0, sem_in1]
  sem_m = [sem_m0, sem_m1]

  def chunk_base(ck):
    return pl.ds(pl.multiple_of(ebase + ck * CH, 8), CH)

  def start_idx(ck, b):
    pltpu.async_copy(src.at[chunk_base(ck)], src_v[b], sem_idx[b])
    pltpu.async_copy(dst.at[chunk_base(ck)], dst_v[b], sem_idx[b])

  def wait_idx(ck, b):
    pltpu.make_async_copy(src.at[chunk_base(ck)], src_v[b], sem_idx[b]).wait()
    pltpu.make_async_copy(dst.at[chunk_base(ck)], dst_v[b], sem_idx[b]).wait()

  def start_in(ck, b):
    pltpu.async_copy(t1.at[src_v[b]], g1[b], sem_in[b])
    pltpu.async_copy(t2.at[dst_v[b]], g2[b], sem_in[b])
    pltpu.async_copy(ew.at[chunk_base(ck)], ewv[b], sem_in[b])

  def wait_in(ck, b):
    pltpu.make_async_copy(t1.at[src_v[b]], g1[b], sem_in[b]).wait()
    pltpu.make_async_copy(t2.at[dst_v[b]], g2[b], sem_in[b]).wait()
    pltpu.make_async_copy(ew.at[chunk_base(ck)], ewv[b], sem_in[b]).wait()

  def wait_m(ck, b):
    pltpu.make_async_copy(ewv[b], m_out.at[chunk_base(ck)], sem_m[b]).wait()

  pltpu.sync_copy(zrows, shared.at[pl.ds(pl.multiple_of(s * RPT, 8), RPT)])
  pltpu.sync_copy(stbl, stbl_v)
  plsc.subcore_barrier()

  start_idx(0, 0)
  wait_idx(0, 0)
  start_in(0, 0)
  start_idx(1, 1)

  def outer(i, carry):
    for b in (0, 1):
      ck = 2 * i + b
      wait_in(ck, b)
      nb = 1 - b

      def launch_next():
        @pl.when(ck >= 1)
        def _():
          wait_m(ck - 1, nb)
        wait_idx(ck + 1, nb)
        start_in(ck + 1, nb)

      if b == 0:
        launch_next()
      else:
        pl.when(i < HF - 1)(launch_next)

      @plsc.parallel_loop(0, CH, 1, unroll=4)
      def row(r):
        for v in range(D // LN):
          sl = pl.ds(v * LN, LN)
          mv = g1[b][r, sl] + g2[b][r, sl] + ewv[b][r, sl]
          t = jnp.minimum(jnp.maximum(mv * SSCALE + (SK / 2), 0.0), SK - 1.0)
          sg = plsc.load_gather(stbl_v, [t.astype(jnp.int32)])
          ewv[b][r, sl] = mv
          g2[b][r, sl] = g1[b][r, pl.ds(D + v * LN, LN)] * sg
      pltpu.async_copy(ewv[b], m_out.at[chunk_base(ck)], sem_m[b])
      pltpu.sync_copy(g2[b], shared.at[dst_v[b]], add=True)

      @pl.when(i < HF - 1)
      def _():
        start_idx(ck + 2, b)
    return carry

  lax.fori_loop(0, HF, outer, None)
  wait_m(NCHK - 2, 0)
  wait_m(NCHK - 1, 1)
  plsc.subcore_barrier()

  for j in range(NSLAB):
    row0 = pl.multiple_of(s * RPT + j * SLAB, 8)
    pltpu.sync_copy(shared.at[pl.ds(row0, SLAB)], ewv0)
    pltpu.sync_copy(ewv0, part.at[c, pl.ds(row0, SLAB)])


def _edge(t1, t2, ew, src, dst, zrows, stbl):
  mesh = plsc.VectorSubcoreMesh(core_axis_name="c", subcore_axis_name="s")
  buf_types = [
      pltpu.VMEM((CH,), jnp.int32),
      pltpu.VMEM((CH,), jnp.int32),
      pltpu.VMEM((CH, 2 * D), jnp.float32),
      pltpu.VMEM((CH, D), jnp.float32),
      pltpu.VMEM((CH, D), jnp.float32),
  ]
  f = pl.kernel(
      _edge_body,
      out_type=[
          jax.ShapeDtypeStruct((E, D), jnp.float32),
          jax.ShapeDtypeStruct((NC, NP, D), jnp.float32),
      ],
      mesh=mesh,
      scratch_types=buf_types + buf_types + [
          pltpu.VMEM((SK,), jnp.float32),
          pltpu.VMEM_SHARED((NP, D), jnp.float32),
          pltpu.SemaphoreType.DMA,
          pltpu.SemaphoreType.DMA,
          pltpu.SemaphoreType.DMA,
          pltpu.SemaphoreType.DMA,
          pltpu.SemaphoreType.DMA,
          pltpu.SemaphoreType.DMA,
      ],
      compiler_params=pltpu.CompilerParams(needs_layout_passes=False),
  )
  return f(t1, t2, ew, src, dst, zrows, stbl)


def _post_kernel(x_ref, part_ref, w_ref, b_ref, degp_ref, out_ref):
  rst0 = (part_ref[0] + part_ref[1])[:N]
  y = jnp.dot(rst0, w_ref[...], preferred_element_type=jnp.float32)
  deg_in = jnp.sum(degp_ref[1], axis=0)[:N]
  r = lax.rsqrt(jnp.maximum(deg_in, 1.0))
  out_ref[...] = x_ref[...] + y * r[:, None] + b_ref[...]


def _post(x, part, w, b, degp):
  return pl.pallas_call(
      _post_kernel,
      out_shape=jax.ShapeDtypeStruct((N, D), jnp.float32),
  )(x, part, w, b, degp)


@jax.jit
def kernel(node_feats, edge_index, edge_feats, W_src, b_src, W_dst, b_dst,
           W_edge, b_edge, weight, bias):
  edge_index = edge_index.astype(jnp.int32)
  degp = _degrees(edge_index.reshape(NC * E))
  t1, t2, stbl = _pre(node_feats, W_src, b_src.reshape(1, D), W_dst,
                      b_dst.reshape(1, D), degp)
  ew = _edgemm(edge_feats, W_edge, b_edge.reshape(1, D))
  zrows = jnp.zeros((RPT, D), jnp.float32)
  m, part = _edge(t1, t2, ew, edge_index[0], edge_index[1], zrows,
                  stbl.reshape(SK))
  rst = _post(node_feats, part, weight, bias.reshape(1, D), degp)
  return rst, m

# --- scband reference (transcript-rebuilt; emitter-appended) ---
"""Pipeline reference for scband-pure-gnn-32031866093810 (READ-ONLY COPY).

The authoritative reference and input builder live on the scoring server;
editing this copy changes nothing except your own understanding.
"""

import jax, jax.numpy as jnp
import numpy as np

N = 10000
E = 320000
D = 128


def setup_inputs(seed: int = 0) -> dict:
    key = jax.random.key(seed)
    ks = jax.random.split(key, 12)
    s = 1.0 / np.sqrt(D)
    x = jax.random.normal(ks[0], (N, D), jnp.float32)
    edge_index = jax.random.randint(ks[1], (2, E), 0, N)
    edge_feats = jax.random.normal(ks[2], (E, D), jnp.float32)
    W_src = jax.random.normal(ks[3], (D, D), jnp.float32) * s
    b_src = jax.random.normal(ks[4], (D,), jnp.float32) * 0.01
    W_dst = jax.random.normal(ks[5], (D, D), jnp.float32) * s
    b_dst = jax.random.normal(ks[6], (D,), jnp.float32) * 0.01
    W_edge = jax.random.normal(ks[7], (D, D), jnp.float32) * s
    b_edge = jax.random.normal(ks[8], (D,), jnp.float32) * 0.01
    weight = jax.random.normal(ks[9], (D, D), jnp.float32) * s
    bias = jnp.zeros((D,), jnp.float32)
    return {"node_feats": x, "edge_index": edge_index, "edge_feats": edge_feats,
            "W_src": W_src, "b_src": b_src, "W_dst": W_dst, "b_dst": b_dst,
            "W_edge": W_edge, "b_edge": b_edge, "weight": weight, "bias": bias}


def reference(node_feats, edge_index, edge_feats, W_src, b_src, W_dst, b_dst, W_edge, b_edge, weight, bias):
    src = edge_index[0]
    dst = edge_index[1]
    n = node_feats.shape[0]
    # edge gating: sigma = sigmoid(src_gate(u) + dst_gate(v) + edge_gate(e))
    e_src = node_feats @ W_src + b_src
    e_dst = node_feats @ W_dst + b_dst
    m = e_src[src] + e_dst[dst] + (edge_feats @ W_edge + b_edge)
    sigma = jax.nn.sigmoid(m)
    # left norm (norm='both'): feat_src = x * out_deg^-0.5
    deg_out = jnp.maximum(jnp.bincount(src, length=n).astype(jnp.float32), 1.0)
    feat_src = node_feats * (deg_out ** -0.5)[:, None]
    # aggregate: sum_{j->i} feat_src[j] * sigma_ij  (in_feats == out_feats -> matmul after aggregation)
    msg = feat_src[src] * sigma
    rst = jnp.zeros((n, feat_src.shape[1]), node_feats.dtype).at[dst].add(msg)
    rst = rst @ weight
    # right norm: rst = rst * in_deg^-0.5
    deg_in = jnp.maximum(jnp.bincount(dst, length=n).astype(jnp.float32), 1.0)
    rst = rst * (deg_in ** -0.5)[:, None]
    rst = rst + bias
    # residual
    rst = node_feats + rst
    return (rst, m)

if __name__ == "__main__":
    import jax
    _d = setup_inputs()
    print(jax.jit(kernel)(*tuple(_d.values())))

</pallas_src>

<mosaic_0001>
#map = affine_map<(d0, d1) -> (0)>
module attributes {stable_mosaic.version = 14 : i64} {
  func.func @_deg_body(%arg0: i32, %arg1: i32, %arg2: memref<640000xi32, #tpu.memory_space<hbm>>, %arg3: memref<327680xf32, #tpu.memory_space<hbm>>, %arg4: memref<20000xi32, #tpu.memory_space<vmem>>, %arg5: memref<10240xf32, #tpu.memory_space<vmem>>) attributes {dimension_semantics = [#tpu.dimension_semantics<core_parallel>, #tpu.dimension_semantics<subcore_parallel>], iteration_bounds = array<i64: 2, 16>, scalar_prefetch = 0 : i64, scratch_operands = 2 : i64, tpu.core_type = #tpu.core_type<sc_vector_subcore>, window_params = [{transform_indices = #map}, {transform_indices = #map}]} {
    %broadcast_in_dim3A = arith.constant 0.000000e+00 : f32
    %broadcast_in_dim3A_0 = vector.broadcast %broadcast_in_dim3A : f32 to vector<16xf32>
    %scan3A = arith.constant 0 : i32
    %scan3A_1 = arith.constant 640 : i32
    %scan3A_2 = arith.addi %scan3A, %scan3A_1 : i32
    %scan3A_3 = arith.constant 1 : i32
    scf.for %scan3A_21 = %scan3A to %scan3A_2 step %scan3A_3  : i32 {
      %mul3A_22 = arith.constant 16 : i32
      %mul3A_23 = arith.muli %scan3A_21, %mul3A_22 : i32
      %swap3A = arith.index_cast %mul3A_23 : i32 to index
      %swap3A_24 = tpu.vector_load %arg5[%swap3A] {strides = array<i32>} : memref<10240xf32, #tpu.memory_space<vmem>>, vector<16xf32>,
      tpu.vector_store %arg5[%swap3A], %broadcast_in_dim3A_0 {strides = array<i32>} : memref<10240xf32, #tpu.memory_space<vmem>>, vector<16xf32>,
    }
    %scan3A_4 = arith.constant 640 : i32
    %mul3A = arith.constant 320000 : i32
    %mul3A_5 = arith.muli %arg0, %mul3A : i32
    %mul3A_6 = arith.constant 20000 : i32
    %mul3A_7 = arith.muli %arg1, %mul3A_6 : i32
    %add3A = arith.addi %mul3A_5, %mul3A_7 : i32
    %multiple_of3A = tpu.assume_multiple %add3A, 8 : i32
    "tpu.region"() ({
      %run_scoped3A = tpu.sem_alloc : memref<!tpu.dma_semaphore, #tpu.memory_space<semaphore_mem>>
      %dma_start3A = tpu.memref_slice %arg2[%multiple_of3A] : memref<640000xi32, #tpu.memory_space<hbm>> -> memref<20000xi32, #tpu.memory_space<hbm>>
      %dma_start3A_21 = tpu.memref_slice %arg2[%multiple_of3A] : memref<640000xi32, #tpu.memory_space<hbm>> -> memref<20000xi32, #tpu.memory_space<hbm>>
      tpu.enqueue_dma source(%dma_start3A_21 : memref<20000xi32, #tpu.memory_space<hbm>>) target(%arg4 : memref<20000xi32, #tpu.memory_space<vmem>>) target_semaphore(%run_scoped3A : memref<!tpu.dma_semaphore, #tpu.memory_space<semaphore_mem>>)
      %dma_wait3A = tpu.memref_slice %arg2[%multiple_of3A] : memref<640000xi32, #tpu.memory_space<hbm>> -> memref<20000xi32, #tpu.memory_space<hbm>>
      %dma_wait3A_22 = tpu.memref_slice %arg2[%multiple_of3A] : memref<640000xi32, #tpu.memory_space<hbm>> -> memref<20000xi32, #tpu.memory_space<hbm>>
      tpu.wait_dma2 semaphore(%run_scoped3A : memref<!tpu.dma_semaphore, #tpu.memory_space<semaphore_mem>>) src(%dma_wait3A_22 : memref<20000xi32, #tpu.memory_space<hbm>>) dst(%arg4 : memref<20000xi32, #tpu.memory_space<vmem>>)
      tpu.yield
    }) : () -> ()
    %broadcast_in_dim3A_8 = arith.constant 1.000000e+00 : f32
    %broadcast_in_dim3A_9 = vector.broadcast %broadcast_in_dim3A_8 : f32 to vector<16xf32>
    %scan3A_10 = arith.constant 0 : i32
    %scan3A_11 = arith.constant 1250 : i32
    %scan3A_12 = arith.addi %scan3A_10, %scan3A_11 : i32
    %scan3A_13 = arith.constant 1 : i32
    scf.for %scan3A_21 = %scan3A_10 to %scan3A_12 step %scan3A_13  : i32 {
      %mul3A_22 = arith.constant 16 : i32
      %mul3A_23 = arith.muli %scan3A_21, %mul3A_22 : i32
      %get3A = arith.index_cast %mul3A_23 : i32 to index
      %get3A_24 = tpu.vector_load %arg4[%get3A] {strides = array<i32>} : memref<20000xi32, #tpu.memory_space<vmem>>, vector<16xi32>,
      tpu.vector_store_idx %arg5[%get3A_24], %broadcast_in_dim3A_9 {add = true} : memref<10240xf32, #tpu.memory_space<vmem>>[vector<16xi32>], vector<16xf32>,
    }
    %scan3A_14 = arith.constant 1250 : i32
    %mul3A_15 = arith.constant 16 : i32
    %mul3A_16 = arith.muli %arg0, %mul3A_15 : i32
    %add3A_17 = arith.addi %mul3A_16, %arg1 : i32
    %mul3A_18 = arith.constant 10240 : i32
    %mul3A_19 = arith.muli %add3A_17, %mul3A_18 : i32
    %multiple_of3A_20 = tpu.assume_multiple %mul3A_19, 8 : i32
    "tpu.region"() ({
      %run_scoped3A = tpu.sem_alloc : memref<!tpu.dma_semaphore, #tpu.memory_space<semaphore_mem>>
      %dma_start3A = tpu.memref_slice %arg3[%multiple_of3A_20] : memref<327680xf32, #tpu.memory_space<hbm>> -> memref<10240xf32, #tpu.memory_space<hbm>>
      %dma_start3A_21 = tpu.memref_slice %arg3[%multiple_of3A_20] : memref<327680xf32, #tpu.memory_space<hbm>> -> memref<10240xf32, #tpu.memory_space<hbm>>
      tpu.enqueue_dma source(%arg5 : memref<10240xf32, #tpu.memory_space<vmem>>) target(%dma_start3A_21 : memref<10240xf32, #tpu.memory_space<hbm>>) target_semaphore(%run_scoped3A : memref<!tpu.dma_semaphore, #tpu.memory_space<semaphore_mem>>)
      %dma_wait3A = tpu.memref_slice %arg3[%multiple_of3A_20] : memref<327680xf32, #tpu.memory_space<hbm>> -> memref<10240xf32, #tpu.memory_space<hbm>>
      %dma_wait3A_22 = tpu.memref_slice %arg3[%multiple_of3A_20] : memref<327680xf32, #tpu.memory_space<hbm>> -> memref<10240xf32, #tpu.memory_space<hbm>>
      tpu.wait_dma2 semaphore(%run_scoped3A : memref<!tpu.dma_semaphore, #tpu.memory_space<semaphore_mem>>) src(%arg5 : memref<10240xf32, #tpu.memory_space<vmem>>) dst(%dma_wait3A_22 : memref<10240xf32, #tpu.memory_space<hbm>>)
      tpu.yield
    }) : () -> ()
    return
  }
}

#map = affine_map<(d0, d1) -> (0, 0)>
#map1 = affine_map<(d0, d1) -> (0)>
#map2 = affine_map<(d0, d1) -> (0, 0, 0)>
module attributes {stable_mosaic.version = 14 : i64} {
  func.func @_edge_body(%arg0: i32, %arg1: i32, %arg2: memref<10000x256xf32, #tpu.memory_space<hbm>>, %arg3: memref<10000x128xf32, #tpu.memory_space<hbm>>, %arg4: memref<320000x128xf32, #tpu.memory_space<hbm>>, %arg5: memref<320000xi32, #tpu.memory_space<hbm>>, %arg6: memref<320000xi32, #tpu.memory_space<hbm>>, %arg7: memref<640x128xf32, #tpu.memory_space<hbm>>, %arg8: memref<2048xf32, #tpu.memory_space<hbm>>, %arg9: memref<320000x128xf32, #tpu.memory_space<hbm>>, %arg10: memref<2x10240x128xf32, #tpu.memory_space<hbm>>, %arg11: memref<40xi32, #tpu.memory_space<vmem>>, %arg12: memref<40xi32, #tpu.memory_space<vmem>>, %arg13: memref<40x256xf32, #tpu.memory_space<vmem>>, %arg14: memref<40x128xf32, #tpu.memory_space<vmem>>, %arg15: memref<40x128xf32, #tpu.memory_space<vmem>>, %arg16: memref<40xi32, #tpu.memory_space<vmem>>, %arg17: memref<40xi32, #tpu.memory_space<vmem>>, %arg18: memref<40x256xf32, #tpu.memory_space<vmem>>, %arg19: memref<40x128xf32, #tpu.memory_space<vmem>>, %arg20: memref<40x128xf32, #tpu.memory_space<vmem>>, %arg21: memref<2048xf32, #tpu.memory_space<vmem>>, %arg22: memref<10240x128xf32, #tpu.memory_space<vmem_shared>>, %arg23: memref<!tpu.dma_semaphore, #tpu.memory_space<semaphore_mem>>, %arg24: memref<!tpu.dma_semaphore, #tpu.memory_space<semaphore_mem>>, %arg25: memref<!tpu.dma_semaphore, #tpu.memory_space<semaphore_mem>>, %arg26: memref<!tpu.dma_semaphore, #tpu.memory_space<semaphore_mem>>, %arg27: memref<!tpu.dma_semaphore, #tpu.memory_space<semaphore_mem>>, %arg28: memref<!tpu.dma_semaphore, #tpu.memory_space<semaphore_mem>>) attributes {dimension_semantics = [#tpu.dimension_semantics<core_parallel>, #tpu.dimension_semantics<subcore_parallel>], iteration_bounds = array<i64: 2, 16>, scalar_prefetch = 0 : i64, scratch_operands = 18 : i64, tpu.core_type = #tpu.core_type<sc_vector_subcore>, window_params = [{transform_indices = #map}, {transform_indices = #map}, {transform_indices = #map}, {transform_indices = #map1}, {transform_indices = #map1}, {transform_indices = #map}, {transform_indices = #map1}, {transform_indices = #map}, {transform_indices = #map2}]} {
    %mul3A = arith.constant 16 : i32
    %mul3A_0 = arith.muli %arg0, %mul3A : i32
    %add3A = arith.addi %mul3A_0, %arg1 : i32
    %mul3A_1 = arith.constant 10000 : i32
    %mul3A_2 = arith.muli %add3A, %mul3A_1 : i32
    %mul3A_3 = arith.constant 640 : i32
    %mul3A_4 = arith.muli %arg1, %mul3A_3 : i32
    %multiple_of3A = tpu.assume_multiple %mul3A_4, 8 : i32
    "tpu.region"() ({
      %run_scoped3A = tpu.sem_alloc : memref<!tpu.dma_semaphore, #tpu.memory_space<semaphore_mem>>
      %dma_start3A_145 = arith.constant 0 : i32
      %dma_start3A_146 = tpu.memref_slice %arg22[%multiple_of3A, %dma_start3A_145] : memref<10240x128xf32, #tpu.memory_space<vmem_shared>> -> memref<640x128xf32, #tpu.memory_space<vmem_shared>>
      tpu.enqueue_dma source(%arg7 : memref<640x128xf32, #tpu.memory_space<hbm>>) target(%dma_start3A_146 : memref<640x128xf32, #tpu.memory_space<vmem_shared>>) target_semaphore(%run_scoped3A : memref<!tpu.dma_semaphore, #tpu.memory_space<semaphore_mem>>)
      %dma_wait3A_147 = arith.constant 0 : i32
      %dma_wait3A_148 = tpu.memref_slice %arg22[%multiple_of3A, %dma_wait3A_147] : memref<10240x128xf32, #tpu.memory_space<vmem_shared>> -> memref<640x128xf32, #tpu.memory_space<vmem_shared>>
      tpu.wait_dma2 semaphore(%run_scoped3A : memref<!tpu.dma_semaphore, #tpu.memory_space<semaphore_mem>>) src(%arg7 : memref<640x128xf32, #tpu.memory_space<hbm>>) dst(%dma_wait3A_148 : memref<640x128xf32, #tpu.memory_space<vmem_shared>>)
      tpu.yield
    }) : () -> ()
    "tpu.region"() ({
      %run_scoped3A = tpu.sem_alloc : memref<!tpu.dma_semaphore, #tpu.memory_space<semaphore_mem>>
      tpu.enqueue_dma source(%arg8 : memref<2048xf32, #tpu.memory_space<hbm>>) target(%arg21 : memref<2048xf32, #tpu.memory_space<vmem>>) target_semaphore(%run_scoped3A : memref<!tpu.dma_semaphore, #tpu.memory_space<semaphore_mem>>)
      tpu.wait_dma2 semaphore(%run_scoped3A : memref<!tpu.dma_semaphore, #tpu.memory_space<semaphore_mem>>) src(%arg8 : memref<2048xf32, #tpu.memory_space<hbm>>) dst(%arg21 : memref<2048xf32, #tpu.memory_space<vmem>>)
      tpu.yield
    }) : () -> ()
    %barrier3A = arith.constant 0 : index
    tpu.barrier barrier_id(%barrier3A)
    %add3A_5 = arith.constant 0 : i32
    %add3A_6 = arith.addi %mul3A_2, %add3A_5 : i32
    %multiple_of3A_7 = tpu.assume_multiple %add3A_6, 8 : i32
    %dma_start3A = tpu.memref_slice %arg5[%multiple_of3A_7] : memref<320000xi32, #tpu.memory_space<hbm>> -> memref<40xi32, #tpu.memory_space<hbm>>
    %dma_start3A_8 = tpu.memref_slice %arg5[%multiple_of3A_7] : memref<320000xi32, #tpu.memory_space<hbm>> -> memref<40xi32, #tpu.memory_space<hbm>>
    tpu.enqueue_dma source(%dma_start3A_8 : memref<40xi32, #tpu.memory_space<hbm>>) target(%arg11 : memref<40xi32, #tpu.memory_space<vmem>>) target_semaphore(%arg23 : memref<!tpu.dma_semaphore, #tpu.memory_space<semaphore_mem>>)
    %add3A_9 = arith.constant 0 : i32
    %add3A_10 = arith.addi %mul3A_2, %add3A_9 : i32
    %multiple_of3A_11 = tpu.assume_multiple %add3A_10, 8 : i32
    %dma_start3A_12 = tpu.memref_slice %arg6[%multiple_of3A_11] : memref<320000xi32, #tpu.memory_space<hbm>> -> memref<40xi32, #tpu.memory_space<hbm>>
    %dma_start3A_13 = tpu.memref_slice %arg6[%multiple_of3A_11] : memref<320000xi32, #tpu.memory_space<hbm>> -> memref<40xi32, #tpu.memory_space<hbm>>
    tpu.enqueue_dma source(%dma_start3A_13 : memref<40xi32, #tpu.memory_space<hbm>>) target(%arg12 : memref<40xi32, #tpu.memory_space<vmem>>) target_semaphore(%arg23 : memref<!tpu.dma_semaphore, #tpu.memory_space<semaphore_mem>>)
    %add3A_14 = arith.constant 0 : i32
    %add3A_15 = arith.addi %mul3A_2, %add3A_14 : i32
    %multiple_of3A_16 = tpu.assume_multiple %add3A_15, 8 : i32
    %dma_wait3A = tpu.memref_slice %arg5[%multiple_of3A_16] : memref<320000xi32, #tpu.memory_space<hbm>> -> memref<40xi32, #tpu.memory_space<hbm>>
    %dma_wait3A_17 = tpu.memref_slice %arg5[%multiple_of3A_16] : memref<320000xi32, #tpu.memory_space<hbm>> -> memref<40xi32, #tpu.memory_space<hbm>>
    tpu.wait_dma2 semaphore(%arg23 : memref<!tpu.dma_semaphore, #tpu.memory_space<semaphore_mem>>) src(%dma_wait3A_17 : memref<40xi32, #tpu.memory_space<hbm>>) dst(%arg11 : memref<40xi32, #tpu.memory_space<vmem>>)
    %add3A_18 = arith.constant 0 : i32
    %add3A_19 = arith.addi %mul3A_2, %add3A_18 : i32
    %multiple_of3A_20 = tpu.assume_multiple %add3A_19, 8 : i32
    %dma_wait3A_21 = tpu.memref_slice %arg6[%multiple_of3A_20] : memref<320000xi32, #tpu.memory_space<hbm>> -> memref<40xi32, #tpu.memory_space<hbm>>
    %dma_wait3A_22 = tpu.memref_slice %arg6[%multiple_of3A_20] : memref<320000xi32, #tpu.memory_space<hbm>> -> memref<40xi32, #tpu.memory_space<hbm>>
    tpu.wait_dma2 semaphore(%arg23 : memref<!tpu.dma_semaphore, #tpu.memory_space<semaphore_mem>>) src(%dma_wait3A_22 : memref<40xi32, #tpu.memory_space<hbm>>) dst(%arg12 : memref<40xi32, #tpu.memory_space<vmem>>)
    %dma_start3A_23 = arith.constant 0 : i32
    %dma_start3A_24 = arith.constant 0 : i32
    %dma_start3A_25 = tpu.memref_slice %arg2[%dma_start3A_23, %dma_start3A_24] : memref<10000x256xf32, #tpu.memory_space<hbm>> -> memref<10000x256xf32, #tpu.memory_space<hbm>>
    tpu.enqueue_indirect_dma source(%dma_start3A_25 : memref<10000x256xf32, #tpu.memory_space<hbm>>) target(%arg13 : memref<40x256xf32, #tpu.memory_space<vmem>>) offsets(%arg11 : memref<40xi32, #tpu.memory_space<vmem>>) semaphore(%arg25 : memref<!tpu.dma_semaphore, #tpu.memory_space<semaphore_mem>>)
    %dma_start3A_26 = arith.constant 0 : i32
    %dma_start3A_27 = arith.constant 0 : i32
    %dma_start3A_28 = tpu.memref_slice %arg3[%dma_start3A_26, %dma_start3A_27] : memref<10000x128xf32, #tpu.memory_space<hbm>> -> memref<10000x128xf32, #tpu.memory_space<hbm>>
    tpu.enqueue_indirect_dma source(%dma_start3A_28 : memref<10000x128xf32, #tpu.memory_space<hbm>>) target(%arg14 : memref<40x128xf32, #tpu.memory_space<vmem>>) offsets(%arg12 : memref<40xi32, #tpu.memory_space<vmem>>) semaphore(%arg25 : memref<!tpu.dma_semaphore, #tpu.memory_space<semaphore_mem>>)
    %add3A_29 = arith.constant 0 : i32
    %add3A_30 = arith.addi %mul3A_2, %add3A_29 : i32
    %multiple_of3A_31 = tpu.assume_multiple %add3A_30, 8 : i32
    %dma_start3A_32 = arith.constant 0 : i32
    %dma_start3A_33 = tpu.memref_slice %arg4[%multiple_of3A_31, %dma_start3A_32] : memref<320000x128xf32, #tpu.memory_space<hbm>> -> memref<40x128xf32, #tpu.memory_space<hbm>>
    %dma_start3A_34 = arith.constant 0 : i32
    %dma_start3A_35 = tpu.memref_slice %arg4[%multiple_of3A_31, %dma_start3A_34] : memref<320000x128xf32, #tpu.memory_space<hbm>> -> memref<40x128xf32, #tpu.memory_space<hbm>>
    tpu.enqueue_dma source(%dma_start3A_35 : memref<40x128xf32, #tpu.memory_space<hbm>>) target(%arg15 : memref<40x128xf32, #tpu.memory_space<vmem>>) target_semaphore(%arg25 : memref<!tpu.dma_semaphore, #tpu.memory_space<semaphore_mem>>)
    %add3A_36 = arith.constant 40 : i32
    %add3A_37 = arith.addi %mul3A_2, %add3A_36 : i32
    %multiple_of3A_38 = tpu.assume_multiple %add3A_37, 8 : i32
    %dma_start3A_39 = tpu.memref_slice %arg5[%multiple_of3A_38] : memref<320000xi32, #tpu.memory_space<hbm>> -> memref<40xi32, #tpu.memory_space<hbm>>
    %dma_start3A_40 = tpu.memref_slice %arg5[%multiple_of3A_38] : memref<320000xi32, #tpu.memory_space<hbm>> -> memref<40xi32, #tpu.memory_space<hbm>>
    tpu.enqueue_dma source(%dma_start3A_40 : memref<40xi32, #tpu.memory_space<hbm>>) target(%arg16 : memref<40xi32, #tpu.memory_space<vmem>>) target_semaphore(%arg24 : memref<!tpu.dma_semaphore, #tpu.memory_space<semaphore_mem>>)
    %add3A_41 = arith.constant 40 : i32
    %add3A_42 = arith.addi %mul3A_2, %add3A_41 : i32
    %multiple_of3A_43 = tpu.assume_multiple %add3A_42, 8 : i32
    %dma_start3A_44 = tpu.memref_slice %arg6[%multiple_of3A_43] : memref<320000xi32, #tpu.memory_space<hbm>> -> memref<40xi32, #tpu.memory_space<hbm>>
    %dma_start3A_45 = tpu.memref_slice %arg6[%multiple_of3A_43] : memref<320000xi32, #tpu.memory_space<hbm>> -> memref<40xi32, #tpu.memory_space<hbm>>
    tpu.enqueue_dma source(%dma_start3A_45 : memref<40xi32, #tpu.memory_space<hbm>>) target(%arg17 : memref<40xi32, #tpu.memory_space<vmem>>) target_semaphore(%arg24 : memref<!tpu.dma_semaphore, #tpu.memory_space<semaphore_mem>>)
    %scan3A = arith.constant 0 : i32
    %scan3A_46 = arith.constant 125 : i32
    %scan3A_47 = arith.addi %scan3A, %scan3A_46 : i32
    %scan3A_48 = arith.constant 1 : i32
    scf.for %scan3A_145 = %scan3A to %scan3A_47 step %scan3A_48  : i32 {
      %mul3A_146 = arith.constant 2 : i32
      %mul3A_147 = arith.muli %mul3A_146, %scan3A_145 : i32
      %add3A_148 = arith.constant 0 : i32
      %add3A_149 = arith.addi %mul3A_147, %add3A_148 : i32
      %dma_wait3A_150 = arith.constant 0 : i32
      %dma_wait3A_151 = arith.constant 0 : i32
      %dma_wait3A_152 = tpu.memref_slice %arg2[%dma_wait3A_150, %dma_wait3A_151] : memref<10000x256xf32, #tpu.memory_space<hbm>> -> memref<10000x256xf32, #tpu.memory_space<hbm>>
      tpu.wait_indirect_dma semaphore(%arg25 : memref<!tpu.dma_semaphore, #tpu.memory_space<semaphore_mem>>) src(%dma_wait3A_152 : memref<10000x256xf32, #tpu.memory_space<hbm>>) dst(%arg13 : memref<40x256xf32, #tpu.memory_space<vmem>>)
      %dma_wait3A_153 = arith.constant 0 : i32
      %dma_wait3A_154 = arith.constant 0 : i32
      %dma_wait3A_155 = tpu.memref_slice %arg3[%dma_wait3A_153, %dma_wait3A_154] : memref<10000x128xf32, #tpu.memory_space<hbm>> -> memref<10000x128xf32, #tpu.memory_space<hbm>>
      tpu.wait_indirect_dma semaphore(%arg25 : memref<!tpu.dma_semaphore, #tpu.memory_space<semaphore_mem>>) src(%dma_wait3A_155 : memref<10000x128xf32, #tpu.memory_space<hbm>>) dst(%arg14 : memref<40x128xf32, #tpu.memory_space<vmem>>)
      %mul3A_156 = arith.constant 40 : i32
      %mul3A_157 = arith.muli %add3A_149, %mul3A_156 : i32
      %add3A_158 = arith.addi %mul3A_2, %mul3A_157 : i32
      %multiple_of3A_159 = tpu.assume_multiple %add3A_158, 8 : i32
      %dma_wait3A_160 = arith.constant 0 : i32
      %dma_wait3A_161 = tpu.memref_slice %arg4[%multiple_of3A_159, %dma_wait3A_160] : memref<320000x128xf32, #tpu.memory_space<hbm>> -> memref<40x128xf32, #tpu.memory_space<hbm>>
      %dma_wait3A_162 = arith.constant 0 : i32
      %dma_wait3A_163 = tpu.memref_slice %arg4[%multiple_of3A_159, %dma_wait3A_162] : memref<320000x128xf32, #tpu.memory_space<hbm>> -> memref<40x128xf32, #tpu.memory_space<hbm>>
      tpu.wait_dma2 semaphore(%arg25 : memref<!tpu.dma_semaphore, #tpu.memory_space<semaphore_mem>>) src(%dma_wait3A_163 : memref<40x128xf32, #tpu.memory_space<hbm>>) dst(%arg15 : memref<40x128xf32, #tpu.memory_space<vmem>>)
      %ge3A = arith.constant 1 : i32
      %ge3A_164 = arith.cmpi sge, %add3A_149, %ge3A : i32
      %convert_element_type3A = arith.extui %ge3A_164 : i1 to i32
      %cond3A = arith.constant 0 : i32
      %cond3A_165 = arith.cmpi ne, %convert_element_type3A, %cond3A : i32
      scf.if %cond3A_165 {
        %sub3A = arith.constant 1 : i32
        %sub3A_249 = arith.subi %add3A_149, %sub3A : i32
        %mul3A_250 = arith.constant 40 : i32
        %mul3A_251 = arith.muli %sub3A_249, %mul3A_250 : i32
        %add3A_252 = arith.addi %mul3A_2, %mul3A_251 : i32
        %multiple_of3A_253 = tpu.assume_multiple %add3A_252, 8 : i32
        %dma_wait3A_254 = arith.constant 0 : i32
        %dma_wait3A_255 = tpu.memref_slice %arg9[%multiple_of3A_253, %dma_wait3A_254] : memref<320000x128xf32, #tpu.memory_space<hbm>> -> memref<40x128xf32, #tpu.memory_space<hbm>>
        %dma_wait3A_256 = arith.constant 0 : i32
        %dma_wait3A_257 = tpu.memref_slice %arg9[%multiple_of3A_253, %dma_wait3A_256] : memref<320000x128xf32, #tpu.memory_space<hbm>> -> memref<40x128xf32, #tpu.memory_space<hbm>>
        tpu.wait_dma2 semaphore(%arg28 : memref<!tpu.dma_semaphore, #tpu.memory_space<semaphore_mem>>) src(%arg20 : memref<40x128xf32, #tpu.memory_space<vmem>>) dst(%dma_wait3A_257 : memref<40x128xf32, #tpu.memory_space<hbm>>)
      } else {
      }
      %add3A_166 = arith.constant 1 : i32
      %add3A_167 = arith.addi %add3A_149, %add3A_166 : i32
      %mul3A_168 = arith.constant 40 : i32
      %mul3A_169 = arith.muli %add3A_167, %mul3A_168 : i32
      %add3A_170 = arith.addi %mul3A_2, %mul3A_169 : i32
      %multiple_of3A_171 = tpu.assume_multiple %add3A_170, 8 : i32
      %dma_wait3A_172 = tpu.memref_slice %arg5[%multiple_of3A_171] : memref<320000xi32, #tpu.memory_space<hbm>> -> memref<40xi32, #tpu.memory_space<hbm>>
      %dma_wait3A_173 = tpu.memref_slice %arg5[%multiple_of3A_171] : memref<320000xi32, #tpu.memory_space<hbm>> -> memref<40xi32, #tpu.memory_space<hbm>>
      tpu.wait_dma2 semaphore(%arg24 : memref<!tpu.dma_semaphore, #tpu.memory_space<semaphore_mem>>) src(%dma_wait3A_173 : memref<40xi32, #tpu.memory_space<hbm>>) dst(%arg16 : memref<40xi32, #tpu.memory_space<vmem>>)
      %mul3A_174 = arith.constant 40 : i32
      %mul3A_175 = arith.muli %add3A_167, %mul3A_174 : i32
      %add3A_176 = arith.addi %mul3A_2, %mul3A_175 : i32
      %multiple_of3A_177 = tpu.assume_multiple %add3A_176, 8 : i32
      %dma_wait3A_178 = tpu.memref_slice %arg6[%multiple_of3A_177] : memref<320000xi32, #tpu.memory_space<hbm>> -> memref<40xi32, #tpu.memory_space<hbm>>
      %dma_wait3A_179 = tpu.memref_slice %arg6[%multiple_of3A_177] : memref<320000xi32, #tpu.memory_space<hbm>> -> memref<40xi32, #tpu.memory_space<hbm>>
      tpu.wait_dma2 semaphore(%arg24 : memref<!tpu.dma_semaphore, #tpu.memory_space<semaphore_mem>>) src(%dma_wait3A_179 : memref<40xi32, #tpu.memory_space<hbm>>) dst(%arg17 : memref<40xi32, #tpu.memory_space<vmem>>)
      %add3A_180 = arith.constant 1 : i32
      %add3A_181 = arith.addi %add3A_149, %add3A_180 : i32
      %dma_start3A_182 = arith.constant 0 : i32
      %dma_start3A_183 = arith.constant 0 : i32
      %dma_start3A_184 = tpu.memref_slice %arg2[%dma_start3A_182, %dma_start3A_183] : memref<10000x256xf32, #tpu.memory_space<hbm>> -> memref<10000x256xf32, #tpu.memory_space<hbm>>
      tpu.enqueue_indirect_dma source(%dma_start3A_184 : memref<10000x256xf32, #tpu.memory_space<hbm>>) target(%arg18 : memref<40x256xf32, #tpu.memory_space<vmem>>) offsets(%arg16 : memref<40xi32, #tpu.memory_space<vmem>>) semaphore(%arg26 : memref<!tpu.dma_semaphore, #tpu.memory_space<semaphore_mem>>)
      %dma_start3A_185 = arith.constant 0 : i32
      %dma_start3A_186 = arith.constant 0 : i32
      %dma_start3A_187 = tpu.memref_slice %arg3[%dma_start3A_185, %dma_start3A_186] : memref<10000x128xf32, #tpu.memory_space<hbm>> -> memref<10000x128xf32, #tpu.memory_space<hbm>>
      tpu.enqueue_indirect_dma source(%dma_start3A_187 : memref<10000x128xf32, #tpu.memory_space<hbm>>) target(%arg19 : memref<40x128xf32, #tpu.memory_space<vmem>>) offsets(%arg17 : memref<40xi32, #tpu.memory_space<vmem>>) semaphore(%arg26 : memref<!tpu.dma_semaphore, #tpu.memory_space<semaphore_mem>>)
      %mul3A_188 = arith.constant 40 : i32
      %mul3A_189 = arith.muli %add3A_181, %mul3A_188 : i32
      %add3A_190 = arith.addi %mul3A_2, %mul3A_189 : i32
      %multiple_of3A_191 = tpu.assume_multiple %add3A_190, 8 : i32
      %dma_start3A_192 = arith.constant 0 : i32
      %dma_start3A_193 = tpu.memref_slice %arg4[%multiple_of3A_191, %dma_start3A_192] : memref<320000x128xf32, #tpu.memory_space<hbm>> -> memref<40x128xf32, #tpu.memory_space<hbm>>
      %dma_start3A_194 = arith.constant 0 : i32
      %dma_start3A_195 = tpu.memref_slice %arg4[%multiple_of3A_191, %dma_start3A_194] : memref<320000x128xf32, #tpu.memory_space<hbm>> -> memref<40x128xf32, #tpu.memory_space<hbm>>
      tpu.enqueue_dma source(%dma_start3A_195 : memref<40x128xf32, #tpu.memory_space<hbm>>) target(%arg20 : memref<40x128xf32, #tpu.memory_space<vmem>>) target_semaphore(%arg26 : memref<!tpu.dma_semaphore, #tpu.memory_space<semaphore_mem>>)
      %parallel_loop3A = arith.constant 0 : i32
      %parallel_loop3A_196 = arith.constant 40 : i32
      %parallel_loop3A_197 = arith.constant 1 : i32
      scf.for %parallel_loop3A_249 = %parallel_loop3A to %parallel_loop3A_196 step %parallel_loop3A_197  : i32 {
        %parallel_loop3A_250 = arith.index_cast %parallel_loop3A_249 : i32 to index
        %parallel_loop3A_251 = arith.constant 0 : index
        %parallel_loop3A_252 = tpu.vector_load %arg13[%parallel_loop3A_250, %parallel_loop3A_251] {strides = array<i32>} : memref<40x256xf32, #tpu.memory_space<vmem>>, vector<16xf32>,
        %parallel_loop3A_253 = arith.index_cast %parallel_loop3A_249 : i32 to index
        %parallel_loop3A_254 = arith.constant 0 : index
        %parallel_loop3A_255 = tpu.vector_load %arg14[%parallel_loop3A_253, %parallel_loop3A_254] {strides = array<i32>} : memref<40x128xf32, #tpu.memory_space<vmem>>, vector<16xf32>,
        %parallel_loop3A_256 = arith.addf %parallel_loop3A_252, %parallel_loop3A_255 : vector<16xf32>
        %parallel_loop3A_257 = arith.index_cast %parallel_loop3A_249 : i32 to index
        %parallel_loop3A_258 = arith.constant 0 : index
        %parallel_loop3A_259 = tpu.vector_load %arg15[%parallel_loop3A_257, %parallel_loop3A_258] {strides = array<i32>} : memref<40x128xf32, #tpu.memory_space<vmem>>, vector<16xf32>,
        %parallel_loop3A_260 = arith.addf %parallel_loop3A_256, %parallel_loop3A_259 : vector<16xf32>
        %parallel_loop3A_261 = arith.constant 1.280000e+02 : f32
        %parallel_loop3A_262 = vector.broadcast %parallel_loop3A_261 : f32 to vector<16xf32>
        %parallel_loop3A_263 = arith.mulf %parallel_loop3A_260, %parallel_loop3A_262 : vector<16xf32>
        %parallel_loop3A_264 = arith.constant 1.024000e+03 : f32
        %parallel_loop3A_265 = vector.broadcast %parallel_loop3A_264 : f32 to vector<16xf32>
        %parallel_loop3A_266 = arith.addf %parallel_loop3A_263, %parallel_loop3A_265 : vector<16xf32>
        %parallel_loop3A_267 = arith.constant 0.000000e+00 : f32
        %parallel_loop3A_268 = vector.broadcast %parallel_loop3A_267 : f32 to vector<16xf32>
        %parallel_loop3A_269 = arith.maximumf %parallel_loop3A_266, %parallel_loop3A_268 : vector<16xf32>
        %parallel_loop3A_270 = arith.constant 2.047000e+03 : f32
        %parallel_loop3A_271 = vector.broadcast %parallel_loop3A_270 : f32 to vector<16xf32>
        %parallel_loop3A_272 = arith.minimumf %parallel_loop3A_269, %parallel_loop3A_271 : vector<16xf32>
        %parallel_loop3A_273 = arith.fptosi %parallel_loop3A_272 : vector<16xf32> to vector<16xi32>
        %parallel_loop3A_274 = tpu.vector_load_idx %arg21[%parallel_loop3A_273] : memref<2048xf32, #tpu.memory_space<vmem>>[vector<16xi32>], vector<16xf32>,
        %parallel_loop3A_275 = arith.index_cast %parallel_loop3A_249 : i32 to index
        %parallel_loop3A_276 = arith.constant 0 : index
        %parallel_loop3A_277 = tpu.vector_load %arg15[%parallel_loop3A_275, %parallel_loop3A_276] {strides = array<i32>} : memref<40x128xf32, #tpu.memory_space<vmem>>, vector<16xf32>,
        tpu.vector_store %arg15[%parallel_loop3A_275, %parallel_loop3A_276], %parallel_loop3A_260 {strides = array<i32>} : memref<40x128xf32, #tpu.memory_space<vmem>>, vector<16xf32>,
        %parallel_loop3A_278 = arith.index_cast %parallel_loop3A_249 : i32 to index
        %parallel_loop3A_279 = arith.constant 128 : index
        %parallel_loop3A_280 = tpu.vector_load %arg13[%parallel_loop3A_278, %parallel_loop3A_279] {strides = array<i32>} : memref<40x256xf32, #tpu.memory_space<vmem>>, vector<16xf32>,
        %parallel_loop3A_281 = arith.mulf %parallel_loop3A_280, %parallel_loop3A_274 : vector<16xf32>
        %parallel_loop3A_282 = arith.index_cast %parallel_loop3A_249 : i32 to index
        %parallel_loop3A_283 = arith.constant 0 : index
        %parallel_loop3A_284 = tpu.vector_load %arg14[%parallel_loop3A_282, %parallel_loop3A_283] {strides = array<i32>} : memref<40x128xf32, #tpu.memory_space<vmem>>, vector<16xf32>,
        tpu.vector_store %arg14[%parallel_loop3A_282, %parallel_loop3A_283], %parallel_loop3A_281 {strides = array<i32>} : memref<40x128xf32, #tpu.memory_space<vmem>>, vector<16xf32>,
        %parallel_loop3A_285 = arith.index_cast %parallel_loop3A_249 : i32 to index
        %parallel_loop3A_286 = arith.constant 16 : index
        %parallel_loop3A_287 = tpu.vector_load %arg13[%parallel_loop3A_285, %parallel_loop3A_286] {strides = array<i32>} : memref<40x256xf32, #tpu.memory_space<vmem>>, vector<16xf32>,
        %parallel_loop3A_288 = arith.index_cast %parallel_loop3A_249 : i32 to index
        %parallel_loop3A_289 = arith.constant 16 : index
        %parallel_loop3A_290 = tpu.vector_load %arg14[%parallel_loop3A_288, %parallel_loop3A_289] {strides = array<i32>} : memref<40x128xf32, #tpu.memory_space<vmem>>, vector<16xf32>,
        %parallel_loop3A_291 = arith.addf %parallel_loop3A_287, %parallel_loop3A_290 : vector<16xf32>
        %parallel_loop3A_292 = arith.index_cast %parallel_loop3A_249 : i32 to index
        %parallel_loop3A_293 = arith.constant 16 : index
        %parallel_loop3A_294 = tpu.vector_load %arg15[%parallel_loop3A_292, %parallel_loop3A_293] {strides = array<i32>} : memref<40x128xf32, #tpu.memory_space<vmem>>, vector<16xf32>,
        %parallel_loop3A_295 = arith.addf %parallel_loop3A_291, %parallel_loop3A_294 : vector<16xf32>
        %parallel_loop3A_296 = arith.constant 1.280000e+02 : f32
        %parallel_loop3A_297 = vector.broadcast %parallel_loop3A_296 : f32 to vector<16xf32>
        %parallel_loop3A_298 = arith.mulf %parallel_loop3A_295, %parallel_loop3A_297 : vector<16xf32>
        %parallel_loop3A_299 = arith.constant 1.024000e+03 : f32
        %parallel_loop3A_300 = vector.broadcast %parallel_loop3A_299 : f32 to vector<16xf32>
        %parallel_loop3A_301 = arith.addf %parallel_loop3A_298, %parallel_loop3A_300 : vector<16xf32>
        %parallel_loop3A_302 = arith.constant 0.000000e+00 : f32
        %parallel_loop3A_303 = vector.broadcast %parallel_loop3A_302 : f32 to vector<16xf32>
        %parallel_loop3A_304 = arith.maximumf %parallel_loop3A_301, %parallel_loop3A_303 : vector<16xf32>
        %parallel_loop3A_305 = arith.constant 2.047000e+03 : f32
        %parallel_loop3A_306 = vector.broadcast %parallel_loop3A_305 : f32 to vector<16xf32>
        %parallel_loop3A_307 = arith.minimumf %parallel_loop3A_304, %parallel_loop3A_306 : vector<16xf32>
        %parallel_loop3A_308 = arith.fptosi %parallel_loop3A_307 : vector<16xf32> to vector<16xi32>
        %parallel_loop3A_309 = tpu.vector_load_idx %arg21[%parallel_loop3A_308] : memref<2048xf32, #tpu.memory_space<vmem>>[vector<16xi32>], vector<16xf32>,
        %parallel_loop3A_310 = arith.index_cast %parallel_loop3A_249 : i32 to index
        %parallel_loop3A_311 = arith.constant 16 : index
        %parallel_loop3A_312 = tpu.vector_load %arg15[%parallel_loop3A_310, %parallel_loop3A_311] {strides = array<i32>} : memref<40x128xf32, #tpu.memory_space<vmem>>, vector<16xf32>,
        tpu.vector_store %arg15[%parallel_loop3A_310, %parallel_loop3A_311], %parallel_loop3A_295 {strides = array<i32>} : memref<40x128xf32, #tpu.memory_space<vmem>>, vector<16xf32>,
        %parallel_loop3A_313 = arith.index_cast %parallel_loop3A_249 : i32 to index
        %parallel_loop3A_314 = arith.constant 144 : index
        %parallel_loop3A_315 = tpu.vector_load %arg13[%parallel_loop3A_313, %parallel_loop3A_314] {strides = array<i32>} : memref<40x256xf32, #tpu.memory_space<vmem>>, vector<16xf32>,
        %parallel_loop3A_316 = arith.mulf %parallel_loop3A_315, %parallel_loop3A_309 : vector<16xf32>
        %parallel_loop3A_317 = arith.index_cast %parallel_loop3A_249 : i32 to index
        %parallel_loop3A_318 = arith.constant 16 : index
        %parallel_loop3A_319 = tpu.vector_load %arg14[%parallel_loop3A_317, %parallel_loop3A_318] {strides = array<i32>} : memref<40x128xf32, #tpu.memory_space<vmem>>, vector<16xf32>,
        tpu.vector_store %arg14[%parallel_loop3A_317, %parallel_loop3A_318], %parallel_loop3A_316 {strides = array<i32>} : memref<40x128xf32, #tpu.memory_space<vmem>>, vector<16xf32>,
        %parallel_loop3A_320 = arith.index_cast %parallel_loop3A_249 : i32 to index
        %parallel_loop3A_321 = arith.constant 32 : index
        %parallel_loop3A_322 = tpu.vector_load %arg13[%parallel_loop3A_320, %parallel_loop3A_321] {strides = array<i32>} : memref<40x256xf32, #tpu.memory_space<vmem>>, vector<16xf32>,
        %parallel_loop3A_323 = arith.index_cast %parallel_loop3A_249 : i32 to index
        %parallel_loop3A_324 = arith.constant 32 : index
        %parallel_loop3A_325 = tpu.vector_load %arg14[%parallel_loop3A_323, %parallel_loop3A_324] {strides = array<i32>} : memref<40x128xf32, #tpu.memory_space<vmem>>, vector<16xf32>,
        %parallel_loop3A_326 = arith.addf %parallel_loop3A_322, %parallel_loop3A_325 : vector<16xf32>
        %parallel_loop3A_327 = arith.index_cast %parallel_loop3A_249 : i32 to index
        %parallel_loop3A_328 = arith.constant 32 : index
        %parallel_loop3A_329 = tpu.vector_load %arg15[%parallel_loop3A_327, %parallel_loop3A_328] {strides = array<i32>} : memref<40x128xf32, #tpu.memory_space<vmem>>, vector<16xf32>,
        %parallel_loop3A_330 = arith.addf %parallel_loop3A_326, %parallel_loop3A_329 : vector<16xf32>
        %parallel_loop3A_331 = arith.constant 1.280000e+02 : f32
        %parallel_loop3A_332 = vector.broadcast %parallel_loop3A_331 : f32 to vector<16xf32>
        %parallel_loop3A_333 = arith.mulf %parallel_loop3A_330, %parallel_loop3A_332 : vector<16xf32>
        %parallel_loop3A_334 = arith.constant 1.024000e+03 : f32
        %parallel_loop3A_335 = vector.broadcast %parallel_loop3A_334 : f32 to vector<16xf32>
        %parallel_loop3A_336 = arith.addf %parallel_loop3A_333, %parallel_loop3A_335 : vector<16xf32>
        %parallel_loop3A_337 = arith.constant 0.000000e+00 : f32
        %parallel_loop3A_338 = vector.broadcast %parallel_loop3A_337 : f32 to vector<16xf32>
        %parallel_loop3A_339 = arith.maximumf %parallel_loop3A_336, %parallel_loop3A_338 : vector<16xf32>
        %parallel_loop3A_340 = arith.constant 2.047000e+03 : f32
        %parallel_loop3A_341 = vector.broadcast %parallel_loop3A_340 : f32 to vector<16xf32>
        %parallel_loop3A_342 = arith.minimumf %parallel_loop3A_339, %parallel_loop3A_341 : vector<16xf32>
        %parallel_loop3A_343 = arith.fptosi %parallel_loop3A_342 : vector<16xf32> to vector<16xi32>
        %parallel_loop3A_344 = tpu.vector_load_idx %arg21[%parallel_loop3A_343] : memref<2048xf32, #tpu.memory_space<vmem>>[vector<16xi32>], vector<16xf32>,
        %parallel_loop3A_345 = arith.index_cast %parallel_loop3A_249 : i32 to index
        %parallel_loop3A_346 = arith.constant 32 : index
        %parallel_loop3A_347 = tpu.vector_load %arg15[%parallel_loop3A_345, %parallel_loop3A_346] {strides = array<i32>} : memref<40x128xf32, #tpu.memory_space<vmem>>, vector<16xf32>,
        tpu.vector_store %arg15[%parallel_loop3A_345, %parallel_loop3A_346], %parallel_loop3A_330 {strides = array<i32>} : memref<40x128xf32, #tpu.memory_space<vmem>>, vector<16xf32>,
        %parallel_loop3A_348 = arith.index_cast %parallel_loop3A_249 : i32 to index
        %parallel_loop3A_349 = arith.constant 160 : index
        %parallel_loop3A_350 = tpu.vector_load %arg13[%parallel_loop3A_348, %parallel_loop3A_349] {strides = array<i32>} : memref<40x256xf32, #tpu.memory_space<vmem>>, vector<16xf32>,
        %parallel_loop3A_351 = arith.mulf %parallel_loop3A_350, %parallel_loop3A_344 : vector<16xf32>
        %parallel_loop3A_352 = arith.index_cast %parallel_loop3A_249 : i32 to index
        %parallel_loop3A_353 = arith.constant 32 : index
        %parallel_loop3A_354 = tpu.vector_load %arg14[%parallel_loop3A_352, %parallel_loop3A_353] {strides = array<i32>} : memref<40x128xf32, #tpu.memory_space<vmem>>, vector<16xf32>,
        tpu.vector_store %arg14[%parallel_loop3A_352, %parallel_loop3A_353], %parallel_loop3A_351 {strides = array<i32>} : memref<40x128xf32, #tpu.memory_space<vmem>>, vector<16xf32>,
        %parallel_loop3A_355 = arith.index_cast %parallel_loop3A_249 : i32 to index
        %parallel_loop3A_356 = arith.constant 48 : index
        %parallel_loop3A_357 = tpu.vector_load %arg13[%parallel_loop3A_355, %parallel_loop3A_356] {strides = array<i32>} : memref<40x256xf32, #tpu.memory_space<vmem>>, vector<16xf32>,
        %parallel_loop3A_358 = arith.index_cast %parallel_loop3A_249 : i32 to index
        %parallel_loop3A_359 = arith.constant 48 : index
        %parallel_loop3A_360 = tpu.vector_load %arg14[%parallel_loop3A_358, %parallel_loop3A_359] {strides = array<i32>} : memref<40x128xf32, #tpu.memory_space<vmem>>, vector<16xf32>,
        %parallel_loop3A_361 = arith.addf %parallel_loop3A_357, %parallel_loop3A_360 : vector<16xf32>
        %parallel_loop3A_362 = arith.index_cast %parallel_loop3A_249 : i32 to index
        %parallel_loop3A_363 = arith.constant 48 : index
        %parallel_loop3A_364 = tpu.vector_load %arg15[%parallel_loop3A_362, %parallel_loop3A_363] {strides = array<i32>} : memref<40x128xf32, #tpu.memory_space<vmem>>, vector<16xf32>,
        %parallel_loop3A_365 = arith.addf %parallel_loop3A_361, %parallel_loop3A_364 : vector<16xf32>
        %parallel_loop3A_366 = arith.constant 1.280000e+02 : f32
        %parallel_loop3A_367 = vector.broadcast %parallel_loop3A_366 : f32 to vector<16xf32>
        %parallel_loop3A_368 = arith.mulf %parallel_loop3A_365, %parallel_loop3A_367 : vector<16xf32>
        %parallel_loop3A_369 = arith.constant 1.024000e+03 : f32
        %parallel_loop3A_370 = vector.broadcast %parallel_loop3A_369 : f32 to vector<16xf32>
        %parallel_loop3A_371 = arith.addf %parallel_loop3A_368, %parallel_loop3A_370 : vector<16xf32>
        %parallel_loop3A_372 = arith.constant 0.000000e+00 : f32
        %parallel_loop3A_373 = vector.broadcast %parallel_loop3A_372 : f32 to vector<16xf32>
        %parallel_loop3A_374 = arith.maximumf %parallel_loop3A_371, %parallel_loop3A_373 : vector<16xf32>
        %parallel_loop3A_375 = arith.constant 2.047000e+03 : f32
        %parallel_loop3A_376 = vector.broadcast %parallel_loop3A_375 : f32 to vector<16xf32>
        %parallel_loop3A_377 = arith.minimumf %parallel_loop3A_374, %parallel_loop3A_376 : vector<16xf32>
        %parallel_loop3A_378 = arith.fptosi %parallel_loop3A_377 : vector<16xf32> to vector<16xi32>
        %parallel_loop3A_379 = tpu.vector_load_idx %arg21[%parallel_loop3A_378] : memref<2048xf32, #tpu.memory_space<vmem>>[vector<16xi32>], vector<16xf32>,
        %parallel_loop3A_380 = arith.index_cast %parallel_loop3A_249 : i32 to index
        %parallel_loop3A_381 = arith.constant 48 : index
        %parallel_loop3A_382 = tpu.vector_load %arg15[%parallel_loop3A_380, %parallel_loop3A_381] {strides = array<i32>} : memref<40x128xf32, #tpu.memory_space<vmem>>, vector<16xf32>,
        tpu.vector_store %arg15[%parallel_loop3A_380, %parallel_loop3A_381], %parallel_loop3A_365 {strides = array<i32>} : memref<40x128xf32, #tpu.memory_space<vmem>>, vector<16xf32>,
        %parallel_loop3A_383 = arith.index_cast %parallel_loop3A_249 : i32 to index
        %parallel_loop3A_384 = arith.constant 176 : index
        %parallel_loop3A_385 = tpu.vector_load %arg13[%parallel_loop3A_383, %parallel_loop3A_384] {strides = array<i32>} : memref<40x256xf32, #tpu.memory_space<vmem>>, vector<16xf32>,
        %parallel_loop3A_386 = arith.mulf %parallel_loop3A_385, %parallel_loop3A_379 : vector<16xf32>
        %parallel_loop3A_387 = arith.index_cast %parallel_loop3A_249 : i32 to index
        %parallel_loop3A_388 = arith.constant 48 : index
        %parallel_loop3A_389 = tpu.vector_load %arg14[%parallel_loop3A_387, %parallel_loop3A_388] {strides = array<i32>} : memref<40x128xf32, #tpu.memory_space<vmem>>, vector<16xf32>,
        tpu.vector_store %arg14[%parallel_loop3A_387, %parallel_loop3A_388], %parallel_loop3A_386 {strides = array<i32>} : memref<40x128xf32, #tpu.memory_space<vmem>>, vector<16xf32>,
        %parallel_loop3A_390 = arith.index_cast %parallel_loop3A_249 : i32 to index
        %parallel_loop3A_391 = arith.constant 64 : index
        %parallel_loop3A_392 = tpu.vector_load %arg13[%parallel_loop3A_390, %parallel_loop3A_391] {strides = array<i32>} : memref<40x256xf32, #tpu.memory_space<vmem>>, vector<16xf32>,
        %parallel_loop3A_393 = arith.index_cast %parallel_loop3A_249 : i32 to index
        %parallel_loop3A_394 = arith.constant 64 : index
        %parallel_loop3A_395 = tpu.vector_load %arg14[%parallel_loop3A_393, %parallel_loop3A_394] {strides = array<i32>} : memref<40x128xf32, #tpu.memory_space<vmem>>, vector<16xf32>,
        %parallel_loop3A_396 = arith.addf %parallel_loop3A_392, %parallel_loop3A_395 : vector<16xf32>
        %parallel_loop3A_397 = arith.index_cast %parallel_loop3A_249 : i32 to index
        %parallel_loop3A_398 = arith.constant 64 : index
        %parallel_loop3A_399 = tpu.vector_load %arg15[%parallel_loop3A_397, %parallel_loop3A_398] {strides = array<i32>} : memref<40x128xf32, #tpu.memory_space<vmem>>, vector<16xf32>,
        %parallel_loop3A_400 = arith.addf %parallel_loop3A_396, %parallel_loop3A_399 : vector<16xf32>
        %parallel_loop3A_401 = arith.constant 1.280000e+02 : f32
        %parallel_loop3A_402 = vector.broadcast %parallel_loop3A_401 : f32 to vector<16xf32>
        %parallel_loop3A_403 = arith.mulf %parallel_loop3A_400, %parallel_loop3A_402 : vector<16xf32>
        %parallel_loop3A_404 = arith.constant 1.024000e+03 : f32
        %parallel_loop3A_405 = vector.broadcast %parallel_loop3A_404 : f32 to vector<16xf32>
        %parallel_loop3A_406 = arith.addf %parallel_loop3A_403, %parallel_loop3A_405 : vector<16xf32>
        %parallel_loop3A_407 = arith.constant 0.000000e+00 : f32
        %parallel_loop3A_408 = vector.broadcast %parallel_loop3A_407 : f32 to vector<16xf32>
        %parallel_loop3A_409 = arith.maximumf %parallel_loop3A_406, %parallel_loop3A_408 : vector<16xf32>
        %parallel_loop3A_410 = arith.constant 2.047000e+03 : f32
        %parallel_loop3A_411 = vector.broadcast %parallel_loop3A_410 : f32 to vector<16xf32>
        %parallel_loop3A_412 = arith.minimumf %parallel_loop3A_409, %parallel_loop3A_411 : vector<16xf32>
        %parallel_loop3A_413 = arith.fptosi %parallel_loop3A_412 : vector<16xf32> to vector<16xi32>
        %parallel_loop3A_414 = tpu.vector_load_idx %arg21[%parallel_loop3A_413] : memref<2048xf32, #tpu.memory_space<vmem>>[vector<16xi32>], vector<16xf32>,
        %parallel_loop3A_415 = arith.index_cast %parallel_loop3A_249 : i32 to index
        %parallel_loop3A_416 = arith.constant 64 : index
        %parallel_loop3A_417 = tpu.vector_load %arg15[%parallel_loop3A_415, %parallel_loop3A_416] {strides = array<i32>} : memref<40x128xf32, #tpu.memory_space<vmem>>, vector<16xf32>,
        tpu.vector_store %arg15[%parallel_loop3A_415, %parallel_loop3A_416], %parallel_loop3A_400 {strides = array<i32>} : memref<40x128xf32, #tpu.memory_space<vmem>>, vector<16xf32>,
        %parallel_loop3A_418 = arith.index_cast %parallel_loop3A_249 : i32 to index
        %parallel_loop3A_419 = arith.constant 192 : index
        %parallel_loop3A_420 = tpu.vector_load %arg13[%parallel_loop3A_418, %parallel_loop3A_419] {strides = array<i32>} : memref<40x256xf32, #tpu.memory_space<vmem>>, vector<16xf32>,
        %parallel_loop3A_421 = arith.mulf %parallel_loop3A_420, %parallel_loop3A_414 : vector<16xf32>
        %parallel_loop3A_422 = arith.index_cast %parallel_loop3A_249 : i32 to index
        %parallel_loop3A_423 = arith.constant 64 : index
        %parallel_loop3A_424 = tpu.vector_load %arg14[%parallel_loop3A_422, %parallel_loop3A_423] {strides = array<i32>} : memref<40x128xf32, #tpu.memory_space<vmem>>, vector<16xf32>,
        tpu.vector_store %arg14[%parallel_loop3A_422, %parallel_loop3A_423], %parallel_loop3A_421 {strides = array<i32>} : memref<40x128xf32, #tpu.memory_space<vmem>>, vector<16xf32>,
        %parallel_loop3A_425 = arith.index_cast %parallel_loop3A_249 : i32 to index
        %parallel_loop3A_426 = arith.constant 80 : index
        %parallel_loop3A_427 = tpu.vector_load %arg13[%parallel_loop3A_425, %parallel_loop3A_426] {strides = array<i32>} : memref<40x256xf32, #tpu.memory_space<vmem>>, vector<16xf32>,
        %parallel_loop3A_428 = arith.index_cast %parallel_loop3A_249 : i32 to index
        %parallel_loop3A_429 = arith.constant 80 : index
        %parallel_loop3A_430 = tpu.vector_load %arg14[%parallel_loop3A_428, %parallel_loop3A_429] {strides = array<i32>} : memref<40x128xf32, #tpu.memory_space<vmem>>, vector<16xf32>,
        %parallel_loop3A_431 = arith.addf %parallel_loop3A_427, %parallel_loop3A_430 : vector<16xf32>
        %parallel_loop3A_432 = arith.index_cast %parallel_loop3A_249 : i32 to index
        %parallel_loop3A_433 = arith.constant 80 : index
        %parallel_loop3A_434 = tpu.vector_load %arg15[%parallel_loop3A_432, %parallel_loop3A_433] {strides = array<i32>} : memref<40x128xf32, #tpu.memory_space<vmem>>, vector<16xf32>,
        %parallel_loop3A_435 = arith.addf %parallel_loop3A_431, %parallel_loop3A_434 : vector<16xf32>
        %parallel_loop3A_436 = arith.constant 1.280000e+02 : f32
        %parallel_loop3A_437 = vector.broadcast %parallel_loop3A_436 : f32 to vector<16xf32>
        %parallel_loop3A_438 = arith.mulf %parallel_loop3A_435, %parallel_loop3A_437 : vector<16xf32>
        %parallel_loop3A_439 = arith.constant 1.024000e+03 : f32
        %parallel_loop3A_440 = vector.broadcast %parallel_loop3A_439 : f32 to vector<16xf32>
        %parallel_loop3A_441 = arith.addf %parallel_loop3A_438, %parallel_loop3A_440 : vector<16xf32>
        %parallel_loop3A_442 = arith.constant 0.000000e+00 : f32
        %parallel_loop3A_443 = vector.broadcast %parallel_loop3A_442 : f32 to vector<16xf32>
        %parallel_loop3A_444 = arith.maximumf %parallel_loop3A_441, %parallel_loop3A_443 : vector<16xf32>
        %parallel_loop3A_445 = arith.constant 2.047000e+03 : f32
        %parallel_loop3A_446 = vector.broadcast %parallel_loop3A_445 : f32 to vector<16xf32>
        %parallel_loop3A_447 = arith.minimumf %parallel_loop3A_444, %parallel_loop3A_446 : vector<16xf32>
        %parallel_loop3A_448 = arith.fptosi %parallel_loop3A_447 : vector<16xf32> to vector<16xi32>
        %parallel_loop3A_449 = tpu.vector_load_idx %arg21[%parallel_loop3A_448] : memref<2048xf32, #tpu.memory_space<vmem>>[vector<16xi32>], vector<16xf32>,
        %parallel_loop3A_450 = arith.index_cast %parallel_loop3A_249 : i32 to index
        %parallel_loop3A_451 = arith.constant 80 : index
        %parallel_loop3A_452 = tpu.vector_load %arg15[%parallel_loop3A_450, %parallel_loop3A_451] {strides = array<i32>} : memref<40x128xf32, #tpu.memory_space<vmem>>, vector<16xf32>,
        tpu.vector_store %arg15[%parallel_loop3A_450, %parallel_loop3A_451], %parallel_loop3A_435 {strides = array<i32>} : memref<40x128xf32, #tpu.memory_space<vmem>>, vector<16xf32>,
        %parallel_loop3A_453 = arith.index_cast %parallel_loop3A_249 : i32 to index
        %parallel_loop3A_454 = arith.constant 208 : index
        %parallel_loop3A_455 = tpu.vector_load %arg13[%parallel_loop3A_453, %parallel_loop3A_454] {strides = array<i32>} : memref<40x256xf32, #tpu.memory_space<vmem>>, vector<16xf32>,
        %parallel_loop3A_456 = arith.mulf %parallel_loop3A_455, %parallel_loop3A_449 : vector<16xf32>
        %parallel_loop3A_457 = arith.index_cast %parallel_loop3A_249 : i32 to index
        %parallel_loop3A_458 = arith.constant 80 : index
        %parallel_loop3A_459 = tpu.vector_load %arg14[%parallel_loop3A_457, %parallel_loop3A_458] {strides = array<i32>} : memref<40x128xf32, #tpu.memory_space<vmem>>, vector<16xf32>,
        tpu.vector_store %arg14[%parallel_loop3A_457, %parallel_loop3A_458], %parallel_loop3A_456 {strides = array<i32>} : memref<40x128xf32, #tpu.memory_space<vmem>>, vector<16xf32>,
        %parallel_loop3A_460 = arith.index_cast %parallel_loop3A_249 : i32 to index
        %parallel_loop3A_461 = arith.constant 96 : index
        %parallel_loop3A_462 = tpu.vector_load %arg13[%parallel_loop3A_460, %parallel_loop3A_461] {strides = array<i32>} : memref<40x256xf32, #tpu.memory_space<vmem>>, vector<16xf32>,
        %parallel_loop3A_463 = arith.index_cast %parallel_loop3A_249 : i32 to index
        %parallel_loop3A_464 = arith.constant 96 : index
        %parallel_loop3A_465 = tpu.vector_load %arg14[%parallel_loop3A_463, %parallel_loop3A_464] {strides = array<i32>} : memref<40x128xf32, #tpu.memory_space<vmem>>, vector<16xf32>,
        %parallel_loop3A_466 = arith.addf %parallel_loop3A_462, %parallel_loop3A_465 : vector<16xf32>
        %parallel_loop3A_467 = arith.index_cast %parallel_loop3A_249 : i32 to index
        %parallel_loop3A_468 = arith.constant 96 : index
        %parallel_loop3A_469 = tpu.vector_load %arg15[%parallel_loop3A_467, %parallel_loop3A_468] {strides = array<i32>} : memref<40x128xf32, #tpu.memory_space<vmem>>, vector<16xf32>,
        %parallel_loop3A_470 = arith.addf %parallel_loop3A_466, %parallel_loop3A_469 : vector<16xf32>
        %parallel_loop3A_471 = arith.constant 1.280000e+02 : f32
        %parallel_loop3A_472 = vector.broadcast %parallel_loop3A_471 : f32 to vector<16xf32>
        %parallel_loop3A_473 = arith.mulf %parallel_loop3A_470, %parallel_loop3A_472 : vector<16xf32>
        %parallel_loop3A_474 = arith.constant 1.024000e+03 : f32
        %parallel_loop3A_475 = vector.broadcast %parallel_loop3A_474 : f32 to vector<16xf32>
        %parallel_loop3A_476 = arith.addf %parallel_loop3A_473, %parallel_loop3A_475 : vector<16xf32>
        %parallel_loop3A_477 = arith.constant 0.000000e+00 : f32
        %parallel_loop3A_478 = vector.broadcast %parallel_loop3A_477 : f32 to vector<16xf32>
        %parallel_loop3A_479 = arith.maximumf %parallel_loop3A_476, %parallel_loop3A_478 : vector<16xf32>
        %parallel_loop3A_480 = arith.constant 2.047000e+03 : f32
        %parallel_loop3A_481 = vector.broadcast %parallel_loop3A_480 : f32 to vector<16xf32>
        %parallel_loop3A_482 = arith.minimumf %parallel_loop3A_479, %parallel_loop3A_481 : vector<16xf32>
        %parallel_loop3A_483 = arith.fptosi %parallel_loop3A_482 : vector<16xf32> to vector<16xi32>
        %parallel_loop3A_484 = tpu.vector_load_idx %arg21[%parallel_loop3A_483] : memref<2048xf32, #tpu.memory_space<vmem>>[vector<16xi32>], vector<16xf32>,
        %parallel_loop3A_485 = arith.index_cast %parallel_loop3A_249 : i32 to index
        %parallel_loop3A_486 = arith.constant 96 : index
        %parallel_loop3A_487 = tpu.vector_load %arg15[%parallel_loop3A_485, %parallel_loop3A_486] {strides = array<i32>} : memref<40x128xf32, #tpu.memory_space<vmem>>, vector<16xf32>,
        tpu.vector_store %arg15[%parallel_loop3A_485, %parallel_loop3A_486], %parallel_loop3A_470 {strides = array<i32>} : memref<40x128xf32, #tpu.memory_space<vmem>>, vector<16xf32>,
        %parallel_loop3A_488 = arith.index_cast %parallel_loop3A_249 : i32 to index
        %parallel_loop3A_489 = arith.constant 224 : index
        %parallel_loop3A_490 = tpu.vector_load %arg13[%parallel_loop3A_488, %parallel_loop3A_489] {strides = array<i32>} : memref<40x256xf32, #tpu.memory_space<vmem>>, vector<16xf32>,
        %parallel_loop3A_491 = arith.mulf %parallel_loop3A_490, %parallel_loop3A_484 : vector<16xf32>
        %parallel_loop3A_492 = arith.index_cast %parallel_loop3A_249 : i32 to index
        %parallel_loop3A_493 = arith.constant 96 : index
        %parallel_loop3A_494 = tpu.vector_load %arg14[%parallel_loop3A_492, %parallel_loop3A_493] {strides = array<i32>} : memref<40x128xf32, #tpu.memory_space<vmem>>, vector<16xf32>,
        tpu.vector_store %arg14[%parallel_loop3A_492, %parallel_loop3A_493], %parallel_loop3A_491 {strides = array<i32>} : memref<40x128xf32, #tpu.memory_space<vmem>>, vector<16xf32>,
        %parallel_loop3A_495 = arith.index_cast %parallel_loop3A_249 : i32 to index
        %parallel_loop3A_496 = arith.constant 112 : index
        %parallel_loop3A_497 = tpu.vector_load %arg13[%parallel_loop3A_495, %parallel_loop3A_496] {strides = array<i32>} : memref<40x256xf32, #tpu.memory_space<vmem>>, vector<16xf32>,
        %parallel_loop3A_498 = arith.index_cast %parallel_loop3A_249 : i32 to index
        %parallel_loop3A_499 = arith.constant 112 : index
        %parallel_loop3A_500 = tpu.vector_load %arg14[%parallel_loop3A_498, %parallel_loop3A_499] {strides = array<i32>} : memref<40x128xf32, #tpu.memory_space<vmem>>, vector<16xf32>,
        %parallel_loop3A_501 = arith.addf %parallel_loop3A_497, %parallel_loop3A_500 : vector<16xf32>
        %parallel_loop3A_502 = arith.index_cast %parallel_loop3A_249 : i32 to index
        %parallel_loop3A_503 = arith.constant 112 : index
        %parallel_loop3A_504 = tpu.vector_load %arg15[%parallel_loop3A_502, %parallel_loop3A_503] {strides = array<i32>} : memref<40x128xf32, #tpu.memory_space<vmem>>, vector<16xf32>,
        %parallel_loop3A_505 = arith.addf %parallel_loop3A_501, %parallel_loop3A_504 : vector<16xf32>
        %parallel_loop3A_506 = arith.constant 1.280000e+02 : f32
        %parallel_loop3A_507 = vector.broadcast %parallel_loop3A_506 : f32 to vector<16xf32>
        %parallel_loop3A_508 = arith.mulf %parallel_loop3A_505, %parallel_loop3A_507 : vector<16xf32>
        %parallel_loop3A_509 = arith.constant 1.024000e+03 : f32
        %parallel_loop3A_510 = vector.broadcast %parallel_loop3A_509 : f32 to vector<16xf32>
        %parallel_loop3A_511 = arith.addf %parallel_loop3A_508, %parallel_loop3A_510 : vector<16xf32>
        %parallel_loop3A_512 = arith.constant 0.000000e+00 : f32
        %parallel_loop3A_513 = vector.broadcast %parallel_loop3A_512 : f32 to vector<16xf32>
        %parallel_loop3A_514 = arith.maximumf %parallel_loop3A_511, %parallel_loop3A_513 : vector<16xf32>
        %parallel_loop3A_515 = arith.constant 2.047000e+03 : f32
        %parallel_loop3A_516 = vector.broadcast %parallel_loop3A_515 : f32 to vector<16xf32>
        %parallel_loop3A_517 = arith.minimumf %parallel_loop3A_514, %parallel_loop3A_516 : vector<16xf32>
        %parallel_loop3A_518 = arith.fptosi %parallel_loop3A_517 : vector<16xf32> to vector<16xi32>
        %parallel_loop3A_519 = tpu.vector_load_idx %arg21[%parallel_loop3A_518] : memref<2048xf32, #tpu.memory_space<vmem>>[vector<16xi32>], vector<16xf32>,
        %parallel_loop3A_520 = arith.index_cast %parallel_loop3A_249 : i32 to index
        %parallel_loop3A_521 = arith.constant 112 : index
        %parallel_loop3A_522 = tpu.vector_load %arg15[%parallel_loop3A_520, %parallel_loop3A_521] {strides = array<i32>} : memref<40x128xf32, #tpu.memory_space<vmem>>, vector<16xf32>,
        tpu.vector_store %arg15[%parallel_loop3A_520, %parallel_loop3A_521], %parallel_loop3A_505 {strides = array<i32>} : memref<40x128xf32, #tpu.memory_space<vmem>>, vector<16xf32>,
        %parallel_loop3A_523 = arith.index_cast %parallel_loop3A_249 : i32 to index
        %parallel_loop3A_524 = arith.constant 240 : index
        %parallel_loop3A_525 = tpu.vector_load %arg13[%parallel_loop3A_523, %parallel_loop3A_524] {strides = array<i32>} : memref<40x256xf32, #tpu.memory_space<vmem>>, vector<16xf32>,
        %parallel_loop3A_526 = arith.mulf %parallel_loop3A_525, %parallel_loop3A_519 : vector<16xf32>
        %parallel_loop3A_527 = arith.index_cast %parallel_loop3A_249 : i32 to index
        %parallel_loop3A_528 = arith.constant 112 : index
        %parallel_loop3A_529 = tpu.vector_load %arg14[%parallel_loop3A_527, %parallel_loop3A_528] {strides = array<i32>} : memref<40x128xf32, #tpu.memory_space<vmem>>, vector<16xf32>,
        tpu.vector_store %arg14[%parallel_loop3A_527, %parallel_loop3A_528], %parallel_loop3A_526 {strides = array<i32>} : memref<40x128xf32, #tpu.memory_space<vmem>>, vector<16xf32>,
      } {sc.loop_unroll_factor = 4 : i64, sc.parallel_access}
      %mul3A_198 = arith.constant 40 : i32
      %mul3A_199 = arith.muli %add3A_149, %mul3A_198 : i32
      %add3A_200 = arith.addi %mul3A_2, %mul3A_199 : i32
      %multiple_of3A_201 = tpu.assume_multiple %add3A_200, 8 : i32
      %dma_start3A_202 = arith.constant 0 : i32
      %dma_start3A_203 = tpu.memref_slice %arg9[%multiple_of3A_201, %dma_start3A_202] : memref<320000x128xf32, #tpu.memory_space<hbm>> -> memref<40x128xf32, #tpu.memory_space<hbm>>
      %dma_start3A_204 = arith.constant 0 : i32
      %dma_start3A_205 = tpu.memref_slice %arg9[%multiple_of3A_201, %dma_start3A_204] : memref<320000x128xf32, #tpu.memory_space<hbm>> -> memref<40x128xf32, #tpu.memory_space<hbm>>
      tpu.enqueue_dma source(%arg15 : memref<40x128xf32, #tpu.memory_space<vmem>>) target(%dma_start3A_205 : memref<40x128xf32, #tpu.memory_space<hbm>>) target_semaphore(%arg27 : memref<!tpu.dma_semaphore, #tpu.memory_space<semaphore_mem>>)
      "tpu.region"() ({
        %run_scoped3A = tpu.sem_alloc : memref<!tpu.dma_semaphore, #tpu.memory_space<semaphore_mem>>
        %dma_start3A_249 = arith.constant 0 : i32
        %dma_start3A_250 = arith.constant 0 : i32
        %dma_start3A_251 = tpu.memref_slice %arg22[%dma_start3A_249, %dma_start3A_250] : memref<10240x128xf32, #tpu.memory_space<vmem_shared>> -> memref<10240x128xf32, #tpu.memory_space<vmem_shared>>
        tpu.enqueue_indirect_dma source(%arg14 : memref<40x128xf32, #tpu.memory_space<vmem>>) target(%dma_start3A_251 : memref<10240x128xf32, #tpu.memory_space<vmem_shared>>) offsets(%arg12 : memref<40xi32, #tpu.memory_space<vmem>>) semaphore(%run_scoped3A : memref<!tpu.dma_semaphore, #tpu.memory_space<semaphore_mem>>) {add = true}
        %dma_wait3A_252 = arith.constant 0 : i32
        %dma_wait3A_253 = arith.constant 0 : i32
        %dma_wait3A_254 = tpu.memref_slice %arg22[%dma_wait3A_252, %dma_wait3A_253] : memref<10240x128xf32, #tpu.memory_space<vmem_shared>> -> memref<10240x128xf32, #tpu.memory_space<vmem_shared>>
        tpu.wait_indirect_dma semaphore(%run_scoped3A : memref<!tpu.dma_semaphore, #tpu.memory_space<semaphore_mem>>) src(%arg14 : memref<40x128xf32, #tpu.memory_space<vmem>>) dst(%dma_wait3A_254 : memref<10240x128xf32, #tpu.memory_space<vmem_shared>>)
        tpu.yield
      }) : () -> ()
      %lt3A = arith.constant 124 : i32
      %lt3A_206 = arith.cmpi slt, %scan3A_145, %lt3A : i32
      %convert_element_type3A_207 = arith.extui %lt3A_206 : i1 to i32
      %cond3A_208 = arith.constant 0 : i32
      %cond3A_209 = arith.cmpi ne, %convert_element_type3A_207, %cond3A_208 : i32
      scf.if %cond3A_209 {
        %add3A_249 = arith.constant 2 : i32
        %add3A_250 = arith.addi %add3A_149, %add3A_249 : i32
        %mul3A_251 = arith.constant 40 : i32
        %mul3A_252 = arith.muli %add3A_250, %mul3A_251 : i32
        %add3A_253 = arith.addi %mul3A_2, %mul3A_252 : i32
        %multiple_of3A_254 = tpu.assume_multiple %add3A_253, 8 : i32
        %dma_start3A_255 = tpu.memref_slice %arg5[%multiple_of3A_254] : memref<320000xi32, #tpu.memory_space<hbm>> -> memref<40xi32, #tpu.memory_space<hbm>>
        %dma_start3A_256 = tpu.memref_slice %arg5[%multiple_of3A_254] : memref<320000xi32, #tpu.memory_space<hbm>> -> memref<40xi32, #tpu.memory_space<hbm>>
        tpu.enqueue_dma source(%dma_start3A_256 : memref<40xi32, #tpu.memory_space<hbm>>) target(%arg11 : memref<40xi32, #tpu.memory_space<vmem>>) target_semaphore(%arg23 : memref<!tpu.dma_semaphore, #tpu.memory_space<semaphore_mem>>)
        %mul3A_257 = arith.constant 40 : i32
        %mul3A_258 = arith.muli %add3A_250, %mul3A_257 : i32
        %add3A_259 = arith.addi %mul3A_2, %mul3A_258 : i32
        %multiple_of3A_260 = tpu.assume_multiple %add3A_259, 8 : i32
        %dma_start3A_261 = tpu.memref_slice %arg6[%multiple_of3A_260] : memref<320000xi32, #tpu.memory_space<hbm>> -> memref<40xi32, #tpu.memory_space<hbm>>
        %dma_start3A_262 = tpu.memref_slice %arg6[%multiple_of3A_260] : memref<320000xi32, #tpu.memory_space<hbm>> -> memref<40xi32, #tpu.memory_space<hbm>>
        tpu.enqueue_dma source(%dma_start3A_262 : memref<40xi32, #tpu.memory_space<hbm>>) target(%arg12 : memref<40xi32, #tpu.memory_space<vmem>>) target_semaphore(%arg23 : memref<!tpu.dma_semaphore, #tpu.memory_space<semaphore_mem>>)
      } else {
      }
      %mul3A_210 = arith.constant 2 : i32
      %mul3A_211 = arith.muli %mul3A_210, %scan3A_145 : i32
      %add3A_212 = arith.constant 1 : i32
      %add3A_213 = arith.addi %mul3A_211, %add3A_212 : i32
      %dma_wait3A_214 = arith.constant 0 : i32
      %dma_wait3A_215 = arith.constant 0 : i32
      %dma_wait3A_216 = tpu.memref_slice %arg2[%dma_wait3A_214, %dma_wait3A_215] : memref<10000x256xf32, #tpu.memory_space<hbm>> -> memref<10000x256xf32, #tpu.memory_space<hbm>>
      tpu.wait_indirect_dma semaphore(%arg26 : memref<!tpu.dma_semaphore, #tpu.memory_space<semaphore_mem>>) src(%dma_wait3A_216 : memref<10000x256xf32, #tpu.memory_space<hbm>>) dst(%arg18 : memref<40x256xf32, #tpu.memory_space<vmem>>)
      %dma_wait3A_217 = arith.constant 0 : i32
      %dma_wait3A_218 = arith.constant 0 : i32
      %dma_wait3A_219 = tpu.memref_slice %arg3[%dma_wait3A_217, %dma_wait3A_218] : memref<10000x128xf32, #tpu.memory_space<hbm>> -> memref<10000x128xf32, #tpu.memory_space<hbm>>
      tpu.wait_indirect_dma semaphore(%arg26 : memref<!tpu.dma_semaphore, #tpu.memory_space<semaphore_mem>>) src(%dma_wait3A_219 : memref<10000x128xf32, #tpu.memory_space<hbm>>) dst(%arg19 : memref<40x128xf32, #tpu.memory_space<vmem>>)
      %mul3A_220 = arith.constant 40 : i32
      %mul3A_221 = arith.muli %add3A_213, %mul3A_220 : i32
      %add3A_222 = arith.addi %mul3A_2, %mul3A_221 : i32
      %multiple_of3A_223 = tpu.assume_multiple %add3A_222, 8 : i32
      %dma_wait3A_224 = arith.constant 0 : i32
      %dma_wait3A_225 = tpu.memref_slice %arg4[%multiple_of3A_223, %dma_wait3A_224] : memref<320000x128xf32, #tpu.memory_space<hbm>> -> memref<40x128xf32, #tpu.memory_space<hbm>>
      %dma_wait3A_226 = arith.constant 0 : i32
      %dma_wait3A_227 = tpu.memref_slice %arg4[%multiple_of3A_223, %dma_wait3A_226] : memref<320000x128xf32, #tpu.memory_space<hbm>> -> memref<40x128xf32, #tpu.memory_space<hbm>>
      tpu.wait_dma2 semaphore(%arg26 : memref<!tpu.dma_semaphore, #tpu.memory_space<semaphore_mem>>) src(%dma_wait3A_227 : memref<40x128xf32, #tpu.memory_space<hbm>>) dst(%arg20 : memref<40x128xf32, #tpu.memory_space<vmem>>)
      %lt3A_228 = arith.constant 124 : i32
      %lt3A_229 = arith.cmpi slt, %scan3A_145, %lt3A_228 : i32
      %convert_element_type3A_230 = arith.extui %lt3A_229 : i1 to i32
      %cond3A_231 = arith.constant 0 : i32
      %cond3A_232 = arith.cmpi ne, %convert_element_type3A_230, %cond3A_231 : i32
      scf.if %cond3A_232 {
        %ge3A_249 = arith.constant 1 : i32
        %ge3A_250 = arith.cmpi sge, %add3A_213, %ge3A_249 : i32
        %convert_element_type3A_251 = arith.extui %ge3A_250 : i1 to i32
        %cond3A_252 = arith.constant 0 : i32
        %cond3A_253 = arith.cmpi ne, %convert_element_type3A_251, %cond3A_252 : i32
        scf.if %cond3A_253 {
          %sub3A = arith.constant 1 : i32
          %sub3A_284 = arith.subi %add3A_213, %sub3A : i32
          %mul3A_285 = arith.constant 40 : i32
          %mul3A_286 = arith.muli %sub3A_284, %mul3A_285 : i32
          %add3A_287 = arith.addi %mul3A_2, %mul3A_286 : i32
          %multiple_of3A_288 = tpu.assume_multiple %add3A_287, 8 : i32
          %dma_wait3A_289 = arith.constant 0 : i32
          %dma_wait3A_290 = tpu.memref_slice %arg9[%multiple_of3A_288, %dma_wait3A_289] : memref<320000x128xf32, #tpu.memory_space<hbm>> -> memref<40x128xf32, #tpu.memory_space<hbm>>
          %dma_wait3A_291 = arith.constant 0 : i32
          %dma_wait3A_292 = tpu.memref_slice %arg9[%multiple_of3A_288, %dma_wait3A_291] : memref<320000x128xf32, #tpu.memory_space<hbm>> -> memref<40x128xf32, #tpu.memory_space<hbm>>
          tpu.wait_dma2 semaphore(%arg27 : memref<!tpu.dma_semaphore, #tpu.memory_space<semaphore_mem>>) src(%arg15 : memref<40x128xf32, #tpu.memory_space<vmem>>) dst(%dma_wait3A_292 : memref<40x128xf32, #tpu.memory_space<hbm>>)
        } else {
        }
        %add3A_254 = arith.constant 1 : i32
        %add3A_255 = arith.addi %add3A_213, %add3A_254 : i32
        %mul3A_256 = arith.constant 40 : i32
        %mul3A_257 = arith.muli %add3A_255, %mul3A_256 : i32
        %add3A_258 = arith.addi %mul3A_2, %mul3A_257 : i32
        %multiple_of3A_259 = tpu.assume_multiple %add3A_258, 8 : i32
        %dma_wait3A_260 = tpu.memref_slice %arg5[%multiple_of3A_259] : memref<320000xi32, #tpu.memory_space<hbm>> -> memref<40xi32, #tpu.memory_space<hbm>>
        %dma_wait3A_261 = tpu.memref_slice %arg5[%multiple_of3A_259] : memref<320000xi32, #tpu.memory_space<hbm>> -> memref<40xi32, #tpu.memory_space<hbm>>
        tpu.wait_dma2 semaphore(%arg23 : memref<!tpu.dma_semaphore, #tpu.memory_space<semaphore_mem>>) src(%dma_wait3A_261 : memref<40xi32, #tpu.memory_space<hbm>>) dst(%arg11 : memref<40xi32, #tpu.memory_space<vmem>>)
        %mul3A_262 = arith.constant 40 : i32
        %mul3A_263 = arith.muli %add3A_255, %mul3A_262 : i32
        %add3A_264 = arith.addi %mul3A_2, %mul3A_263 : i32
        %multiple_of3A_265 = tpu.assume_multiple %add3A_264, 8 : i32
        %dma_wait3A_266 = tpu.memref_slice %arg6[%multiple_of3A_265] : memref<320000xi32, #tpu.memory_space<hbm>> -> memref<40xi32, #tpu.memory_space<hbm>>
        %dma_wait3A_267 = tpu.memref_slice %arg6[%multiple_of3A_265] : memref<320000xi32, #tpu.memory_space<hbm>> -> memref<40xi32, #tpu.memory_space<hbm>>
        tpu.wait_dma2 semaphore(%arg23 : memref<!tpu.dma_semaphore, #tpu.memory_space<semaphore_mem>>) src(%dma_wait3A_267 : memref<40xi32, #tpu.memory_space<hbm>>) dst(%arg12 : memref<40xi32, #tpu.memory_space<vmem>>)
        %add3A_268 = arith.constant 1 : i32
        %add3A_269 = arith.addi %add3A_213, %add3A_268 : i32
        %dma_start3A_270 = arith.constant 0 : i32
        %dma_start3A_271 = arith.constant 0 : i32
        %dma_start3A_272 = tpu.memref_slice %arg2[%dma_start3A_270, %dma_start3A_271] : memref<10000x256xf32, #tpu.memory_space<hbm>> -> memref<10000x256xf32, #tpu.memory_space<hbm>>
        tpu.enqueue_indirect_dma source(%dma_start3A_272 : memref<10000x256xf32, #tpu.memory_space<hbm>>) target(%arg13 : memref<40x256xf32, #tpu.memory_space<vmem>>) offsets(%arg11 : memref<40xi32, #tpu.memory_space<vmem>>) semaphore(%arg25 : memref<!tpu.dma_semaphore, #tpu.memory_space<semaphore_mem>>)
        %dma_start3A_273 = arith.constant 0 : i32
        %dma_start3A_274 = arith.constant 0 : i32
        %dma_start3A_275 = tpu.memref_slice %arg3[%dma_start3A_273, %dma_start3A_274] : memref<10000x128xf32, #tpu.memory_space<hbm>> -> memref<10000x128xf32, #tpu.memory_space<hbm>>
        tpu.enqueue_indirect_dma source(%dma_start3A_275 : memref<10000x128xf32, #tpu.memory_space<hbm>>) target(%arg14 : memref<40x128xf32, #tpu.memory_space<vmem>>) offsets(%arg12 : memref<40xi32, #tpu.memory_space<vmem>>) semaphore(%arg25 : memref<!tpu.dma_semaphore, #tpu.memory_space<semaphore_mem>>)
        %mul3A_276 = arith.constant 40 : i32
        %mul3A_277 = arith.muli %add3A_269, %mul3A_276 : i32
        %add3A_278 = arith.addi %mul3A_2, %mul3A_277 : i32
        %multiple_of3A_279 = tpu.assume_multiple %add3A_278, 8 : i32
        %dma_start3A_280 = arith.constant 0 : i32
        %dma_start3A_281 = tpu.memref_slice %arg4[%multiple_of3A_279, %dma_start3A_280] : memref<320000x128xf32, #tpu.memory_space<hbm>> -> memref<40x128xf32, #tpu.memory_space<hbm>>
        %dma_start3A_282 = arith.constant 0 : i32
        %dma_start3A_283 = tpu.memref_slice %arg4[%multiple_of3A_279, %dma_start3A_282] : memref<320000x128xf32, #tpu.memory_space<hbm>> -> memref<40x128xf32, #tpu.memory_space<hbm>>
        tpu.enqueue_dma source(%dma_start3A_283 : memref<40x128xf32, #tpu.memory_space<hbm>>) target(%arg15 : memref<40x128xf32, #tpu.memory_space<vmem>>) target_semaphore(%arg25 : memref<!tpu.dma_semaphore, #tpu.memory_space<semaphore_mem>>)
      } else {
      }
      %parallel_loop3A_233 = arith.constant 0 : i32
      %parallel_loop3A_234 = arith.constant 40 : i32
      %parallel_loop3A_235 = arith.constant 1 : i32
      scf.for %parallel_loop3A_249 = %parallel_loop3A_233 to %parallel_loop3A_234 step %parallel_loop3A_235  : i32 {
        %parallel_loop3A_250 = arith.index_cast %parallel_loop3A_249 : i32 to index
        %parallel_loop3A_251 = arith.constant 0 : index
        %parallel_loop3A_252 = tpu.vector_load %arg18[%parallel_loop3A_250, %parallel_loop3A_251] {strides = array<i32>} : memref<40x256xf32, #tpu.memory_space<vmem>>, vector<16xf32>,
        %parallel_loop3A_253 = arith.index_cast %parallel_loop3A_249 : i32 to index
        %parallel_loop3A_254 = arith.constant 0 : index
        %parallel_loop3A_255 = tpu.vector_load %arg19[%parallel_loop3A_253, %parallel_loop3A_254] {strides = array<i32>} : memref<40x128xf32, #tpu.memory_space<vmem>>, vector<16xf32>,
        %parallel_loop3A_256 = arith.addf %parallel_loop3A_252, %parallel_loop3A_255 : vector<16xf32>
        %parallel_loop3A_257 = arith.index_cast %parallel_loop3A_249 : i32 to index
        %parallel_loop3A_258 = arith.constant 0 : index
        %parallel_loop3A_259 = tpu.vector_load %arg20[%parallel_loop3A_257, %parallel_loop3A_258] {strides = array<i32>} : memref<40x128xf32, #tpu.memory_space<vmem>>, vector<16xf32>,
        %parallel_loop3A_260 = arith.addf %parallel_loop3A_256, %parallel_loop3A_259 : vector<16xf32>
        %parallel_loop3A_261 = arith.constant 1.280000e+02 : f32
        %parallel_loop3A_262 = vector.broadcast %parallel_loop3A_261 : f32 to vector<16xf32>
        %parallel_loop3A_263 = arith.mulf %parallel_loop3A_260, %parallel_loop3A_262 : vector<16xf32>
        %parallel_loop3A_264 = arith.constant 1.024000e+03 : f32
        %parallel_loop3A_265 = vector.broadcast %parallel_loop3A_264 : f32 to vector<16xf32>
        %parallel_loop3A_266 = arith.addf %parallel_loop3A_263, %parallel_loop3A_265 : vector<16xf32>
        %parallel_loop3A_267 = arith.constant 0.000000e+00 : f32
        %parallel_loop3A_268 = vector.broadcast %parallel_loop3A_267 : f32 to vector<16xf32>
        %parallel_loop3A_269 = arith.maximumf %parallel_loop3A_266, %parallel_loop3A_268 : vector<16xf32>
        %parallel_loop3A_270 = arith.constant 2.047000e+03 : f32
        %parallel_loop3A_271 = vector.broadcast %parallel_loop3A_270 : f32 to vector<16xf32>
        %parallel_loop3A_272 = arith.minimumf %parallel_loop3A_269, %parallel_loop3A_271 : vector<16xf32>
        %parallel_loop3A_273 = arith.fptosi %parallel_loop3A_272 : vector<16xf32> to vector<16xi32>
        %parallel_loop3A_274 = tpu.vector_load_idx %arg21[%parallel_loop3A_273] : memref<2048xf32, #tpu.memory_space<vmem>>[vector<16xi32>], vector<16xf32>,
        %parallel_loop3A_275 = arith.index_cast %parallel_loop3A_249 : i32 to index
        %parallel_loop3A_276 = arith.constant 0 : index
        %parallel_loop3A_277 = tpu.vector_load %arg20[%parallel_loop3A_275, %parallel_loop3A_276] {strides = array<i32>} : memref<40x128xf32, #tpu.memory_space<vmem>>, vector<16xf32>,
        tpu.vector_store %arg20[%parallel_loop3A_275, %parallel_loop3A_276], %parallel_loop3A_260 {strides = array<i32>} : memref<40x128xf32, #tpu.memory_space<vmem>>, vector<16xf32>,
        %parallel_loop3A_278 = arith.index_cast %parallel_loop3A_249 : i32 to index
        %parallel_loop3A_279 = arith.constant 128 : index
        %parallel_loop3A_280 = tpu.vector_load %arg18[%parallel_loop3A_278, %parallel_loop3A_279] {strides = array<i32>} : memref<40x256xf32, #tpu.memory_space<vmem>>, vector<16xf32>,
        %parallel_loop3A_281 = arith.mulf %parallel_loop3A_280, %parallel_loop3A_274 : vector<16xf32>
        %parallel_loop3A_282 = arith.index_cast %parallel_loop3A_249 : i32 to index
        %parallel_loop3A_283 = arith.constant 0 : index
        %parallel_loop3A_284 = tpu.vector_load %arg19[%parallel_loop3A_282, %parallel_loop3A_283] {strides = array<i32>} : memref<40x128xf32, #tpu.memory_space<vmem>>, vector<16xf32>,
        tpu.vector_store %arg19[%parallel_loop3A_282, %parallel_loop3A_283], %parallel_loop3A_281 {strides = array<i32>} : memref<40x128xf32, #tpu.memory_space<vmem>>, vector<16xf32>,
        %parallel_loop3A_285 = arith.index_cast %parallel_loop3A_249 : i32 to index
        %parallel_loop3A_286 = arith.constant 16 : index
        %parallel_loop3A_287 = tpu.vector_load %arg18[%parallel_loop3A_285, %parallel_loop3A_286] {strides = array<i32>} : memref<40x256xf32, #tpu.memory_space<vmem>>, vector<16xf32>,
        %parallel_loop3A_288 = arith.index_cast %parallel_loop3A_249 : i32 to index
        %parallel_loop3A_289 = arith.constant 16 : index
        %parallel_loop3A_290 = tpu.vector_load %arg19[%parallel_loop3A_288, %parallel_loop3A_289] {strides = array<i32>} : memref<40x128xf32, #tpu.memory_space<vmem>>, vector<16xf32>,
        %parallel_loop3A_291 = arith.addf %parallel_loop3A_287, %parallel_loop3A_290 : vector<16xf32>
        %parallel_loop3A_292 = arith.index_cast %parallel_loop3A_249 : i32 to index
        %parallel_loop3A_293 = arith.constant 16 : index
        %parallel_loop3A_294 = tpu.vector_load %arg20[%parallel_loop3A_292, %parallel_loop3A_293] {strides = array<i32>} : memref<40x128xf32, #tpu.memory_space<vmem>>, vector<16xf32>,
        %parallel_loop3A_295 = arith.addf %parallel_loop3A_291, %parallel_loop3A_294 : vector<16xf32>
        %parallel_loop3A_296 = arith.constant 1.280000e+02 : f32
        %parallel_loop3A_297 = vector.broadcast %parallel_loop3A_296 : f32 to vector<16xf32>
        %parallel_loop3A_298 = arith.mulf %parallel_loop3A_295, %parallel_loop3A_297 : vector<16xf32>
        %parallel_loop3A_299 = arith.constant 1.024000e+03 : f32
        %parallel_loop3A_300 = vector.broadcast %parallel_loop3A_299 : f32 to vector<16xf32>
        %parallel_loop3A_301 = arith.addf %parallel_loop3A_298, %parallel_loop3A_300 : vector<16xf32>
        %parallel_loop3A_302 = arith.constant 0.000000e+00 : f32
        %parallel_loop3A_303 = vector.broadcast %parallel_loop3A_302 : f32 to vector<16xf32>
        %parallel_loop3A_304 = arith.maximumf %parallel_loop3A_301, %parallel_loop3A_303 : vector<16xf32>
        %parallel_loop3A_305 = arith.constant 2.047000e+03 : f32
        %parallel_loop3A_306 = vector.broadcast %parallel_loop3A_305 : f32 to vector<16xf32>
        %parallel_loop3A_307 = arith.minimumf %parallel_loop3A_304, %parallel_loop3A_306 : vector<16xf32>
        %parallel_loop3A_308 = arith.fptosi %parallel_loop3A_307 : vector<16xf32> to vector<16xi32>
        %parallel_loop3A_309 = tpu.vector_load_idx %arg21[%parallel_loop3A_308] : memref<2048xf32, #tpu.memory_space<vmem>>[vector<16xi32>], vector<16xf32>,
        %parallel_loop3A_310 = arith.index_cast %parallel_loop3A_249 : i32 to index
        %parallel_loop3A_311 = arith.constant 16 : index
        %parallel_loop3A_312 = tpu.vector_load %arg20[%parallel_loop3A_310, %parallel_loop3A_311] {strides = array<i32>} : memref<40x128xf32, #tpu.memory_space<vmem>>, vector<16xf32>,
        tpu.vector_store %arg20[%parallel_loop3A_310, %parallel_loop3A_311], %parallel_loop3A_295 {strides = array<i32>} : memref<40x128xf32, #tpu.memory_space<vmem>>, vector<16xf32>,
        %parallel_loop3A_313 = arith.index_cast %parallel_loop3A_249 : i32 to index
        %parallel_loop3A_314 = arith.constant 144 : index
        %parallel_loop3A_315 = tpu.vector_load %arg18[%parallel_loop3A_313, %parallel_loop3A_314] {strides = array<i32>} : memref<40x256xf32, #tpu.memory_space<vmem>>, vector<16xf32>,
        %parallel_loop3A_316 = arith.mulf %parallel_loop3A_315, %parallel_loop3A_309 : vector<16xf32>
        %parallel_loop3A_317 = arith.index_cast %parallel_loop3A_249 : i32 to index
        %parallel_loop3A_318 = arith.constant 16 : index
        %parallel_loop3A_319 = tpu.vector_load %arg19[%parallel_loop3A_317, %parallel_loop3A_318] {strides = array<i32>} : memref<40x128xf32, #tpu.memory_space<vmem>>, vector<16xf32>,
        tpu.vector_store %arg19[%parallel_loop3A_317, %parallel_loop3A_318], %parallel_loop3A_316 {strides = array<i32>} : memref<40x128xf32, #tpu.memory_space<vmem>>, vector<16xf32>,
        %parallel_loop3A_320 = arith.index_cast %parallel_loop3A_249 : i32 to index
        %parallel_loop3A_321 = arith.constant 32 : index
        %parallel_loop3A_322 = tpu.vector_load %arg18[%parallel_loop3A_320, %parallel_loop3A_321] {strides = array<i32>} : memref<40x256xf32, #tpu.memory_space<vmem>>, vector<16xf32>,
        %parallel_loop3A_323 = arith.index_cast %parallel_loop3A_249 : i32 to index
        %parallel_loop3A_324 = arith.constant 32 : index
        %parallel_loop3A_325 = tpu.vector_load %arg19[%parallel_loop3A_323, %parallel_loop3A_324] {strides = array<i32>} : memref<40x128xf32, #tpu.memory_space<vmem>>, vector<16xf32>,
        %parallel_loop3A_326 = arith.addf %parallel_loop3A_322, %parallel_loop3A_325 : vector<16xf32>
        %parallel_loop3A_327 = arith.index_cast %parallel_loop3A_249 : i32 to index
        %parallel_loop3A_328 = arith.constant 32 : index
        %parallel_loop3A_329 = tpu.vector_load %arg20[%parallel_loop3A_327, %parallel_loop3A_328] {strides = array<i32>} : memref<40x128xf32, #tpu.memory_space<vmem>>, vector<16xf32>,
        %parallel_loop3A_330 = arith.addf %parallel_loop3A_326, %parallel_loop3A_329 : vector<16xf32>
        %parallel_loop3A_331 = arith.constant 1.280000e+02 : f32
        %parallel_loop3A_332 = vector.broadcast %parallel_loop3A_331 : f32 to vector<16xf32>
        %parallel_loop3A_333 = arith.mulf %parallel_loop3A_330, %parallel_loop3A_332 : vector<16xf32>
        %parallel_loop3A_334 = arith.constant 1.024000e+03 : f32
        %parallel_loop3A_335 = vector.broadcast %parallel_loop3A_334 : f32 to vector<16xf32>
        %parallel_loop3A_336 = arith.addf %parallel_loop3A_333, %parallel_loop3A_335 : vector<16xf32>
        %parallel_loop3A_337 = arith.constant 0.000000e+00 : f32
        %parallel_loop3A_338 = vector.broadcast %parallel_loop3A_337 : f32 to vector<16xf32>
        %parallel_loop3A_339 = arith.maximumf %parallel_loop3A_336, %parallel_loop3A_338 : vector<16xf32>
        %parallel_loop3A_340 = arith.constant 2.047000e+03 : f32
        %parallel_loop3A_341 = vector.broadcast %parallel_loop3A_340 : f32 to vector<16xf32>
        %parallel_loop3A_342 = arith.minimumf %parallel_loop3A_339, %parallel_loop3A_341 : vector<16xf32>
        %parallel_loop3A_343 = arith.fptosi %parallel_loop3A_342 : vector<16xf32> to vector<16xi32>
        %parallel_loop3A_344 = tpu.vector_load_idx %arg21[%parallel_loop3A_343] : memref<2048xf32, #tpu.memory_space<vmem>>[vector<16xi32>], vector<16xf32>,
        %parallel_loop3A_345 = arith.index_cast %parallel_loop3A_249 : i32 to index
        %parallel_loop3A_346 = arith.constant 32 : index
        %parallel_loop3A_347 = tpu.vector_load %arg20[%parallel_loop3A_345, %parallel_loop3A_346] {strides = array<i32>} : memref<40x128xf32, #tpu.memory_space<vmem>>, vector<16xf32>,
        tpu.vector_store %arg20[%parallel_loop3A_345, %parallel_loop3A_346], %parallel_loop3A_330 {strides = array<i32>} : memref<40x128xf32, #tpu.memory_space<vmem>>, vector<16xf32>,
        %parallel_loop3A_348 = arith.index_cast %parallel_loop3A_249 : i32 to index
        %parallel_loop3A_349 = arith.constant 160 : index
        %parallel_loop3A_350 = tpu.vector_load %arg18[%parallel_loop3A_348, %parallel_loop3A_349] {strides = array<i32>} : memref<40x256xf32, #tpu.memory_space<vmem>>, vector<16xf32>,
        %parallel_loop3A_351 = arith.mulf %parallel_loop3A_350, %parallel_loop3A_344 : vector<16xf32>
        %parallel_loop3A_352 = arith.index_cast %parallel_loop3A_249 : i32 to index
        %parallel_loop3A_353 = arith.constant 32 : index
        %parallel_loop3A_354 = tpu.vector_load %arg19[%parallel_loop3A_352, %parallel_loop3A_353] {strides = array<i32>} : memref<40x128xf32, #tpu.memory_space<vmem>>, vector<16xf32>,
        tpu.vector_store %arg19[%parallel_loop3A_352, %parallel_loop3A_353], %parallel_loop3A_351 {strides = array<i32>} : memref<40x128xf32, #tpu.memory_space<vmem>>, vector<16xf32>,
        %parallel_loop3A_355 = arith.index_cast %parallel_loop3A_249 : i32 to index
        %parallel_loop3A_356 = arith.constant 48 : index
        %parallel_loop3A_357 = tpu.vector_load %arg18[%parallel_loop3A_355, %parallel_loop3A_356] {strides = array<i32>} : memref<40x256xf32, #tpu.memory_space<vmem>>, vector<16xf32>,
        %parallel_loop3A_358 = arith.index_cast %parallel_loop3A_249 : i32 to index
        %parallel_loop3A_359 = arith.constant 48 : index
        %parallel_loop3A_360 = tpu.vector_load %arg19[%parallel_loop3A_358, %parallel_loop3A_359] {strides = array<i32>} : memref<40x128xf32, #tpu.memory_space<vmem>>, vector<16xf32>,
        %parallel_loop3A_361 = arith.addf %parallel_loop3A_357, %parallel_loop3A_360 : vector<16xf32>
        %parallel_loop3A_362 = arith.index_cast %parallel_loop3A_249 : i32 to index
        %parallel_loop3A_363 = arith.constant 48 : index
        %parallel_loop3A_364 = tpu.vector_load %arg20[%parallel_loop3A_362, %parallel_loop3A_363] {strides = array<i32>} : memref<40x128xf32, #tpu.memory_space<vmem>>, vector<16xf32>,
        %parallel_loop3A_365 = arith.addf %parallel_loop3A_361, %parallel_loop3A_364 : vector<16xf32>
        %parallel_loop3A_366 = arith.constant 1.280000e+02 : f32
        %parallel_loop3A_367 = vector.broadcast %parallel_loop3A_366 : f32 to vector<16xf32>
        %parallel_loop3A_368 = arith.mulf %parallel_loop3A_365, %parallel_loop3A_367 : vector<16xf32>
        %parallel_loop3A_369 = arith.constant 1.024000e+03 : f32
        %parallel_loop3A_370 = vector.broadcast %parallel_loop3A_369 : f32 to vector<16xf32>
        %parallel_loop3A_371 = arith.addf %parallel_loop3A_368, %parallel_loop3A_370 : vector<16xf32>
        %parallel_loop3A_372 = arith.constant 0.000000e+00 : f32
        %parallel_loop3A_373 = vector.broadcast %parallel_loop3A_372 : f32 to vector<16xf32>
        %parallel_loop3A_374 = arith.maximumf %parallel_loop3A_371, %parallel_loop3A_373 : vector<16xf32>
        %parallel_loop3A_375 = arith.constant 2.047000e+03 : f32
        %parallel_loop3A_376 = vector.broadcast %parallel_loop3A_375 : f32 to vector<16xf32>
        %parallel_loop3A_377 = arith.minimumf %parallel_loop3A_374, %parallel_loop3A_376 : vector<16xf32>
        %parallel_loop3A_378 = arith.fptosi %parallel_loop3A_377 : vector<16xf32> to vector<16xi32>
        %parallel_loop3A_379 = tpu.vector_load_idx %arg21[%parallel_loop3A_378] : memref<2048xf32, #tpu.memory_space<vmem>>[vector<16xi32>], vector<16xf32>,
        %parallel_loop3A_380 = arith.index_cast %parallel_loop3A_249 : i32 to index
        %parallel_loop3A_381 = arith.constant 48 : index
        %parallel_loop3A_382 = tpu.vector_load %arg20[%parallel_loop3A_380, %parallel_loop3A_381] {strides = array<i32>} : memref<40x128xf32, #tpu.memory_space<vmem>>, vector<16xf32>,
        tpu.vector_store %arg20[%parallel_loop3A_380, %parallel_loop3A_381], %parallel_loop3A_365 {strides = array<i32>} : memref<40x128xf32, #tpu.memory_space<vmem>>, vector<16xf32>,
        %parallel_loop3A_383 = arith.index_cast %parallel_loop3A_249 : i32 to index
        %parallel_loop3A_384 = arith.constant 176 : index
        %parallel_loop3A_385 = tpu.vector_load %arg18[%parallel_loop3A_383, %parallel_loop3A_384] {strides = array<i32>} : memref<40x256xf32, #tpu.memory_space<vmem>>, vector<16xf32>,
        %parallel_loop3A_386 = arith.mulf %parallel_loop3A_385, %parallel_loop3A_379 : vector<16xf32>
        %parallel_loop3A_387 = arith.index_cast %parallel_loop3A_249 : i32 to index
        %parallel_loop3A_388 = arith.constant 48 : index
        %parallel_loop3A_389 = tpu.vector_load %arg19[%parallel_loop3A_387, %parallel_loop3A_388] {strides = array<i32>} : memref<40x128xf32, #tpu.memory_space<vmem>>, vector<16xf32>,
        tpu.vector_store %arg19[%parallel_loop3A_387, %parallel_loop3A_388], %parallel_loop3A_386 {strides = array<i32>} : memref<40x128xf32, #tpu.memory_space<vmem>>, vector<16xf32>,
        %parallel_loop3A_390 = arith.index_cast %parallel_loop3A_249 : i32 to index
        %parallel_loop3A_391 = arith.constant 64 : index
        %parallel_loop3A_392 = tpu.vector_load %arg18[%parallel_loop3A_390, %parallel_loop3A_391] {strides = array<i32>} : memref<40x256xf32, #tpu.memory_space<vmem>>, vector<16xf32>,
        %parallel_loop3A_393 = arith.index_cast %parallel_loop3A_249 : i32 to index
        %parallel_loop3A_394 = arith.constant 64 : index
        %parallel_loop3A_395 = tpu.vector_load %arg19[%parallel_loop3A_393, %parallel_loop3A_394] {strides = array<i32>} : memref<40x128xf32, #tpu.memory_space<vmem>>, vector<16xf32>,
        %parallel_loop3A_396 = arith.addf %parallel_loop3A_392, %parallel_loop3A_395 : vector<16xf32>
        %parallel_loop3A_397 = arith.index_cast %parallel_loop3A_249 : i32 to index
        %parallel_loop3A_398 = arith.constant 64 : index
        %parallel_loop3A_399 = tpu.vector_load %arg20[%parallel_loop3A_397, %parallel_loop3A_398] {strides = array<i32>} : memref<40x128xf32, #tpu.memory_space<vmem>>, vector<16xf32>,
        %parallel_loop3A_400 = arith.addf %parallel_loop3A_396, %parallel_loop3A_399 : vector<16xf32>
        %parallel_loop3A_401 = arith.constant 1.280000e+02 : f32
        %parallel_loop3A_402 = vector.broadcast %parallel_loop3A_401 : f32 to vector<16xf32>
        %parallel_loop3A_403 = arith.mulf %parallel_loop3A_400, %parallel_loop3A_402 : vector<16xf32>
        %parallel_loop3A_404 = arith.constant 1.024000e+03 : f32
        %parallel_loop3A_405 = vector.broadcast %parallel_loop3A_404 : f32 to vector<16xf32>
        %parallel_loop3A_406 = arith.addf %parallel_loop3A_403, %parallel_loop3A_405 : vector<16xf32>
        %parallel_loop3A_407 = arith.constant 0.000000e+00 : f32
        %parallel_loop3A_408 = vector.broadcast %parallel_loop3A_407 : f32 to vector<16xf32>
        %parallel_loop3A_409 = arith.maximumf %parallel_loop3A_406, %parallel_loop3A_408 : vector<16xf32>
        %parallel_loop3A_410 = arith.constant 2.047000e+03 : f32
        %parallel_loop3A_411 = vector.broadcast %parallel_loop3A_410 : f32 to vector<16xf32>
        %parallel_loop3A_412 = arith.minimumf %parallel_loop3A_409, %parallel_loop3A_411 : vector<16xf32>
        %parallel_loop3A_413 = arith.fptosi %parallel_loop3A_412 : vector<16xf32> to vector<16xi32>
        %parallel_loop3A_414 = tpu.vector_load_idx %arg21[%parallel_loop3A_413] : memref<2048xf32, #tpu.memory_space<vmem>>[vector<16xi32>], vector<16xf32>,
        %parallel_loop3A_415 = arith.index_cast %parallel_loop3A_249 : i32 to index
        %parallel_loop3A_416 = arith.constant 64 : index
        %parallel_loop3A_417 = tpu.vector_load %arg20[%parallel_loop3A_415, %parallel_loop3A_416] {strides = array<i32>} : memref<40x128xf32, #tpu.memory_space<vmem>>, vector<16xf32>,
        tpu.vector_store %arg20[%parallel_loop3A_415, %parallel_loop3A_416], %parallel_loop3A_400 {strides = array<i32>} : memref<40x128xf32, #tpu.memory_space<vmem>>, vector<16xf32>,
        %parallel_loop3A_418 = arith.index_cast %parallel_loop3A_249 : i32 to index
        %parallel_loop3A_419 = arith.constant 192 : index
        %parallel_loop3A_420 = tpu.vector_load %arg18[%parallel_loop3A_418, %parallel_loop3A_419] {strides = array<i32>} : memref<40x256xf32, #tpu.memory_space<vmem>>, vector<16xf32>,
        %parallel_loop3A_421 = arith.mulf %parallel_loop3A_420, %parallel_loop3A_414 : vector<16xf32>
        %parallel_loop3A_422 = arith.index_cast %parallel_loop3A_249 : i32 to index
        %parallel_loop3A_423 = arith.constant 64 : index
        %parallel_loop3A_424 = tpu.vector_load %arg19[%parallel_loop3A_422, %parallel_loop3A_423] {strides = array<i32>} : memref<40x128xf32, #tpu.memory_space<vmem>>, vector<16xf32>,
        tpu.vector_store %arg19[%parallel_loop3A_422, %parallel_loop3A_423], %parallel_loop3A_421 {strides = array<i32>} : memref<40x128xf32, #tpu.memory_space<vmem>>, vector<16xf32>,
        %parallel_loop3A_425 = arith.index_cast %parallel_loop3A_249 : i32 to index
        %parallel_loop3A_426 = arith.constant 80 : index
        %parallel_loop3A_427 = tpu.vector_load %arg18[%parallel_loop3A_425, %parallel_loop3A_426] {strides = array<i32>} : memref<40x256xf32, #tpu.memory_space<vmem>>, vector<16xf32>,
        %parallel_loop3A_428 = arith.index_cast %parallel_loop3A_249 : i32 to index
        %parallel_loop3A_429 = arith.constant 80 : index
        %parallel_loop3A_430 = tpu.vector_load %arg19[%parallel_loop3A_428, %parallel_loop3A_429] {strides = array<i32>} : memref<40x128xf32, #tpu.memory_space<vmem>>, vector<16xf32>,
        %parallel_loop3A_431 = arith.addf %parallel_loop3A_427, %parallel_loop3A_430 : vector<16xf32>
        %parallel_loop3A_432 = arith.index_cast %parallel_loop3A_249 : i32 to index
        %parallel_loop3A_433 = arith.constant 80 : index
        %parallel_loop3A_434 = tpu.vector_load %arg20[%parallel_loop3A_432, %parallel_loop3A_433] {strides = array<i32>} : memref<40x128xf32, #tpu.memory_space<vmem>>, vector<16xf32>,
        %parallel_loop3A_435 = arith.addf %parallel_loop3A_431, %parallel_loop3A_434 : vector<16xf32>
        %parallel_loop3A_436 = arith.constant 1.280000e+02 : f32
        %parallel_loop3A_437 = vector.broadcast %parallel_loop3A_436 : f32 to vector<16xf32>
        %parallel_loop3A_438 = arith.mulf %parallel_loop3A_435, %parallel_loop3A_437 : vector<16xf32>
        %parallel_loop3A_439 = arith.constant 1.024000e+03 : f32
        %parallel_loop3A_440 = vector.broadcast %parallel_loop3A_439 : f32 to vector<16xf32>
        %parallel_loop3A_441 = arith.addf %parallel_loop3A_438, %parallel_loop3A_440 : vector<16xf32>
        %parallel_loop3A_442 = arith.constant 0.000000e+00 : f32
        %parallel_loop3A_443 = vector.broadcast %parallel_loop3A_442 : f32 to vector<16xf32>
        %parallel_loop3A_444 = arith.maximumf %parallel_loop3A_441, %parallel_loop3A_443 : vector<16xf32>
        %parallel_loop3A_445 = arith.constant 2.047000e+03 : f32
        %parallel_loop3A_446 = vector.broadcast %parallel_loop3A_445 : f32 to vector<16xf32>
        %parallel_loop3A_447 = arith.minimumf %parallel_loop3A_444, %parallel_loop3A_446 : vector<16xf32>
        %parallel_loop3A_448 = arith.fptosi %parallel_loop3A_447 : vector<16xf32> to vector<16xi32>
        %parallel_loop3A_449 = tpu.vector_load_idx %arg21[%parallel_loop3A_448] : memref<2048xf32, #tpu.memory_space<vmem>>[vector<16xi32>], vector<16xf32>,
        %parallel_loop3A_450 = arith.index_cast %parallel_loop3A_249 : i32 to index
        %parallel_loop3A_451 = arith.constant 80 : index
        %parallel_loop3A_452 = tpu.vector_load %arg20[%parallel_loop3A_450, %parallel_loop3A_451] {strides = array<i32>} : memref<40x128xf32, #tpu.memory_space<vmem>>, vector<16xf32>,
        tpu.vector_store %arg20[%parallel_loop3A_450, %parallel_loop3A_451], %parallel_loop3A_435 {strides = array<i32>} : memref<40x128xf32, #tpu.memory_space<vmem>>, vector<16xf32>,
        %parallel_loop3A_453 = arith.index_cast %parallel_loop3A_249 : i32 to index
        %parallel_loop3A_454 = arith.constant 208 : index
        %parallel_loop3A_455 = tpu.vector_load %arg18[%parallel_loop3A_453, %parallel_loop3A_454] {strides = array<i32>} : memref<40x256xf32, #tpu.memory_space<vmem>>, vector<16xf32>,
        %parallel_loop3A_456 = arith.mulf %parallel_loop3A_455, %parallel_loop3A_449 : vector<16xf32>
        %parallel_loop3A_457 = arith.index_cast %parallel_loop3A_249 : i32 to index
        %parallel_loop3A_458 = arith.constant 80 : index
        %parallel_loop3A_459 = tpu.vector_load %arg19[%parallel_loop3A_457, %parallel_loop3A_458] {strides = array<i32>} : memref<40x128xf32, #tpu.memory_space<vmem>>, vector<16xf32>,
        tpu.vector_store %arg19[%parallel_loop3A_457, %parallel_loop3A_458], %parallel_loop3A_456 {strides = array<i32>} : memref<40x128xf32, #tpu.memory_space<vmem>>, vector<16xf32>,
        %parallel_loop3A_460 = arith.index_cast %parallel_loop3A_249 : i32 to index
        %parallel_loop3A_461 = arith.constant 96 : index
        %parallel_loop3A_462 = tpu.vector_load %arg18[%parallel_loop3A_460, %parallel_loop3A_461] {strides = array<i32>} : memref<40x256xf32, #tpu.memory_space<vmem>>, vector<16xf32>,
        %parallel_loop3A_463 = arith.index_cast %parallel_loop3A_249 : i32 to index
        %parallel_loop3A_464 = arith.constant 96 : index
        %parallel_loop3A_465 = tpu.vector_load %arg19[%parallel_loop3A_463, %parallel_loop3A_464] {strides = array<i32>} : memref<40x128xf32, #tpu.memory_space<vmem>>, vector<16xf32>,
        %parallel_loop3A_466 = arith.addf %parallel_loop3A_462, %parallel_loop3A_465 : vector<16xf32>
        %parallel_loop3A_467 = arith.index_cast %parallel_loop3A_249 : i32 to index
        %parallel_loop3A_468 = arith.constant 96 : index
        %parallel_loop3A_469 = tpu.vector_load %arg20[%parallel_loop3A_467, %parallel_loop3A_468] {strides = array<i32>} : memref<40x128xf32, #tpu.memory_space<vmem>>, vector<16xf32>,
        %parallel_loop3A_470 = arith.addf %parallel_loop3A_466, %parallel_loop3A_469 : vector<16xf32>
        %parallel_loop3A_471 = arith.constant 1.280000e+02 : f32
        %parallel_loop3A_472 = vector.broadcast %parallel_loop3A_471 : f32 to vector<16xf32>
        %parallel_loop3A_473 = arith.mulf %parallel_loop3A_470, %parallel_loop3A_472 : vector<16xf32>
        %parallel_loop3A_474 = arith.constant 1.024000e+03 : f32
        %parallel_loop3A_475 = vector.broadcast %parallel_loop3A_474 : f32 to vector<16xf32>
        %parallel_loop3A_476 = arith.addf %parallel_loop3A_473, %parallel_loop3A_475 : vector<16xf32>
        %parallel_loop3A_477 = arith.constant 0.000000e+00 : f32
        %parallel_loop3A_478 = vector.broadcast %parallel_loop3A_477 : f32 to vector<16xf32>
        %parallel_loop3A_479 = arith.maximumf %parallel_loop3A_476, %parallel_loop3A_478 : vector<16xf32>
        %parallel_loop3A_480 = arith.constant 2.047000e+03 : f32
        %parallel_loop3A_481 = vector.broadcast %parallel_loop3A_480 : f32 to vector<16xf32>
        %parallel_loop3A_482 = arith.minimumf %parallel_loop3A_479, %parallel_loop3A_481 : vector<16xf32>
        %parallel_loop3A_483 = arith.fptosi %parallel_loop3A_482 : vector<16xf32> to vector<16xi32>
        %parallel_loop3A_484 = tpu.vector_load_idx %arg21[%parallel_loop3A_483] : memref<2048xf32, #tpu.memory_space<vmem>>[vector<16xi32>], vector<16xf32>,
        %parallel_loop3A_485 = arith.index_cast %parallel_loop3A_249 : i32 to index
        %parallel_loop3A_486 = arith.constant 96 : index
        %parallel_loop3A_487 = tpu.vector_load %arg20[%parallel_loop3A_485, %parallel_loop3A_486] {strides = array<i32>} : memref<40x128xf32, #tpu.memory_space<vmem>>, vector<16xf32>,
        tpu.vector_store %arg20[%parallel_loop3A_485, %parallel_loop3A_486], %parallel_loop3A_470 {strides = array<i32>} : memref<40x128xf32, #tpu.memory_space<vmem>>, vector<16xf32>,
        %parallel_loop3A_488 = arith.index_cast %parallel_loop3A_249 : i32 to index
        %parallel_loop3A_489 = arith.constant 224 : index
        %parallel_loop3A_490 = tpu.vector_load %arg18[%parallel_loop3A_488, %parallel_loop3A_489] {strides = array<i32>} : memref<40x256xf32, #tpu.memory_space<vmem>>, vector<16xf32>,
        %parallel_loop3A_491 = arith.mulf %parallel_loop3A_490, %parallel_loop3A_484 : vector<16xf32>
        %parallel_loop3A_492 = arith.index_cast %parallel_loop3A_249 : i32 to index
        %parallel_loop3A_493 = arith.constant 96 : index
        %parallel_loop3A_494 = tpu.vector_load %arg19[%parallel_loop3A_492, %parallel_loop3A_493] {strides = array<i32>} : memref<40x128xf32, #tpu.memory_space<vmem>>, vector<16xf32>,
        tpu.vector_store %arg19[%parallel_loop3A_492, %parallel_loop3A_493], %parallel_loop3A_491 {strides = array<i32>} : memref<40x128xf32, #tpu.memory_space<vmem>>, vector<16xf32>,
        %parallel_loop3A_495 = arith.index_cast %parallel_loop3A_249 : i32 to index
        %parallel_loop3A_496 = arith.constant 112 : index
        %parallel_loop3A_497 = tpu.vector_load %arg18[%parallel_loop3A_495, %parallel_loop3A_496] {strides = array<i32>} : memref<40x256xf32, #tpu.memory_space<vmem>>, vector<16xf32>,
        %parallel_loop3A_498 = arith.index_cast %parallel_loop3A_249 : i32 to index
        %parallel_loop3A_499 = arith.constant 112 : index
        %parallel_loop3A_500 = tpu.vector_load %arg19[%parallel_loop3A_498, %parallel_loop3A_499] {strides = array<i32>} : memref<40x128xf32, #tpu.memory_space<vmem>>, vector<16xf32>,
        %parallel_loop3A_501 = arith.addf %parallel_loop3A_497, %parallel_loop3A_500 : vector<16xf32>
        %parallel_loop3A_502 = arith.index_cast %parallel_loop3A_249 : i32 to index
        %parallel_loop3A_503 = arith.constant 112 : index
        %parallel_loop3A_504 = tpu.vector_load %arg20[%parallel_loop3A_502, %parallel_loop3A_503] {strides = array<i32>} : memref<40x128xf32, #tpu.memory_space<vmem>>, vector<16xf32>,
        %parallel_loop3A_505 = arith.addf %parallel_loop3A_501, %parallel_loop3A_504 : vector<16xf32>
        %parallel_loop3A_506 = arith.constant 1.280000e+02 : f32
        %parallel_loop3A_507 = vector.broadcast %parallel_loop3A_506 : f32 to vector<16xf32>
        %parallel_loop3A_508 = arith.mulf %parallel_loop3A_505, %parallel_loop3A_507 : vector<16xf32>
        %parallel_loop3A_509 = arith.constant 1.024000e+03 : f32
        %parallel_loop3A_510 = vector.broadcast %parallel_loop3A_509 : f32 to vector<16xf32>
        %parallel_loop3A_511 = arith.addf %parallel_loop3A_508, %parallel_loop3A_510 : vector<16xf32>
        %parallel_loop3A_512 = arith.constant 0.000000e+00 : f32
        %parallel_loop3A_513 = vector.broadcast %parallel_loop3A_512 : f32 to vector<16xf32>
        %parallel_loop3A_514 = arith.maximumf %parallel_loop3A_511, %parallel_loop3A_513 : vector<16xf32>
        %parallel_loop3A_515 = arith.constant 2.047000e+03 : f32
        %parallel_loop3A_516 = vector.broadcast %parallel_loop3A_515 : f32 to vector<16xf32>
        %parallel_loop3A_517 = arith.minimumf %parallel_loop3A_514, %parallel_loop3A_516 : vector<16xf32>
        %parallel_loop3A_518 = arith.fptosi %parallel_loop3A_517 : vector<16xf32> to vector<16xi32>
        %parallel_loop3A_519 = tpu.vector_load_idx %arg21[%parallel_loop3A_518] : memref<2048xf32, #tpu.memory_space<vmem>>[vector<16xi32>], vector<16xf32>,
        %parallel_loop3A_520 = arith.index_cast %parallel_loop3A_249 : i32 to index
        %parallel_loop3A_521 = arith.constant 112 : index
        %parallel_loop3A_522 = tpu.vector_load %arg20[%parallel_loop3A_520, %parallel_loop3A_521] {strides = array<i32>} : memref<40x128xf32, #tpu.memory_space<vmem>>, vector<16xf32>,
        tpu.vector_store %arg20[%parallel_loop3A_520, %parallel_loop3A_521], %parallel_loop3A_505 {strides = array<i32>} : memref<40x128xf32, #tpu.memory_space<vmem>>, vector<16xf32>,
        %parallel_loop3A_523 = arith.index_cast %parallel_loop3A_249 : i32 to index
        %parallel_loop3A_524 = arith.constant 240 : index
        %parallel_loop3A_525 = tpu.vector_load %arg18[%parallel_loop3A_523, %parallel_loop3A_524] {strides = array<i32>} : memref<40x256xf32, #tpu.memory_space<vmem>>, vector<16xf32>,
        %parallel_loop3A_526 = arith.mulf %parallel_loop3A_525, %parallel_loop3A_519 : vector<16xf32>
        %parallel_loop3A_527 = arith.index_cast %parallel_loop3A_249 : i32 to index
        %parallel_loop3A_528 = arith.constant 112 : index
        %parallel_loop3A_529 = tpu.vector_load %arg19[%parallel_loop3A_527, %parallel_loop3A_528] {strides = array<i32>} : memref<40x128xf32, #tpu.memory_space<vmem>>, vector<16xf32>,
        tpu.vector_store %arg19[%parallel_loop3A_527, %parallel_loop3A_528], %parallel_loop3A_526 {strides = array<i32>} : memref<40x128xf32, #tpu.memory_space<vmem>>, vector<16xf32>,
      } {sc.loop_unroll_factor = 4 : i64, sc.parallel_access}
      %mul3A_236 = arith.constant 40 : i32
      %mul3A_237 = arith.muli %add3A_213, %mul3A_236 : i32
      %add3A_238 = arith.addi %mul3A_2, %mul3A_237 : i32
      %multiple_of3A_239 = tpu.assume_multiple %add3A_238, 8 : i32
      %dma_start3A_240 = arith.constant 0 : i32
      %dma_start3A_241 = tpu.memref_slice %arg9[%multiple_of3A_239, %dma_start3A_240] : memref<320000x128xf32, #tpu.memory_space<hbm>> -> memref<40x128xf32, #tpu.memory_space<hbm>>
      %dma_start3A_242 = arith.constant 0 : i32
      %dma_start3A_243 = tpu.memref_slice %arg9[%multiple_of3A_239, %dma_start3A_242] : memref<320000x128xf32, #tpu.memory_space<hbm>> -> memref<40x128xf32, #tpu.memory_space<hbm>>
      tpu.enqueue_dma source(%arg20 : memref<40x128xf32, #tpu.memory_space<vmem>>) target(%dma_start3A_243 : memref<40x128xf32, #tpu.memory_space<hbm>>) target_semaphore(%arg28 : memref<!tpu.dma_semaphore, #tpu.memory_space<semaphore_mem>>)
      "tpu.region"() ({
        %run_scoped3A = tpu.sem_alloc : memref<!tpu.dma_semaphore, #tpu.memory_space<semaphore_mem>>
        %dma_start3A_249 = arith.constant 0 : i32
        %dma_start3A_250 = arith.constant 0 : i32
        %dma_start3A_251 = tpu.memref_slice %arg22[%dma_start3A_249, %dma_start3A_250] : memref<10240x128xf32, #tpu.memory_space<vmem_shared>> -> memref<10240x128xf32, #tpu.memory_space<vmem_shared>>
        tpu.enqueue_indirect_dma source(%arg19 : memref<40x128xf32, #tpu.memory_space<vmem>>) target(%dma_start3A_251 : memref<10240x128xf32, #tpu.memory_space<vmem_shared>>) offsets(%arg17 : memref<40xi32, #tpu.memory_space<vmem>>) semaphore(%run_scoped3A : memref<!tpu.dma_semaphore, #tpu.memory_space<semaphore_mem>>) {add = true}
        %dma_wait3A_252 = arith.constant 0 : i32
        %dma_wait3A_253 = arith.constant 0 : i32
        %dma_wait3A_254 = tpu.memref_slice %arg22[%dma_wait3A_252, %dma_wait3A_253] : memref<10240x128xf32, #tpu.memory_space<vmem_shared>> -> memref<10240x128xf32, #tpu.memory_space<vmem_shared>>
        tpu.wait_indirect_dma semaphore(%run_scoped3A : memref<!tpu.dma_semaphore, #tpu.memory_space<semaphore_mem>>) src(%arg19 : memref<40x128xf32, #tpu.memory_space<vmem>>) dst(%dma_wait3A_254 : memref<10240x128xf32, #tpu.memory_space<vmem_shared>>)
        tpu.yield
      }) : () -> ()
      %lt3A_244 = arith.constant 124 : i32
      %lt3A_245 = arith.cmpi slt, %scan3A_145, %lt3A_244 : i32
      %convert_element_type3A_246 = arith.extui %lt3A_245 : i1 to i32
      %cond3A_247 = arith.constant 0 : i32
      %cond3A_248 = arith.cmpi ne, %convert_element_type3A_246, %cond3A_247 : i32
      scf.if %cond3A_248 {
        %add3A_249 = arith.constant 2 : i32
        %add3A_250 = arith.addi %add3A_213, %add3A_249 : i32
        %mul3A_251 = arith.constant 40 : i32
        %mul3A_252 = arith.muli %add3A_250, %mul3A_251 : i32
        %add3A_253 = arith.addi %mul3A_2, %mul3A_252 : i32
        %multiple_of3A_254 = tpu.assume_multiple %add3A_253, 8 : i32
        %dma_start3A_255 = tpu.memref_slice %arg5[%multiple_of3A_254] : memref<320000xi32, #tpu.memory_space<hbm>> -> memref<40xi32, #tpu.memory_space<hbm>>
        %dma_start3A_256 = tpu.memref_slice %arg5[%multiple_of3A_254] : memref<320000xi32, #tpu.memory_space<hbm>> -> memref<40xi32, #tpu.memory_space<hbm>>
        tpu.enqueue_dma source(%dma_start3A_256 : memref<40xi32, #tpu.memory_space<hbm>>) target(%arg16 : memref<40xi32, #tpu.memory_space<vmem>>) target_semaphore(%arg24 : memref<!tpu.dma_semaphore, #tpu.memory_space<semaphore_mem>>)
        %mul3A_257 = arith.constant 40 : i32
        %mul3A_258 = arith.muli %add3A_250, %mul3A_257 : i32
        %add3A_259 = arith.addi %mul3A_2, %mul3A_258 : i32
        %multiple_of3A_260 = tpu.assume_multiple %add3A_259, 8 : i32
        %dma_start3A_261 = tpu.memref_slice %arg6[%multiple_of3A_260] : memref<320000xi32, #tpu.memory_space<hbm>> -> memref<40xi32, #tpu.memory_space<hbm>>
        %dma_start3A_262 = tpu.memref_slice %arg6[%multiple_of3A_260] : memref<320000xi32, #tpu.memory_space<hbm>> -> memref<40xi32, #tpu.memory_space<hbm>>
        tpu.enqueue_dma source(%dma_start3A_262 : memref<40xi32, #tpu.memory_space<hbm>>) target(%arg17 : memref<40xi32, #tpu.memory_space<vmem>>) target_semaphore(%arg24 : memref<!tpu.dma_semaphore, #tpu.memory_space<semaphore_mem>>)
      } else {
      }
    }
    %scan3A_49 = arith.constant 125 : i32
    %add3A_50 = arith.constant 9920 : i32
    %add3A_51 = arith.addi %mul3A_2, %add3A_50 : i32
    %multiple_of3A_52 = tpu.assume_multiple %add3A_51, 8 : i32
    %dma_wait3A_53 = arith.constant 0 : i32
    %dma_wait3A_54 = tpu.memref_slice %arg9[%multiple_of3A_52, %dma_wait3A_53] : memref<320000x128xf32, #tpu.memory_space<hbm>> -> memref<40x128xf32, #tpu.memory_space<hbm>>
    %dma_wait3A_55 = arith.constant 0 : i32
    %dma_wait3A_56 = tpu.memref_slice %arg9[%multiple_of3A_52, %dma_wait3A_55] : memref<320000x128xf32, #tpu.memory_space<hbm>> -> memref<40x128xf32, #tpu.memory_space<hbm>>
    tpu.wait_dma2 semaphore(%arg27 : memref<!tpu.dma_semaphore, #tpu.memory_space<semaphore_mem>>) src(%arg15 : memref<40x128xf32, #tpu.memory_space<vmem>>) dst(%dma_wait3A_56 : memref<40x128xf32, #tpu.memory_space<hbm>>)
    %add3A_57 = arith.constant 9960 : i32
    %add3A_58 = arith.addi %mul3A_2, %add3A_57 : i32
    %multiple_of3A_59 = tpu.assume_multiple %add3A_58, 8 : i32
    %dma_wait3A_60 = arith.constant 0 : i32
    %dma_wait3A_61 = tpu.memref_slice %arg9[%multiple_of3A_59, %dma_wait3A_60] : memref<320000x128xf32, #tpu.memory_space<hbm>> -> memref<40x128xf32, #tpu.memory_space<hbm>>
    %dma_wait3A_62 = arith.constant 0 : i32
    %dma_wait3A_63 = tpu.memref_slice %arg9[%multiple_of3A_59, %dma_wait3A_62] : memref<320000x128xf32, #tpu.memory_space<hbm>> -> memref<40x128xf32, #tpu.memory_space<hbm>>
    tpu.wait_dma2 semaphore(%arg28 : memref<!tpu.dma_semaphore, #tpu.memory_space<semaphore_mem>>) src(%arg20 : memref<40x128xf32, #tpu.memory_space<vmem>>) dst(%dma_wait3A_63 : memref<40x128xf32, #tpu.memory_space<hbm>>)
    %barrier3A_64 = arith.constant 0 : index
    tpu.barrier barrier_id(%barrier3A_64)
    %mul3A_65 = arith.constant 640 : i32
    %mul3A_66 = arith.muli %arg1, %mul3A_65 : i32
    %add3A_67 = arith.constant 0 : i32
    %add3A_68 = arith.addi %mul3A_66, %add3A_67 : i32
    %multiple_of3A_69 = tpu.assume_multiple %add3A_68, 8 : i32
    "tpu.region"() ({
      %run_scoped3A = tpu.sem_alloc : memref<!tpu.dma_semaphore, #tpu.memory_space<semaphore_mem>>
      %dma_start3A_145 = arith.constant 0 : i32
      %dma_start3A_146 = tpu.memref_slice %arg22[%multiple_of3A_69, %dma_start3A_145] : memref<10240x128xf32, #tpu.memory_space<vmem_shared>> -> memref<40x128xf32, #tpu.memory_space<vmem_shared>>
      %dma_start3A_147 = arith.constant 0 : i32
      %dma_start3A_148 = tpu.memref_slice %arg22[%multiple_of3A_69, %dma_start3A_147] : memref<10240x128xf32, #tpu.memory_space<vmem_shared>> -> memref<40x128xf32, #tpu.memory_space<vmem_shared>>
      tpu.enqueue_dma source(%dma_start3A_148 : memref<40x128xf32, #tpu.memory_space<vmem_shared>>) target(%arg15 : memref<40x128xf32, #tpu.memory_space<vmem>>) target_semaphore(%run_scoped3A : memref<!tpu.dma_semaphore, #tpu.memory_space<semaphore_mem>>)
      %dma_wait3A_149 = arith.constant 0 : i32
      %dma_wait3A_150 = tpu.memref_slice %arg22[%multiple_of3A_69, %dma_wait3A_149] : memref<10240x128xf32, #tpu.memory_space<vmem_shared>> -> memref<40x128xf32, #tpu.memory_space<vmem_shared>>
      %dma_wait3A_151 = arith.constant 0 : i32
      %dma_wait3A_152 = tpu.memref_slice %arg22[%multiple_of3A_69, %dma_wait3A_151] : memref<10240x128xf32, #tpu.memory_space<vmem_shared>> -> memref<40x128xf32, #tpu.memory_space<vmem_shared>>
      tpu.wait_dma2 semaphore(%run_scoped3A : memref<!tpu.dma_semaphore, #tpu.memory_space<semaphore_mem>>) src(%dma_wait3A_152 : memref<40x128xf32, #tpu.memory_space<vmem_shared>>) dst(%arg15 : memref<40x128xf32, #tpu.memory_space<vmem>>)
      tpu.yield
    }) : () -> ()
    "tpu.region"() ({
      %run_scoped3A = tpu.sem_alloc : memref<!tpu.dma_semaphore, #tpu.memory_space<semaphore_mem>>
      %dma_start3A_145 = arith.constant 0 : i32
      %dma_start3A_146 = tpu.memref_slice %arg10[%arg0, %multiple_of3A_69, %dma_start3A_145] : memref<2x10240x128xf32, #tpu.memory_space<hbm>> -> memref<1x40x128xf32, #tpu.memory_space<hbm>>
      %dma_start3A_147 = tpu.memref_squeeze %dma_start3A_146 : memref<1x40x128xf32, #tpu.memory_space<hbm>> -> memref<40x128xf32, #tpu.memory_space<hbm>>
      %dma_start3A_148 = arith.constant 0 : i32
      %dma_start3A_149 = tpu.memref_slice %arg10[%arg0, %multiple_of3A_69, %dma_start3A_148] : memref<2x10240x128xf32, #tpu.memory_space<hbm>> -> memref<1x40x128xf32, #tpu.memory_space<hbm>>
      %dma_start3A_150 = tpu.memref_squeeze %dma_start3A_149 : memref<1x40x128xf32, #tpu.memory_space<hbm>> -> memref<40x128xf32, #tpu.memory_space<hbm>>
      tpu.enqueue_dma source(%arg15 : memref<40x128xf32, #tpu.memory_space<vmem>>) target(%dma_start3A_150 : memref<40x128xf32, #tpu.memory_space<hbm>>) target_semaphore(%run_scoped3A : memref<!tpu.dma_semaphore, #tpu.memory_space<semaphore_mem>>)
      %dma_wait3A_151 = arith.constant 0 : i32
      %dma_wait3A_152 = tpu.memref_slice %arg10[%arg0, %multiple_of3A_69, %dma_wait3A_151] : memref<2x10240x128xf32, #tpu.memory_space<hbm>> -> memref<1x40x128xf32, #tpu.memory_space<hbm>>
      %dma_wait3A_153 = tpu.memref_squeeze %dma_wait3A_152 : memref<1x40x128xf32, #tpu.memory_space<hbm>> -> memref<40x128xf32, #tpu.memory_space<hbm>>
      %dma_wait3A_154 = arith.constant 0 : i32
      %dma_wait3A_155 = tpu.memref_slice %arg10[%arg0, %multiple_of3A_69, %dma_wait3A_154] : memref<2x10240x128xf32, #tpu.memory_space<hbm>> -> memref<1x40x128xf32, #tpu.memory_space<hbm>>
      %dma_wait3A_156 = tpu.memref_squeeze %dma_wait3A_155 : memref<1x40x128xf32, #tpu.memory_space<hbm>> -> memref<40x128xf32, #tpu.memory_space<hbm>>
      tpu.wait_dma2 semaphore(%run_scoped3A : memref<!tpu.dma_semaphore, #tpu.memory_space<semaphore_mem>>) src(%arg15 : memref<40x128xf32, #tpu.memory_space<vmem>>) dst(%dma_wait3A_156 : memref<40x128xf32, #tpu.memory_space<hbm>>)
      tpu.yield
    }) : () -> ()
    %mul3A_70 = arith.constant 640 : i32
    %mul3A_71 = arith.muli %arg1, %mul3A_70 : i32
    %add3A_72 = arith.constant 40 : i32
    %add3A_73 = arith.addi %mul3A_71, %add3A_72 : i32
    %multiple_of3A_74 = tpu.assume_multiple %add3A_73, 8 : i32
    "tpu.region"() ({
      %run_scoped3A = tpu.sem_alloc : memref<!tpu.dma_semaphore, #tpu.memory_space<semaphore_mem>>
      %dma_start3A_145 = arith.constant 0 : i32
      %dma_start3A_146 = tpu.memref_slice %arg22[%multiple_of3A_74, %dma_start3A_145] : memref<10240x128xf32, #tpu.memory_space<vmem_shared>> -> memref<40x128xf32, #tpu.memory_space<vmem_shared>>
      %dma_start3A_147 = arith.constant 0 : i32
      %dma_start3A_148 = tpu.memref_slice %arg22[%multiple_of3A_74, %dma_start3A_147] : memref<10240x128xf32, #tpu.memory_space<vmem_shared>> -> memref<40x128xf32, #tpu.memory_space<vmem_shared>>
      tpu.enqueue_dma source(%dma_start3A_148 : memref<40x128xf32, #tpu.memory_space<vmem_shared>>) target(%arg15 : memref<40x128xf32, #tpu.memory_space<vmem>>) target_semaphore(%run_scoped3A : memref<!tpu.dma_semaphore, #tpu.memory_space<semaphore_mem>>)
      %dma_wait3A_149 = arith.constant 0 : i32
      %dma_wait3A_150 = tpu.memref_slice %arg22[%multiple_of3A_74, %dma_wait3A_149] : memref<10240x128xf32, #tpu.memory_space<vmem_shared>> -> memref<40x128xf32, #tpu.memory_space<vmem_shared>>
      %dma_wait3A_151 = arith.constant 0 : i32
      %dma_wait3A_152 = tpu.memref_slice %arg22[%multiple_of3A_74, %dma_wait3A_151] : memref<10240x128xf32, #tpu.memory_space<vmem_shared>> -> memref<40x128xf32, #tpu.memory_space<vmem_shared>>
      tpu.wait_dma2 semaphore(%run_scoped3A : memref<!tpu.dma_semaphore, #tpu.memory_space<semaphore_mem>>) src(%dma_wait3A_152 : memref<40x128xf32, #tpu.memory_space<vmem_shared>>) dst(%arg15 : memref<40x128xf32, #tpu.memory_space<vmem>>)
      tpu.yield
    }) : () -> ()
    "tpu.region"() ({
      %run_scoped3A = tpu.sem_alloc : memref<!tpu.dma_semaphore, #tpu.memory_space<semaphore_mem>>
      %dma_start3A_145 = arith.constant 0 : i32
      %dma_start3A_146 = tpu.memref_slice %arg10[%arg0, %multiple_of3A_74, %dma_start3A_145] : memref<2x10240x128xf32, #tpu.memory_space<hbm>> -> memref<1x40x128xf32, #tpu.memory_space<hbm>>
      %dma_start3A_147 = tpu.memref_squeeze %dma_start3A_146 : memref<1x40x128xf32, #tpu.memory_space<hbm>> -> memref<40x128xf32, #tpu.memory_space<hbm>>
      %dma_start3A_148 = arith.constant 0 : i32
      %dma_start3A_149 = tpu.memref_slice %arg10[%arg0, %multiple_of3A_74, %dma_start3A_148] : memref<2x10240x128xf32, #tpu.memory_space<hbm>> -> memref<1x40x128xf32, #tpu.memory_space<hbm>>
      %dma_start3A_150 = tpu.memref_squeeze %dma_start3A_149 : memref<1x40x128xf32, #tpu.memory_space<hbm>> -> memref<40x128xf32, #tpu.memory_space<hbm>>
      tpu.enqueue_dma source(%arg15 : memref<40x128xf32, #tpu.memory_space<vmem>>) target(%dma_start3A_150 : memref<40x128xf32, #tpu.memory_space<hbm>>) target_semaphore(%run_scoped3A : memref<!tpu.dma_semaphore, #tpu.memory_space<semaphore_mem>>)
      %dma_wait3A_151 = arith.constant 0 : i32
      %dma_wait3A_152 = tpu.memref_slice %arg10[%arg0, %multiple_of3A_74, %dma_wait3A_151] : memref<2x10240x128xf32, #tpu.memory_space<hbm>> -> memref<1x40x128xf32, #tpu.memory_space<hbm>>
      %dma_wait3A_153 = tpu.memref_squeeze %dma_wait3A_152 : memref<1x40x128xf32, #tpu.memory_space<hbm>> -> memref<40x128xf32, #tpu.memory_space<hbm>>
      %dma_wait3A_154 = arith.constant 0 : i32
      %dma_wait3A_155 = tpu.memref_slice %arg10[%arg0, %multiple_of3A_74, %dma_wait3A_154] : memref<2x10240x128xf32, #tpu.memory_space<hbm>> -> memref<1x40x128xf32, #tpu.memory_space<hbm>>
      %dma_wait3A_156 = tpu.memref_squeeze %dma_wait3A_155 : memref<1x40x128xf32, #tpu.memory_space<hbm>> -> memref<40x128xf32, #tpu.memory_space<hbm>>
      tpu.wait_dma2 semaphore(%run_scoped3A : memref<!tpu.dma_semaphore, #tpu.memory_space<semaphore_mem>>) src(%arg15 : memref<40x128xf32, #tpu.memory_space<vmem>>) dst(%dma_wait3A_156 : memref<40x128xf32, #tpu.memory_space<hbm>>)
      tpu.yield
    }) : () -> ()
    %mul3A_75 = arith.constant 640 : i32
    %mul3A_76 = arith.muli %arg1, %mul3A_75 : i32
    %add3A_77 = arith.constant 80 : i32
    %add3A_78 = arith.addi %mul3A_76, %add3A_77 : i32
    %multiple_of3A_79 = tpu.assume_multiple %add3A_78, 8 : i32
    "tpu.region"() ({
      %run_scoped3A = tpu.sem_alloc : memref<!tpu.dma_semaphore, #tpu.memory_space<semaphore_mem>>
      %dma_start3A_145 = arith.constant 0 : i32
      %dma_start3A_146 = tpu.memref_slice %arg22[%multiple_of3A_79, %dma_start3A_145] : memref<10240x128xf32, #tpu.memory_space<vmem_shared>> -> memref<40x128xf32, #tpu.memory_space<vmem_shared>>
      %dma_start3A_147 = arith.constant 0 : i32
      %dma_start3A_148 = tpu.memref_slice %arg22[%multiple_of3A_79, %dma_start3A_147] : memref<10240x128xf32, #tpu.memory_space<vmem_shared>> -> memref<40x128xf32, #tpu.memory_space<vmem_shared>>
      tpu.enqueue_dma source(%dma_start3A_148 : memref<40x128xf32, #tpu.memory_space<vmem_shared>>) target(%arg15 : memref<40x128xf32, #tpu.memory_space<vmem>>) target_semaphore(%run_scoped3A : memref<!tpu.dma_semaphore, #tpu.memory_space<semaphore_mem>>)
      %dma_wait3A_149 = arith.constant 0 : i32
      %dma_wait3A_150 = tpu.memref_slice %arg22[%multiple_of3A_79, %dma_wait3A_149] : memref<10240x128xf32, #tpu.memory_space<vmem_shared>> -> memref<40x128xf32, #tpu.memory_space<vmem_shared>>
      %dma_wait3A_151 = arith.constant 0 : i32
      %dma_wait3A_152 = tpu.memref_slice %arg22[%multiple_of3A_79, %dma_wait3A_151] : memref<10240x128xf32, #tpu.memory_space<vmem_shared>> -> memref<40x128xf32, #tpu.memory_space<vmem_shared>>
      tpu.wait_dma2 semaphore(%run_scoped3A : memref<!tpu.dma_semaphore, #tpu.memory_space<semaphore_mem>>) src(%dma_wait3A_152 : memref<40x128xf32, #tpu.memory_space<vmem_shared>>) dst(%arg15 : memref<40x128xf32, #tpu.memory_space<vmem>>)
      tpu.yield
    }) : () -> ()
    "tpu.region"() ({
      %run_scoped3A = tpu.sem_alloc : memref<!tpu.dma_semaphore, #tpu.memory_space<semaphore_mem>>
      %dma_start3A_145 = arith.constant 0 : i32
      %dma_start3A_146 = tpu.memref_slice %arg10[%arg0, %multiple_of3A_79, %dma_start3A_145] : memref<2x10240x128xf32, #tpu.memory_space<hbm>> -> memref<1x40x128xf32, #tpu.memory_space<hbm>>
      %dma_start3A_147 = tpu.memref_squeeze %dma_start3A_146 : memref<1x40x128xf32, #tpu.memory_space<hbm>> -> memref<40x128xf32, #tpu.memory_space<hbm>>
      %dma_start3A_148 = arith.constant 0 : i32
      %dma_start3A_149 = tpu.memref_slice %arg10[%arg0, %multiple_of3A_79, %dma_start3A_148] : memref<2x10240x128xf32, #tpu.memory_space<hbm>> -> memref<1x40x128xf32, #tpu.memory_space<hbm>>
      %dma_start3A_150 = tpu.memref_squeeze %dma_start3A_149 : memref<1x40x128xf32, #tpu.memory_space<hbm>> -> memref<40x128xf32, #tpu.memory_space<hbm>>
      tpu.enqueue_dma source(%arg15 : memref<40x128xf32, #tpu.memory_space<vmem>>) target(%dma_start3A_150 : memref<40x128xf32, #tpu.memory_space<hbm>>) target_semaphore(%run_scoped3A : memref<!tpu.dma_semaphore, #tpu.memory_space<semaphore_mem>>)
      %dma_wait3A_151 = arith.constant 0 : i32
      %dma_wait3A_152 = tpu.memref_slice %arg10[%arg0, %multiple_of3A_79, %dma_wait3A_151] : memref<2x10240x128xf32, #tpu.memory_space<hbm>> -> memref<1x40x128xf32, #tpu.memory_space<hbm>>
      %dma_wait3A_153 = tpu.memref_squeeze %dma_wait3A_152 : memref<1x40x128xf32, #tpu.memory_space<hbm>> -> memref<40x128xf32, #tpu.memory_space<hbm>>
      %dma_wait3A_154 = arith.constant 0 : i32
      %dma_wait3A_155 = tpu.memref_slice %arg10[%arg0, %multiple_of3A_79, %dma_wait3A_154] : memref<2x10240x128xf32, #tpu.memory_space<hbm>> -> memref<1x40x128xf32, #tpu.memory_space<hbm>>
      %dma_wait3A_156 = tpu.memref_squeeze %dma_wait3A_155 : memref<1x40x128xf32, #tpu.memory_space<hbm>> -> memref<40x128xf32, #tpu.memory_space<hbm>>
      tpu.wait_dma2 semaphore(%run_scoped3A : memref<!tpu.dma_semaphore, #tpu.memory_space<semaphore_mem>>) src(%arg15 : memref<40x128xf32, #tpu.memory_space<vmem>>) dst(%dma_wait3A_156 : memref<40x128xf32, #tpu.memory_space<hbm>>)
      tpu.yield
    }) : () -> ()
    %mul3A_80 = arith.constant 640 : i32
    %mul3A_81 = arith.muli %arg1, %mul3A_80 : i32
    %add3A_82 = arith.constant 120 : i32
    %add3A_83 = arith.addi %mul3A_81, %add3A_82 : i32
    %multiple_of3A_84 = tpu.assume_multiple %add3A_83, 8 : i32
    "tpu.region"() ({
      %run_scoped3A = tpu.sem_alloc : memref<!tpu.dma_semaphore, #tpu.memory_space<semaphore_mem>>
      %dma_start3A_145 = arith.constant 0 : i32
      %dma_start3A_146 = tpu.memref_slice %arg22[%multiple_of3A_84, %dma_start3A_145] : memref<10240x128xf32, #tpu.memory_space<vmem_shared>> -> memref<40x128xf32, #tpu.memory_space<vmem_shared>>
      %dma_start3A_147 = arith.constant 0 : i32
      %dma_start3A_148 = tpu.memref_slice %arg22[%multiple_of3A_84, %dma_start3A_147] : memref<10240x128xf32, #tpu.memory_space<vmem_shared>> -> memref<40x128xf32, #tpu.memory_space<vmem_shared>>
      tpu.enqueue_dma source(%dma_start3A_148 : memref<40x128xf32, #tpu.memory_space<vmem_shared>>) target(%arg15 : memref<40x128xf32, #tpu.memory_space<vmem>>) target_semaphore(%run_scoped3A : memref<!tpu.dma_semaphore, #tpu.memory_space<semaphore_mem>>)
      %dma_wait3A_149 = arith.constant 0 : i32
      %dma_wait3A_150 = tpu.memref_slice %arg22[%multiple_of3A_84, %dma_wait3A_149] : memref<10240x128xf32, #tpu.memory_space<vmem_shared>> -> memref<40x128xf32, #tpu.memory_space<vmem_shared>>
      %dma_wait3A_151 = arith.constant 0 : i32
      %dma_wait3A_152 = tpu.memref_slice %arg22[%multiple_of3A_84, %dma_wait3A_151] : memref<10240x128xf32, #tpu.memory_space<vmem_shared>> -> memref<40x128xf32, #tpu.memory_space<vmem_shared>>
      tpu.wait_dma2 semaphore(%run_scoped3A : memref<!tpu.dma_semaphore, #tpu.memory_space<semaphore_mem>>) src(%dma_wait3A_152 : memref<40x128xf32, #tpu.memory_space<vmem_shared>>) dst(%arg15 : memref<40x128xf32, #tpu.memory_space<vmem>>)
      tpu.yield
    }) : () -> ()
    "tpu.region"() ({
      %run_scoped3A = tpu.sem_alloc : memref<!tpu.dma_semaphore, #tpu.memory_space<semaphore_mem>>
      %dma_start3A_145 = arith.constant 0 : i32
      %dma_start3A_146 = tpu.memref_slice %arg10[%arg0, %multiple_of3A_84, %dma_start3A_145] : memref<2x10240x128xf32, #tpu.memory_space<hbm>> -> memref<1x40x128xf32, #tpu.memory_space<hbm>>
      %dma_start3A_147 = tpu.memref_squeeze %dma_start3A_146 : memref<1x40x128xf32, #tpu.memory_space<hbm>> -> memref<40x128xf32, #tpu.memory_space<hbm>>
      %dma_start3A_148 = arith.constant 0 : i32
      %dma_start3A_149 = tpu.memref_slice %arg10[%arg0, %multiple_of3A_84, %dma_start3A_148] : memref<2x10240x128xf32, #tpu.memory_space<hbm>> -> memref<1x40x128xf32, #tpu.memory_space<hbm>>
      %dma_start3A_150 = tpu.memref_squeeze %dma_start3A_149 : memref<1x40x128xf32, #tpu.memory_space<hbm>> -> memref<40x128xf32, #tpu.memory_space<hbm>>
      tpu.enqueue_dma source(%arg15 : memref<40x128xf32, #tpu.memory_space<vmem>>) target(%dma_start3A_150 : memref<40x128xf32, #tpu.memory_space<hbm>>) target_semaphore(%run_scoped3A : memref<!tpu.dma_semaphore, #tpu.memory_space<semaphore_mem>>)
      %dma_wait3A_151 = arith.constant 0 : i32
      %dma_wait3A_152 = tpu.memref_slice %arg10[%arg0, %multiple_of3A_84, %dma_wait3A_151] : memref<2x10240x128xf32, #tpu.memory_space<hbm>> -> memref<1x40x128xf32, #tpu.memory_space<hbm>>
      %dma_wait3A_153 = tpu.memref_squeeze %dma_wait3A_152 : memref<1x40x128xf32, #tpu.memory_space<hbm>> -> memref<40x128xf32, #tpu.memory_space<hbm>>
      %dma_wait3A_154 = arith.constant 0 : i32
      %dma_wait3A_155 = tpu.memref_slice %arg10[%arg0, %multiple_of3A_84, %dma_wait3A_154] : memref<2x10240x128xf32, #tpu.memory_space<hbm>> -> memref<1x40x128xf32, #tpu.memory_space<hbm>>
      %dma_wait3A_156 = tpu.memref_squeeze %dma_wait3A_155 : memref<1x40x128xf32, #tpu.memory_space<hbm>> -> memref<40x128xf32, #tpu.memory_space<hbm>>
      tpu.wait_dma2 semaphore(%run_scoped3A : memref<!tpu.dma_semaphore, #tpu.memory_space<semaphore_mem>>) src(%arg15 : memref<40x128xf32, #tpu.memory_space<vmem>>) dst(%dma_wait3A_156 : memref<40x128xf32, #tpu.memory_space<hbm>>)
      tpu.yield
    }) : () -> ()
    %mul3A_85 = arith.constant 640 : i32
    %mul3A_86 = arith.muli %arg1, %mul3A_85 : i32
    %add3A_87 = arith.constant 160 : i32
    %add3A_88 = arith.addi %mul3A_86, %add3A_87 : i32
    %multiple_of3A_89 = tpu.assume_multiple %add3A_88, 8 : i32
    "tpu.region"() ({
      %run_scoped3A = tpu.sem_alloc : memref<!tpu.dma_semaphore, #tpu.memory_space<semaphore_mem>>
      %dma_start3A_145 = arith.constant 0 : i32
      %dma_start3A_146 = tpu.memref_slice %arg22[%multiple_of3A_89, %dma_start3A_145] : memref<10240x128xf32, #tpu.memory_space<vmem_shared>> -> memref<40x128xf32, #tpu.memory_space<vmem_shared>>
      %dma_start3A_147 = arith.constant 0 : i32
      %dma_start3A_148 = tpu.memref_slice %arg22[%multiple_of3A_89, %dma_start3A_147] : memref<10240x128xf32, #tpu.memory_space<vmem_shared>> -> memref<40x128xf32, #tpu.memory_space<vmem_shared>>
      tpu.enqueue_dma source(%dma_start3A_148 : memref<40x128xf32, #tpu.memory_space<vmem_shared>>) target(%arg15 : memref<40x128xf32, #tpu.memory_space<vmem>>) target_semaphore(%run_scoped3A : memref<!tpu.dma_semaphore, #tpu.memory_space<semaphore_mem>>)
      %dma_wait3A_149 = arith.constant 0 : i32
      %dma_wait3A_150 = tpu.memref_slice %arg22[%multiple_of3A_89, %dma_wait3A_149] : memref<10240x128xf32, #tpu.memory_space<vmem_shared>> -> memref<40x128xf32, #tpu.memory_space<vmem_shared>>
      %dma_wait3A_151 = arith.constant 0 : i32
      %dma_wait3A_152 = tpu.memref_slice %arg22[%multiple_of3A_89, %dma_wait3A_151] : memref<10240x128xf32, #tpu.memory_space<vmem_shared>> -> memref<40x128xf32, #tpu.memory_space<vmem_shared>>
      tpu.wait_dma2 semaphore(%run_scoped3A : memref<!tpu.dma_semaphore, #tpu.memory_space<semaphore_mem>>) src(%dma_wait3A_152 : memref<40x128xf32, #tpu.memory_space<vmem_shared>>) dst(%arg15 : memref<40x128xf32, #tpu.memory_space<vmem>>)
      tpu.yield
    }) : () -> ()
    "tpu.region"() ({
      %run_scoped3A = tpu.sem_alloc : memref<!tpu.dma_semaphore, #tpu.memory_space<semaphore_mem>>
      %dma_start3A_145 = arith.constant 0 : i32
      %dma_start3A_146 = tpu.memref_slice %arg10[%arg0, %multiple_of3A_89, %dma_start3A_145] : memref<2x10240x128xf32, #tpu.memory_space<hbm>> -> memref<1x40x128xf32, #tpu.memory_space<hbm>>
      %dma_start3A_147 = tpu.memref_squeeze %dma_start3A_146 : memref<1x40x128xf32, #tpu.memory_space<hbm>> -> memref<40x128xf32, #tpu.memory_space<hbm>>
      %dma_start3A_148 = arith.constant 0 : i32
      %dma_start3A_149 = tpu.memref_slice %arg10[%arg0, %multiple_of3A_89, %dma_start3A_148] : memref<2x10240x128xf32, #tpu.memory_space<hbm>> -> memref<1x40x128xf32, #tpu.memory_space<hbm>>
      %dma_start3A_150 = tpu.memref_squeeze %dma_start3A_149 : memref<1x40x128xf32, #tpu.memory_space<hbm>> -> memref<40x128xf32, #tpu.memory_space<hbm>>
      tpu.enqueue_dma source(%arg15 : memref<40x128xf32, #tpu.memory_space<vmem>>) target(%dma_start3A_150 : memref<40x128xf32, #tpu.memory_space<hbm>>) target_semaphore(%run_scoped3A : memref<!tpu.dma_semaphore, #tpu.memory_space<semaphore_mem>>)
      %dma_wait3A_151 = arith.constant 0 : i32
      %dma_wait3A_152 = tpu.memref_slice %arg10[%arg0, %multiple_of3A_89, %dma_wait3A_151] : memref<2x10240x128xf32, #tpu.memory_space<hbm>> -> memref<1x40x128xf32, #tpu.memory_space<hbm>>
      %dma_wait3A_153 = tpu.memref_squeeze %dma_wait3A_152 : memref<1x40x128xf32, #tpu.memory_space<hbm>> -> memref<40x128xf32, #tpu.memory_space<hbm>>
      %dma_wait3A_154 = arith.constant 0 : i32
      %dma_wait3A_155 = tpu.memref_slice %arg10[%arg0, %multiple_of3A_89, %dma_wait3A_154] : memref<2x10240x128xf32, #tpu.memory_space<hbm>> -> memref<1x40x128xf32, #tpu.memory_space<hbm>>
      %dma_wait3A_156 = tpu.memref_squeeze %dma_wait3A_155 : memref<1x40x128xf32, #tpu.memory_space<hbm>> -> memref<40x128xf32, #tpu.memory_space<hbm>>
      tpu.wait_dma2 semaphore(%run_scoped3A : memref<!tpu.dma_semaphore, #tpu.memory_space<semaphore_mem>>) src(%arg15 : memref<40x128xf32, #tpu.memory_space<vmem>>) dst(%dma_wait3A_156 : memref<40x128xf32, #tpu.memory_space<hbm>>)
      tpu.yield
    }) : () -> ()
    %mul3A_90 = arith.constant 640 : i32
    %mul3A_91 = arith.muli %arg1, %mul3A_90 : i32
    %add3A_92 = arith.constant 200 : i32
    %add3A_93 = arith.addi %mul3A_91, %add3A_92 : i32
    %multiple_of3A_94 = tpu.assume_multiple %add3A_93, 8 : i32
    "tpu.region"() ({
      %run_scoped3A = tpu.sem_alloc : memref<!tpu.dma_semaphore, #tpu.memory_space<semaphore_mem>>
      %dma_start3A_145 = arith.constant 0 : i32
      %dma_start3A_146 = tpu.memref_slice %arg22[%multiple_of3A_94, %dma_start3A_145] : memref<10240x128xf32, #tpu.memory_space<vmem_shared>> -> memref<40x128xf32, #tpu.memory_space<vmem_shared>>
      %dma_start3A_147 = arith.constant 0 : i32
      %dma_start3A_148 = tpu.memref_slice %arg22[%multiple_of3A_94, %dma_start3A_147] : memref<10240x128xf32, #tpu.memory_space<vmem_shared>> -> memref<40x128xf32, #tpu.memory_space<vmem_shared>>
      tpu.enqueue_dma source(%dma_start3A_148 : memref<40x128xf32, #tpu.memory_space<vmem_shared>>) target(%arg15 : memref<40x128xf32, #tpu.memory_space<vmem>>) target_semaphore(%run_scoped3A : memref<!tpu.dma_semaphore, #tpu.memory_space<semaphore_mem>>)
      %dma_wait3A_149 = arith.constant 0 : i32
      %dma_wait3A_150 = tpu.memref_slice %arg22[%multiple_of3A_94, %dma_wait3A_149] : memref<10240x128xf32, #tpu.memory_space<vmem_shared>> -> memref<40x128xf32, #tpu.memory_space<vmem_shared>>
      %dma_wait3A_151 = arith.constant 0 : i32
      %dma_wait3A_152 = tpu.memref_slice %arg22[%multiple_of3A_94, %dma_wait3A_151] : memref<10240x128xf32, #tpu.memory_space<vmem_shared>> -> memref<40x128xf32, #tpu.memory_space<vmem_shared>>
      tpu.wait_dma2 semaphore(%run_scoped3A : memref<!tpu.dma_semaphore, #tpu.memory_space<semaphore_mem>>) src(%dma_wait3A_152 : memref<40x128xf32, #tpu.memory_space<vmem_shared>>) dst(%arg15 : memref<40x128xf32, #tpu.memory_space<vmem>>)
      tpu.yield
    }) : () -> ()
    "tpu.region"() ({
      %run_scoped3A = tpu.sem_alloc : memref<!tpu.dma_semaphore, #tpu.memory_space<semaphore_mem>>
      %dma_start3A_145 = arith.constant 0 : i32
      %dma_start3A_146 = tpu.memref_slice %arg10[%arg0, %multiple_of3A_94, %dma_start3A_145] : memref<2x10240x128xf32, #tpu.memory_space<hbm>> -> memref<1x40x128xf32, #tpu.memory_space<hbm>>
      %dma_start3A_147 = tpu.memref_squeeze %dma_start3A_146 : memref<1x40x128xf32, #tpu.memory_space<hbm>> -> memref<40x128xf32, #tpu.memory_space<hbm>>
      %dma_start3A_148 = arith.constant 0 : i32
      %dma_start3A_149 = tpu.memref_slice %arg10[%arg0, %multiple_of3A_94, %dma_start3A_148] : memref<2x10240x128xf32, #tpu.memory_space<hbm>> -> memref<1x40x128xf32, #tpu.memory_space<hbm>>
      %dma_start3A_150 = tpu.memref_squeeze %dma_start3A_149 : memref<1x40x128xf32, #tpu.memory_space<hbm>> -> memref<40x128xf32, #tpu.memory_space<hbm>>
      tpu.enqueue_dma source(%arg15 : memref<40x128xf32, #tpu.memory_space<vmem>>) target(%dma_start3A_150 : memref<40x128xf32, #tpu.memory_space<hbm>>) target_semaphore(%run_scoped3A : memref<!tpu.dma_semaphore, #tpu.memory_space<semaphore_mem>>)
      %dma_wait3A_151 = arith.constant 0 : i32
      %dma_wait3A_152 = tpu.memref_slice %arg10[%arg0, %multiple_of3A_94, %dma_wait3A_151] : memref<2x10240x128xf32, #tpu.memory_space<hbm>> -> memref<1x40x128xf32, #tpu.memory_space<hbm>>
      %dma_wait3A_153 = tpu.memref_squeeze %dma_wait3A_152 : memref<1x40x128xf32, #tpu.memory_space<hbm>> -> memref<40x128xf32, #tpu.memory_space<hbm>>
      %dma_wait3A_154 = arith.constant 0 : i32
      %dma_wait3A_155 = tpu.memref_slice %arg10[%arg0, %multiple_of3A_94, %dma_wait3A_154] : memref<2x10240x128xf32, #tpu.memory_space<hbm>> -> memref<1x40x128xf32, #tpu.memory_space<hbm>>
      %dma_wait3A_156 = tpu.memref_squeeze %dma_wait3A_155 : memref<1x40x128xf32, #tpu.memory_space<hbm>> -> memref<40x128xf32, #tpu.memory_space<hbm>>
      tpu.wait_dma2 semaphore(%run_scoped3A : memref<!tpu.dma_semaphore, #tpu.memory_space<semaphore_mem>>) src(%arg15 : memref<40x128xf32, #tpu.memory_space<vmem>>) dst(%dma_wait3A_156 : memref<40x128xf32, #tpu.memory_space<hbm>>)
      tpu.yield
    }) : () -> ()
    %mul3A_95 = arith.constant 640 : i32
    %mul3A_96 = arith.muli %arg1, %mul3A_95 : i32
    %add3A_97 = arith.constant 240 : i32
    %add3A_98 = arith.addi %mul3A_96, %add3A_97 : i32
    %multiple_of3A_99 = tpu.assume_multiple %add3A_98, 8 : i32
    "tpu.region"() ({
      %run_scoped3A = tpu.sem_alloc : memref<!tpu.dma_semaphore, #tpu.memory_space<semaphore_mem>>
      %dma_start3A_145 = arith.constant 0 : i32
      %dma_start3A_146 = tpu.memref_slice %arg22[%multiple_of3A_99, %dma_start3A_145] : memref<10240x128xf32, #tpu.memory_space<vmem_shared>> -> memref<40x128xf32, #tpu.memory_space<vmem_shared>>
      %dma_start3A_147 = arith.constant 0 : i32
      %dma_start3A_148 = tpu.memref_slice %arg22[%multiple_of3A_99, %dma_start3A_147] : memref<10240x128xf32, #tpu.memory_space<vmem_shared>> -> memref<40x128xf32, #tpu.memory_space<vmem_shared>>
      tpu.enqueue_dma source(%dma_start3A_148 : memref<40x128xf32, #tpu.memory_space<vmem_shared>>) target(%arg15 : memref<40x128xf32, #tpu.memory_space<vmem>>) target_semaphore(%run_scoped3A : memref<!tpu.dma_semaphore, #tpu.memory_space<semaphore_mem>>)
      %dma_wait3A_149 = arith.constant 0 : i32
      %dma_wait3A_150 = tpu.memref_slice %arg22[%multiple_of3A_99, %dma_wait3A_149] : memref<10240x128xf32, #tpu.memory_space<vmem_shared>> -> memref<40x128xf32, #tpu.memory_space<vmem_shared>>
      %dma_wait3A_151 = arith.constant 0 : i32
      %dma_wait3A_152 = tpu.memref_slice %arg22[%multiple_of3A_99, %dma_wait3A_151] : memref<10240x128xf32, #tpu.memory_space<vmem_shared>> -> memref<40x128xf32, #tpu.memory_space<vmem_shared>>
      tpu.wait_dma2 semaphore(%run_scoped3A : memref<!tpu.dma_semaphore, #tpu.memory_space<semaphore_mem>>) src(%dma_wait3A_152 : memref<40x128xf32, #tpu.memory_space<vmem_shared>>) dst(%arg15 : memref<40x128xf32, #tpu.memory_space<vmem>>)
      tpu.yield
    }) : () -> ()
    "tpu.region"() ({
      %run_scoped3A = tpu.sem_alloc : memref<!tpu.dma_semaphore, #tpu.memory_space<semaphore_mem>>
      %dma_start3A_145 = arith.constant 0 : i32
      %dma_start3A_146 = tpu.memref_slice %arg10[%arg0, %multiple_of3A_99, %dma_start3A_145] : memref<2x10240x128xf32, #tpu.memory_space<hbm>> -> memref<1x40x128xf32, #tpu.memory_space<hbm>>
      %dma_start3A_147 = tpu.memref_squeeze %dma_start3A_146 : memref<1x40x128xf32, #tpu.memory_space<hbm>> -> memref<40x128xf32, #tpu.memory_space<hbm>>
      %dma_start3A_148 = arith.constant 0 : i32
      %dma_start3A_149 = tpu.memref_slice %arg10[%arg0, %multiple_of3A_99, %dma_start3A_148] : memref<2x10240x128xf32, #tpu.memory_space<hbm>> -> memref<1x40x128xf32, #tpu.memory_space<hbm>>
      %dma_start3A_150 = tpu.memref_squeeze %dma_start3A_149 : memref<1x40x128xf32, #tpu.memory_space<hbm>> -> memref<40x128xf32, #tpu.memory_space<hbm>>
      tpu.enqueue_dma source(%arg15 : memref<40x128xf32, #tpu.memory_space<vmem>>) target(%dma_start3A_150 : memref<40x128xf32, #tpu.memory_space<hbm>>) target_semaphore(%run_scoped3A : memref<!tpu.dma_semaphore, #tpu.memory_space<semaphore_mem>>)
      %dma_wait3A_151 = arith.constant 0 : i32
      %dma_wait3A_152 = tpu.memref_slice %arg10[%arg0, %multiple_of3A_99, %dma_wait3A_151] : memref<2x10240x128xf32, #tpu.memory_space<hbm>> -> memref<1x40x128xf32, #tpu.memory_space<hbm>>
      %dma_wait3A_153 = tpu.memref_squeeze %dma_wait3A_152 : memref<1x40x128xf32, #tpu.memory_space<hbm>> -> memref<40x128xf32, #tpu.memory_space<hbm>>
      %dma_wait3A_154 = arith.constant 0 : i32
      %dma_wait3A_155 = tpu.memref_slice %arg10[%arg0, %multiple_of3A_99, %dma_wait3A_154] : memref<2x10240x128xf32, #tpu.memory_space<hbm>> -> memref<1x40x128xf32, #tpu.memory_space<hbm>>
      %dma_wait3A_156 = tpu.memref_squeeze %dma_wait3A_155 : memref<1x40x128xf32, #tpu.memory_space<hbm>> -> memref<40x128xf32, #tpu.memory_space<hbm>>
      tpu.wait_dma2 semaphore(%run_scoped3A : memref<!tpu.dma_semaphore, #tpu.memory_space<semaphore_mem>>) src(%arg15 : memref<40x128xf32, #tpu.memory_space<vmem>>) dst(%dma_wait3A_156 : memref<40x128xf32, #tpu.memory_space<hbm>>)
      tpu.yield
    }) : () -> ()
    %mul3A_100 = arith.constant 640 : i32
    %mul3A_101 = arith.muli %arg1, %mul3A_100 : i32
    %add3A_102 = arith.constant 280 : i32
    %add3A_103 = arith.addi %mul3A_101, %add3A_102 : i32
    %multiple_of3A_104 = tpu.assume_multiple %add3A_103, 8 : i32
    "tpu.region"() ({
      %run_scoped3A = tpu.sem_alloc : memref<!tpu.dma_semaphore, #tpu.memory_space<semaphore_mem>>
      %dma_start3A_145 = arith.constant 0 : i32
      %dma_start3A_146 = tpu.memref_slice %arg22[%multiple_of3A_104, %dma_start3A_145] : memref<10240x128xf32, #tpu.memory_space<vmem_shared>> -> memref<40x128xf32, #tpu.memory_space<vmem_shared>>
      %dma_start3A_147 = arith.constant 0 : i32
      %dma_start3A_148 = tpu.memref_slice %arg22[%multiple_of3A_104, %dma_start3A_147] : memref<10240x128xf32, #tpu.memory_space<vmem_shared>> -> memref<40x128xf32, #tpu.memory_space<vmem_shared>>
      tpu.enqueue_dma source(%dma_start3A_148 : memref<40x128xf32, #tpu.memory_space<vmem_shared>>) target(%arg15 : memref<40x128xf32, #tpu.memory_space<vmem>>) target_semaphore(%run_scoped3A : memref<!tpu.dma_semaphore, #tpu.memory_space<semaphore_mem>>)
      %dma_wait3A_149 = arith.constant 0 : i32
      %dma_wait3A_150 = tpu.memref_slice %arg22[%multiple_of3A_104, %dma_wait3A_149] : memref<10240x128xf32, #tpu.memory_space<vmem_shared>> -> memref<40x128xf32, #tpu.memory_space<vmem_shared>>
      %dma_wait3A_151 = arith.constant 0 : i32
      %dma_wait3A_152 = tpu.memref_slice %arg22[%multiple_of3A_104, %dma_wait3A_151] : memref<10240x128xf32, #tpu.memory_space<vmem_shared>> -> memref<40x128xf32, #tpu.memory_space<vmem_shared>>
      tpu.wait_dma2 semaphore(%run_scoped3A : memref<!tpu.dma_semaphore, #tpu.memory_space<semaphore_mem>>) src(%dma_wait3A_152 : memref<40x128xf32, #tpu.memory_space<vmem_shared>>) dst(%arg15 : memref<40x128xf32, #tpu.memory_space<vmem>>)
      tpu.yield
    }) : () -> ()
    "tpu.region"() ({
      %run_scoped3A = tpu.sem_alloc : memref<!tpu.dma_semaphore, #tpu.memory_space<semaphore_mem>>
      %dma_start3A_145 = arith.constant 0 : i32
      %dma_start3A_146 = tpu.memref_slice %arg10[%arg0, %multiple_of3A_104, %dma_start3A_145] : memref<2x10240x128xf32, #tpu.memory_space<hbm>> -> memref<1x40x128xf32, #tpu.memory_space<hbm>>
      %dma_start3A_147 = tpu.memref_squeeze %dma_start3A_146 : memref<1x40x128xf32, #tpu.memory_space<hbm>> -> memref<40x128xf32, #tpu.memory_space<hbm>>
      %dma_start3A_148 = arith.constant 0 : i32
      %dma_start3A_149 = tpu.memref_slice %arg10[%arg0, %multiple_of3A_104, %dma_start3A_148] : memref<2x10240x128xf32, #tpu.memory_space<hbm>> -> memref<1x40x128xf32, #tpu.memory_space<hbm>>
      %dma_start3A_150 = tpu.memref_squeeze %dma_start3A_149 : memref<1x40x128xf32, #tpu.memory_space<hbm>> -> memref<40x128xf32, #tpu.memory_space<hbm>>
      tpu.enqueue_dma source(%arg15 : memref<40x128xf32, #tpu.memory_space<vmem>>) target(%dma_start3A_150 : memref<40x128xf32, #tpu.memory_space<hbm>>) target_semaphore(%run_scoped3A : memref<!tpu.dma_semaphore, #tpu.memory_space<semaphore_mem>>)
      %dma_wait3A_151 = arith.constant 0 : i32
      %dma_wait3A_152 = tpu.memref_slice %arg10[%arg0, %multiple_of3A_104, %dma_wait3A_151] : memref<2x10240x128xf32, #tpu.memory_space<hbm>> -> memref<1x40x128xf32, #tpu.memory_space<hbm>>
      %dma_wait3A_153 = tpu.memref_squeeze %dma_wait3A_152 : memref<1x40x128xf32, #tpu.memory_space<hbm>> -> memref<40x128xf32, #tpu.memory_space<hbm>>
      %dma_wait3A_154 = arith.constant 0 : i32
      %dma_wait3A_155 = tpu.memref_slice %arg10[%arg0, %multiple_of3A_104, %dma_wait3A_154] : memref<2x10240x128xf32, #tpu.memory_space<hbm>> -> memref<1x40x128xf32, #tpu.memory_space<hbm>>
      %dma_wait3A_156 = tpu.memref_squeeze %dma_wait3A_155 : memref<1x40x128xf32, #tpu.memory_space<hbm>> -> memref<40x128xf32, #tpu.memory_space<hbm>>
      tpu.wait_dma2 semaphore(%run_scoped3A : memref<!tpu.dma_semaphore, #tpu.memory_space<semaphore_mem>>) src(%arg15 : memref<40x128xf32, #tpu.memory_space<vmem>>) dst(%dma_wait3A_156 : memref<40x128xf32, #tpu.memory_space<hbm>>)
      tpu.yield
    }) : () -> ()
    %mul3A_105 = arith.constant 640 : i32
    %mul3A_106 = arith.muli %arg1, %mul3A_105 : i32
    %add3A_107 = arith.constant 320 : i32
    %add3A_108 = arith.addi %mul3A_106, %add3A_107 : i32
    %multiple_of3A_109 = tpu.assume_multiple %add3A_108, 8 : i32
    "tpu.region"() ({
      %run_scoped3A = tpu.sem_alloc : memref<!tpu.dma_semaphore, #tpu.memory_space<semaphore_mem>>
      %dma_start3A_145 = arith.constant 0 : i32
      %dma_start3A_146 = tpu.memref_slice %arg22[%multiple_of3A_109, %dma_start3A_145] : memref<10240x128xf32, #tpu.memory_space<vmem_shared>> -> memref<40x128xf32, #tpu.memory_space<vmem_shared>>
      %dma_start3A_147 = arith.constant 0 : i32
      %dma_start3A_148 = tpu.memref_slice %arg22[%multiple_of3A_109, %dma_start3A_147] : memref<10240x128xf32, #tpu.memory_space<vmem_shared>> -> memref<40x128xf32, #tpu.memory_space<vmem_shared>>
      tpu.enqueue_dma source(%dma_start3A_148 : memref<40x128xf32, #tpu.memory_space<vmem_shared>>) target(%arg15 : memref<40x128xf32, #tpu.memory_space<vmem>>) target_semaphore(%run_scoped3A : memref<!tpu.dma_semaphore, #tpu.memory_space<semaphore_mem>>)
      %dma_wait3A_149 = arith.constant 0 : i32
      %dma_wait3A_150 = tpu.memref_slice %arg22[%multiple_of3A_109, %dma_wait3A_149] : memref<10240x128xf32, #tpu.memory_space<vmem_shared>> -> memref<40x128xf32, #tpu.memory_space<vmem_shared>>
      %dma_wait3A_151 = arith.constant 0 : i32
      %dma_wait3A_152 = tpu.memref_slice %arg22[%multiple_of3A_109, %dma_wait3A_151] : memref<10240x128xf32, #tpu.memory_space<vmem_shared>> -> memref<40x128xf32, #tpu.memory_space<vmem_shared>>
      tpu.wait_dma2 semaphore(%run_scoped3A : memref<!tpu.dma_semaphore, #tpu.memory_space<semaphore_mem>>) src(%dma_wait3A_152 : memref<40x128xf32, #tpu.memory_space<vmem_shared>>) dst(%arg15 : memref<40x128xf32, #tpu.memory_space<vmem>>)
      tpu.yield
    }) : () -> ()
    "tpu.region"() ({
      %run_scoped3A = tpu.sem_alloc : memref<!tpu.dma_semaphore, #tpu.memory_space<semaphore_mem>>
      %dma_start3A_145 = arith.constant 0 : i32
      %dma_start3A_146 = tpu.memref_slice %arg10[%arg0, %multiple_of3A_109, %dma_start3A_145] : memref<2x10240x128xf32, #tpu.memory_space<hbm>> -> memref<1x40x128xf32, #tpu.memory_space<hbm>>
      %dma_start3A_147 = tpu.memref_squeeze %dma_start3A_146 : memref<1x40x128xf32, #tpu.memory_space<hbm>> -> memref<40x128xf32, #tpu.memory_space<hbm>>
      %dma_start3A_148 = arith.constant 0 : i32
      %dma_start3A_149 = tpu.memref_slice %arg10[%arg0, %multiple_of3A_109, %dma_start3A_148] : memref<2x10240x128xf32, #tpu.memory_space<hbm>> -> memref<1x40x128xf32, #tpu.memory_space<hbm>>
      %dma_start3A_150 = tpu.memref_squeeze %dma_start3A_149 : memref<1x40x128xf32, #tpu.memory_space<hbm>> -> memref<40x128xf32, #tpu.memory_space<hbm>>
      tpu.enqueue_dma source(%arg15 : memref<40x128xf32, #tpu.memory_space<vmem>>) target(%dma_start3A_150 : memref<40x128xf32, #tpu.memory_space<hbm>>) target_semaphore(%run_scoped3A : memref<!tpu.dma_semaphore, #tpu.memory_space<semaphore_mem>>)
      %dma_wait3A_151 = arith.constant 0 : i32
      %dma_wait3A_152 = tpu.memref_slice %arg10[%arg0, %multiple_of3A_109, %dma_wait3A_151] : memref<2x10240x128xf32, #tpu.memory_space<hbm>> -> memref<1x40x128xf32, #tpu.memory_space<hbm>>
      %dma_wait3A_153 = tpu.memref_squeeze %dma_wait3A_152 : memref<1x40x128xf32, #tpu.memory_space<hbm>> -> memref<40x128xf32, #tpu.memory_space<hbm>>
      %dma_wait3A_154 = arith.constant 0 : i32
      %dma_wait3A_155 = tpu.memref_slice %arg10[%arg0, %multiple_of3A_109, %dma_wait3A_154] : memref<2x10240x128xf32, #tpu.memory_space<hbm>> -> memref<1x40x128xf32, #tpu.memory_space<hbm>>
      %dma_wait3A_156 = tpu.memref_squeeze %dma_wait3A_155 : memref<1x40x128xf32, #tpu.memory_space<hbm>> -> memref<40x128xf32, #tpu.memory_space<hbm>>
      tpu.wait_dma2 semaphore(%run_scoped3A : memref<!tpu.dma_semaphore, #tpu.memory_space<semaphore_mem>>) src(%arg15 : memref<40x128xf32, #tpu.memory_space<vmem>>) dst(%dma_wait3A_156 : memref<40x128xf32, #tpu.memory_space<hbm>>)
      tpu.yield
    }) : () -> ()
    %mul3A_110 = arith.constant 640 : i32
    %mul3A_111 = arith.muli %arg1, %mul3A_110 : i32
    %add3A_112 = arith.constant 360 : i32
    %add3A_113 = arith.addi %mul3A_111, %add3A_112 : i32
    %multiple_of3A_114 = tpu.assume_multiple %add3A_113, 8 : i32
    "tpu.region"() ({
      %run_scoped3A = tpu.sem_alloc : memref<!tpu.dma_semaphore, #tpu.memory_space<semaphore_mem>>
      %dma_start3A_145 = arith.constant 0 : i32
      %dma_start3A_146 = tpu.memref_slice %arg22[%multiple_of3A_114, %dma_start3A_145] : memref<10240x128xf32, #tpu.memory_space<vmem_shared>> -> memref<40x128xf32, #tpu.memory_space<vmem_shared>>
      %dma_start3A_147 = arith.constant 0 : i32
      %dma_start3A_148 = tpu.memref_slice %arg22[%multiple_of3A_114, %dma_start3A_147] : memref<10240x128xf32, #tpu.memory_space<vmem_shared>> -> memref<40x128xf32, #tpu.memory_space<vmem_shared>>
      tpu.enqueue_dma source(%dma_start3A_148 : memref<40x128xf32, #tpu.memory_space<vmem_shared>>) target(%arg15 : memref<40x128xf32, #tpu.memory_space<vmem>>) target_semaphore(%run_scoped3A : memref<!tpu.dma_semaphore, #tpu.memory_space<semaphore_mem>>)
      %dma_wait3A_149 = arith.constant 0 : i32
      %dma_wait3A_150 = tpu.memref_slice %arg22[%multiple_of3A_114, %dma_wait3A_149] : memref<10240x128xf32, #tpu.memory_space<vmem_shared>> -> memref<40x128xf32, #tpu.memory_space<vmem_shared>>
      %dma_wait3A_151 = arith.constant 0 : i32
      %dma_wait3A_152 = tpu.memref_slice %arg22[%multiple_of3A_114, %dma_wait3A_151] : memref<10240x128xf32, #tpu.memory_space<vmem_shared>> -> memref<40x128xf32, #tpu.memory_space<vmem_shared>>
      tpu.wait_dma2 semaphore(%run_scoped3A : memref<!tpu.dma_semaphore, #tpu.memory_space<semaphore_mem>>) src(%dma_wait3A_152 : memref<40x128xf32, #tpu.memory_space<vmem_shared>>) dst(%arg15 : memref<40x128xf32, #tpu.memory_space<vmem>>)
      tpu.yield
    }) : () -> ()
    "tpu.region"() ({
      %run_scoped3A = tpu.sem_alloc : memref<!tpu.dma_semaphore, #tpu.memory_space<semaphore_mem>>
      %dma_start3A_145 = arith.constant 0 : i32
      %dma_start3A_146 = tpu.memref_slice %arg10[%arg0, %multiple_of3A_114, %dma_start3A_145] : memref<2x10240x128xf32, #tpu.memory_space<hbm>> -> memref<1x40x128xf32, #tpu.memory_space<hbm>>
      %dma_start3A_147 = tpu.memref_squeeze %dma_start3A_146 : memref<1x40x128xf32, #tpu.memory_space<hbm>> -> memref<40x128xf32, #tpu.memory_space<hbm>>
      %dma_start3A_148 = arith.constant 0 : i32
      %dma_start3A_149 = tpu.memref_slice %arg10[%arg0, %multiple_of3A_114, %dma_start3A_148] : memref<2x10240x128xf32, #tpu.memory_space<hbm>> -> memref<1x40x128xf32, #tpu.memory_space<hbm>>
      %dma_start3A_150 = tpu.memref_squeeze %dma_start3A_149 : memref<1x40x128xf32, #tpu.memory_space<hbm>> -> memref<40x128xf32, #tpu.memory_space<hbm>>
      tpu.enqueue_dma source(%arg15 : memref<40x128xf32, #tpu.memory_space<vmem>>) target(%dma_start3A_150 : memref<40x128xf32, #tpu.memory_space<hbm>>) target_semaphore(%run_scoped3A : memref<!tpu.dma_semaphore, #tpu.memory_space<semaphore_mem>>)
      %dma_wait3A_151 = arith.constant 0 : i32
      %dma_wait3A_152 = tpu.memref_slice %arg10[%arg0, %multiple_of3A_114, %dma_wait3A_151] : memref<2x10240x128xf32, #tpu.memory_space<hbm>> -> memref<1x40x128xf32, #tpu.memory_space<hbm>>
      %dma_wait3A_153 = tpu.memref_squeeze %dma_wait3A_152 : memref<1x40x128xf32, #tpu.memory_space<hbm>> -> memref<40x128xf32, #tpu.memory_space<hbm>>
      %dma_wait3A_154 = arith.constant 0 : i32
      %dma_wait3A_155 = tpu.memref_slice %arg10[%arg0, %multiple_of3A_114, %dma_wait3A_154] : memref<2x10240x128xf32, #tpu.memory_space<hbm>> -> memref<1x40x128xf32, #tpu.memory_space<hbm>>
      %dma_wait3A_156 = tpu.memref_squeeze %dma_wait3A_155 : memref<1x40x128xf32, #tpu.memory_space<hbm>> -> memref<40x128xf32, #tpu.memory_space<hbm>>
      tpu.wait_dma2 semaphore(%run_scoped3A : memref<!tpu.dma_semaphore, #tpu.memory_space<semaphore_mem>>) src(%arg15 : memref<40x128xf32, #tpu.memory_space<vmem>>) dst(%dma_wait3A_156 : memref<40x128xf32, #tpu.memory_space<hbm>>)
      tpu.yield
    }) : () -> ()
    %mul3A_115 = arith.constant 640 : i32
    %mul3A_116 = arith.muli %arg1, %mul3A_115 : i32
    %add3A_117 = arith.constant 400 : i32
    %add3A_118 = arith.addi %mul3A_116, %add3A_117 : i32
    %multiple_of3A_119 = tpu.assume_multiple %add3A_118, 8 : i32
    "tpu.region"() ({
      %run_scoped3A = tpu.sem_alloc : memref<!tpu.dma_semaphore, #tpu.memory_space<semaphore_mem>>
      %dma_start3A_145 = arith.constant 0 : i32
      %dma_start3A_146 = tpu.memref_slice %arg22[%multiple_of3A_119, %dma_start3A_145] : memref<10240x128xf32, #tpu.memory_space<vmem_shared>> -> memref<40x128xf32, #tpu.memory_space<vmem_shared>>
      %dma_start3A_147 = arith.constant 0 : i32
      %dma_start3A_148 = tpu.memref_slice %arg22[%multiple_of3A_119, %dma_start3A_147] : memref<10240x128xf32, #tpu.memory_space<vmem_shared>> -> memref<40x128xf32, #tpu.memory_space<vmem_shared>>
      tpu.enqueue_dma source(%dma_start3A_148 : memref<40x128xf32, #tpu.memory_space<vmem_shared>>) target(%arg15 : memref<40x128xf32, #tpu.memory_space<vmem>>) target_semaphore(%run_scoped3A : memref<!tpu.dma_semaphore, #tpu.memory_space<semaphore_mem>>)
      %dma_wait3A_149 = arith.constant 0 : i32
      %dma_wait3A_150 = tpu.memref_slice %arg22[%multiple_of3A_119, %dma_wait3A_149] : memref<10240x128xf32, #tpu.memory_space<vmem_shared>> -> memref<40x128xf32, #tpu.memory_space<vmem_shared>>
      %dma_wait3A_151 = arith.constant 0 : i32
      %dma_wait3A_152 = tpu.memref_slice %arg22[%multiple_of3A_119, %dma_wait3A_151] : memref<10240x128xf32, #tpu.memory_space<vmem_shared>> -> memref<40x128xf32, #tpu.memory_space<vmem_shared>>
      tpu.wait_dma2 semaphore(%run_scoped3A : memref<!tpu.dma_semaphore, #tpu.memory_space<semaphore_mem>>) src(%dma_wait3A_152 : memref<40x128xf32, #tpu.memory_space<vmem_shared>>) dst(%arg15 : memref<40x128xf32, #tpu.memory_space<vmem>>)
      tpu.yield
    }) : () -> ()
    "tpu.region"() ({
      %run_scoped3A = tpu.sem_alloc : memref<!tpu.dma_semaphore, #tpu.memory_space<semaphore_mem>>
      %dma_start3A_145 = arith.constant 0 : i32
      %dma_start3A_146 = tpu.memref_slice %arg10[%arg0, %multiple_of3A_119, %dma_start3A_145] : memref<2x10240x128xf32, #tpu.memory_space<hbm>> -> memref<1x40x128xf32, #tpu.memory_space<hbm>>
      %dma_start3A_147 = tpu.memref_squeeze %dma_start3A_146 : memref<1x40x128xf32, #tpu.memory_space<hbm>> -> memref<40x128xf32, #tpu.memory_space<hbm>>
      %dma_start3A_148 = arith.constant 0 : i32
      %dma_start3A_149 = tpu.memref_slice %arg10[%arg0, %multiple_of3A_119, %dma_start3A_148] : memref<2x10240x128xf32, #tpu.memory_space<hbm>> -> memref<1x40x128xf32, #tpu.memory_space<hbm>>
      %dma_start3A_150 = tpu.memref_squeeze %dma_start3A_149 : memref<1x40x128xf32, #tpu.memory_space<hbm>> -> memref<40x128xf32, #tpu.memory_space<hbm>>
      tpu.enqueue_dma source(%arg15 : memref<40x128xf32, #tpu.memory_space<vmem>>) target(%dma_start3A_150 : memref<40x128xf32, #tpu.memory_space<hbm>>) target_semaphore(%run_scoped3A : memref<!tpu.dma_semaphore, #tpu.memory_space<semaphore_mem>>)
      %dma_wait3A_151 = arith.constant 0 : i32
      %dma_wait3A_152 = tpu.memref_slice %arg10[%arg0, %multiple_of3A_119, %dma_wait3A_151] : memref<2x10240x128xf32, #tpu.memory_space<hbm>> -> memref<1x40x128xf32, #tpu.memory_space<hbm>>
      %dma_wait3A_153 = tpu.memref_squeeze %dma_wait3A_152 : memref<1x40x128xf32, #tpu.memory_space<hbm>> -> memref<40x128xf32, #tpu.memory_space<hbm>>
      %dma_wait3A_154 = arith.constant 0 : i32
      %dma_wait3A_155 = tpu.memref_slice %arg10[%arg0, %multiple_of3A_119, %dma_wait3A_154] : memref<2x10240x128xf32, #tpu.memory_space<hbm>> -> memref<1x40x128xf32, #tpu.memory_space<hbm>>
      %dma_wait3A_156 = tpu.memref_squeeze %dma_wait3A_155 : memref<1x40x128xf32, #tpu.memory_space<hbm>> -> memref<40x128xf32, #tpu.memory_space<hbm>>
      tpu.wait_dma2 semaphore(%run_scoped3A : memref<!tpu.dma_semaphore, #tpu.memory_space<semaphore_mem>>) src(%arg15 : memref<40x128xf32, #tpu.memory_space<vmem>>) dst(%dma_wait3A_156 : memref<40x128xf32, #tpu.memory_space<hbm>>)
      tpu.yield
    }) : () -> ()
    %mul3A_120 = arith.constant 640 : i32
    %mul3A_121 = arith.muli %arg1, %mul3A_120 : i32
    %add3A_122 = arith.constant 440 : i32
    %add3A_123 = arith.addi %mul3A_121, %add3A_122 : i32
    %multiple_of3A_124 = tpu.assume_multiple %add3A_123, 8 : i32
    "tpu.region"() ({
      %run_scoped3A = tpu.sem_alloc : memref<!tpu.dma_semaphore, #tpu.memory_space<semaphore_mem>>
      %dma_start3A_145 = arith.constant 0 : i32
      %dma_start3A_146 = tpu.memref_slice %arg22[%multiple_of3A_124, %dma_start3A_145] : memref<10240x128xf32, #tpu.memory_space<vmem_shared>> -> memref<40x128xf32, #tpu.memory_space<vmem_shared>>
      %dma_start3A_147 = arith.constant 0 : i32
      %dma_start3A_148 = tpu.memref_slice %arg22[%multiple_of3A_124, %dma_start3A_147] : memref<10240x128xf32, #tpu.memory_space<vmem_shared>> -> memref<40x128xf32, #tpu.memory_space<vmem_shared>>
      tpu.enqueue_dma source(%dma_start3A_148 : memref<40x128xf32, #tpu.memory_space<vmem_shared>>) target(%arg15 : memref<40x128xf32, #tpu.memory_space<vmem>>) target_semaphore(%run_scoped3A : memref<!tpu.dma_semaphore, #tpu.memory_space<semaphore_mem>>)
      %dma_wait3A_149 = arith.constant 0 : i32
      %dma_wait3A_150 = tpu.memref_slice %arg22[%multiple_of3A_124, %dma_wait3A_149] : memref<10240x128xf32, #tpu.memory_space<vmem_shared>> -> memref<40x128xf32, #tpu.memory_space<vmem_shared>>
      %dma_wait3A_151 = arith.constant 0 : i32
      %dma_wait3A_152 = tpu.memref_slice %arg22[%multiple_of3A_124, %dma_wait3A_151] : memref<10240x128xf32, #tpu.memory_space<vmem_shared>> -> memref<40x128xf32, #tpu.memory_space<vmem_shared>>
      tpu.wait_dma2 semaphore(%run_scoped3A : memref<!tpu.dma_semaphore, #tpu.memory_space<semaphore_mem>>) src(%dma_wait3A_152 : memref<40x128xf32, #tpu.memory_space<vmem_shared>>) dst(%arg15 : memref<40x128xf32, #tpu.memory_space<vmem>>)
      tpu.yield
    }) : () -> ()
    "tpu.region"() ({
      %run_scoped3A = tpu.sem_alloc : memref<!tpu.dma_semaphore, #tpu.memory_space<semaphore_mem>>
      %dma_start3A_145 = arith.constant 0 : i32
      %dma_start3A_146 = tpu.memref_slice %arg10[%arg0, %multiple_of3A_124, %dma_start3A_145] : memref<2x10240x128xf32, #tpu.memory_space<hbm>> -> memref<1x40x128xf32, #tpu.memory_space<hbm>>
      %dma_start3A_147 = tpu.memref_squeeze %dma_start3A_146 : memref<1x40x128xf32, #tpu.memory_space<hbm>> -> memref<40x128xf32, #tpu.memory_space<hbm>>
      %dma_start3A_148 = arith.constant 0 : i32
      %dma_start3A_149 = tpu.memref_slice %arg10[%arg0, %multiple_of3A_124, %dma_start3A_148] : memref<2x10240x128xf32, #tpu.memory_space<hbm>> -> memref<1x40x128xf32, #tpu.memory_space<hbm>>
      %dma_start3A_150 = tpu.memref_squeeze %dma_start3A_149 : memref<1x40x128xf32, #tpu.memory_space<hbm>> -> memref<40x128xf32, #tpu.memory_space<hbm>>
      tpu.enqueue_dma source(%arg15 : memref<40x128xf32, #tpu.memory_space<vmem>>) target(%dma_start3A_150 : memref<40x128xf32, #tpu.memory_space<hbm>>) target_semaphore(%run_scoped3A : memref<!tpu.dma_semaphore, #tpu.memory_space<semaphore_mem>>)
      %dma_wait3A_151 = arith.constant 0 : i32
      %dma_wait3A_152 = tpu.memref_slice %arg10[%arg0, %multiple_of3A_124, %dma_wait3A_151] : memref<2x10240x128xf32, #tpu.memory_space<hbm>> -> memref<1x40x128xf32, #tpu.memory_space<hbm>>
      %dma_wait3A_153 = tpu.memref_squeeze %dma_wait3A_152 : memref<1x40x128xf32, #tpu.memory_space<hbm>> -> memref<40x128xf32, #tpu.memory_space<hbm>>
      %dma_wait3A_154 = arith.constant 0 : i32
      %dma_wait3A_155 = tpu.memref_slice %arg10[%arg0, %multiple_of3A_124, %dma_wait3A_154] : memref<2x10240x128xf32, #tpu.memory_space<hbm>> -> memref<1x40x128xf32, #tpu.memory_space<hbm>>
      %dma_wait3A_156 = tpu.memref_squeeze %dma_wait3A_155 : memref<1x40x128xf32, #tpu.memory_space<hbm>> -> memref<40x128xf32, #tpu.memory_space<hbm>>
      tpu.wait_dma2 semaphore(%run_scoped3A : memref<!tpu.dma_semaphore, #tpu.memory_space<semaphore_mem>>) src(%arg15 : memref<40x128xf32, #tpu.memory_space<vmem>>) dst(%dma_wait3A_156 : memref<40x128xf32, #tpu.memory_space<hbm>>)
      tpu.yield
    }) : () -> ()
    %mul3A_125 = arith.constant 640 : i32
    %mul3A_126 = arith.muli %arg1, %mul3A_125 : i32
    %add3A_127 = arith.constant 480 : i32
    %add3A_128 = arith.addi %mul3A_126, %add3A_127 : i32
    %multiple_of3A_129 = tpu.assume_multiple %add3A_128, 8 : i32
    "tpu.region"() ({
      %run_scoped3A = tpu.sem_alloc : memref<!tpu.dma_semaphore, #tpu.memory_space<semaphore_mem>>
      %dma_start3A_145 = arith.constant 0 : i32
      %dma_start3A_146 = tpu.memref_slice %arg22[%multiple_of3A_129, %dma_start3A_145] : memref<10240x128xf32, #tpu.memory_space<vmem_shared>> -> memref<40x128xf32, #tpu.memory_space<vmem_shared>>
      %dma_start3A_147 = arith.constant 0 : i32
      %dma_start3A_148 = tpu.memref_slice %arg22[%multiple_of3A_129, %dma_start3A_147] : memref<10240x128xf32, #tpu.memory_space<vmem_shared>> -> memref<40x128xf32, #tpu.memory_space<vmem_shared>>
      tpu.enqueue_dma source(%dma_start3A_148 : memref<40x128xf32, #tpu.memory_space<vmem_shared>>) target(%arg15 : memref<40x128xf32, #tpu.memory_space<vmem>>) target_semaphore(%run_scoped3A : memref<!tpu.dma_semaphore, #tpu.memory_space<semaphore_mem>>)
      %dma_wait3A_149 = arith.constant 0 : i32
      %dma_wait3A_150 = tpu.memref_slice %arg22[%multiple_of3A_129, %dma_wait3A_149] : memref<10240x128xf32, #tpu.memory_space<vmem_shared>> -> memref<40x128xf32, #tpu.memory_space<vmem_shared>>
      %dma_wait3A_151 = arith.constant 0 : i32
      %dma_wait3A_152 = tpu.memref_slice %arg22[%multiple_of3A_129, %dma_wait3A_151] : memref<10240x128xf32, #tpu.memory_space<vmem_shared>> -> memref<40x128xf32, #tpu.memory_space<vmem_shared>>
      tpu.wait_dma2 semaphore(%run_scoped3A : memref<!tpu.dma_semaphore, #tpu.memory_space<semaphore_mem>>) src(%dma_wait3A_152 : memref<40x128xf32, #tpu.memory_space<vmem_shared>>) dst(%arg15 : memref<40x128xf32, #tpu.memory_space<vmem>>)
      tpu.yield
    }) : () -> ()
    "tpu.region"() ({
      %run_scoped3A = tpu.sem_alloc : memref<!tpu.dma_semaphore, #tpu.memory_space<semaphore_mem>>
      %dma_start3A_145 = arith.constant 0 : i32
      %dma_start3A_146 = tpu.memref_slice %arg10[%arg0, %multiple_of3A_129, %dma_start3A_145] : memref<2x10240x128xf32, #tpu.memory_space<hbm>> -> memref<1x40x128xf32, #tpu.memory_space<hbm>>
      %dma_start3A_147 = tpu.memref_squeeze %dma_start3A_146 : memref<1x40x128xf32, #tpu.memory_space<hbm>> -> memref<40x128xf32, #tpu.memory_space<hbm>>
      %dma_start3A_148 = arith.constant 0 : i32
      %dma_start3A_149 = tpu.memref_slice %arg10[%arg0, %multiple_of3A_129, %dma_start3A_148] : memref<2x10240x128xf32, #tpu.memory_space<hbm>> -> memref<1x40x128xf32, #tpu.memory_space<hbm>>
      %dma_start3A_150 = tpu.memref_squeeze %dma_start3A_149 : memref<1x40x128xf32, #tpu.memory_space<hbm>> -> memref<40x128xf32, #tpu.memory_space<hbm>>
      tpu.enqueue_dma source(%arg15 : memref<40x128xf32, #tpu.memory_space<vmem>>) target(%dma_start3A_150 : memref<40x128xf32, #tpu.memory_space<hbm>>) target_semaphore(%run_scoped3A : memref<!tpu.dma_semaphore, #tpu.memory_space<semaphore_mem>>)
      %dma_wait3A_151 = arith.constant 0 : i32
      %dma_wait3A_152 = tpu.memref_slice %arg10[%arg0, %multiple_of3A_129, %dma_wait3A_151] : memref<2x10240x128xf32, #tpu.memory_space<hbm>> -> memref<1x40x128xf32, #tpu.memory_space<hbm>>
      %dma_wait3A_153 = tpu.memref_squeeze %dma_wait3A_152 : memref<1x40x128xf32, #tpu.memory_space<hbm>> -> memref<40x128xf32, #tpu.memory_space<hbm>>
      %dma_wait3A_154 = arith.constant 0 : i32
      %dma_wait3A_155 = tpu.memref_slice %arg10[%arg0, %multiple_of3A_129, %dma_wait3A_154] : memref<2x10240x128xf32, #tpu.memory_space<hbm>> -> memref<1x40x128xf32, #tpu.memory_space<hbm>>
      %dma_wait3A_156 = tpu.memref_squeeze %dma_wait3A_155 : memref<1x40x128xf32, #tpu.memory_space<hbm>> -> memref<40x128xf32, #tpu.memory_space<hbm>>
      tpu.wait_dma2 semaphore(%run_scoped3A : memref<!tpu.dma_semaphore, #tpu.memory_space<semaphore_mem>>) src(%arg15 : memref<40x128xf32, #tpu.memory_space<vmem>>) dst(%dma_wait3A_156 : memref<40x128xf32, #tpu.memory_space<hbm>>)
      tpu.yield
    }) : () -> ()
    %mul3A_130 = arith.constant 640 : i32
    %mul3A_131 = arith.muli %arg1, %mul3A_130 : i32
    %add3A_132 = arith.constant 520 : i32
    %add3A_133 = arith.addi %mul3A_131, %add3A_132 : i32
    %multiple_of3A_134 = tpu.assume_multiple %add3A_133, 8 : i32
    "tpu.region"() ({
      %run_scoped3A = tpu.sem_alloc : memref<!tpu.dma_semaphore, #tpu.memory_space<semaphore_mem>>
      %dma_start3A_145 = arith.constant 0 : i32
      %dma_start3A_146 = tpu.memref_slice %arg22[%multiple_of3A_134, %dma_start3A_145] : memref<10240x128xf32, #tpu.memory_space<vmem_shared>> -> memref<40x128xf32, #tpu.memory_space<vmem_shared>>
      %dma_start3A_147 = arith.constant 0 : i32
      %dma_start3A_148 = tpu.memref_slice %arg22[%multiple_of3A_134, %dma_start3A_147] : memref<10240x128xf32, #tpu.memory_space<vmem_shared>> -> memref<40x128xf32, #tpu.memory_space<vmem_shared>>
      tpu.enqueue_dma source(%dma_start3A_148 : memref<40x128xf32, #tpu.memory_space<vmem_shared>>) target(%arg15 : memref<40x128xf32, #tpu.memory_space<vmem>>) target_semaphore(%run_scoped3A : memref<!tpu.dma_semaphore, #tpu.memory_space<semaphore_mem>>)
      %dma_wait3A_149 = arith.constant 0 : i32
      %dma_wait3A_150 = tpu.memref_slice %arg22[%multiple_of3A_134, %dma_wait3A_149] : memref<10240x128xf32, #tpu.memory_space<vmem_shared>> -> memref<40x128xf32, #tpu.memory_space<vmem_shared>>
      %dma_wait3A_151 = arith.constant 0 : i32
      %dma_wait3A_152 = tpu.memref_slice %arg22[%multiple_of3A_134, %dma_wait3A_151] : memref<10240x128xf32, #tpu.memory_space<vmem_shared>> -> memref<40x128xf32, #tpu.memory_space<vmem_shared>>
      tpu.wait_dma2 semaphore(%run_scoped3A : memref<!tpu.dma_semaphore, #tpu.memory_space<semaphore_mem>>) src(%dma_wait3A_152 : memref<40x128xf32, #tpu.memory_space<vmem_shared>>) dst(%arg15 : memref<40x128xf32, #tpu.memory_space<vmem>>)
      tpu.yield
    }) : () -> ()
    "tpu.region"() ({
      %run_scoped3A = tpu.sem_alloc : memref<!tpu.dma_semaphore, #tpu.memory_space<semaphore_mem>>
      %dma_start3A_145 = arith.constant 0 : i32
      %dma_start3A_146 = tpu.memref_slice %arg10[%arg0, %multiple_of3A_134, %dma_start3A_145] : memref<2x10240x128xf32, #tpu.memory_space<hbm>> -> memref<1x40x128xf32, #tpu.memory_space<hbm>>
      %dma_start3A_147 = tpu.memref_squeeze %dma_start3A_146 : memref<1x40x128xf32, #tpu.memory_space<hbm>> -> memref<40x128xf32, #tpu.memory_space<hbm>>
      %dma_start3A_148 = arith.constant 0 : i32
      %dma_start3A_149 = tpu.memref_slice %arg10[%arg0, %multiple_of3A_134, %dma_start3A_148] : memref<2x10240x128xf32, #tpu.memory_space<hbm>> -> memref<1x40x128xf32, #tpu.memory_space<hbm>>
      %dma_start3A_150 = tpu.memref_squeeze %dma_start3A_149 : memref<1x40x128xf32, #tpu.memory_space<hbm>> -> memref<40x128xf32, #tpu.memory_space<hbm>>
      tpu.enqueue_dma source(%arg15 : memref<40x128xf32, #tpu.memory_space<vmem>>) target(%dma_start3A_150 : memref<40x128xf32, #tpu.memory_space<hbm>>) target_semaphore(%run_scoped3A : memref<!tpu.dma_semaphore, #tpu.memory_space<semaphore_mem>>)
      %dma_wait3A_151 = arith.constant 0 : i32
      %dma_wait3A_152 = tpu.memref_slice %arg10[%arg0, %multiple_of3A_134, %dma_wait3A_151] : memref<2x10240x128xf32, #tpu.memory_space<hbm>> -> memref<1x40x128xf32, #tpu.memory_space<hbm>>
      %dma_wait3A_153 = tpu.memref_squeeze %dma_wait3A_152 : memref<1x40x128xf32, #tpu.memory_space<hbm>> -> memref<40x128xf32, #tpu.memory_space<hbm>>
      %dma_wait3A_154 = arith.constant 0 : i32
      %dma_wait3A_155 = tpu.memref_slice %arg10[%arg0, %multiple_of3A_134, %dma_wait3A_154] : memref<2x10240x128xf32, #tpu.memory_space<hbm>> -> memref<1x40x128xf32, #tpu.memory_space<hbm>>
      %dma_wait3A_156 = tpu.memref_squeeze %dma_wait3A_155 : memref<1x40x128xf32, #tpu.memory_space<hbm>> -> memref<40x128xf32, #tpu.memory_space<hbm>>
      tpu.wait_dma2 semaphore(%run_scoped3A : memref<!tpu.dma_semaphore, #tpu.memory_space<semaphore_mem>>) src(%arg15 : memref<40x128xf32, #tpu.memory_space<vmem>>) dst(%dma_wait3A_156 : memref<40x128xf32, #tpu.memory_space<hbm>>)
      tpu.yield
    }) : () -> ()
    %mul3A_135 = arith.constant 640 : i32
    %mul3A_136 = arith.muli %arg1, %mul3A_135 : i32
    %add3A_137 = arith.constant 560 : i32
    %add3A_138 = arith.addi %mul3A_136, %add3A_137 : i32
    %multiple_of3A_139 = tpu.assume_multiple %add3A_138, 8 : i32
    "tpu.region"() ({
      %run_scoped3A = tpu.sem_alloc : memref<!tpu.dma_semaphore, #tpu.memory_space<semaphore_mem>>
      %dma_start3A_145 = arith.constant 0 : i32
      %dma_start3A_146 = tpu.memref_slice %arg22[%multiple_of3A_139, %dma_start3A_145] : memref<10240x128xf32, #tpu.memory_space<vmem_shared>> -> memref<40x128xf32, #tpu.memory_space<vmem_shared>>
      %dma_start3A_147 = arith.constant 0 : i32
      %dma_start3A_148 = tpu.memref_slice %arg22[%multiple_of3A_139, %dma_start3A_147] : memref<10240x128xf32, #tpu.memory_space<vmem_shared>> -> memref<40x128xf32, #tpu.memory_space<vmem_shared>>
      tpu.enqueue_dma source(%dma_start3A_148 : memref<40x128xf32, #tpu.memory_space<vmem_shared>>) target(%arg15 : memref<40x128xf32, #tpu.memory_space<vmem>>) target_semaphore(%run_scoped3A : memref<!tpu.dma_semaphore, #tpu.memory_space<semaphore_mem>>)
      %dma_wait3A_149 = arith.constant 0 : i32
      %dma_wait3A_150 = tpu.memref_slice %arg22[%multiple_of3A_139, %dma_wait3A_149] : memref<10240x128xf32, #tpu.memory_space<vmem_shared>> -> memref<40x128xf32, #tpu.memory_space<vmem_shared>>
      %dma_wait3A_151 = arith.constant 0 : i32
      %dma_wait3A_152 = tpu.memref_slice %arg22[%multiple_of3A_139, %dma_wait3A_151] : memref<10240x128xf32, #tpu.memory_space<vmem_shared>> -> memref<40x128xf32, #tpu.memory_space<vmem_shared>>
      tpu.wait_dma2 semaphore(%run_scoped3A : memref<!tpu.dma_semaphore, #tpu.memory_space<semaphore_mem>>) src(%dma_wait3A_152 : memref<40x128xf32, #tpu.memory_space<vmem_shared>>) dst(%arg15 : memref<40x128xf32, #tpu.memory_space<vmem>>)
      tpu.yield
    }) : () -> ()
    "tpu.region"() ({
      %run_scoped3A = tpu.sem_alloc : memref<!tpu.dma_semaphore, #tpu.memory_space<semaphore_mem>>
      %dma_start3A_145 = arith.constant 0 : i32
      %dma_start3A_146 = tpu.memref_slice %arg10[%arg0, %multiple_of3A_139, %dma_start3A_145] : memref<2x10240x128xf32, #tpu.memory_space<hbm>> -> memref<1x40x128xf32, #tpu.memory_space<hbm>>
      %dma_start3A_147 = tpu.memref_squeeze %dma_start3A_146 : memref<1x40x128xf32, #tpu.memory_space<hbm>> -> memref<40x128xf32, #tpu.memory_space<hbm>>
      %dma_start3A_148 = arith.constant 0 : i32
      %dma_start3A_149 = tpu.memref_slice %arg10[%arg0, %multiple_of3A_139, %dma_start3A_148] : memref<2x10240x128xf32, #tpu.memory_space<hbm>> -> memref<1x40x128xf32, #tpu.memory_space<hbm>>
      %dma_start3A_150 = tpu.memref_squeeze %dma_start3A_149 : memref<1x40x128xf32, #tpu.memory_space<hbm>> -> memref<40x128xf32, #tpu.memory_space<hbm>>
      tpu.enqueue_dma source(%arg15 : memref<40x128xf32, #tpu.memory_space<vmem>>) target(%dma_start3A_150 : memref<40x128xf32, #tpu.memory_space<hbm>>) target_semaphore(%run_scoped3A : memref<!tpu.dma_semaphore, #tpu.memory_space<semaphore_mem>>)
      %dma_wait3A_151 = arith.constant 0 : i32
      %dma_wait3A_152 = tpu.memref_slice %arg10[%arg0, %multiple_of3A_139, %dma_wait3A_151] : memref<2x10240x128xf32, #tpu.memory_space<hbm>> -> memref<1x40x128xf32, #tpu.memory_space<hbm>>
      %dma_wait3A_153 = tpu.memref_squeeze %dma_wait3A_152 : memref<1x40x128xf32, #tpu.memory_space<hbm>> -> memref<40x128xf32, #tpu.memory_space<hbm>>
      %dma_wait3A_154 = arith.constant 0 : i32
      %dma_wait3A_155 = tpu.memref_slice %arg10[%arg0, %multiple_of3A_139, %dma_wait3A_154] : memref<2x10240x128xf32, #tpu.memory_space<hbm>> -> memref<1x40x128xf32, #tpu.memory_space<hbm>>
      %dma_wait3A_156 = tpu.memref_squeeze %dma_wait3A_155 : memref<1x40x128xf32, #tpu.memory_space<hbm>> -> memref<40x128xf32, #tpu.memory_space<hbm>>
      tpu.wait_dma2 semaphore(%run_scoped3A : memref<!tpu.dma_semaphore, #tpu.memory_space<semaphore_mem>>) src(%arg15 : memref<40x128xf32, #tpu.memory_space<vmem>>) dst(%dma_wait3A_156 : memref<40x128xf32, #tpu.memory_space<hbm>>)
      tpu.yield
    }) : () -> ()
    %mul3A_140 = arith.constant 640 : i32
    %mul3A_141 = arith.muli %arg1, %mul3A_140 : i32
    %add3A_142 = arith.constant 600 : i32
    %add3A_143 = arith.addi %mul3A_141, %add3A_142 : i32
    %multiple_of3A_144 = tpu.assume_multiple %add3A_143, 8 : i32
    "tpu.region"() ({
      %run_scoped3A = tpu.sem_alloc : memref<!tpu.dma_semaphore, #tpu.memory_space<semaphore_mem>>
      %dma_start3A_145 = arith.constant 0 : i32
      %dma_start3A_146 = tpu.memref_slice %arg22[%multiple_of3A_144, %dma_start3A_145] : memref<10240x128xf32, #tpu.memory_space<vmem_shared>> -> memref<40x128xf32, #tpu.memory_space<vmem_shared>>
      %dma_start3A_147 = arith.constant 0 : i32
      %dma_start3A_148 = tpu.memref_slice %arg22[%multiple_of3A_144, %dma_start3A_147] : memref<10240x128xf32, #tpu.memory_space<vmem_shared>> -> memref<40x128xf32, #tpu.memory_space<vmem_shared>>
      tpu.enqueue_dma source(%dma_start3A_148 : memref<40x128xf32, #tpu.memory_space<vmem_shared>>) target(%arg15 : memref<40x128xf32, #tpu.memory_space<vmem>>) target_semaphore(%run_scoped3A : memref<!tpu.dma_semaphore, #tpu.memory_space<semaphore_mem>>)
      %dma_wait3A_149 = arith.constant 0 : i32
      %dma_wait3A_150 = tpu.memref_slice %arg22[%multiple_of3A_144, %dma_wait3A_149] : memref<10240x128xf32, #tpu.memory_space<vmem_shared>> -> memref<40x128xf32, #tpu.memory_space<vmem_shared>>
      %dma_wait3A_151 = arith.constant 0 : i32
      %dma_wait3A_152 = tpu.memref_slice %arg22[%multiple_of3A_144, %dma_wait3A_151] : memref<10240x128xf32, #tpu.memory_space<vmem_shared>> -> memref<40x128xf32, #tpu.memory_space<vmem_shared>>
      tpu.wait_dma2 semaphore(%run_scoped3A : memref<!tpu.dma_semaphore, #tpu.memory_space<semaphore_mem>>) src(%dma_wait3A_152 : memref<40x128xf32, #tpu.memory_space<vmem_shared>>) dst(%arg15 : memref<40x128xf32, #tpu.memory_space<vmem>>)
      tpu.yield
    }) : () -> ()
    "tpu.region"() ({
      %run_scoped3A = tpu.sem_alloc : memref<!tpu.dma_semaphore, #tpu.memory_space<semaphore_mem>>
      %dma_start3A_145 = arith.constant 0 : i32
      %dma_start3A_146 = tpu.memref_slice %arg10[%arg0, %multiple_of3A_144, %dma_start3A_145] : memref<2x10240x128xf32, #tpu.memory_space<hbm>> -> memref<1x40x128xf32, #tpu.memory_space<hbm>>
      %dma_start3A_147 = tpu.memref_squeeze %dma_start3A_146 : memref<1x40x128xf32, #tpu.memory_space<hbm>> -> memref<40x128xf32, #tpu.memory_space<hbm>>
      %dma_start3A_148 = arith.constant 0 : i32
      %dma_start3A_149 = tpu.memref_slice %arg10[%arg0, %multiple_of3A_144, %dma_start3A_148] : memref<2x10240x128xf32, #tpu.memory_space<hbm>> -> memref<1x40x128xf32, #tpu.memory_space<hbm>>
      %dma_start3A_150 = tpu.memref_squeeze %dma_start3A_149 : memref<1x40x128xf32, #tpu.memory_space<hbm>> -> memref<40x128xf32, #tpu.memory_space<hbm>>
      tpu.enqueue_dma source(%arg15 : memref<40x128xf32, #tpu.memory_space<vmem>>) target(%dma_start3A_150 : memref<40x128xf32, #tpu.memory_space<hbm>>) target_semaphore(%run_scoped3A : memref<!tpu.dma_semaphore, #tpu.memory_space<semaphore_mem>>)
      %dma_wait3A_151 = arith.constant 0 : i32
      %dma_wait3A_152 = tpu.memref_slice %arg10[%arg0, %multiple_of3A_144, %dma_wait3A_151] : memref<2x10240x128xf32, #tpu.memory_space<hbm>> -> memref<1x40x128xf32, #tpu.memory_space<hbm>>
      %dma_wait3A_153 = tpu.memref_squeeze %dma_wait3A_152 : memref<1x40x128xf32, #tpu.memory_space<hbm>> -> memref<40x128xf32, #tpu.memory_space<hbm>>
      %dma_wait3A_154 = arith.constant 0 : i32
      %dma_wait3A_155 = tpu.memref_slice %arg10[%arg0, %multiple_of3A_144, %dma_wait3A_154] : memref<2x10240x128xf32, #tpu.memory_space<hbm>> -> memref<1x40x128xf32, #tpu.memory_space<hbm>>
      %dma_wait3A_156 = tpu.memref_squeeze %dma_wait3A_155 : memref<1x40x128xf32, #tpu.memory_space<hbm>> -> memref<40x128xf32, #tpu.memory_space<hbm>>
      tpu.wait_dma2 semaphore(%run_scoped3A : memref<!tpu.dma_semaphore, #tpu.memory_space<semaphore_mem>>) src(%arg15 : memref<40x128xf32, #tpu.memory_space<vmem>>) dst(%dma_wait3A_156 : memref<40x128xf32, #tpu.memory_space<hbm>>)
      tpu.yield
    }) : () -> ()
    return
  }
}

module attributes {stable_mosaic.version = 14 : i64} {
  func.func @_mm_kernel(%arg0: i32, %arg1: memref<2000x128xf32, #tpu.memory_space<vmem>>, %arg2: memref<128x128xf32, #tpu.memory_space<vmem>>, %arg3: memref<1x128xf32, #tpu.memory_space<vmem>>, %arg4: memref<2000x128xf32, #tpu.memory_space<vmem>>) attributes {dimension_semantics = [#tpu.dimension_semantics<arbitrary>], iteration_bounds = array<i64: 160>, scalar_prefetch = 0 : i64, scratch_operands = 0 : i64, tpu.core_type = #tpu.core_type<tc>, window_params = [{transform_indices = @transform_0, window_bounds = array<i64: 2000, 128>}, {pipeline_mode = #tpu.pipeline_mode<synchronous>, transform_indices = @transform_1, window_bounds = array<i64: 128, 128>}, {pipeline_mode = #tpu.pipeline_mode<synchronous>, transform_indices = @transform_2, window_bounds = array<i64: 1, 128>}, {transform_indices = @transform_3, window_bounds = array<i64: 2000, 128>}]} {
    %get3A = arith.constant 0 : index
    %get3A_0 = arith.constant 0 : index
    %get3A_1 = vector.load %arg1[%get3A, %get3A_0] : memref<2000x128xf32, #tpu.memory_space<vmem>>, vector<2000x128xf32>
    %get3A_2 = arith.constant 0 : index
    %get3A_3 = arith.constant 0 : index
    %get3A_4 = vector.load %arg2[%get3A_2, %get3A_3] : memref<128x128xf32, #tpu.memory_space<vmem>>, vector<128x128xf32>
    %dot_general3A = arith.constant dense<0.000000e+00> : vector<2000x128xf32>
    %dot_general3A_5 = tpu.matmul %get3A_1, %get3A_4, %dot_general3A {dimension_numbers = #tpu.dot_dimension_numbers<[1], [0], [0], [1], [0, 0, 1, 1], [], []>, transpose_lhs_hint = false} : vector<2000x128xf32>, vector<128x128xf32>, vector<2000x128xf32> -> vector<2000x128xf32>
    %get3A_6 = arith.constant 0 : index
    %get3A_7 = arith.constant 0 : index
    %get3A_8 = vector.load %arg3[%get3A_6, %get3A_7] : memref<1x128xf32, #tpu.memory_space<vmem>>, vector<1x128xf32>
    %add3A = vector.broadcast %get3A_8 : vector<1x128xf32> to vector<2000x128xf32>
    %add3A_9 = arith.addf %dot_general3A_5, %add3A : vector<2000x128xf32>
    %swap3A = arith.constant 0 : index
    %swap3A_10 = arith.constant 0 : index
    %swap3A_11 = vector.load %arg4[%swap3A, %swap3A_10] : memref<2000x128xf32, #tpu.memory_space<vmem>>, vector<2000x128xf32>
    tpu.vector_store %arg4[%swap3A, %swap3A_10], %add3A_9 {strides = array<i32>} : memref<2000x128xf32, #tpu.memory_space<vmem>>, vector<2000x128xf32>,
    return
  }
  func.func @transform_0(%arg0: i32) -> (i32, i32) {
    %c0_i32 = arith.constant 0 : i32
    %c0_i32_0 = arith.constant 0 : i32
    return %arg0, %c0_i32 : i32, i32
  }
  func.func @transform_1(%arg0: i32) -> (i32, i32) {
    %c0_i32 = arith.constant 0 : i32
    %c0_i32_0 = arith.constant 0 : i32
    %c0_i32_1 = arith.constant 0 : i32
    return %c0_i32, %c0_i32_0 : i32, i32
  }
  func.func @transform_2(%arg0: i32) -> (i32, i32) {
    %c0_i32 = arith.constant 0 : i32
    %c0_i32_0 = arith.constant 0 : i32
    %c0_i32_1 = arith.constant 0 : i32
    return %c0_i32, %c0_i32_0 : i32, i32
  }
  func.func @transform_3(%arg0: i32) -> (i32, i32) {
    %c0_i32 = arith.constant 0 : i32
    %c0_i32_0 = arith.constant 0 : i32
    return %arg0, %c0_i32 : i32, i32
  }
}

module attributes {stable_mosaic.version = 14 : i64} {
  func.func @_pre_kernel(%arg0: memref<10000x128xf32, #tpu.memory_space<vmem>>, %arg1: memref<128x128xf32, #tpu.memory_space<vmem>>, %arg2: memref<1x128xf32, #tpu.memory_space<vmem>>, %arg3: memref<128x128xf32, #tpu.memory_space<vmem>>, %arg4: memref<1x128xf32, #tpu.memory_space<vmem>>, %arg5: memref<2x16x10240xf32, #tpu.memory_space<vmem>>, %arg6: memref<10000x256xf32, #tpu.memory_space<vmem>>, %arg7: memref<10000x128xf32, #tpu.memory_space<vmem>>, %arg8: memref<16x128xf32, #tpu.memory_space<vmem>>) attributes {dimension_semantics = [], scalar_prefetch = 0 : i64, scratch_operands = 0 : i64, tpu.core_type = #tpu.core_type<tc>} {
    %get3A = arith.constant 0 : index
    %get3A_0 = arith.constant 0 : index
    %get3A_1 = vector.load %arg0[%get3A, %get3A_0] : memref<10000x128xf32, #tpu.memory_space<vmem>>, vector<10000x128xf32>
    %get3A_2 = arith.constant 0 : index
    %get3A_3 = arith.constant 0 : index
    %get3A_4 = arith.constant 0 : index
    %get3A_5 = vector.load %arg5[%get3A_2, %get3A_3, %get3A_4] : memref<2x16x10240xf32, #tpu.memory_space<vmem>>, vector<1x16x10240xf32>
    %get3A_6 = vector.shape_cast %get3A_5 : vector<1x16x10240xf32> to vector<16x10240xf32>
    %reduce_sum3A = arith.constant dense<0.000000e+00> : vector<10240xf32>
    %reduce_sum3A_7 = vector.multi_reduction <add>, %get3A_6, %reduce_sum3A [0] : vector<16x10240xf32> to vector<10240xf32>
    %slice3A = vector.extract_strided_slice %reduce_sum3A_7 {offsets = [0], sizes = [10000], strides = [1]} : vector<10240xf32> to vector<10000xf32>
    %max3A = arith.constant 1.000000e+00 : f32
    %max3A_8 = vector.broadcast %max3A : f32 to vector<10000xf32>
    %max3A_9 = arith.maximumf %slice3A, %max3A_8 : vector<10000xf32>
    %rsqrt3A = math.rsqrt %max3A_9 : vector<10000xf32>
    %get3A_10 = arith.constant 0 : index
    %get3A_11 = arith.constant 0 : index
    %get3A_12 = vector.load %arg1[%get3A_10, %get3A_11] : memref<128x128xf32, #tpu.memory_space<vmem>>, vector<128x128xf32>
    %dot_general3A = arith.constant dense<0.000000e+00> : vector<10000x128xf32>
    %dot_general3A_13 = tpu.matmul %get3A_1, %get3A_12, %dot_general3A {dimension_numbers = #tpu.dot_dimension_numbers<[1], [0], [0], [1], [0, 0, 1, 1], [], []>, transpose_lhs_hint = false} : vector<10000x128xf32>, vector<128x128xf32>, vector<10000x128xf32> -> vector<10000x128xf32>
    %get3A_14 = arith.constant 0 : index
    %get3A_15 = arith.constant 0 : index
    %get3A_16 = vector.load %arg2[%get3A_14, %get3A_15] : memref<1x128xf32, #tpu.memory_space<vmem>>, vector<1x128xf32>
    %add3A = vector.broadcast %get3A_16 : vector<1x128xf32> to vector<10000x128xf32>
    %add3A_17 = arith.addf %dot_general3A_13, %add3A : vector<10000x128xf32>
    %swap3A = arith.constant 0 : index
    %swap3A_18 = arith.constant 0 : index
    %swap3A_19 = vector.load %arg6[%swap3A, %swap3A_18] : memref<10000x256xf32, #tpu.memory_space<vmem>>, vector<10000x128xf32>
    tpu.vector_store %arg6[%swap3A, %swap3A_18], %add3A_17 {strides = array<i32>} : memref<10000x256xf32, #tpu.memory_space<vmem>>, vector<10000x128xf32>,
    %broadcast_in_dim3A = vector.shape_cast %rsqrt3A : vector<10000xf32> to vector<10000x1xf32>
    %mul3A = vector.broadcast %broadcast_in_dim3A : vector<10000x1xf32> to vector<10000x128xf32>
    %mul3A_20 = arith.mulf %get3A_1, %mul3A : vector<10000x128xf32>
    %swap3A_21 = arith.constant 0 : index
    %swap3A_22 = arith.constant 128 : index
    %swap3A_23 = vector.load %arg6[%swap3A_21, %swap3A_22] : memref<10000x256xf32, #tpu.memory_space<vmem>>, vector<10000x128xf32>
    tpu.vector_store %arg6[%swap3A_21, %swap3A_22], %mul3A_20 {strides = array<i32>} : memref<10000x256xf32, #tpu.memory_space<vmem>>, vector<10000x128xf32>,
    %get3A_24 = arith.constant 0 : index
    %get3A_25 = arith.constant 0 : index
    %get3A_26 = vector.load %arg3[%get3A_24, %get3A_25] : memref<128x128xf32, #tpu.memory_space<vmem>>, vector<128x128xf32>
    %dot_general3A_27 = arith.constant dense<0.000000e+00> : vector<10000x128xf32>
    %dot_general3A_28 = tpu.matmul %get3A_1, %get3A_26, %dot_general3A_27 {dimension_numbers = #tpu.dot_dimension_numbers<[1], [0], [0], [1], [0, 0, 1, 1], [], []>, transpose_lhs_hint = false} : vector<10000x128xf32>, vector<128x128xf32>, vector<10000x128xf32> -> vector<10000x128xf32>
    %get3A_29 = arith.constant 0 : index
    %get3A_30 = arith.constant 0 : index
    %get3A_31 = vector.load %arg4[%get3A_29, %get3A_30] : memref<1x128xf32, #tpu.memory_space<vmem>>, vector<1x128xf32>
    %add3A_32 = vector.broadcast %get3A_31 : vector<1x128xf32> to vector<10000x128xf32>
    %add3A_33 = arith.addf %dot_general3A_28, %add3A_32 : vector<10000x128xf32>
    %swap3A_34 = arith.constant 0 : index
    %swap3A_35 = arith.constant 0 : index
    %swap3A_36 = vector.load %arg7[%swap3A_34, %swap3A_35] : memref<10000x128xf32, #tpu.memory_space<vmem>>, vector<10000x128xf32>
    tpu.vector_store %arg7[%swap3A_34, %swap3A_35], %add3A_33 {strides = array<i32>} : memref<10000x128xf32, #tpu.memory_space<vmem>>, vector<10000x128xf32>,
    %iota3A = tpu.iota {dimensions = array<i32: 0>} : vector<16x128xi32>
    %mul3A_37 = arith.constant 128 : i32
    %mul3A_38 = vector.broadcast %mul3A_37 : i32 to vector<16x128xi32>
    %mul3A_39 = arith.muli %iota3A, %mul3A_38 : vector<16x128xi32>
    %iota3A_40 = tpu.iota {dimensions = array<i32: 1>} : vector<16x128xi32>
    %add3A_41 = arith.addi %mul3A_39, %iota3A_40 : vector<16x128xi32>
    %convert_element_type3A = arith.sitofp %add3A_41 : vector<16x128xi32> to vector<16x128xf32>
    %add3A_42 = arith.constant 5.000000e-01 : f32
    %add3A_43 = vector.broadcast %add3A_42 : f32 to vector<16x128xf32>
    %add3A_44 = arith.addf %convert_element_type3A, %add3A_43 : vector<16x128xf32>
    %sub3A = arith.constant 1.024000e+03 : f32
    %sub3A_45 = vector.broadcast %sub3A : f32 to vector<16x128xf32>
    %sub3A_46 = arith.subf %add3A_44, %sub3A_45 : vector<16x128xf32>
    %div3A = arith.constant 1.280000e+02 : f32
    %div3A_47 = vector.broadcast %div3A : f32 to vector<16x128xf32>
    %div3A_48 = arith.divf %sub3A_46, %div3A_47 : vector<16x128xf32>
    %logistic3A = arith.negf %div3A_48 : vector<16x128xf32>
    %logistic3A_49 = math.exp %logistic3A : vector<16x128xf32>
    %logistic3A_50 = arith.constant 1.000000e+00 : f32
    %logistic3A_51 = vector.broadcast %logistic3A_50 : f32 to vector<16x128xf32>
    %logistic3A_52 = arith.addf %logistic3A_51, %logistic3A_49 : vector<16x128xf32>
    %logistic3A_53 = arith.divf %logistic3A_51, %logistic3A_52 : vector<16x128xf32>
    %swap3A_54 = arith.constant 0 : index
    %swap3A_55 = arith.constant 0 : index
    %swap3A_56 = vector.load %arg8[%swap3A_54, %swap3A_55] : memref<16x128xf32, #tpu.memory_space<vmem>>, vector<16x128xf32>
    tpu.vector_store %arg8[%swap3A_54, %swap3A_55], %logistic3A_53 {strides = array<i32>} : memref<16x128xf32, #tpu.memory_space<vmem>>, vector<16x128xf32>,
    return
  }
}

module attributes {stable_mosaic.version = 14 : i64} {
  func.func @_post_kernel(%arg0: memref<10000x128xf32, #tpu.memory_space<vmem>>, %arg1: memref<2x10240x128xf32, #tpu.memory_space<vmem>>, %arg2: memref<128x128xf32, #tpu.memory_space<vmem>>, %arg3: memref<1x128xf32, #tpu.memory_space<vmem>>, %arg4: memref<2x16x10240xf32, #tpu.memory_space<vmem>>, %arg5: memref<10000x128xf32, #tpu.memory_space<vmem>>) attributes {dimension_semantics = [], scalar_prefetch = 0 : i64, scratch_operands = 0 : i64, tpu.core_type = #tpu.core_type<tc>} {
    %get3A = arith.constant 0 : index
    %get3A_0 = arith.constant 0 : index
    %get3A_1 = arith.constant 0 : index
    %get3A_2 = vector.load %arg1[%get3A, %get3A_0, %get3A_1] : memref<2x10240x128xf32, #tpu.memory_space<vmem>>, vector<1x10240x128xf32>
    %get3A_3 = vector.shape_cast %get3A_2 : vector<1x10240x128xf32> to vector<10240x128xf32>
    %get3A_4 = arith.constant 1 : index
    %get3A_5 = arith.constant 0 : index
    %get3A_6 = arith.constant 0 : index
    %get3A_7 = vector.load %arg1[%get3A_4, %get3A_5, %get3A_6] : memref<2x10240x128xf32, #tpu.memory_space<vmem>>, vector<1x10240x128xf32>
    %get3A_8 = vector.shape_cast %get3A_7 : vector<1x10240x128xf32> to vector<10240x128xf32>
    %add3A = arith.addf %get3A_3, %get3A_8 : vector<10240x128xf32>
    %slice3A = vector.extract_strided_slice %add3A {offsets = [0, 0], sizes = [10000, 128], strides = [1, 1]} : vector<10240x128xf32> to vector<10000x128xf32>
    %get3A_9 = arith.constant 0 : index
    %get3A_10 = arith.constant 0 : index
    %get3A_11 = vector.load %arg2[%get3A_9, %get3A_10] : memref<128x128xf32, #tpu.memory_space<vmem>>, vector<128x128xf32>
    %dot_general3A = arith.constant dense<0.000000e+00> : vector<10000x128xf32>
    %dot_general3A_12 = tpu.matmul %slice3A, %get3A_11, %dot_general3A {dimension_numbers = #tpu.dot_dimension_numbers<[1], [0], [0], [1], [0, 0, 1, 1], [], []>, transpose_lhs_hint = false} : vector<10000x128xf32>, vector<128x128xf32>, vector<10000x128xf32> -> vector<10000x128xf32>
    %get3A_13 = arith.constant 1 : index
    %get3A_14 = arith.constant 0 : index
    %get3A_15 = arith.constant 0 : index
    %get3A_16 = vector.load %arg4[%get3A_13, %get3A_14, %get3A_15] : memref<2x16x10240xf32, #tpu.memory_space<vmem>>, vector<1x16x10240xf32>
    %get3A_17 = vector.shape_cast %get3A_16 : vector<1x16x10240xf32> to vector<16x10240xf32>
    %reduce_sum3A = arith.constant dense<0.000000e+00> : vector<10240xf32>
    %reduce_sum3A_18 = vector.multi_reduction <add>, %get3A_17, %reduce_sum3A [0] : vector<16x10240xf32> to vector<10240xf32>
    %slice3A_19 = vector.extract_strided_slice %reduce_sum3A_18 {offsets = [0], sizes = [10000], strides = [1]} : vector<10240xf32> to vector<10000xf32>
    %max3A = arith.constant 1.000000e+00 : f32
    %max3A_20 = vector.broadcast %max3A : f32 to vector<10000xf32>
    %max3A_21 = arith.maximumf %slice3A_19, %max3A_20 : vector<10000xf32>
    %rsqrt3A = math.rsqrt %max3A_21 : vector<10000xf32>
    %get3A_22 = arith.constant 0 : index
    %get3A_23 = arith.constant 0 : index
    %get3A_24 = vector.load %arg0[%get3A_22, %get3A_23] : memref<10000x128xf32, #tpu.memory_space<vmem>>, vector<10000x128xf32>
    %broadcast_in_dim3A = vector.shape_cast %rsqrt3A : vector<10000xf32> to vector<10000x1xf32>
    %mul3A = vector.broadcast %broadcast_in_dim3A : vector<10000x1xf32> to vector<10000x128xf32>
    %mul3A_25 = arith.mulf %dot_general3A_12, %mul3A : vector<10000x128xf32>
    %add3A_26 = arith.addf %get3A_24, %mul3A_25 : vector<10000x128xf32>
    %get3A_27 = arith.constant 0 : index
    %get3A_28 = arith.constant 0 : index
    %get3A_29 = vector.load %arg3[%get3A_27, %get3A_28] : memref<1x128xf32, #tpu.memory_space<vmem>>, vector<1x128xf32>
    %add3A_30 = vector.broadcast %get3A_29 : vector<1x128xf32> to vector<10000x128xf32>
    %add3A_31 = arith.addf %add3A_26, %add3A_30 : vector<10000x128xf32>
    %swap3A = arith.constant 0 : index
    %swap3A_32 = arith.constant 0 : index
    %swap3A_33 = vector.load %arg5[%swap3A, %swap3A_32] : memref<10000x128xf32, #tpu.memory_space<vmem>>, vector<10000x128xf32>
    tpu.vector_store %arg5[%swap3A, %swap3A_32], %add3A_31 {strides = array<i32>} : memref<10000x128xf32, #tpu.memory_space<vmem>>, vector<10000x128xf32>,
    return
  }
}

</mosaic_0001>

<sc_bundles>
// kernel: kernel.10.cloned.1.call-start
scs
__scs_entry_jumppad:
0x0: {  	(pc) =	sbr.rel $0x88, $3  }
0x1: {  	(tag) =	ssettag $0x0;
	lr =	simm.s32 $0x1  }
0x2: {  	[smem:$0x3F96] =	sst lr;
	_ =	strace $0xD0000000  }
0x3: {  	_ = 	snop  }
0x4: {  	_ = 	snop  }
0x5: {  	_ = 	snop  }
0x6: {  	_ = 	snop  }
0x7: {  	_ = 	snop  }
__scs_overlays_trampoline_lowered:
0x8: {  	[smem:$0x3FA5] =	sst s0  }
0x9: {  	[smem:$0x3FA6] =	sst s1  }
0xa: {  	[smem:$0x3FA7] =	sst s2  }
0xb: {  	[smem:$0x3FA8] =	sst s3  }
0xc: {  	[smem:$0x3FA9] =	sst s4  }
0xd: {  	[smem:$0x3FAA] =	sst s5  }
0xe: {  	[smem:$0x3FAB] =	sst s6  }
0xf: {  	[smem:$0x3FAC] =	sst s7  }
0x10: {  	[smem:$0x3FAD] =	sst s8  }
0x11: {  	[smem:$0x3FAE] =	sst s9;
	s0 =	simm.s32 @!p0 $0x0  }
0x12: {  	s1 =	sld [smem:$0x3F94];
	s0 =	simm.s32 @p0 $0x1  }
0x13: {  	[smem:$0x3FAF] =	sst s0;
	s0 =	simm.s32 @!p1 $0x0  }
0x14: {  	s2 =	sld [smem:$0x3F93];
	s0 =	simm.s32 @p1 $0x1  }
0x15: {  	[smem:$0x3FB0] =	sst s0;
	s0 =	simm.s32 @!p2 $0x0  }
0x16: {  	s3 =	sld [smem:$0x3FDB];
	s0 =	simm.s32 @p2 $0x1  }
0x17: {  	s4 =	simm.s32 $0x1BF5;
	[smem:$0x3FB2] =	sst s0  }
0x18: {  	s0 =	sld [smem:$0x3F95];
	_ =	swait.ge [sflag:s4], $0x0  }
0x19: {  	s7 =	sld [smem:$0x3F96]  }
0x1a: {  	s8 =	sadd.s32 $0xFFFFE003, lr  }
0x1b: {  	s9 =	sadd.s32 $0xFFFFFEF7, lr;
	s5 =	simm.s32 $0xFFFFFFFF;
	p2 =	slt.u32 s8, $0xFFFFF086  }
0x1c: {  	p1 =	slt.u32 s9, $0xF7A;
	s5 =	simm.s32 @!p2 $0x0  }
0x1d: {  	s5 =	simm.s32 @p1 $0x1;
	p0 =	seq.s32 s7, s2  }
0x1e: {  	s7 =	smul.u32 @!p0 $0xF7A, s2;
	p2 =	seq.s32 @!p0 s5, $0x0  }
0x1f: {  	s9 =	smul.u32 $0xF7A, s1;
	s8 =	simm.s32 @!p0 $0x1BF5;
	p2 =	por !p2, p0  }
0x20: {  	[sflag:s8] =	ssyncset.s32 @!p0 $0xFFFFF086;
	s6 =	sadd.s32 @!p0 s3, s7;
	s7 =	simm.s32 @!p0 $0x108  }
0x21: {  	s3 =	sadd.s32 s3, s9;
	s6 =	sadd.s32 @!p0 $0x88, s6;
	s7 =	simm.s32 @p2 $0x1082  }
0x22: {  	[simem:s7], [sflag:s8] =	dma.local @!p0 [hbm:s6], $0xF7A  }
0x23: {  	s9 =	sor.u32 $0xD0000000, s2;
	s6 =	simm.s32 $0x108;
	_ =	swait.ge @!p0 [sflag:s8], $0x0  }
0x24: {  	s3 =	sadd.s32 $0x88, s3;
	s6 =	simm.s32 @!p1 $0x1082;
	[sflag:s4] =	ssyncset.s32 $0xFFFFF086  }
0x25: {  	[simem:s6], [sflag:s4] =	dma.local [hbm:s3], $0xF7A  }
0x26: {  	[smem:$0x3F96] =	sst s1;
	(tag) =	ssettag s2;
	_ =	strace s9  }
0x27: {  	s1 =	sld [smem:$0x3FA6]  }
0x28: {  	s2 =	sld [smem:$0x3FA7]  }
0x29: {  	s4 =	sld [smem:$0x3FA9]  }
0x2a: {  	p0 =	seq.s32 s5, $0x0;
	s5 =	sld [smem:$0x3FAA]  }
0x2b: {  	s6 =	sld [smem:$0x3FAB]  }
0x2c: {  	s7 =	sld [smem:$0x3FAC]  }
0x2d: {  	s3 =	simm.s32 $0x108;
	s8 =	sld [smem:$0x3FAD]  }
0x2e: {  	s3 =	simm.s32 @!p0 $0x1082;
	s9 =	sld [smem:$0x3FAE]  }
0x2f: {  	lr =	sadd.s32 s0, s3;
	s0 =	sld [smem:$0x3FA5]  }
0x30: {  	s3 =	sld [smem:$0x3FA8]  }
0x31: {  	[smem:$0x3FB1] =	sst s10  }
0x32: {  	s10 =	sld [smem:$0x3FAF];
	_ =	sdelay $0x3  }
0x33: {  	p0 =	seq.s32 s10, $0x1;
	s10 =	sld [smem:$0x3FB1];
	_ =	sdelay $0x3  }
0x34: {  	[smem:$0x3FB1] =	sst s10  }
0x35: {  	s10 =	sld [smem:$0x3FB0];
	_ =	sdelay $0x3  }
0x36: {  	p1 =	seq.s32 s10, $0x1;
	s10 =	sld [smem:$0x3FB1];
	_ =	sdelay $0x3  }
0x37: {  	[smem:$0x3FB1] =	sst s10  }
0x38: {  	s10 =	sld [smem:$0x3FB2]  }
0x39: {  	_ = 	snop;
	(pc) =	sbr.ind lr, $3  }
0x3a: {  	_ = 	snop  }
0x3b: {  	_ = 	snop  }
0x3c: {  	p2 =	seq.s32 s10, $0x1;
	s10 =	sld [smem:$0x3FB1]  }
0x3d: {  	_ =	shalt  }
0x3e: {  	_ =	shalt  }
0x3f: {  	_ =	shalt  }
0x40: {  	_ =	shalt  }
0x41: {  	_ =	shalt  }
0x42: {  	_ =	shalt  }
0x43: {  	_ =	shalt  }
0x44: {  	_ =	shalt  }
0x45: {  	_ =	shalt  }
0x46: {  	_ =	shalt  }
0x47: {  	_ =	shalt  }
0x48: {  	_ =	shalt  }
0x49: {  	_ =	shalt  }
0x4a: {  	_ =	shalt  }
0x4b: {  	_ =	shalt  }
0x4c: {  	_ =	shalt  }
0x4d: {  	_ =	shalt  }
0x4e: {  	_ =	shalt  }
0x4f: {  	_ =	shalt  }
0x50: {  	_ =	shalt  }
0x51: {  	_ =	shalt  }
0x52: {  	_ =	shalt  }
0x53: {  	_ =	shalt  }
0x54: {  	_ =	shalt  }
0x55: {  	_ =	shalt  }
0x56: {  	_ =	shalt  }
0x57: {  	_ =	shalt  }
0x58: {  	_ =	shalt  }
0x59: {  	_ =	shalt  }
0x5a: {  	_ =	shalt  }
0x5b: {  	_ =	shalt  }
0x5c: {  	_ =	shalt  }
0x5d: {  	_ =	shalt  }
0x5e: {  	_ =	shalt  }
0x5f: {  	_ =	shalt  }
0x60: {  	_ =	shalt  }
0x61: {  	_ =	shalt  }
0x62: {  	_ =	shalt  }
0x63: {  	_ =	shalt  }
0x64: {  	_ =	shalt  }
0x65: {  	_ =	shalt  }
0x66: {  	_ =	shalt  }
0x67: {  	_ =	shalt  }
0x68: {  	_ =	shalt  }
0x69: {  	_ =	shalt  }
0x6a: {  	_ =	shalt  }
0x6b: {  	_ =	shalt  }
0x6c: {  	_ =	shalt  }
0x6d: {  	_ =	shalt  }
0x6e: {  	_ =	shalt  }
0x6f: {  	_ =	shalt  }
0x70: {  	_ =	shalt  }
0x71: {  	_ =	shalt  }
0x72: {  	_ =	shalt  }
0x73: {  	_ =	shalt  }
0x74: {  	_ =	shalt  }
0x75: {  	_ =	shalt  }
0x76: {  	_ =	shalt  }
0x77: {  	_ =	shalt  }
0x78: {  	_ =	shalt  }
0x79: {  	_ =	shalt  }
0x7a: {  	_ =	shalt  }
0x7b: {  	_ =	shalt  }
0x7c: {  	_ =	shalt  }
0x7d: {  	_ =	shalt  }
0x7e: {  	_ =	shalt  }
0x7f: {  	_ =	shalt  }
0x80: {  	_ =	shalt  }
0x81: {  	_ =	shalt  }
0x82: {  	_ =	shalt  }
0x83: {  	_ =	shalt  }
0x84: {  	_ =	shalt  }
0x85: {  	_ =	shalt  }
0x86: {  	_ =	shalt  }
0x87: {  	_ =	shalt  }
.Lfunc_end0:
.L_simem_size_0:
called_computation.1_lowered:
.L_overlay_start_0:
0x88: {  	s2 =	sld [smem:$0x3FD9]  }
0x89: {  	s3 =	sld [smem:$0x3FFE];
	_ =	sdelay $0x1  }
0x8a: {  	s1 =	srdreg.scid  }
0x8b: {  	s0 =	sand.u32 $0x1, s1  }
0x8c: {  	s14 =	sshll.u32 s0, $0xA;
	s2 =	sadd.s32 s3, s2  }
0x8d: {  	s2 =	sadd.s32 s2, s14  }
0x8e: {  	[smem:$0x3FBD] =	sst s2  }
0x8f: {  	_ = 	snop  }
0x90: {  	s2 =	sld [smem:$0x3FD0];
	_ =	sdelay $0x2  }
0x91: {  	s15 =	simm.s32 $0xA;
	s4 =	simm.s32 $0x10  }
0x92: {  	[smem:s4], [sflag:s15] =	dma.local [hbm:s2], $0x1  }
0x93: {  	_ =	swait.eq [sflag:s15], $0x1  }
0x94: {  	[sflag:s15] =	ssyncset.done $0x0  }
0x95: {  	s16 =	sld [smem:$0x10];
	[sflag:s15] =	ssyncadd.s32 $0xFFFFFFFF  }
0x96: {  	s17 =	sld [smem:$0x11];
	(tm) =	ssettm $0x1  }
0x97: {  	s18 =	sld [smem:$0x3FFB];
	_ =	sdelay $0x3  }
0x98: {  	_ =	strace s18  }
0x99: {  	s4 =	sld [smem:$0x3FFC];
	_ =	sdelay $0x3  }
0x9a: {  	_ =	strace s4  }
0x9b: {  	s4 =	sld [smem:$0x3FFD];
	_ =	sdelay $0x3  }
0x9c: {  	_ =	strace s4  }
0x9d: {  	_ =	strace $0x8FFFFFFF  }
0x9e: {  	s19 =	sld [smem:$0x3FDB];
	_ =	sdelay $0x1  }
0x9f: {  	s5 =	simm.s32 $_scs_section_size  }
0xa0: {  	s6 =	simm.s32 $_size__tile_overlayer_lowered;
	s7 =	simm.s32 $_tile_overlayer_lowered  }
0xa1: {  	s22 =	simm.s32 $0x1BFF;
	s21 =	sshll.u32 s7, $0x1;
	s4 =	sadd.s32 s5, s19  }
0xa2: {  	s8 =	simm.s32 $0x0;
	s20 =	sshll.u32 s6, $0x1;
	s6 =	sadd.s32 s21, s4  }
0xa3: {  	[timem:s8], [sflag:s22] =	dma.local [hbm:s6], s20  }
0xa4: {  	_ =	swait.ge [sflag:s22], s20  }
0xa5: {  	s5 =	ssub.s32 $0x0, s20;
	[sflag:s22] =	ssyncset.done $0x0  }
0xa6: {  	[sflag:s22] =	ssyncadd.s32 s5;
	_ =	sdelay $0x1  }
0xa7: {  	s23 =	simm.s32 $0x1B8B  }
0xa8: {  	_ =	swait.ge [sflag:s23], $0x1  }
0xa9: {  	[sflag:s23] =	ssyncset.done $0x0  }
0xaa: {  	s25 =	simm.s32 $0x1B8E;
	s24 =	sld [smem:$0x3FFE];
	[sflag:s23] =	ssyncadd.s32 $0xFFFFFFFF  }
0xab: {  	s26 =	simm.s32 $execute0_lowered;
	[smem:$0x3FD2] =	sst s25  }
0xac: {  	s6 =	sshll.u32 s26, $0x1;
	_ =	strace $0x80000049;
	[dreg:$0x1] =	wrdreg $0xFFFFFFFF  }
0xad: {  	s28 =	simm.s32 $_size_execute0_lowered;
	s4 =	sadd.s32 s4, s6;
	[dreg:$0x0] =	wrdreg $0x0  }
0xae: {  	s6 =	sshll.u32 s28, $0x1;
	[dreg:$0x2] =	wrdreg s4  }
0xaf: {  	[dreg:$0x3] =	wrdreg s6  }
0xb0: {  	[dreg:$0x4] =	wrdreg $0xC0  }
0xb1: {  	_ =	task [dreg:s8], $0x5FFFF  }
0xb2: {  	[dreg:$0x1] =	wrdreg $0xFFFFFFFF  }
0xb3: {  	[dreg:$0x0] =	wrdreg $0x60  }
0xb4: {  	[dreg:$0x2] =	wrdreg s24  }
0xb5: {  	[dreg:$0x3] =	wrdreg s16  }
0xb6: {  	[dreg:$0x4] =	wrdreg s17  }
0xb7: {  	[dreg:$0x5] =	wrdreg $0xAA000  }
0xb8: {  	[dreg:$0x6] =	wrdreg $0x9  }
0xb9: {  	_ =	task.clear_ibuf [dreg:s8], $0x7FFFF;
	_ =	strace $0x90000049  }
0xba: {  	s29 =	simm.s32 $0x9;
	_ =	strace $0x8000004B  }
0xbb: {  	_ =	swait.ge [sflag:s29], $0x1  }
0xbc: {  	[sflag:s29] =	ssyncadd.s32 $0xFFFFFFFF  }
0xbd: {  	_ =	strace $0x9000004B  }
0xbe: {  	_ =	sfence  }
0xbf: {  	s30 =	sld [smem:$0x0];
	_ =	sdelay $0x2  }
0xc0: {  	s31 =	sshll.u32 s1, $0xD;
	s1 =	sshrl.u32 s1, $0x2  }
0xc1: {  	s3 =	sand.u32 $0x4000, s31;
	s1 =	sadd.s32 s1, s30  }
0xc2: {  	s0 =	sor.u32 s3, s0;
	s1 =	sshll.u32 s1, $0x11  }
0xc3: {  	s0 =	sor.u32 s1, s0  }
0xc4: {  	s0 =	sadd.s32 $0x8F2B, s0  }
0xc5: {  	[sflag:s0] =	ssyncadd.remote.s32 $0x1  }
0xc6: {  	_ =	sfence.sel $0xFFFF  }
0xc7: {  	[dreg:$0x0] =	wrdreg $0xFFFFFFFF;
	(pc) =	sbr.abs _section_cstart, $3  }
0xc8: {  	[dreg:$0x1] =	wrdreg $0xFFFFFFFF  }
0xc9: {  	_ =	task.clear_ibuf [dreg:s8], $0x2FFFF;
	_ =	strace $0x9FFFFFFF  }
0xca: {  	(tm) =	ssettm $0x7FFFFFFF  }
0xcb: {  	_ =	shalt  }
tec
execute0_lowered:
.L_overlay_start_1:
0x0: {  	(tag) =	ssettag $0x1  }
0x1: {  	s0 =	srdreg.scid  }
0x2: {  	s22 =	stileid.u32;
	s2 =	rddreg [dreg:$0x0]  }
0x3: {  	s23 =	simm.s32 $0x0;
	s6 =	sand.u32 $0x1, s0;
	s15 =	smul.u32 $0x14000, s22  }
0x4: {  	[smem:$0x7FF] =	sst s23;
	s14 =	smul.u32 $0x140000, s6  }
0x5: {  	s10 =	sadd.s32 $0x553600, s2;
	s0 =	ssub.s32 $0x2, s6;
	s1 =	sor.u32 $0x1400, s15  }
0x6: {  	s5 =	sshrl.u32 s0, $0x1;
	s3 =	sadd.s32 s15, s14;
	s4 =	sadd.s32 s14, s1  }
0x7: {  	s0 =	ssub.s32 s0, s5;
	s5 =	sadd.s32 $0x5000, s15;
	s3 =	sshrl.u32 s3, $0x3  }
0x8: {  	s4 =	sshrl.u32 s4, $0x3;
	s9 =	sadd.s32 s14, s5;
	s3 =	sadd.s32 s10, s3  }
0x9: {  	s21 =	sadd.s32 s10, s4;
	s4 =	sor.u32 $0x3C00, s15;
	[smem:$0x7CD] =	sst s3  }
0xa: {  	s9 =	sshrl.u32 s9, $0x3;
	[smem:$0x7CE] =	sst s21;
	s3 =	sor.u32 $0x2800, s15  }
0xb: {  	s8 =	sadd.s32 s14, s4;
	s25 =	sadd.s32 s10, s9;
	s9 =	sadd.s32 $0x8C00, s15  }
0xc: {  	s7 =	sadd.s32 s14, s3;
	s8 =	sshrl.u32 s8, $0x3;
	[smem:$0x7D1] =	sst s25  }
0xd: {  	s13 =	sadd.s32 s14, s9;
	s7 =	sshrl.u32 s7, $0x3;
	s24 =	sadd.s32 s10, s8  }
0xe: {  	s8 =	sadd.s32 $0x7800, s15;
	s13 =	sshrl.u32 s13, $0x3;
	s7 =	sadd.s32 s10, s7  }
0xf: {  	[smem:$0x7D0] =	sst s24;
	s12 =	sadd.s32 s14, s8;
	s28 =	sadd.s32 s10, s13  }
0x10: {  	s13 =	sadd.s32 $0xC800, s15;
	[smem:$0x7CF] =	sst s7;
	s7 =	sadd.s32 $0x6400, s15  }
0x11: {  	s12 =	sshrl.u32 s12, $0x3;
	[smem:$0x7D4] =	sst s28;
	s11 =	sadd.s32 s14, s7  }
0x12: {  	s18 =	sadd.s32 s14, s13;
	s26 =	sadd.s32 s10, s12;
	s11 =	sshrl.u32 s11, $0x3  }
0x13: {  	s12 =	sadd.s32 $0xB400, s15;
	[smem:$0x7D3] =	sst s26;
	s11 =	sadd.s32 s10, s11  }
0x14: {  	s18 =	sshrl.u32 s18, $0x3;
	[smem:$0x7D2] =	sst s11;
	s11 =	sadd.s32 $0xA000, s15  }
0x15: {  	s17 =	sadd.s32 s14, s12;
	s30 =	sadd.s32 s10, s18;
	s16 =	sadd.s32 s14, s11  }
0x16: {  	s18 =	sadd.s32 $0x10400, s15;
	s17 =	sshrl.u32 s17, $0x3;
	s16 =	sshrl.u32 s16, $0x3  }
0x17: {  	[smem:$0x7D7] =	sst s30;
	s29 =	sadd.s32 s10, s17;
	s16 =	sadd.s32 s10, s16  }
0x18: {  	s17 =	sadd.s32 $0xF000, s15;
	[smem:$0x7D5] =	sst s16;
	s16 =	sadd.s32 $0xDC00, s15  }
0x19: {  	s21 =	sadd.s32 s14, s18;
	s20 =	sadd.s32 s14, s17;
	s19 =	sadd.s32 s14, s16  }
0x1a: {  	s21 =	sshrl.u32 s21, $0x3;
	s20 =	sshrl.u32 s20, $0x3;
	s19 =	sshrl.u32 s19, $0x3  }
0x1b: {  	[smem:$0x7D6] =	sst s29;
	s31 =	sadd.s32 s10, s20;
	s19 =	sadd.s32 s10, s19  }
0x1c: {  	s20 =	sadd.s32 s10, s21;
	[smem:$0x7D8] =	sst s19;
	s19 =	sadd.s32 $0x11800, s15  }
0x1d: {  	[smem:$0x7D9] =	sst s31;
	s15 =	sadd.s32 $0x12C00, s15;
	s21 =	sadd.s32 s14, s19  }
0x1e: {  	[smem:$0x7DA] =	sst s20;
	s14 =	sadd.s32 s14, s15;
	s20 =	sshrl.u32 s21, $0x3  }
0x1f: {  	s14 =	sshrl.u32 s14, $0x3;
	s21 =	rddreg [dreg:$0x3];
	s20 =	sadd.s32 s10, s20  }
0x20: {  	s25 =	sadd.s32 $0x502A00, s2;
	s10 =	sadd.s32 s10, s14;
	[smem:$0x7DB] =	sst s20  }
0x21: {  	s26 =	sadd.s32 $0x550E00, s2;
	[smem:$0x7DC] =	sst s10  }
0x22: {  	s28 =	sshll.u32 s22, $0x6;
	_ =	strace $0x8000004A;
	[smem:$0x7DD] =	sst s25  }
0x23: {  	s24 =	smul.u32 $0x50000, s22;
	s29 =	sor.u32 $0x1C07, s28;
	[smem:$0x7DE] =	sst s26  }
0x24: {  	s20 =	sadd.s32 $0x2E00, s2;
	[smem:$0x7E0] =	sst s29  }
0x25: {  	s10 =	sshrl.u32 s24, $0x2;
	s24 =	sadd.s32 $0x4EEC00, s2;
	[smem:$0x7E4] =	sst s20  }
0x26: {  	s1 =	sadd.s32 s1, s21;
	[smem:$0x7E6] =	sst s24  }
0x27: {  	s3 =	sadd.s32 s3, s21;
	[smem:$0x7EA] =	sst s1  }
0x28: {  	s4 =	sadd.s32 s4, s21;
	[smem:$0x7EB] =	sst s3  }
0x29: {  	s7 =	sadd.s32 s7, s21;
	[smem:$0x7EC] =	sst s4  }
0x2a: {  	s8 =	sadd.s32 s8, s21;
	[smem:$0x7EE] =	sst s7  }
0x2b: {  	s9 =	sadd.s32 s9, s21;
	[smem:$0x7EF] =	sst s8  }
0x2c: {  	s11 =	sadd.s32 s11, s21;
	[smem:$0x7F0] =	sst s9  }
0x2d: {  	s6 =	sshll.u32 s6, $0x4;
	s14 =	sadd.s32 s12, s21;
	[smem:$0x7F1] =	sst s11  }
0x2e: {  	s6 =	sor.u32 s22, s6;
	s22 =	sadd.s32 s16, s21;
	[smem:$0x7F2] =	sst s14  }
0x2f: {  	s0 =	smax.u32 s0, $0x1;
	s25 =	sadd.s32 $0x4E4E00, s2;
	[smem:$0x7F4] =	sst s22  }
0x30: {  	s2 =	sadd.s32 $0x550C00, s2;
	[smem:$0x7F9] =	sst s0  }
0x31: {  	[smem:$0x7DF] =	sst s2  }
0x32: {  	s26 =	smul.u32 $0x2710, s6;
	s10 =	sadd.s32 s10, s21;
	[smem:$0x7E8] =	sst s25  }
0x33: {  	[smem:$0x7FD] =	sst s10  }
0x34: {  	s30 =	sshrl.u32 s26, $0x3;
	s31 =	sadd.s32 $0x28, s26;
	[smem:$0x7FB] =	sst s26  }
0x35: {  	s2 =	smul.u32 $0x27100, s6;
	s28 =	sadd.s32 s24, s30;
	[smem:$0x7E3] =	sst s31  }
0x36: {  	s6 =	sadd.s32 s25, s30;
	[smem:$0x7E1] =	sst s28  }
0x37: {  	s2 =	sadd.s32 s20, s2;
	[smem:$0x7E2] =	sst s6  }
0x38: {  	s29 =	sshrl.u32 s31, $0x3;
	s20 =	sadd.s32 s13, s21;
	[smem:$0x7E5] =	sst s2  }
0x39: {  	s12 =	simm.s32 $0x8E00;
	s30 =	sadd.s32 s24, s29;
	[smem:$0x7F3] =	sst s20  }
0x3a: {  	s3 =	simm.s32 $0x7;
	s31 =	sadd.s32 s25, s29;
	[smem:$0x7E7] =	sst s30  }
0x3b: {  	s4 =	simm.s32 $0x80;
	s6 =	sadd.s32 s5, s21;
	[smem:$0x7E9] =	sst s31  }
0x3c: {  	s7 =	simm.s32 $0x2900;
	s24 =	sadd.s32 s17, s21;
	[smem:$0x7ED] =	sst s6  }
0x3d: {  	s8 =	simm.s32 $0x3D00;
	s25 =	sadd.s32 s18, s21;
	[smem:$0x7F5] =	sst s24  }
.Ltmp0:
0x3e: {  	s28 =	sadd.s32 s19, s21;
	[smem:$0x7F6] =	sst s25;
	(pc) =	sbr.rel .LBB2_1-.Ltmp0, $4  }
0x3f: {  	s9 =	simm.s32 $0x5180;
	s29 =	sadd.s32 s15, s21;
	[smem:$0x7F7] =	sst s28  }
0x40: {  	v2 =	vlaneseq.u32;
	s11 =	simm.s32 $0x7A00;
	[smem:$0x7F8] =	sst s29;
	s30 =	sadd.s32 $0x50, s26  }
0x41: {  	vm0 =	vmmov $0xffff;
	v1 =	vshrl.u32 v2, $0x3;
	s1 =	simm.s32 $0x0;
	s31 =	sadd.s32 $0x78, s26;
	[smem:$0x7FA] =	sst s30  }
0x42: {  	v0 =	vand.u32 $0x7, v2;
	v2 =	vor.u32 $0x8, v2;
	v1 =	vmul.u32 $0x8, v1;
	s5 =	simm.s32 $0xA200;
	s6 =	simm.s32 $0x28;
	[smem:$0x7FC] =	sst s31  }
.LBB2_11:
0x43: {  	s0 =	simm.s32 $0x5  }
0x44: {  	_ =	swait.ge [sflag:s0], $0x1400  }
0x45: {  	[sflag:s0] =	ssyncset.done $0x0  }
0x46: {  	s18 =	simm.s32 $0x6;
	[sflag:s0] =	ssyncadd.s32 $0xFFFFEC00  }
0x47: {  	_ =	swait.ge [sflag:s18], $0x1400  }
0x48: {  	[sflag:s18] =	ssyncset.done $0x0  }
0x49: {  	[sflag:s18] =	ssyncadd.s32 $0xFFFFEC00  }
0x4a: {  	[bflag:$0x0] =	sbarrier.arrive $0xFFFF  }
0x4b: {  	s10 =	sld [smem:$0x7FD];
	_ =	sdelay $0x1  }
0x4c: {  	s8 =	simm.s32 $0x3D00  }
0x4d: {  	[tilespmem:s8], [sflag:$0x7] =	stream.linear.gather [spmem:s10], $0x1400, $0x38;
	[tilespmem:$0x1EA00] =	vst v63  }
0x4e: {  	_ =	swait.ge [sflag:s3], $0x1400  }
0x4f: {  	s19 =	sld [smem:$0x7CD]  }
0x50: {  	[sflag:s3] =	ssyncset.done $0x0  }
0x51: {  	[sflag:s3] =	ssyncadd.s32 $0xFFFFEC00  }
0x52: {  	[hbm4b:s19+s23] =	stream.linear.scatter [tilespmem:s8], [sflag:$0x7], $0x1400, $0x38;
	[tilespmem:$0x1EA00] =	vst v63  }
0x53: {  	_ =	swait.ge [sflag:s3], $0x1400  }
0x54: {  	s20 =	sld [smem:$0x7EA]  }
0x55: {  	[sflag:s3] =	ssyncset.done $0x0  }
0x56: {  	[sflag:s3] =	ssyncadd.s32 $0xFFFFEC00  }
0x57: {  	[tilespmem:s8], [sflag:$0x7] =	stream.linear.gather [spmem:s20], $0x1400, $0x38;
	[tilespmem:$0x1EA00] =	vst v63  }
0x58: {  	_ =	swait.ge [sflag:s3], $0x1400  }
0x59: {  	s21 =	sld [smem:$0x7CE]  }
0x5a: {  	[sflag:s3] =	ssyncset.done $0x0  }
0x5b: {  	[sflag:s3] =	ssyncadd.s32 $0xFFFFEC00  }
0x5c: {  	[hbm4b:s21+s23] =	stream.linear.scatter [tilespmem:s8], [sflag:$0x7], $0x1400, $0x38;
	[tilespmem:$0x1EA00] =	vst v63  }
0x5d: {  	_ =	swait.ge [sflag:s3], $0x1400  }
0x5e: {  	s22 =	sld [smem:$0x7EB]  }
0x5f: {  	[sflag:s3] =	ssyncset.done $0x0  }
0x60: {  	[sflag:s3] =	ssyncadd.s32 $0xFFFFEC00  }
0x61: {  	[tilespmem:s8], [sflag:$0x7] =	stream.linear.gather [spmem:s22], $0x1400, $0x38;
	[tilespmem:$0x1EA00] =	vst v63  }
0x62: {  	_ =	swait.ge [sflag:s3], $0x1400  }
0x63: {  	s24 =	sld [smem:$0x7CF]  }
0x64: {  	[sflag:s3] =	ssyncset.done $0x0  }
0x65: {  	[sflag:s3] =	ssyncadd.s32 $0xFFFFEC00  }
0x66: {  	[hbm4b:s24+s23] =	stream.linear.scatter [tilespmem:s8], [sflag:$0x7], $0x1400, $0x38;
	[tilespmem:$0x1EA00] =	vst v63  }
0x67: {  	_ =	swait.ge [sflag:s3], $0x1400  }
0x68: {  	s25 =	sld [smem:$0x7EC]  }
0x69: {  	[sflag:s3] =	ssyncset.done $0x0  }
0x6a: {  	[sflag:s3] =	ssyncadd.s32 $0xFFFFEC00  }
0x6b: {  	[tilespmem:s8], [sflag:$0x7] =	stream.linear.gather [spmem:s25], $0x1400, $0x38;
	[tilespmem:$0x1EA00] =	vst v63  }
0x6c: {  	_ =	swait.ge [sflag:s3], $0x1400  }
0x6d: {  	s26 =	sld [smem:$0x7D0]  }
0x6e: {  	[sflag:s3] =	ssyncset.done $0x0  }
0x6f: {  	[sflag:s3] =	ssyncadd.s32 $0xFFFFEC00  }
0x70: {  	[hbm4b:s26+s23] =	stream.linear.scatter [tilespmem:s8], [sflag:$0x7], $0x1400, $0x38;
	[tilespmem:$0x1EA00] =	vst v63  }
0x71: {  	_ =	swait.ge [sflag:s3], $0x1400  }
0x72: {  	s28 =	sld [smem:$0x7ED]  }
0x73: {  	[sflag:s3] =	ssyncset.done $0x0  }
0x74: {  	[sflag:s3] =	ssyncadd.s32 $0xFFFFEC00  }
0x75: {  	[tilespmem:s8], [sflag:$0x7] =	stream.linear.gather [spmem:s28], $0x1400, $0x38;
	[tilespmem:$0x1EA00] =	vst v63  }
0x76: {  	_ =	swait.ge [sflag:s3], $0x1400  }
0x77: {  	s29 =	sld [smem:$0x7D1]  }
0x78: {  	[sflag:s3] =	ssyncset.done $0x0  }
0x79: {  	[sflag:s3] =	ssyncadd.s32 $0xFFFFEC00  }
0x7a: {  	[hbm4b:s29+s23] =	stream.linear.scatter [tilespmem:s8], [sflag:$0x7], $0x1400, $0x38;
	[tilespmem:$0x1EA00] =	vst v63  }
0x7b: {  	_ =	swait.ge [sflag:s3], $0x1400  }
0x7c: {  	s30 =	sld [smem:$0x7EE]  }
0x7d: {  	[sflag:s3] =	ssyncset.done $0x0  }
0x7e: {  	[sflag:s3] =	ssyncadd.s32 $0xFFFFEC00  }
0x7f: {  	[tilespmem:s8], [sflag:$0x7] =	stream.linear.gather [spmem:s30], $0x1400, $0x38;
	[tilespmem:$0x1EA00] =	vst v63  }
0x80: {  	_ =	swait.ge [sflag:s3], $0x1400  }
0x81: {  	s31 =	sld [smem:$0x7D2]  }
0x82: {  	[sflag:s3] =	ssyncset.done $0x0  }
0x83: {  	[sflag:s3] =	ssyncadd.s32 $0xFFFFEC00  }
0x84: {  	[hbm4b:s31+s23] =	stream.linear.scatter [tilespmem:s8], [sflag:$0x7], $0x1400, $0x38;
	[tilespmem:$0x1EA00] =	vst v63  }
0x85: {  	_ =	swait.ge [sflag:s3], $0x1400  }
0x86: {  	s1 =	sld [smem:$0x7EF]  }
0x87: {  	[sflag:s3] =	ssyncset.done $0x0  }
0x88: {  	[sflag:s3] =	ssyncadd.s32 $0xFFFFEC00  }
0x89: {  	[tilespmem:s8], [sflag:$0x7] =	stream.linear.gather [spmem:s1], $0x1400, $0x38;
	[tilespmem:$0x1EA00] =	vst v63  }
0x8a: {  	_ =	swait.ge [sflag:s3], $0x1400  }
0x8b: {  	s2 =	sld [smem:$0x7D3]  }
0x8c: {  	[sflag:s3] =	ssyncset.done $0x0  }
0x8d: {  	[sflag:s3] =	ssyncadd.s32 $0xFFFFEC00  }
0x8e: {  	[hbm4b:s2+s23] =	stream.linear.scatter [tilespmem:s8], [sflag:$0x7], $0x1400, $0x38;
	[tilespmem:$0x1EA00] =	vst v63  }
0x8f: {  	_ =	swait.ge [sflag:s3], $0x1400  }
0x90: {  	s4 =	sld [smem:$0x7F0]  }
0x91: {  	[sflag:s3] =	ssyncset.done $0x0  }
0x92: {  	[sflag:s3] =	ssyncadd.s32 $0xFFFFEC00  }
0x93: {  	[tilespmem:s8], [sflag:$0x7] =	stream.linear.gather [spmem:s4], $0x1400, $0x38;
	[tilespmem:$0x1EA00] =	vst v63  }
0x94: {  	_ =	swait.ge [sflag:s3], $0x1400  }
0x95: {  	s7 =	sld [smem:$0x7D4]  }
0x96: {  	[sflag:s3] =	ssyncset.done $0x0  }
0x97: {  	[sflag:s3] =	ssyncadd.s32 $0xFFFFEC00  }
0x98: {  	[hbm4b:s7+s23] =	stream.linear.scatter [tilespmem:s8], [sflag:$0x7], $0x1400, $0x38;
	[tilespmem:$0x1EA00] =	vst v63  }
0x99: {  	_ =	swait.ge [sflag:s3], $0x1400  }
0x9a: {  	s13 =	sld [smem:$0x7F1]  }
0x9b: {  	[sflag:s3] =	ssyncset.done $0x0  }
0x9c: {  	[sflag:s3] =	ssyncadd.s32 $0xFFFFEC00  }
0x9d: {  	[tilespmem:s8], [sflag:$0x7] =	stream.linear.gather [spmem:s13], $0x1400, $0x38;
	[tilespmem:$0x1EA00] =	vst v63  }
0x9e: {  	_ =	swait.ge [sflag:s3], $0x1400  }
0x9f: {  	s14 =	sld [smem:$0x7D5]  }
0xa0: {  	[sflag:s3] =	ssyncset.done $0x0  }
0xa1: {  	[sflag:s3] =	ssyncadd.s32 $0xFFFFEC00  }
0xa2: {  	[hbm4b:s14+s23] =	stream.linear.scatter [tilespmem:s8], [sflag:$0x7], $0x1400, $0x38;
	[tilespmem:$0x1EA00] =	vst v63  }
0xa3: {  	_ =	swait.ge [sflag:s3], $0x1400  }
0xa4: {  	s15 =	sld [smem:$0x7F2]  }
0xa5: {  	[sflag:s3] =	ssyncset.done $0x0  }
0xa6: {  	[sflag:s3] =	ssyncadd.s32 $0xFFFFEC00  }
0xa7: {  	[tilespmem:s8], [sflag:$0x7] =	stream.linear.gather [spmem:s15], $0x1400, $0x38;
	[tilespmem:$0x1EA00] =	vst v63  }
0xa8: {  	_ =	swait.ge [sflag:s3], $0x1400  }
0xa9: {  	s16 =	sld [smem:$0x7D6]  }
0xaa: {  	[sflag:s3] =	ssyncset.done $0x0  }
0xab: {  	[sflag:s3] =	ssyncadd.s32 $0xFFFFEC00  }
0xac: {  	[hbm4b:s16+s23] =	stream.linear.scatter [tilespmem:s8], [sflag:$0x7], $0x1400, $0x38;
	[tilespmem:$0x1EA00] =	vst v63  }
0xad: {  	_ =	swait.ge [sflag:s3], $0x1400  }
0xae: {  	s17 =	sld [smem:$0x7F3]  }
0xaf: {  	[sflag:s3] =	ssyncset.done $0x0  }
0xb0: {  	[sflag:s3] =	ssyncadd.s32 $0xFFFFEC00  }
0xb1: {  	[tilespmem:s8], [sflag:$0x7] =	stream.linear.gather [spmem:s17], $0x1400, $0x38;
	[tilespmem:$0x1EA00] =	vst v63  }
0xb2: {  	_ =	swait.ge [sflag:s3], $0x1400  }
0xb3: {  	s18 =	sld [smem:$0x7D7]  }
0xb4: {  	[sflag:s3] =	ssyncset.done $0x0  }
0xb5: {  	[sflag:s3] =	ssyncadd.s32 $0xFFFFEC00  }
0xb6: {  	[hbm4b:s18+s23] =	stream.linear.scatter [tilespmem:s8], [sflag:$0x7], $0x1400, $0x38;
	[tilespmem:$0x1EA00] =	vst v63  }
0xb7: {  	_ =	swait.ge [sflag:s3], $0x1400  }
0xb8: {  	s19 =	sld [smem:$0x7F4]  }
0xb9: {  	[sflag:s3] =	ssyncset.done $0x0  }
0xba: {  	[sflag:s3] =	ssyncadd.s32 $0xFFFFEC00  }
0xbb: {  	[tilespmem:s8], [sflag:$0x7] =	stream.linear.gather [spmem:s19], $0x1400, $0x38;
	[tilespmem:$0x1EA00] =	vst v63  }
0xbc: {  	_ =	swait.ge [sflag:s3], $0x1400  }
0xbd: {  	s20 =	sld [smem:$0x7D8]  }
0xbe: {  	[sflag:s3] =	ssyncset.done $0x0  }
0xbf: {  	[sflag:s3] =	ssyncadd.s32 $0xFFFFEC00  }
0xc0: {  	[hbm4b:s20+s23] =	stream.linear.scatter [tilespmem:s8], [sflag:$0x7], $0x1400, $0x38;
	[tilespmem:$0x1EA00] =	vst v63  }
0xc1: {  	_ =	swait.ge [sflag:s3], $0x1400  }
0xc2: {  	s21 =	sld [smem:$0x7F5]  }
0xc3: {  	[sflag:s3] =	ssyncset.done $0x0  }
0xc4: {  	[sflag:s3] =	ssyncadd.s32 $0xFFFFEC00  }
0xc5: {  	[tilespmem:s8], [sflag:$0x7] =	stream.linear.gather [spmem:s21], $0x1400, $0x38;
	[tilespmem:$0x1EA00] =	vst v63  }
0xc6: {  	_ =	swait.ge [sflag:s3], $0x1400  }
0xc7: {  	s22 =	sld [smem:$0x7D9]  }
0xc8: {  	[sflag:s3] =	ssyncset.done $0x0  }
0xc9: {  	[sflag:s3] =	ssyncadd.s32 $0xFFFFEC00  }
0xca: {  	[hbm4b:s22+s23] =	stream.linear.scatter [tilespmem:s8], [sflag:$0x7], $0x1400, $0x38;
	[tilespmem:$0x1EA00] =	vst v63  }
0xcb: {  	_ =	swait.ge [sflag:s3], $0x1400  }
0xcc: {  	s24 =	sld [smem:$0x7F6]  }
0xcd: {  	[sflag:s3] =	ssyncset.done $0x0  }
0xce: {  	[sflag:s3] =	ssyncadd.s32 $0xFFFFEC00  }
0xcf: {  	[tilespmem:s8], [sflag:$0x7] =	stream.linear.gather [spmem:s24], $0x1400, $0x38;
	[tilespmem:$0x1EA00] =	vst v63  }
0xd0: {  	_ =	swait.ge [sflag:s3], $0x1400  }
0xd1: {  	s25 =	sld [smem:$0x7DA]  }
0xd2: {  	[sflag:s3] =	ssyncset.done $0x0  }
0xd3: {  	[sflag:s3] =	ssyncadd.s32 $0xFFFFEC00  }
0xd4: {  	[hbm4b:s25+s23] =	stream.linear.scatter [tilespmem:s8], [sflag:$0x7], $0x1400, $0x38;
	[tilespmem:$0x1EA00] =	vst v63  }
0xd5: {  	_ =	swait.ge [sflag:s3], $0x1400  }
0xd6: {  	s26 =	sld [smem:$0x7F7]  }
0xd7: {  	[sflag:s3] =	ssyncset.done $0x0  }
0xd8: {  	[sflag:s3] =	ssyncadd.s32 $0xFFFFEC00  }
0xd9: {  	[tilespmem:s8], [sflag:$0x7] =	stream.linear.gather [spmem:s26], $0x1400, $0x38;
	[tilespmem:$0x1EA00] =	vst v63  }
0xda: {  	_ =	swait.ge [sflag:s3], $0x1400  }
0xdb: {  	s28 =	sld [smem:$0x7DB]  }
0xdc: {  	[sflag:s3] =	ssyncset.done $0x0  }
0xdd: {  	[sflag:s3] =	ssyncadd.s32 $0xFFFFEC00  }
0xde: {  	[hbm4b:s28+s23] =	stream.linear.scatter [tilespmem:s8], [sflag:$0x7], $0x1400, $0x38;
	[tilespmem:$0x1EA00] =	vst v63  }
0xdf: {  	_ =	swait.ge [sflag:s3], $0x1400  }
0xe0: {  	s29 =	sld [smem:$0x7F8]  }
0xe1: {  	[sflag:s3] =	ssyncset.done $0x0  }
0xe2: {  	[sflag:s3] =	ssyncadd.s32 $0xFFFFEC00  }
0xe3: {  	[tilespmem:s8], [sflag:$0x7] =	stream.linear.gather [spmem:s29], $0x1400, $0x38;
	[tilespmem:$0x1EA00] =	vst v63  }
0xe4: {  	_ =	swait.ge [sflag:s3], $0x1400  }
0xe5: {  	s30 =	sld [smem:$0x7DC]  }
0xe6: {  	[sflag:s3] =	ssyncset.done $0x0  }
0xe7: {  	[sflag:s3] =	ssyncadd.s32 $0xFFFFEC00  }
0xe8: {  	[hbm4b:s30+s23] =	stream.linear.scatter [tilespmem:s8], [sflag:$0x7], $0x1400, $0x38;
	[tilespmem:$0x1EA00] =	vst v63  }
0xe9: {  	_ =	swait.ge [sflag:s3], $0x1400  }
0xea: {  	s1 =	sld [smem:$0x7CC]  }
0xeb: {  	s31 =	sld [smem:$0x7F9];
	_ =	sdelay $0x1  }
0xec: {  	s1 =	sadd.s32 $0x1, s1  }
0xed: {  	p0 =	sne.s32 s1, s31  }
.Ltmp1:
0xee: {  	_ = 	snop;
	(pc) =	sbr.rel @!p0 .LBB2_12-.Ltmp1, $3  }
0xef: {  	_ =	sdelay $0x1  }
0xf0: {  	[sflag:s3] =	ssyncset.done $0x0  }
0xf1: {  	s4 =	simm.s32 $0x80;
	s7 =	simm.s32 $0x2900;
	[sflag:s3] =	ssyncadd.s32 $0xFFFFEC00  }
.LBB2_1:
0xf2: {  	s14 =	sld [smem:$0x7DE]  }
0xf3: {  	s2 =	sld [smem:$0x7E0];
	_ =	sdelay $0x1  }
0xf4: {  	[smem:$0x7CC] =	sst s1;
	s0 =	sshrl.u32 s10, $0x3  }
0xf5: {  	[spmem:s0], [sflag:s2] =	dma.local [hbm:s14], $0x2800  }
0xf6: {  	_ =	swait.ge [sflag:s3], $0x2800  }
0xf7: {  	s15 =	sld [smem:$0x7DF]  }
0xf8: {  	[sflag:s3] =	ssyncset.done $0x0  }
0xf9: {  	[sflag:s3] =	ssyncadd.s32 $0xFFFFD800  }
0xfa: {  	[tilespmem:s5], [sflag:$0x7] =	stream.linear.gather [hbm4b:s15+s23], $0x800, $0x38;
	[tilespmem:$0x1EA00] =	vst v63  }
0xfb: {  	_ =	swait.ge [sflag:s3], $0x800  }
0xfc: {  	[sflag:s3] =	ssyncset.done $0x0  }
0xfd: {  	[sflag:s3] =	ssyncadd.s32 $0xFFFFF800  }
0xfe: {  	[bflag:$0x0] =	sbarrier.arrive $0xFFFF  }
0xff: {  	s16 =	sld [smem:$0x7E1];
	_ =	sdelay $0x1  }
0x100: {  	s17 =	sld [smem:$0x7E2]  }
0x101: {  	[tilespmem:s23], [sflag:$0x1] =	stream.linear.gather [hbm4b:s16+s23], $0x28, $0x38;
	[tilespmem:$0x1EA00] =	vst v63  }
0x102: {  	s18 =	simm.s32 $0x1  }
0x103: {  	[tilespmem:s4], [sflag:$0x1] =	stream.linear.gather [hbm4b:s17+s23], $0x28, $0x38;
	[tilespmem:$0x1EA00] =	vst v63  }
0x104: {  	_ =	swait.ge [sflag:s18], $0x28  }
0x105: {  	[sflag:s18] =	ssyncset.done $0x0  }
0x106: {  	[sflag:s18] =	ssyncadd.s32 $0xFFFFFFD8  }
0x107: {  	_ =	swait.ge [sflag:s18], $0x28  }
0x108: {  	[sflag:s18] =	ssyncset.done $0x0  }
0x109: {  	[sflag:s18] =	ssyncadd.s32 $0xFFFFFFD8  }
0x10a: {  	v3 =	vld [tilespmem:$0x0];
	_ =	sdelay $0x4  }
0x10b: {  	v4 =	vshll.u32 v3, $0x1  }
0x10c: {  	v3 =	vand.u32 $0x7, v3;
	v4 =	vand.u32 $0xFFFFFFF0, v4  }
0x10d: {  	v3 =	vor.u32 v3, v4  }
0x10e: {  	v4 =	vperm.xlane v3, v0;
	_ =	sdelay $0x1  }
0x10f: {  	v3 =	vperm.xlane v3, v2;
	v4 =	vadd.s32 v1, v4;
	_ =	sdelay $0x1  }
0x110: {  	s19 =	sld [smem:$0x7DD];
	v3 =	vadd.s32 v1, v3;
	_ =	sdelay $0x1  }
0x111: {  	s20 =	simm.s32 $0x100  }
0x112: {  	[tilespmem:s20], [sflag:$0x3] =	stream.indirect_vreg.gather [hbm4b:s19+s23], $0x80, v4, vm0, $0xb8;
	[tilespmem:$0x1EA00] =	vst v63  }
0x113: {  	s21 =	simm.s32 $0x900  }
0x114: {  	[tilespmem:s21], [sflag:$0x3] =	stream.indirect_vreg.gather [hbm4b:s19+s23], $0x80, v3, vm0, $0xb8;
	[tilespmem:$0x1EA00] =	vst v63  }
0x115: {  	v3 =	vld [tilespmem:$0x10];
	_ =	sdelay $0x4  }
0x116: {  	v62 =	vshll.u32 v3, $0x1  }
0x117: {  	v3 =	vand.u32 $0x7, v3;
	v4 =	vand.u32 $0xFFFFFFF0, v62  }
0x118: {  	v3 =	vor.u32 v3, v4  }
0x119: {  	v4 =	vperm.xlane v3, v0;
	_ =	sdelay $0x1  }
0x11a: {  	v3 =	vperm.xlane v3, v2;
	v4 =	vadd.s32 v1, v4;
	_ =	sdelay $0x1  }
0x11b: {  	v3 =	vadd.s32 v1, v3;
	_ =	sdelay $0x1  }
0x11c: {  	s22 =	simm.s32 $0x1100  }
0x11d: {  	[tilespmem:s22], [sflag:$0x3] =	stream.indirect_vreg.gather [hbm4b:s19+s23], $0x80, v4, vm0, $0xb8;
	[tilespmem:$0x1EA00] =	vst v63  }
0x11e: {  	s24 =	simm.s32 $0x1900  }
0x11f: {  	[tilespmem:s24], [sflag:$0x3] =	stream.indirect_vreg.gather [hbm4b:s19+s23], $0x80, v3, vm0, $0xb8;
	[tilespmem:$0x1EA00] =	vst v63  }
0x120: {  	v3 =	vld.msk [tilespmem:$0x20], $0xff;
	_ =	sdelay $0x4  }
0x121: {  	v63 =	vshll.u32 v3, $0x1  }
0x122: {  	v3 =	vand.u32 $0x7, v3;
	v4 =	vand.u32 $0xFFFFFFF0, v63  }
0x123: {  	v3 =	vor.u32 v3, v4  }
0x124: {  	v3 =	vperm.xlane v3, v0;
	_ =	sdelay $0x1  }
0x125: {  	v3 =	vadd.s32 v1, v3;
	_ =	sdelay $0x3  }
0x126: {  	s25 =	simm.s32 $0x2100;
	s28 =	sld [smem:$0x7E5]  }
0x127: {  	[tilespmem:s25], [sflag:$0x3] =	stream.indirect_vreg.gather [hbm4b:s19+s23], $0x80, v3, vm0, $0xb8;
	[tilespmem:$0x1EA00] =	vst v63  }
0x128: {  	s26 =	rddreg [dreg:$0x1]  }
0x129: {  	[tilespmem:s7], [sflag:$0x3] =	stream.indirect.gather [hbm4b:s26+s6], $0x80, s4, s6, $0xb8;
	[tilespmem:$0x1EA00] =	vst v63  }
0x12a: {  	s29 =	sld [smem:$0x7E7]  }
0x12b: {  	[tilespmem:s8], [sflag:$0x3] =	stream.linear.gather [hbm4b:s28+s23], $0x1400, $0x38;
	[tilespmem:$0x1EA00] =	vst v63  }
0x12c: {  	s30 =	simm.s32 $0x5100;
	s31 =	sld [smem:$0x7E9]  }
0x12d: {  	[tilespmem:s30], [sflag:$0x2] =	stream.linear.gather [hbm4b:s29+s23], $0x28, $0x38;
	[tilespmem:$0x1EA00] =	vst v63  }
0x12e: {  	s3 =	simm.s32 $0x0  }
0x12f: {  	[tilespmem:s9], [sflag:$0x2] =	stream.linear.gather [hbm4b:s31+s23], $0x28, $0x38;
	[tilespmem:$0x1EA00] =	vst v63  }
.LBB2_2:
0x130: {  	s0 =	simm.s32 $0x3  }
0x131: {  	_ =	swait.ge [sflag:s0], $0x2800  }
0x132: {  	[sflag:s0] =	ssyncset.done $0x0  }
0x133: {  	[sflag:s0] =	ssyncadd.s32 $0xFFFFD800  }
0x134: {  	_ =	swait.ge [sflag:s0], $0x1400  }
0x135: {  	[sflag:s0] =	ssyncset.done $0x0  }
0x136: {  	[sflag:s0] =	ssyncadd.s32 $0xFFFFEC00  }
0x137: {  	_ =	swait.ge [sflag:s0], $0x1400  }
0x138: {  	p0 =	seq.s32 s3, $0x0;
	[sflag:s0] =	ssyncset.done $0x0  }
0x139: {  	[sflag:s0] =	ssyncadd.s32 $0xFFFFEC00;
	s0 =	simm.s32 @!p0 $0x6  }
0x13a: {  	_ =	swait.ge @!p0 [sflag:s0], $0x1400  }
0x13b: {  	[sflag:s0] =	ssyncset.done @!p0 $0x0  }
0x13c: {  	s21 =	simm.s32 $0x2;
	[sflag:s0] =	ssyncadd.s32 @!p0 $0xFFFFEC00  }
0x13d: {  	_ =	swait.ge [sflag:s21], $0x28  }
0x13e: {  	[sflag:s21] =	ssyncset.done $0x0  }
0x13f: {  	[sflag:s21] =	ssyncadd.s32 $0xFFFFFFD8  }
0x140: {  	_ =	swait.ge [sflag:s21], $0x28  }
0x141: {  	[sflag:s21] =	ssyncset.done $0x0  }
0x142: {  	[sflag:s21] =	ssyncadd.s32 $0xFFFFFFD8  }
0x143: {  	v3 =	vld [tilespmem:$0x5100];
	_ =	sdelay $0x4  }
0x144: {  	v4 =	vshll.u32 v3, $0x1  }
0x145: {  	v3 =	vand.u32 $0x7, v3;
	v4 =	vand.u32 $0xFFFFFFF0, v4  }
0x146: {  	v3 =	vor.u32 v3, v4  }
0x147: {  	v4 =	vperm.xlane v3, v0;
	_ =	sdelay $0x1  }
0x148: {  	v3 =	vperm.xlane v3, v2;
	v4 =	vadd.s32 v1, v4;
	_ =	sdelay $0x1  }
0x149: {  	s1 =	sld [smem:$0x7DD];
	v3 =	vadd.s32 v1, v3;
	_ =	sdelay $0x1  }
0x14a: {  	s22 =	simm.s32 $0x0;
	s2 =	simm.s32 $0x5200  }
0x14b: {  	[tilespmem:s2], [sflag:$0x4] =	stream.indirect_vreg.gather [hbm4b:s1+s22], $0x80, v4, vm0, $0xb8;
	[tilespmem:$0x1EA00] =	vst v63  }
0x14c: {  	s24 =	simm.s32 $0x5A00  }
0x14d: {  	[tilespmem:s24], [sflag:$0x4] =	stream.indirect_vreg.gather [hbm4b:s1+s22], $0x80, v3, vm0, $0xb8;
	[tilespmem:$0x1EA00] =	vst v63  }
0x14e: {  	v3 =	vld [tilespmem:$0x5110];
	_ =	sdelay $0x4  }
0x14f: {  	v4 =	vshll.u32 v3, $0x1  }
0x150: {  	v3 =	vand.u32 $0x7, v3;
	v4 =	vand.u32 $0xFFFFFFF0, v4  }
0x151: {  	v3 =	vor.u32 v3, v4  }
0x152: {  	v4 =	vperm.xlane v3, v0;
	_ =	sdelay $0x1  }
0x153: {  	v3 =	vperm.xlane v3, v2;
	v4 =	vadd.s32 v1, v4;
	_ =	sdelay $0x1  }
0x154: {  	v3 =	vadd.s32 v1, v3;
	_ =	sdelay $0x1  }
0x155: {  	s25 =	simm.s32 $0x6200  }
0x156: {  	[tilespmem:s25], [sflag:$0x4] =	stream.indirect_vreg.gather [hbm4b:s1+s22], $0x80, v4, vm0, $0xb8;
	[tilespmem:$0x1EA00] =	vst v63  }
0x157: {  	s26 =	simm.s32 $0x6A00  }
0x158: {  	[tilespmem:s26], [sflag:$0x4] =	stream.indirect_vreg.gather [hbm4b:s1+s22], $0x80, v3, vm0, $0xb8;
	[tilespmem:$0x1EA00] =	vst v63  }
0x159: {  	v3 =	vld.msk [tilespmem:$0x5120], $0xff;
	_ =	sdelay $0x4  }
0x15a: {  	v4 =	vshll.u32 v3, $0x1  }
0x15b: {  	v3 =	vand.u32 $0x7, v3;
	v4 =	vand.u32 $0xFFFFFFF0, v4  }
0x15c: {  	v3 =	vor.u32 v3, v4  }
0x15d: {  	v3 =	vperm.xlane v3, v0;
	_ =	sdelay $0x1  }
0x15e: {  	v3 =	vadd.s32 v1, v3;
	_ =	sdelay $0x3  }
0x15f: {  	s31 =	simm.s32 $0x7200;
	s8 =	sld [smem:$0x7E3]  }
0x160: {  	[tilespmem:s31], [sflag:$0x4] =	stream.indirect_vreg.gather [hbm4b:s1+s22], $0x80, v3, vm0, $0xb8;
	[tilespmem:$0x1EA00] =	vst v63  }
0x161: {  	s4 =	smul.u32 $0x50, s3;
	s7 =	rddreg [dreg:$0x1]  }
0x162: {  	[tilespmem:s11], [sflag:$0x4] =	stream.indirect.gather [hbm4b:s7+s6], $0x80, s9, s6, $0xb8;
	[tilespmem:$0x1EA00] =	vst v63  }
0x163: {  	s9 =	sld [smem:$0x7E4]  }
0x164: {  	s10 =	simm.s32 $0x180;
	s1 =	sadd.s32 s4, s8  }
0x165: {  	s23 =	simm.s32 $0x2A00;
	[smem:$0x7C5] =	sst s3;
	s2 =	sshll.u32 s1, $0x4  }
0x166: {  	[smem:$0x7CA] =	sst s4;
	s11 =	sand.u32 $0x3800, s22;
	s1 =	sadd.s32 s9, s2  }
0x167: {  	[tilespmem:s12], [sflag:$0x4] =	stream.linear.gather [hbm4b:s1+s22], $0x1400, $0x38;
	[tilespmem:$0x1EA00] =	vst v63  }
0x168: {  	[smem:$0x7C6] =	sst s2;
	s2 =	sor.u32 $0x100, s11;
	s1 =	sand.u32 $0x380, s10  }
0x169: {  	s3 =	sadd.s32 s1, s2;
	v3 =	vld [tilespmem:s23+$0x80]  }
0x16a: {  	v4 =	vld [tilespmem:s3+$0x0]  }
0x16b: {  	s11 =	simm.s32 $0x3E00  }
0x16c: {  	v5 =	vld [tilespmem:s11+$0x80];
	_ =	sdelay $0x2  }
0x16d: {  	v3 =	vadd.f32 v3, v4;
	_ =	sdelay $0x1  }
0x16e: {  	v3 =	vadd.f32 v5, v3;
	_ =	sdelay $0x1  }
0x16f: {  	s4 =	simm.s32 $0x80;
	v4 =	vmul.f32 $1.280000000e+02, v3  }
0x170: {  	s4 =	sand.u32 $0x280, s4;
	s7 =	simm.s32 $0x100  }
0x171: {  	s13 =	sand.u32 $0x300, s7;
	s12 =	simm.s32 $0x0;
	s21 =	sor.u32 s4, s2;
	v6 =	vld [tilespmem:s23+$0xFFFFFF80];
	v4 =	vadd.f32 $1.024000000e+03, v4  }
0x172: {  	s15 =	sadd.s32 s13, s2;
	s1 =	sand.u32 $0x200, s12;
	v8 =	vld [tilespmem:s21+$0x0]  }
0x173: {  	v9 =	vld [tilespmem:s15+$0x0];
	s6 =	sor.u32 s1, s2;
	v4 =	vmax.f32 v4, $0.0e+00  }
0x174: {  	v7 =	vld [tilespmem:s6+$0x0];
	v4 =	vmin.f32 v4, $2.047000000e+03  }
0x175: {  	v5 =	vld [tilespmem:s23+$0xFFFFFF00];
	v4 =	vtrunc.f32 v4  }
0x176: {  	v10 =	vld [tilespmem:s23+$0x0];
	v4 =	vcvt.f32.s32 v4  }
0x177: {  	v11 =	vld [tilespmem:s11+$0xFFFFFF00]  }
0x178: {  	s14 =	sand.u32 $0x7, s22;
	v12 =	vld [tilespmem:s11+$0xFFFFFF80]  }
0x179: {  	s1 =	sshll.u32 s14, $0x7  }
0x17a: {  	v13 =	vld [tilespmem:s11+$0x0];
	s1 =	sadd.s32 $0x0, s1;
	v5 =	vadd.f32 v5, v7  }
0x17b: {  	s2 =	sadd.s32 $0x180, s1;
	v6 =	vadd.f32 v6, v8  }
0x17c: {  	s16 =	sor.u32 $0x400, s2;
	v5 =	vadd.f32 v11, v5;
	v4 =	vld.idx.msk [tilespmem:v4+s5+$0x0], $0xffff;
	[tilespmem:s11+$0x80] =	vst v3  }
0x17d: {  	v6 =	vadd.f32 v12, v6;
	v3 =	vadd.f32 v10, v9;
	v7 =	vld [tilespmem:s16+$0x100]  }
0x17e: {  	v8 =	vmul.f32 $1.280000000e+02, v5  }
0x17f: {  	v9 =	vmul.f32 $1.280000000e+02, v6;
	v3 =	vadd.f32 v13, v3  }
0x180: {  	v8 =	vadd.f32 $1.024000000e+03, v8  }
0x181: {  	v9 =	vadd.f32 $1.024000000e+03, v9;
	v10 =	vmul.f32 $1.280000000e+02, v3  }
0x182: {  	v4 =	vmul.f32 v7, v4;
	v7 =	vmax.f32 v8, $0.0e+00  }
0x183: {  	v9 =	vmax.f32 v9, $0.0e+00;
	v8 =	vadd.f32 $1.024000000e+03, v10;
	v7 =	vmin.f32 v7, $2.047000000e+03  }
0x184: {  	[tilespmem:s23+$0x80] =	vst v4;
	v4 =	vtrunc.f32 v7;
	v7 =	vmin.f32 v9, $2.047000000e+03  }
0x185: {  	v8 =	vmax.f32 v8, $0.0e+00;
	v4 =	vcvt.f32.s32 v4;
	v7 =	vtrunc.f32 v7  }
0x186: {  	v9 =	vld [tilespmem:s23+$0x90];
	v8 =	vmin.f32 v8, $2.047000000e+03;
	v7 =	vcvt.f32.s32 v7  }
0x187: {  	v10 =	vld [tilespmem:s3+$0x10];
	v8 =	vtrunc.f32 v8  }
0x188: {  	p0 =	por $0x0, $0x0;
	s4 =	simm.s32 $0x1;
	v8 =	vcvt.f32.s32 v8  }
0x189: {  	s4 =	simm.s32 @!p0 $0x0;
	v11 =	vld [tilespmem:s11+$0x90]  }
0x18a: {  	s4 =	sshll.u32 s4, $0x9  }
0x18b: {  	s25 =	sadd.s32 $0x0, s4;
	v4 =	vld.idx.msk [tilespmem:v4+s5+$0x0], $0xffff  }
0x18c: {  	s0 =	sand.u32 $0x3, s22;
	s4 =	sor.u32 $0x400, s25;
	v9 =	vadd.f32 v9, v10;
	[tilespmem:s11+$0xFFFFFF00] =	vst v5;
	v7 =	vld.idx.msk [tilespmem:v7+s5+$0x0], $0xffff  }
0x18d: {  	s0 =	sshll.u32 s0, $0x8;
	s16 =	sadd.s32 $0x80, s1;
	[tilespmem:s11+$0xFFFFFF80] =	vst v6;
	v6 =	vld [tilespmem:s4+$0x100]  }
0x18e: {  	s0 =	sadd.s32 $0x0, s0;
	s17 =	sor.u32 $0x400, s16;
	v9 =	vadd.f32 v11, v9;
	v5 =	vld.idx.msk [tilespmem:v8+s5+$0x0], $0xffff  }
0x18f: {  	s26 =	sadd.s32 $0x100, s0;
	[tilespmem:s11+$0x0] =	vst v3;
	v3 =	vld [tilespmem:s17+$0x100]  }
0x190: {  	s18 =	sor.u32 $0x400, s26;
	v8 =	vmul.f32 $1.280000000e+02, v9  }
0x191: {  	v10 =	vld [tilespmem:s18+$0x100]  }
0x192: {  	v8 =	vadd.f32 $1.024000000e+03, v8  }
0x193: {  	v11 =	vld [tilespmem:s23+$0xFFFFFF10];
	v4 =	vmul.f32 v6, v4  }
0x194: {  	v8 =	vmax.f32 v8, $0.0e+00;
	v3 =	vmul.f32 v3, v7;
	v7 =	vld [tilespmem:s23+$0x10]  }
0x195: {  	v6 =	vmin.f32 v8, $2.047000000e+03;
	v8 =	vld [tilespmem:s23+$0xFFFFFF90];
	[tilespmem:s23+$0xFFFFFF00] =	vst v4  }
0x196: {  	v4 =	vmul.f32 v10, v5;
	v6 =	vtrunc.f32 v6;
	v10 =	vld [tilespmem:s11+$0xFFFFFF10]  }
0x197: {  	[tilespmem:s23+$0xFFFFFF80] =	vst v3;
	v5 =	vcvt.f32.s32 v6;
	v6 =	vld [tilespmem:s6+$0x10]  }
0x198: {  	v3 =	vld [tilespmem:s21+$0x10]  }
0x199: {  	[tilespmem:s23+$0x0] =	vst v4;
	v12 =	vld [tilespmem:s11+$0xFFFFFF90]  }
0x19a: {  	v4 =	vld [tilespmem:s15+$0x10];
	_ =	sdelay $0x1  }
0x19b: {  	v13 =	vld [tilespmem:s11+$0x10];
	v6 =	vadd.f32 v11, v6  }
0x19c: {  	s19 =	sor.u32 $0x410, s2;
	v3 =	vadd.f32 v8, v3;
	v5 =	vld.idx.msk [tilespmem:v5+s5+$0x0], $0xffff;
	[tilespmem:s11+$0x90] =	vst v9  }
0x19d: {  	v9 =	vld [tilespmem:s19+$0x100];
	v6 =	vadd.f32 v10, v6  }
0x19e: {  	v4 =	vadd.f32 v7, v4;
	v3 =	vadd.f32 v12, v3  }
0x19f: {  	v7 =	vmul.f32 $1.280000000e+02, v6  }
0x1a0: {  	v4 =	vadd.f32 v13, v4;
	v8 =	vmul.f32 $1.280000000e+02, v3  }
0x1a1: {  	v7 =	vadd.f32 $1.024000000e+03, v7  }
0x1a2: {  	v8 =	vadd.f32 $1.024000000e+03, v8;
	v5 =	vmul.f32 v9, v5;
	v9 =	vmul.f32 $1.280000000e+02, v4;
	_ =	sdelay $0x1  }
0x1a3: {  	v8 =	vmax.f32 v8, $0.0e+00;
	[tilespmem:s23+$0x90] =	vst v5;
	v5 =	vmax.f32 v7, $0.0e+00;
	v7 =	vadd.f32 $1.024000000e+03, v9;
	v9 =	vld [tilespmem:s23+$0xA0]  }
0x1a4: {  	v8 =	vmin.f32 v8, $2.047000000e+03;
	v10 =	vld [tilespmem:s3+$0x20]  }
0x1a5: {  	v5 =	vmin.f32 v5, $2.047000000e+03;
	v8 =	vtrunc.f32 v8  }
0x1a6: {  	v11 =	vld [tilespmem:s11+$0xA0];
	v5 =	vtrunc.f32 v5;
	v7 =	vmax.f32 v7, $0.0e+00;
	v8 =	vcvt.f32.s32 v8  }
0x1a7: {  	v7 =	vmin.f32 v7, $2.047000000e+03;
	v5 =	vcvt.f32.s32 v5  }
0x1a8: {  	v7 =	vtrunc.f32 v7  }
0x1a9: {  	v7 =	vcvt.f32.s32 v7;
	v9 =	vadd.f32 v9, v10;
	_ =	sdelay $0x1  }
0x1aa: {  	v9 =	vadd.f32 v11, v9  }
0x1ab: {  	v8 =	vld.idx.msk [tilespmem:v8+s5+$0x0], $0xffff  }
0x1ac: {  	s20 =	sor.u32 $0x410, s25;
	v5 =	vld.idx.msk [tilespmem:v5+s5+$0x0], $0xffff;
	[tilespmem:s11+$0xFFFFFF10] =	vst v6;
	v10 =	vmul.f32 $1.280000000e+02, v9  }
0x1ad: {  	[tilespmem:s11+$0xFFFFFF90] =	vst v3;
	v3 =	vld [tilespmem:s20+$0x100]  }
0x1ae: {  	s22 =	sor.u32 $0x410, s16;
	v6 =	vld.idx.msk [tilespmem:v7+s5+$0x0], $0xffff;
	v7 =	vadd.f32 $1.024000000e+03, v10  }
0x1af: {  	v10 =	vld [tilespmem:s22+$0x100]  }
0x1b0: {  	[tilespmem:s11+$0x10] =	vst v4;
	v4 =	vmax.f32 v7, $0.0e+00  }
0x1b1: {  	v4 =	vmin.f32 v4, $2.047000000e+03  }
0x1b2: {  	s24 =	sor.u32 $0x410, s26;
	v12 =	vld [tilespmem:s23+$0xFFFFFFA0];
	v3 =	vmul.f32 v3, v5;
	v4 =	vtrunc.f32 v4  }
0x1b3: {  	v7 =	vld [tilespmem:s24+$0x100];
	v4 =	vcvt.f32.s32 v4  }
0x1b4: {  	v11 =	vld [tilespmem:s23+$0xFFFFFF20];
	v8 =	vmul.f32 v10, v8;
	[tilespmem:s23+$0xFFFFFF10] =	vst v3  }
0x1b5: {  	v3 =	vld [tilespmem:s6+$0x20]  }
0x1b6: {  	v10 =	vld [tilespmem:s11+$0xFFFFFF20];
	[tilespmem:s23+$0xFFFFFF90] =	vst v8  }
0x1b7: {  	v8 =	vld [tilespmem:s21+$0x20]  }
0x1b8: {  	v6 =	vmul.f32 v7, v6;
	v7 =	vld [tilespmem:s11+$0xFFFFFFA0]  }
0x1b9: {  	s31 =	sor.u32 $0x420, s2;
	v4 =	vld.idx.msk [tilespmem:v4+s5+$0x0], $0xffff;
	[tilespmem:s11+$0xA0] =	vst v9  }
0x1ba: {  	[tilespmem:s23+$0x10] =	vst v6;
	v6 =	vld [tilespmem:s31+$0x100]  }
0x1bb: {  	v5 =	vld [tilespmem:s23+$0x20];
	v3 =	vadd.f32 v11, v3  }
0x1bc: {  	v9 =	vld [tilespmem:s15+$0x20];
	v8 =	vadd.f32 v12, v8  }
0x1bd: {  	v3 =	vadd.f32 v10, v3  }
0x1be: {  	v11 =	vld [tilespmem:s11+$0x20];
	v7 =	vadd.f32 v7, v8  }
0x1bf: {  	v4 =	vmul.f32 v6, v4;
	v6 =	vmul.f32 $1.280000000e+02, v3  }
0x1c0: {  	v8 =	vmul.f32 $1.280000000e+02, v7  }
0x1c1: {  	v5 =	vadd.f32 v5, v9;
	[tilespmem:s23+$0xA0] =	vst v4;
	v4 =	vadd.f32 $1.024000000e+03, v6  }
0x1c2: {  	v6 =	vld [tilespmem:s23+$0xB0];
	v8 =	vadd.f32 $1.024000000e+03, v8  }
0x1c3: {  	v5 =	vadd.f32 v11, v5;
	v9 =	vld [tilespmem:s3+$0x30];
	v4 =	vmax.f32 v4, $0.0e+00  }
0x1c4: {  	v8 =	vmax.f32 v8, $0.0e+00;
	v4 =	vmin.f32 v4, $2.047000000e+03  }
0x1c5: {  	v10 =	vmul.f32 $1.280000000e+02, v5;
	v11 =	vld [tilespmem:s11+$0xB0];
	v8 =	vmin.f32 v8, $2.047000000e+03;
	v4 =	vtrunc.f32 v4  }
0x1c6: {  	v8 =	vtrunc.f32 v8;
	v4 =	vcvt.f32.s32 v4  }
0x1c7: {  	v10 =	vadd.f32 $1.024000000e+03, v10;
	v8 =	vcvt.f32.s32 v8  }
0x1c8: {  	v6 =	vadd.f32 v6, v9  }
0x1c9: {  	v10 =	vmax.f32 v10, $0.0e+00  }
0x1ca: {  	v9 =	vmin.f32 v10, $2.047000000e+03;
	v6 =	vadd.f32 v11, v6  }
0x1cb: {  	v9 =	vtrunc.f32 v9  }
0x1cc: {  	v9 =	vcvt.f32.s32 v9;
	v10 =	vmul.f32 $1.280000000e+02, v6;
	v4 =	vld.idx.msk [tilespmem:v4+s5+$0x0], $0xffff  }
0x1cd: {  	s1 =	sor.u32 $0x420, s25;
	[tilespmem:s11+$0xFFFFFF20] =	vst v3;
	v3 =	vld.idx.msk [tilespmem:v8+s5+$0x0], $0xffff  }
0x1ce: {  	s4 =	sor.u32 $0x420, s16;
	[tilespmem:s11+$0xFFFFFFA0] =	vst v7;
	v8 =	vadd.f32 $1.024000000e+03, v10;
	v7 =	vld [tilespmem:s1+$0x100]  }
0x1cf: {  	v10 =	vld [tilespmem:s4+$0x100]  }
0x1d0: {  	v8 =	vmax.f32 v8, $0.0e+00  }
0x1d1: {  	v11 =	vld [tilespmem:s23+$0xFFFFFF30];
	v8 =	vmin.f32 v8, $2.047000000e+03  }
0x1d2: {  	s7 =	sor.u32 $0x420, s26;
	v9 =	vld.idx.msk [tilespmem:v9+s5+$0x0], $0xffff;
	[tilespmem:s11+$0x20] =	vst v5;
	v5 =	vtrunc.f32 v8  }
0x1d3: {  	v8 =	vld [tilespmem:s7+$0x100];
	v5 =	vcvt.f32.s32 v5;
	v4 =	vmul.f32 v7, v4  }
0x1d4: {  	v7 =	vld [tilespmem:s23+$0xFFFFFFB0];
	v3 =	vmul.f32 v10, v3  }
0x1d5: {  	v10 =	vld [tilespmem:s23+$0x30];
	[tilespmem:s23+$0xFFFFFF20] =	vst v4  }
0x1d6: {  	[tilespmem:s23+$0xFFFFFFA0] =	vst v3;
	v4 =	vld [tilespmem:s6+$0x30]  }
0x1d7: {  	v3 =	vld [tilespmem:s21+$0x30]  }
0x1d8: {  	v8 =	vmul.f32 v8, v9;
	v9 =	vld [tilespmem:s11+$0xFFFFFF30]  }
0x1d9: {  	s8 =	sor.u32 $0x430, s2;
	v5 =	vld.idx.msk [tilespmem:v5+s5+$0x0], $0xffff;
	[tilespmem:s11+$0xB0] =	vst v6  }
0x1da: {  	[tilespmem:s23+$0x20] =	vst v8;
	v6 =	vld [tilespmem:s8+$0x100]  }
0x1db: {  	s9 =	simm.s32 $0x400;
	v8 =	vld [tilespmem:s15+$0x30]  }
0x1dc: {  	s10 =	simm.s32 $0x380;
	s0 =	sand.u32 $0x3800, s9;
	v13 =	vld [tilespmem:s11+$0x30]  }
0x1dd: {  	s0 =	sor.u32 $0x100, s0;
	s1 =	sand.u32 $0x380, s10;
	s8 =	simm.s32 $0x2C00;
	v4 =	vadd.f32 v11, v4;
	v11 =	vld [tilespmem:s11+$0xFFFFFFB0]  }
0x1de: {  	s31 =	sadd.s32 s1, s0;
	v12 =	vld [tilespmem:s8+$0x80]  }
0x1df: {  	v4 =	vadd.f32 v9, v4;
	v9 =	vld [tilespmem:s31+$0x0]  }
0x1e0: {  	s7 =	simm.s32 $0x4000  }
0x1e1: {  	v3 =	vadd.f32 v7, v3;
	v7 =	vld [tilespmem:s7+$0x80];
	v5 =	vmul.f32 v6, v5;
	v6 =	vmul.f32 $1.280000000e+02, v4  }
0x1e2: {  	v8 =	vadd.f32 v10, v8  }
0x1e3: {  	v3 =	vadd.f32 v11, v3;
	[tilespmem:s23+$0xB0] =	vst v5;
	v5 =	vadd.f32 $1.024000000e+03, v6;
	v6 =	vld [tilespmem:s23+$0xC0]  }
0x1e4: {  	v8 =	vadd.f32 v13, v8;
	v10 =	vld [tilespmem:s3+$0x40];
	v9 =	vadd.f32 v12, v9  }
0x1e5: {  	v11 =	vmul.f32 $1.280000000e+02, v3  }
0x1e6: {  	v12 =	vld [tilespmem:s11+$0xC0];
	v5 =	vmax.f32 v5, $0.0e+00;
	v7 =	vadd.f32 v7, v9;
	v9 =	vmul.f32 $1.280000000e+02, v8  }
0x1e7: {  	v5 =	vmin.f32 v5, $2.047000000e+03;
	v11 =	vadd.f32 $1.024000000e+03, v11  }
0x1e8: {  	v5 =	vtrunc.f32 v5;
	v13 =	vmul.f32 $1.280000000e+02, v7;
	v9 =	vadd.f32 $1.024000000e+03, v9  }
0x1e9: {  	v5 =	vcvt.f32.s32 v5;
	v11 =	vmax.f32 v11, $0.0e+00;
	v6 =	vadd.f32 v6, v10  }
0x1ea: {  	v10 =	vmin.f32 v11, $2.047000000e+03;
	v11 =	vadd.f32 $1.024000000e+03, v13;
	v9 =	vmax.f32 v9, $0.0e+00  }
0x1eb: {  	v10 =	vtrunc.f32 v10;
	v6 =	vadd.f32 v12, v6;
	v9 =	vmin.f32 v9, $2.047000000e+03  }
0x1ec: {  	v10 =	vcvt.f32.s32 v10;
	v11 =	vmax.f32 v11, $0.0e+00;
	v9 =	vtrunc.f32 v9  }
0x1ed: {  	v12 =	vmul.f32 $1.280000000e+02, v6;
	v11 =	vmin.f32 v11, $2.047000000e+03;
	v9 =	vcvt.f32.s32 v9  }
0x1ee: {  	v11 =	vtrunc.f32 v11  }
0x1ef: {  	s12 =	sor.u32 $0x430, s25;
	v5 =	vld.idx.msk [tilespmem:v5+s5+$0x0], $0xffff;
	[tilespmem:s11+$0xFFFFFF30] =	vst v4;
	v12 =	vadd.f32 $1.024000000e+03, v12;
	v11 =	vcvt.f32.s32 v11  }
0x1f0: {  	v4 =	vld [tilespmem:s12+$0x100]  }
0x1f1: {  	s13 =	simm.s32 $0x4;
	v13 =	vld [tilespmem:s23+$0xFFFFFF40];
	v12 =	vmax.f32 v12, $0.0e+00  }
0x1f2: {  	s1 =	sand.u32 $0x7, s13;
	v10 =	vld.idx.msk [tilespmem:v10+s5+$0x0], $0xffff;
	v12 =	vmin.f32 v12, $2.047000000e+03  }
0x1f3: {  	s1 =	sshll.u32 s1, $0x7;
	[tilespmem:s11+$0xFFFFFFB0] =	vst v3;
	v12 =	vtrunc.f32 v12;
	v9 =	vld.idx.msk [tilespmem:v9+s5+$0x0], $0xffff  }
0x1f4: {  	s9 =	sadd.s32 $0x400, s1;
	[tilespmem:s11+$0x30] =	vst v8;
	v8 =	vld [tilespmem:s23+$0xFFFFFFC0];
	v12 =	vcvt.f32.s32 v12  }
0x1f5: {  	s14 =	sor.u32 $0x430, s16;
	s1 =	sadd.s32 $0x180, s9;
	v3 =	vld.idx.msk [tilespmem:v11+s5+$0x0], $0xffff  }
0x1f6: {  	s17 =	sor.u32 $0x400, s1;
	v4 =	vmul.f32 v4, v5;
	v11 =	vld [tilespmem:s14+$0x100];
	[tilespmem:s7+$0x80] =	vst v7  }
0x1f7: {  	s10 =	sor.u32 $0x430, s26;
	v7 =	vld [tilespmem:s17+$0x100]  }
0x1f8: {  	v5 =	vld [tilespmem:s10+$0x100];
	[tilespmem:s23+$0xFFFFFF30] =	vst v4  }
0x1f9: {  	v14 =	vld [tilespmem:s11+$0xFFFFFF40]  }
0x1fa: {  	v4 =	vld.idx.msk [tilespmem:v12+s5+$0x0], $0xffff  }
0x1fb: {  	s18 =	sor.u32 $0x440, s2;
	v12 =	vld [tilespmem:s6+$0x40];
	[tilespmem:s11+$0xC0] =	vst v6;
	v10 =	vmul.f32 v11, v10  }
0x1fc: {  	v6 =	vld [tilespmem:s18+$0x100];
	v3 =	vmul.f32 v7, v3  }
0x1fd: {  	v7 =	vld [tilespmem:s23+$0x40];
	[tilespmem:s23+$0xFFFFFFB0] =	vst v10  }
0x1fe: {  	[tilespmem:s8+$0x80] =	vst v3;
	v3 =	vld [tilespmem:s8+$0x90]  }
0x1ff: {  	v5 =	vmul.f32 v5, v9;
	v10 =	vld [tilespmem:s21+$0x40]  }
0x200: {  	v9 =	vld [tilespmem:s31+$0x10]  }
0x201: {  	[tilespmem:s23+$0x30] =	vst v5;
	v5 =	vld [tilespmem:s7+$0x90];
	v4 =	vmul.f32 v6, v4  }
0x202: {  	v6 =	vld [tilespmem:s15+$0x40]  }
0x203: {  	[tilespmem:s23+$0xC0] =	vst v4;
	v4 =	vld [tilespmem:s23+$0xD0]  }
0x204: {  	v11 =	vld [tilespmem:s3+$0x50]  }
0x205: {  	v3 =	vadd.f32 v3, v9;
	v9 =	vadd.f32 v13, v12;
	v12 =	vld [tilespmem:s11+$0xFFFFFFC0]  }
0x206: {  	v13 =	vld [tilespmem:s11+$0xD0]  }
0x207: {  	v3 =	vadd.f32 v5, v3;
	v5 =	vadd.f32 v14, v9;
	v9 =	vld [tilespmem:s11+$0x40]  }
0x208: {  	v8 =	vadd.f32 v8, v10  }
0x209: {  	v6 =	vadd.f32 v7, v6;
	v10 =	vmul.f32 $1.280000000e+02, v3;
	v14 =	vmul.f32 $1.280000000e+02, v5  }
0x20a: {  	s22 =	simm.s32 $0x300;
	v4 =	vadd.f32 v4, v11;
	v7 =	vadd.f32 v12, v8  }
0x20b: {  	s19 =	simm.s32 $0x200;
	s24 =	sand.u32 $0x300, s22;
	v8 =	vadd.f32 $1.024000000e+03, v10;
	v10 =	vadd.f32 $1.024000000e+03, v14  }
0x20c: {  	s4 =	sand.u32 $0x200, s19;
	s19 =	sadd.s32 s24, s0;
	v4 =	vadd.f32 v13, v4;
	v6 =	vadd.f32 v9, v6  }
0x20d: {  	s20 =	simm.s32 $0x280;
	v17 =	vld [tilespmem:s19+$0x0];
	v9 =	vmul.f32 $1.280000000e+02, v7;
	v8 =	vmax.f32 v8, $0.0e+00;
	v10 =	vmax.f32 v10, $0.0e+00  }
0x20e: {  	v19 =	vld [tilespmem:s7+$0xFFFFFF00];
	s10 =	sand.u32 $0x280, s20;
	v13 =	vmul.f32 $1.280000000e+02, v4;
	v8 =	vmin.f32 v8, $2.047000000e+03;
	v14 =	vmul.f32 $1.280000000e+02, v6  }
0x20f: {  	v20 =	vld [tilespmem:s7+$0xFFFFFF80];
	s13 =	sor.u32 s10, s0;
	v9 =	vadd.f32 $1.024000000e+03, v9;
	v10 =	vmin.f32 v10, $2.047000000e+03;
	v8 =	vtrunc.f32 v8  }
0x210: {  	v16 =	vld [tilespmem:s13+$0x0];
	s18 =	sor.u32 s4, s0;
	v10 =	vtrunc.f32 v10;
	v8 =	vcvt.f32.s32 v8  }
0x211: {  	v15 =	vld [tilespmem:s18+$0x0];
	v13 =	vadd.f32 $1.024000000e+03, v13;
	v9 =	vmax.f32 v9, $0.0e+00;
	v10 =	vcvt.f32.s32 v10  }
0x212: {  	v11 =	vld [tilespmem:s8+$0xFFFFFF00];
	v14 =	vadd.f32 $1.024000000e+03, v14;
	v9 =	vmin.f32 v9, $2.047000000e+03  }
0x213: {  	v12 =	vld [tilespmem:s8+$0xFFFFFF80];
	v13 =	vmax.f32 v13, $0.0e+00;
	v9 =	vtrunc.f32 v9  }
0x214: {  	v21 =	vld [tilespmem:s7+$0x0];
	v14 =	vmax.f32 v14, $0.0e+00;
	v13 =	vmin.f32 v13, $2.047000000e+03;
	v9 =	vcvt.f32.s32 v9  }
0x215: {  	v18 =	vld [tilespmem:s8+$0x0];
	v14 =	vmin.f32 v14, $2.047000000e+03;
	v13 =	vtrunc.f32 v13  }
0x216: {  	v14 =	vtrunc.f32 v14;
	v13 =	vcvt.f32.s32 v13;
	v8 =	vld.idx.msk [tilespmem:v8+s5+$0x0], $0xffff  }
0x217: {  	s0 =	sor.u32 $0x410, s1;
	v11 =	vadd.f32 v11, v15;
	v14 =	vcvt.f32.s32 v14;
	[tilespmem:s7+$0x90] =	vst v3;
	v10 =	vld.idx.msk [tilespmem:v10+s5+$0x0], $0xffff  }
0x218: {  	v3 =	vadd.f32 v12, v16;
	[tilespmem:s11+$0xFFFFFF40] =	vst v5;
	v12 =	vld [tilespmem:s0+$0x100]  }
0x219: {  	v11 =	vadd.f32 v19, v11;
	v19 =	vld [tilespmem:s23+$0xFFFFFF50]  }
0x21a: {  	s12 =	sor.u32 $0x440, s25;
	v9 =	vld.idx.msk [tilespmem:v9+s5+$0x0], $0xffff  }
0x21b: {  	v16 =	vmul.f32 $1.280000000e+02, v11;
	v3 =	vadd.f32 v20, v3;
	[tilespmem:s11+$0xFFFFFFC0] =	vst v7;
	v7 =	vld [tilespmem:s12+$0x100]  }
0x21c: {  	v15 =	vadd.f32 v18, v17;
	v13 =	vld.idx.msk [tilespmem:v13+s5+$0x0], $0xffff  }
0x21d: {  	s10 =	sor.u32 $0x450, s2;
	v16 =	vadd.f32 $1.024000000e+03, v16;
	v17 =	vmul.f32 $1.280000000e+02, v3;
	v14 =	vld.idx.msk [tilespmem:v14+s5+$0x0], $0xffff;
	[tilespmem:s11+$0xD0] =	vst v4  }
0x21e: {  	s14 =	sor.u32 $0x440, s16;
	v15 =	vadd.f32 v21, v15;
	v5 =	vld [tilespmem:s10+$0x100]  }
0x21f: {  	s17 =	sor.u32 $0x440, s26;
	v16 =	vmax.f32 v16, $0.0e+00;
	[tilespmem:s11+$0x40] =	vst v6;
	v8 =	vmul.f32 v12, v8;
	v12 =	vadd.f32 $1.024000000e+03, v17;
	v17 =	vld [tilespmem:s14+$0x100]  }
0x220: {  	v4 =	vmul.f32 $1.280000000e+02, v15;
	v16 =	vmin.f32 v16, $2.047000000e+03;
	v18 =	vld [tilespmem:s17+$0x100]  }
0x221: {  	[tilespmem:s8+$0x90] =	vst v8;
	v8 =	vmax.f32 v12, $0.0e+00;
	v12 =	vtrunc.f32 v16;
	v16 =	vld [tilespmem:s8+$0xA0];
	v7 =	vmul.f32 v7, v10  }
0x222: {  	v4 =	vadd.f32 $1.024000000e+03, v4;
	v6 =	vmin.f32 v8, $2.047000000e+03;
	v8 =	vcvt.f32.s32 v12;
	v12 =	vld [tilespmem:s31+$0x20]  }
0x223: {  	v6 =	vtrunc.f32 v6;
	[tilespmem:s23+$0xFFFFFF40] =	vst v7;
	v5 =	vmul.f32 v5, v13;
	v13 =	vld [tilespmem:s7+$0xA0]  }
0x224: {  	v4 =	vmax.f32 v4, $0.0e+00;
	v6 =	vcvt.f32.s32 v6;
	v22 =	vld [tilespmem:s11+$0xFFFFFF50]  }
0x225: {  	v4 =	vmin.f32 v4, $2.047000000e+03;
	v9 =	vmul.f32 v17, v9;
	[tilespmem:s23+$0xD0] =	vst v5;
	v5 =	vld [tilespmem:s23+$0xE0]  }
0x226: {  	v4 =	vtrunc.f32 v4;
	v36 =	vld [tilespmem:s3+$0x60]  }
0x227: {  	p0 =	por !p0, !p0;
	s4 =	simm.s32 $0x1;
	v4 =	vcvt.f32.s32 v4;
	[tilespmem:s23+$0xFFFFFFC0] =	vst v9;
	v12 =	vadd.f32 v16, v12;
	v16 =	vld [tilespmem:s11+$0xE0]  }
0x228: {  	s20 =	simm.s32 $0x2;
	s4 =	simm.s32 @!p0 $0x0;
	v9 =	vld [tilespmem:s21+$0x50]  }
0x229: {  	s4 =	sshll.u32 s4, $0x9;
	s10 =	sand.u32 $0x3, s20;
	s20 =	sadd.s32 $0x80, s9;
	v8 =	vld.idx.msk [tilespmem:v8+s5+$0x0], $0xffff  }
0x22a: {  	s4 =	sadd.s32 $0x400, s4;
	s10 =	sshll.u32 s10, $0x8;
	s9 =	sor.u32 $0x400, s20;
	v12 =	vadd.f32 v13, v12;
	v6 =	vld.idx.msk [tilespmem:v6+s5+$0x0], $0xffff;
	[tilespmem:s7+$0xFFFFFF80] =	vst v3  }
0x22b: {  	s14 =	sor.u32 $0x400, s4;
	s10 =	sadd.s32 $0x400, s10;
	[tilespmem:s7+$0xFFFFFF00] =	vst v11;
	v10 =	vld [tilespmem:s9+$0x100];
	v3 =	vadd.f32 v5, v36  }
0x22c: {  	s24 =	sadd.s32 $0x100, s10;
	v11 =	vmul.f32 $1.280000000e+02, v12;
	v5 =	vld [tilespmem:s14+$0x100]  }
0x22d: {  	s10 =	sor.u32 $0x400, s24;
	v4 =	vld.idx.msk [tilespmem:v4+s5+$0x0], $0xffff;
	[tilespmem:s7+$0x0] =	vst v15;
	v3 =	vadd.f32 v16, v3  }
0x22e: {  	v13 =	vld [tilespmem:s10+$0x100];
	v11 =	vadd.f32 $1.024000000e+03, v11  }
0x22f: {  	v37 =	vld [tilespmem:s8+$0xFFFFFF10];
	v16 =	vmul.f32 $1.280000000e+02, v3  }
0x230: {  	v15 =	vld [tilespmem:s23+$0xFFFFFFD0];
	v7 =	vmax.f32 v11, $0.0e+00;
	v6 =	vmul.f32 v10, v6  }
0x231: {  	v11 =	vld [tilespmem:s6+$0x50];
	v7 =	vmin.f32 v7, $2.047000000e+03;
	v5 =	vmul.f32 v5, v8;
	v8 =	vadd.f32 $1.024000000e+03, v16  }
0x232: {  	v10 =	vld [tilespmem:s8+$0x10];
	v7 =	vtrunc.f32 v7;
	[tilespmem:s8+$0xFFFFFF80] =	vst v6  }
0x233: {  	v4 =	vmul.f32 v13, v4;
	v16 =	vld [tilespmem:s8+$0xFFFFFF90];
	v7 =	vcvt.f32.s32 v7;
	[tilespmem:s8+$0xFFFFFF00] =	vst v5;
	v5 =	vmax.f32 v8, $0.0e+00  }
0x234: {  	v6 =	vld [tilespmem:s13+$0x10];
	v5 =	vmin.f32 v5, $2.047000000e+03  }
0x235: {  	[tilespmem:s8+$0x0] =	vst v4;
	v38 =	vld [tilespmem:s7+$0xFFFFFF90];
	v4 =	vtrunc.f32 v5  }
0x236: {  	v8 =	vld [tilespmem:s18+$0x10];
	v4 =	vcvt.f32.s32 v4  }
0x237: {  	v5 =	vld [tilespmem:s19+$0x10]  }
0x238: {  	v13 =	vld [tilespmem:s7+$0xFFFFFF10]  }
0x239: {  	s22 =	sor.u32 $0x420, s1;
	v7 =	vld.idx.msk [tilespmem:v7+s5+$0x0], $0xffff;
	[tilespmem:s7+$0xA0] =	vst v12  }
0x23a: {  	v12 =	vld [tilespmem:s22+$0x100]  }
0x23b: {  	v17 =	vld [tilespmem:s7+$0x10];
	v8 =	vadd.f32 v37, v8  }
0x23c: {  	v6 =	vadd.f32 v16, v6;
	v4 =	vld.idx.msk [tilespmem:v4+s5+$0x0], $0xffff;
	[tilespmem:s11+$0xE0] =	vst v3;
	v3 =	vadd.f32 v10, v5  }
0x23d: {  	s0 =	sor.u32 $0x460, s2;
	v5 =	vadd.f32 v13, v8;
	v8 =	vadd.f32 v19, v11;
	v11 =	vld [tilespmem:s11+$0xFFFFFFD0]  }
0x23e: {  	v6 =	vadd.f32 v38, v6;
	v10 =	vld [tilespmem:s0+$0x100]  }
0x23f: {  	v7 =	vmul.f32 v12, v7;
	v12 =	vmul.f32 $1.280000000e+02, v5  }
0x240: {  	v9 =	vadd.f32 v15, v9;
	v13 =	vmul.f32 $1.280000000e+02, v6;
	v3 =	vadd.f32 v17, v3  }
0x241: {  	v8 =	vadd.f32 v22, v8;
	v12 =	vadd.f32 $1.024000000e+03, v12  }
0x242: {  	v16 =	vld [tilespmem:s8+$0xB0];
	v13 =	vadd.f32 $1.024000000e+03, v13;
	[tilespmem:s8+$0xA0] =	vst v7;
	v7 =	vmul.f32 v18, v14;
	v14 =	vmul.f32 $1.280000000e+02, v3  }
0x243: {  	v17 =	vld [tilespmem:s31+$0x30];
	v9 =	vadd.f32 v11, v9;
	v4 =	vmul.f32 v10, v4;
	v10 =	vmax.f32 v12, $0.0e+00  }
0x244: {  	v11 =	vmax.f32 v13, $0.0e+00;
	v12 =	vadd.f32 $1.024000000e+03, v14;
	v10 =	vmin.f32 v10, $2.047000000e+03  }
0x245: {  	v15 =	vmul.f32 $1.280000000e+02, v8;
	v13 =	vld [tilespmem:s7+$0xB0];
	v11 =	vmin.f32 v11, $2.047000000e+03;
	v10 =	vtrunc.f32 v10  }
0x246: {  	v14 =	vld [tilespmem:s23+$0x50];
	v12 =	vmax.f32 v12, $0.0e+00;
	[tilespmem:s23+$0xE0] =	vst v4;
	v4 =	vtrunc.f32 v11;
	v10 =	vcvt.f32.s32 v10  }
0x247: {  	v11 =	vmin.f32 v12, $2.047000000e+03;
	v12 =	vld [tilespmem:s23+$0xF0];
	v4 =	vcvt.f32.s32 v4  }
0x248: {  	[tilespmem:s23+$0x40] =	vst v7;
	v7 =	vadd.f32 $1.024000000e+03, v15;
	v16 =	vadd.f32 v16, v17;
	v15 =	vld [tilespmem:s3+$0x70];
	v11 =	vtrunc.f32 v11  }
0x249: {  	v19 =	vld [tilespmem:s11+$0x50];
	v18 =	vmul.f32 $1.280000000e+02, v9;
	v11 =	vcvt.f32.s32 v11  }
0x24a: {  	v13 =	vadd.f32 v13, v16;
	v16 =	vld [tilespmem:s11+$0xF0]  }
0x24b: {  	v7 =	vmax.f32 v7, $0.0e+00;
	v17 =	vld [tilespmem:s15+$0x50];
	v18 =	vadd.f32 $1.024000000e+03, v18  }
0x24c: {  	v7 =	vmin.f32 v7, $2.047000000e+03;
	v39 =	vmul.f32 $1.280000000e+02, v13;
	v10 =	vld.idx.msk [tilespmem:v10+s5+$0x0], $0xffff  }
0x24d: {  	s9 =	sor.u32 $0x410, s4;
	v7 =	vtrunc.f32 v7;
	v18 =	vmax.f32 v18, $0.0e+00;
	v12 =	vadd.f32 v12, v15;
	v4 =	vld.idx.msk [tilespmem:v4+s5+$0x0], $0xffff;
	[tilespmem:s7+$0xFFFFFF10] =	vst v5  }
0x24e: {  	v7 =	vcvt.f32.s32 v7;
	v18 =	vmin.f32 v18, $2.047000000e+03;
	v15 =	vadd.f32 $1.024000000e+03, v39;
	[tilespmem:s7+$0xFFFFFF90] =	vst v6;
	v6 =	vld [tilespmem:s9+$0x100]  }
0x24f: {  	v12 =	vadd.f32 v16, v12;
	v5 =	vld.idx.msk [tilespmem:v11+s5+$0x0], $0xffff;
	v11 =	vtrunc.f32 v18  }
0x250: {  	s10 =	sor.u32 $0x410, s20;
	v40 =	vld [tilespmem:s8+$0xFFFFFF20];
	v15 =	vmax.f32 v15, $0.0e+00;
	v11 =	vcvt.f32.s32 v11  }
0x251: {  	[tilespmem:s7+$0x10] =	vst v3;
	v3 =	vld [tilespmem:s10+$0x100];
	v15 =	vmin.f32 v15, $2.047000000e+03;
	v16 =	vmul.f32 $1.280000000e+02, v12  }
0x252: {  	s12 =	sor.u32 $0x410, s24;
	v14 =	vadd.f32 v14, v17;
	v17 =	vld [tilespmem:s8+$0xFFFFFFA0];
	v15 =	vtrunc.f32 v15  }
0x253: {  	v18 =	vld [tilespmem:s12+$0x100];
	v15 =	vcvt.f32.s32 v15;
	v16 =	vadd.f32 $1.024000000e+03, v16  }
0x254: {  	v7 =	vld.idx.msk [tilespmem:v7+s5+$0x0], $0xffff;
	v6 =	vmul.f32 v6, v10  }
0x255: {  	v14 =	vadd.f32 v19, v14;
	v10 =	vld [tilespmem:s8+$0x20];
	v16 =	vmax.f32 v16, $0.0e+00  }
0x256: {  	v3 =	vmul.f32 v3, v4;
	v16 =	vmin.f32 v16, $2.047000000e+03;
	[tilespmem:s8+$0xFFFFFF10] =	vst v6;
	v6 =	vld.idx.msk [tilespmem:v11+s5+$0x0], $0xffff  }
0x257: {  	v4 =	vmul.f32 $1.280000000e+02, v14;
	v11 =	vtrunc.f32 v16;
	v16 =	vld [tilespmem:s18+$0x20]  }
0x258: {  	v5 =	vmul.f32 v18, v5;
	v18 =	vld [tilespmem:s7+$0xFFFFFF20];
	v11 =	vcvt.f32.s32 v11  }
0x259: {  	[tilespmem:s8+$0xFFFFFF90] =	vst v3;
	v4 =	vadd.f32 $1.024000000e+03, v4;
	v3 =	vld.idx.msk [tilespmem:v15+s5+$0x0], $0xffff  }
0x25a: {  	s14 =	sor.u32 $0x430, s1;
	v15 =	vld [tilespmem:s13+$0x20];
	[tilespmem:s7+$0xB0] =	vst v13  }
0x25b: {  	v4 =	vmax.f32 v4, $0.0e+00;
	v13 =	vld [tilespmem:s14+$0x100]  }
0x25c: {  	[tilespmem:s8+$0x10] =	vst v5;
	v5 =	vld [tilespmem:s7+$0xFFFFFFA0];
	v4 =	vmin.f32 v4, $2.047000000e+03  }
0x25d: {  	v19 =	vld [tilespmem:s19+$0x20];
	v4 =	vtrunc.f32 v4  }
0x25e: {  	[tilespmem:s11+$0xFFFFFF50] =	vst v8;
	v41 =	vcvt.f32.s32 v4;
	v4 =	vld.idx.msk [tilespmem:v11+s5+$0x0], $0xffff  }
0x25f: {  	s22 =	sor.u32 $0x450, s16;
	[tilespmem:s11+$0xFFFFFFD0] =	vst v9;
	v11 =	vadd.f32 v40, v16;
	v8 =	vadd.f32 v17, v15;
	v15 =	vld [tilespmem:s7+$0x20]  }
0x260: {  	s17 =	sor.u32 $0x450, s25;
	v3 =	vmul.f32 v13, v3;
	v13 =	vld [tilespmem:s22+$0x100]  }
0x261: {  	v9 =	vadd.f32 v18, v11;
	v11 =	vld [tilespmem:s17+$0x100]  }
0x262: {  	v8 =	vadd.f32 v5, v8;
	[tilespmem:s8+$0xB0] =	vst v3;
	v3 =	vadd.f32 v10, v19;
	v10 =	vld [tilespmem:s8+$0xC0]  }
0x263: {  	v5 =	vmul.f32 $1.280000000e+02, v9;
	v17 =	vld [tilespmem:s31+$0x40]  }
0x264: {  	v16 =	vmul.f32 $1.280000000e+02, v8;
	v18 =	vld.idx.msk [tilespmem:v41+s5+$0x0], $0xffff;
	[smem:$0x7C8] =	sst s26  }
0x265: {  	s0 =	sor.u32 $0x450, s26;
	v3 =	vadd.f32 v15, v3;
	[tilespmem:s11+$0x50] =	vst v14;
	v15 =	vld [tilespmem:s7+$0xC0];
	v5 =	vadd.f32 $1.024000000e+03, v5  }
0x266: {  	[tilespmem:s11+$0xF0] =	vst v12;
	v14 =	vadd.f32 $1.024000000e+03, v16;
	v12 =	vld [tilespmem:s0+$0x100]  }
0x267: {  	s2 =	sor.u32 $0x470, s2;
	v6 =	vmul.f32 v13, v6;
	v13 =	vld [tilespmem:s23+$0xFFFFFF60];
	v19 =	vmul.f32 $1.280000000e+02, v3;
	v16 =	vmax.f32 v5, $0.0e+00  }
0x268: {  	v7 =	vmul.f32 v11, v7;
	v5 =	vld [tilespmem:s2+$0x100];
	v14 =	vmax.f32 v14, $0.0e+00;
	v11 =	vmin.f32 v16, $2.047000000e+03  }
0x269: {  	[tilespmem:s23+$0xFFFFFFD0] =	vst v6;
	v10 =	vadd.f32 v10, v17;
	v17 =	vld [tilespmem:s23+$0xFFFFFFE0];
	v14 =	vmin.f32 v14, $2.047000000e+03;
	v11 =	vtrunc.f32 v11  }
0x26a: {  	v16 =	vadd.f32 $1.024000000e+03, v19;
	[tilespmem:s23+$0xFFFFFF50] =	vst v7;
	v42 =	vld [tilespmem:s11+$0xFFFFFFE0];
	v7 =	vcvt.f32.s32 v11;
	v11 =	vtrunc.f32 v14  }
0x26b: {  	v19 =	vld [tilespmem:s11+$0xFFFFFF60];
	v10 =	vadd.f32 v15, v10;
	v11 =	vcvt.f32.s32 v11  }
0x26c: {  	v14 =	vld [tilespmem:s6+$0x60];
	v6 =	vmax.f32 v16, $0.0e+00;
	v12 =	vmul.f32 v12, v18  }
0x26d: {  	v15 =	vld [tilespmem:s21+$0x60];
	v6 =	vmin.f32 v6, $2.047000000e+03;
	v18 =	vmul.f32 $1.280000000e+02, v10  }
0x26e: {  	v16 =	vld [tilespmem:s23+$0x60];
	v6 =	vtrunc.f32 v6;
	[tilespmem:s23+$0x50] =	vst v12  }
0x26f: {  	v6 =	vcvt.f32.s32 v6;
	v12 =	vld [tilespmem:s15+$0x60];
	v18 =	vadd.f32 $1.024000000e+03, v18  }
0x270: {  	v7 =	vld.idx.msk [tilespmem:v7+s5+$0x0], $0xffff  }
0x271: {  	s9 =	sor.u32 $0x420, s4;
	v13 =	vadd.f32 v13, v14;
	v18 =	vmax.f32 v18, $0.0e+00;
	[tilespmem:s7+$0xFFFFFF20] =	vst v9;
	v9 =	vld.idx.msk [tilespmem:v11+s5+$0x0], $0xffff  }
0x272: {  	v11 =	vmin.f32 v18, $2.047000000e+03;
	v14 =	vld [tilespmem:s9+$0x100]  }
0x273: {  	s10 =	sor.u32 $0x420, s20;
	[tilespmem:s7+$0xFFFFFFA0] =	vst v8;
	v8 =	vadd.f32 v19, v13;
	v19 =	vld [tilespmem:s8+$0xFFFFFF30];
	v11 =	vtrunc.f32 v11  }
0x274: {  	v13 =	vld [tilespmem:s10+$0x100];
	v11 =	vcvt.f32.s32 v11  }
0x275: {  	v6 =	vld.idx.msk [tilespmem:v6+s5+$0x0], $0xffff;
	[tilespmem:s7+$0x20] =	vst v3;
	v3 =	vmul.f32 $1.280000000e+02, v8  }
0x276: {  	s12 =	sor.u32 $0x420, s24;
	v43 =	vld [tilespmem:s8+$0xFFFFFFB0]  }
0x277: {  	v18 =	vld [tilespmem:s12+$0x100];
	v3 =	vadd.f32 $1.024000000e+03, v3  }
0x278: {  	v44 =	vld [tilespmem:s8+$0x30];
	v7 =	vmul.f32 v14, v7  }
0x279: {  	v15 =	vadd.f32 v17, v15;
	v3 =	vmax.f32 v3, $0.0e+00;
	v9 =	vmul.f32 v13, v9;
	v13 =	vld [tilespmem:s11+$0x60]  }
0x27a: {  	v3 =	vmin.f32 v3, $2.047000000e+03;
	[tilespmem:s8+$0xFFFFFF20] =	vst v7;
	v11 =	vld.idx.msk [tilespmem:v11+s5+$0x0], $0xffff  }
0x27b: {  	s17 =	sor.u32 $0x440, s1;
	[tilespmem:s7+$0xC0] =	vst v10;
	v10 =	vadd.f32 v42, v15;
	v3 =	vtrunc.f32 v3;
	v14 =	vld [tilespmem:s18+$0x30]  }
0x27c: {  	v6 =	vmul.f32 v18, v6;
	v7 =	vld [tilespmem:s17+$0x100];
	v3 =	vcvt.f32.s32 v3  }
0x27d: {  	[tilespmem:s8+$0xFFFFFFA0] =	vst v9;
	v17 =	vld [tilespmem:s7+$0xFFFFFF30];
	v9 =	vmul.f32 $1.280000000e+02, v10  }
0x27e: {  	v15 =	vld [tilespmem:s13+$0x30];
	[tilespmem:s8+$0x20] =	vst v6;
	v6 =	vadd.f32 v16, v12  }
0x27f: {  	v16 =	vld [tilespmem:s7+$0xFFFFFFB0];
	v9 =	vadd.f32 $1.024000000e+03, v9  }
0x280: {  	v12 =	vld [tilespmem:s19+$0x30];
	v6 =	vadd.f32 v13, v6  }
0x281: {  	v13 =	vadd.f32 v19, v14;
	v7 =	vmul.f32 v7, v11;
	v9 =	vmax.f32 v9, $0.0e+00;
	v11 =	vld [tilespmem:s7+$0x30]  }
0x282: {  	v9 =	vmin.f32 v9, $2.047000000e+03;
	v14 =	vld.idx.msk [tilespmem:v3+s5+$0x0], $0xffff  }
0x283: {  	s14 =	smov.u32 s26;
	s26 =	simm.s32 $0x800;
	v13 =	vadd.f32 v17, v13;
	[tilespmem:s8+$0xC0] =	vst v7;
	v3 =	vtrunc.f32 v9;
	v7 =	vmul.f32 $1.280000000e+02, v6;
	v9 =	vld [tilespmem:s8+$0xD0]  }
0x284: {  	s22 =	simm.s32 $0x800;
	v15 =	vadd.f32 v43, v15;
	v17 =	vld [tilespmem:s31+$0x50];
	[smem:$0x7C7] =	sst s26  }
0x285: {  	s2 =	sand.u32 $0x3800, s22;
	s10 =	simm.s32 $0x580;
	s17 =	simm.s32 $0x2E00;
	v19 =	vmul.f32 $1.280000000e+02, v13;
	v7 =	vadd.f32 $1.024000000e+03, v7;
	v18 =	vld [tilespmem:s7+$0xD0]  }
0x286: {  	s2 =	sor.u32 $0x100, s2;
	s9 =	sor.u32 $0x460, s25;
	s0 =	sand.u32 $0x380, s10;
	v3 =	vcvt.f32.s32 v3;
	v45 =	vld [tilespmem:s17+$0x80];
	[tilespmem:s11+$0xFFFFFF60] =	vst v8;
	v8 =	vadd.f32 v44, v12;
	v12 =	vadd.f32 v16, v15  }
0x287: {  	s12 =	sadd.s32 s0, s2;
	v16 =	vld [tilespmem:s9+$0x100];
	v19 =	vadd.f32 $1.024000000e+03, v19;
	v7 =	vmax.f32 v7, $0.0e+00  }
0x288: {  	s28 =	simm.s32 $0x4200;
	v15 =	vld [tilespmem:s12+$0x0];
	v11 =	vadd.f32 v11, v8;
	v8 =	vmul.f32 $1.280000000e+02, v12;
	v7 =	vmin.f32 v7, $2.047000000e+03  }
0x289: {  	v46 =	vld [tilespmem:s28+$0x80];
	v7 =	vtrunc.f32 v7  }
0x28a: {  	v23 =	vld [tilespmem:s17+$0xFFFFFF80];
	v19 =	vmax.f32 v19, $0.0e+00;
	v8 =	vadd.f32 $1.024000000e+03, v8;
	v47 =	vcvt.f32.s32 v7  }
0x28b: {  	s22 =	simm.s32 $0x400;
	v25 =	vld [tilespmem:s28+$0xFFFFFF80];
	v7 =	vadd.f32 v9, v17;
	v9 =	vmin.f32 v19, $2.047000000e+03;
	v17 =	vmul.f32 $1.280000000e+02, v11  }
0x28c: {  	s3 =	sand.u32 $0x200, s22;
	s26 =	simm.s32 $0x480;
	v3 =	vld.idx.msk [tilespmem:v3+s5+$0x0], $0xffff;
	v9 =	vtrunc.f32 v9;
	v14 =	vmul.f32 v16, v14  }
0x28d: {  	s29 =	sor.u32 s3, s2;
	s9 =	sand.u32 $0x280, s26;
	v19 =	vld [tilespmem:s17+$0xFFFFFF00];
	v8 =	vmax.f32 v8, $0.0e+00;
	v18 =	vadd.f32 v18, v7;
	v7 =	vadd.f32 v45, v15  }
0x28e: {  	s26 =	sor.u32 s9, s2;
	v16 =	vld [tilespmem:s29+$0x0];
	v15 =	vadd.f32 $1.024000000e+03, v17;
	v8 =	vmin.f32 v8, $2.047000000e+03;
	v9 =	vcvt.f32.s32 v9  }
0x28f: {  	v17 =	vld [tilespmem:s26+$0x0];
	v8 =	vtrunc.f32 v8;
	v21 =	vadd.f32 v46, v7  }
0x290: {  	s0 =	sor.u32 $0x460, s16;
	[tilespmem:s11+$0xFFFFFFE0] =	vst v10;
	v48 =	vmul.f32 $1.280000000e+02, v18;
	v7 =	vmax.f32 v15, $0.0e+00;
	v15 =	vld [tilespmem:s28+$0xFFFFFF00];
	v10 =	vcvt.f32.s32 v8  }
0x291: {  	v27 =	vld [tilespmem:s0+$0x100];
	[tilespmem:s23+$0xFFFFFF60] =	vst v14;
	v24 =	vmin.f32 v7, $2.047000000e+03;
	v26 =	vmul.f32 $1.280000000e+02, v21  }
0x292: {  	v8 =	vld [tilespmem:s6+$0x70];
	v20 =	vadd.f32 $1.024000000e+03, v48;
	v24 =	vtrunc.f32 v24  }
0x293: {  	v14 =	vadd.f32 v19, v16;
	v22 =	vld.idx.msk [tilespmem:v47+s5+$0x0], $0xffff;
	[tilespmem:s11+$0x60] =	vst v6;
	v49 =	vcvt.f32.s32 v24;
	v19 =	vadd.f32 $1.024000000e+03, v26  }
0x294: {  	s9 =	sor.u32 $0x460, s14;
	s14 =	sor.u32 $0x430, s4;
	v17 =	vadd.f32 v23, v17;
	v16 =	vmax.f32 v20, $0.0e+00;
	v6 =	vld.idx.msk [tilespmem:v9+s5+$0x0], $0xffff;
	[tilespmem:s7+$0xFFFFFF30] =	vst v13  }
0x295: {  	v16 =	vmin.f32 v16, $2.047000000e+03;
	v14 =	vadd.f32 v15, v14;
	v15 =	vmax.f32 v19, $0.0e+00;
	v19 =	vld [tilespmem:s14+$0x100]  }
0x296: {  	v16 =	vtrunc.f32 v16;
	v10 =	vld.idx.msk [tilespmem:v10+s5+$0x0], $0xffff  }
0x297: {  	s22 =	sor.u32 $0x430, s20;
	[tilespmem:s7+$0xFFFFFFB0] =	vst v12;
	v9 =	vcvt.f32.s32 v16;
	v16 =	vadd.f32 v25, v17;
	v17 =	vld [tilespmem:s9+$0x100];
	v13 =	vmul.f32 $1.280000000e+02, v14  }
0x298: {  	s0 =	simm.s32 $0x8;
	s6 =	simm.s32 $0x500;
	v52 =	vld [tilespmem:s22+$0x100]  }
0x299: {  	s14 =	sor.u32 $0x430, s24;
	s22 =	simm.s32 $0x8;
	s9 =	sand.u32 $0x7, s0;
	v13 =	vadd.f32 $1.024000000e+03, v13;
	v12 =	vld.idx.msk [tilespmem:v49+s5+$0x0], $0xffff;
	[tilespmem:s7+$0x30] =	vst v11  }
0x29a: {  	v7 =	vld [tilespmem:s23+$0xFFFFFF70];
	s0 =	sshll.u32 s9, $0x7;
	s9 =	sand.u32 $0x300, s6;
	[dreg:$0x5] =	wrdreg s22  }
0x29b: {  	s9 =	sadd.s32 s9, s2;
	v11 =	vmax.f32 v13, $0.0e+00;
	v13 =	vld [tilespmem:s14+$0x100]  }
0x29c: {  	v54 =	vld [tilespmem:s9+$0x0]  }
0x29d: {  	v55 =	vld [tilespmem:s17+$0x0]  }
0x29e: {  	v15 =	vmin.f32 v15, $2.047000000e+03;
	v56 =	vld [tilespmem:s28+$0x0]  }
0x29f: {  	v15 =	vtrunc.f32 v15;
	v57 =	vld [tilespmem:s8+$0xFFFFFF40]  }
0x2a0: {  	v50 =	vmul.f32 $1.280000000e+02, v16;
	v6 =	vmul.f32 v19, v6;
	v59 =	vld [tilespmem:s8+$0x40]  }
0x2a1: {  	v15 =	vcvt.f32.s32 v15;
	v9 =	vld.idx.msk [tilespmem:v9+s5+$0x0], $0xffff;
	[tilespmem:s7+$0xD0] =	vst v18  }
0x2a2: {  	s22 =	sor.u32 $0x450, s1;
	v51 =	vadd.f32 $1.024000000e+03, v50;
	[tilespmem:s8+$0xFFFFFF30] =	vst v6;
	v6 =	vld [tilespmem:s8+$0xFFFFFFC0]  }
0x2a3: {  	v53 =	vld [tilespmem:s22+$0x100]  }
0x2a4: {  	v11 =	vmin.f32 v11, $2.047000000e+03;
	v20 =	vmax.f32 v51, $0.0e+00;
	v58 =	vld [tilespmem:s18+$0x40]  }
0x2a5: {  	v10 =	vmul.f32 v52, v10;
	v11 =	vtrunc.f32 v11;
	v20 =	vmin.f32 v20, $2.047000000e+03;
	v60 =	vld [tilespmem:s7+$0xFFFFFF40]  }
0x2a6: {  	v11 =	vcvt.f32.s32 v11;
	v32 =	vld [tilespmem:s8+$0xE0];
	v18 =	vtrunc.f32 v20  }
0x2a7: {  	s3 =	sadd.s32 $0x800, s0;
	[tilespmem:s8+$0xFFFFFFB0] =	vst v10;
	v15 =	vld.idx.msk [tilespmem:v15+s5+$0x0], $0xffff;
	v18 =	vcvt.f32.s32 v18  }
0x2a8: {  	s14 =	sadd.s32 $0x180, s3;
	v10 =	vld [tilespmem:s13+$0x40];
	v12 =	vmul.f32 v13, v12  }
0x2a9: {  	p0 =	por !p0, !p0;
	s2 =	simm.s32 $0x1;
	s0 =	sor.u32 $0x400, s14;
	[tilespmem:s28+$0x80] =	vst v21;
	v61 =	vld [tilespmem:s7+$0xFFFFFFC0];
	v19 =	vadd.f32 v55, v54  }
0x2aa: {  	s2 =	simm.s32 @!p0 $0x0;
	v21 =	vld [tilespmem:s0+$0x100];
	[tilespmem:s8+$0x30] =	vst v12  }
0x2ab: {  	s2 =	sshll.u32 s2, $0x9;
	v19 =	vadd.f32 v56, v19;
	v63 =	vld [tilespmem:s7+$0x40]  }
0x2ac: {  	s22 =	sadd.s32 $0x800, s2;
	v11 =	vld.idx.msk [tilespmem:v11+s5+$0x0], $0xffff  }
0x2ad: {  	s2 =	sor.u32 $0x400, s22;
	v9 =	vmul.f32 v53, v9;
	[tilespmem:s28+$0xFFFFFF00] =	vst v14;
	v13 =	vmul.f32 $1.280000000e+02, v19;
	v14 =	vld.idx.msk [tilespmem:v18+s5+$0x0], $0xffff  }
0x2ae: {  	v18 =	vld [tilespmem:s2+$0x100]  }
0x2af: {  	s3 =	sadd.s32 $0x80, s3;
	[tilespmem:s8+$0xD0] =	vst v9;
	v12 =	vadd.f32 $1.024000000e+03, v13;
	v13 =	vmul.f32 v21, v15;
	v15 =	vld [tilespmem:s19+$0x40]  }
0x2b0: {  	s6 =	sor.u32 $0x400, s3;
	[tilespmem:s28+$0xFFFFFF80] =	vst v16;
	v29 =	vld [tilespmem:s31+$0x60]  }
0x2b1: {  	v24 =	vadd.f32 v57, v58;
	v16 =	vld [tilespmem:s6+$0x100]  }
0x2b2: {  	[tilespmem:s17+$0x80] =	vst v13;
	v13 =	vld [tilespmem:s17+$0x90]  }
0x2b3: {  	s0 =	simm.s32 $0x4;
	v24 =	vadd.f32 v60, v24;
	v62 =	vld [tilespmem:s12+$0x10]  }
0x2b4: {  	v12 =	vmax.f32 v12, $0.0e+00;
	v9 =	vld [tilespmem:s28+$0x90];
	[dreg:$0x8] =	wrdreg s0  }
0x2b5: {  	v28 =	vmul.f32 $1.280000000e+02, v24;
	v12 =	vmin.f32 v12, $2.047000000e+03;
	v33 =	vld [tilespmem:s7+$0xE0]  }
0x2b6: {  	v3 =	vmul.f32 v27, v3;
	v6 =	vadd.f32 v6, v10;
	v12 =	vtrunc.f32 v12;
	v35 =	vld [tilespmem:s17+$0xFFFFFF90]  }
0x2b7: {  	v10 =	vadd.f32 $1.024000000e+03, v28;
	v36 =	vld [tilespmem:s23+$0xFFFFFFF0];
	v12 =	vcvt.f32.s32 v12;
	v11 =	vmul.f32 v18, v11  }
0x2b8: {  	s6 =	simm.s32 $0x4;
	[tilespmem:s23+$0xFFFFFFE0] =	vst v3;
	v57 =	vld [tilespmem:s11+$0xFFFFFF70];
	v34 =	vadd.f32 v32, v29;
	v14 =	vmul.f32 v16, v14  }
0x2b9: {  	s6 =	sand.u32 $0x3, s6;
	v18 =	vld [tilespmem:s17+$0xFFFFFF10];
	v10 =	vmax.f32 v10, $0.0e+00;
	[tilespmem:s17+$0xFFFFFF00] =	vst v11;
	v13 =	vadd.f32 v13, v62  }
0x2ba: {  	s2 =	sshll.u32 s6, $0x8;
	v15 =	vadd.f32 v59, v15;
	v58 =	vld [tilespmem:s11+$0xFFFFFFF0];
	v10 =	vmin.f32 v10, $2.047000000e+03;
	[tilespmem:s17+$0xFFFFFF80] =	vst v14;
	v14 =	vadd.f32 v33, v34  }
0x2bb: {  	s2 =	sadd.s32 $0x800, s2;
	v10 =	vtrunc.f32 v10;
	v9 =	vadd.f32 v9, v13;
	v13 =	vadd.f32 v61, v6;
	v6 =	vld [tilespmem:s29+$0x10]  }
0x2bc: {  	s30 =	sadd.s32 $0x100, s2;
	v11 =	vmul.f32 v17, v22;
	v16 =	vld [tilespmem:s28+$0xFFFFFF10];
	v10 =	vcvt.f32.s32 v10  }
0x2bd: {  	s2 =	sor.u32 $0x400, s30;
	v15 =	vadd.f32 v63, v15;
	v12 =	vld.idx.msk [tilespmem:v12+s5+$0x0], $0xffff;
	[tilespmem:s28+$0x0] =	vst v19;
	v22 =	vmul.f32 $1.280000000e+02, v14;
	v19 =	vmul.f32 $1.280000000e+02, v9  }
0x2be: {  	v17 =	vld [tilespmem:s2+$0x100];
	v21 =	vmul.f32 $1.280000000e+02, v13  }
0x2bf: {  	v37 =	vmul.f32 $1.280000000e+02, v15;
	v38 =	vld [tilespmem:s26+$0x10];
	v22 =	vadd.f32 $1.024000000e+03, v22;
	v19 =	vadd.f32 $1.024000000e+03, v19  }
0x2c0: {  	v39 =	vld [tilespmem:s28+$0xFFFFFF90];
	v21 =	vadd.f32 $1.024000000e+03, v21;
	v6 =	vadd.f32 v18, v6  }
0x2c1: {  	v41 =	vld [tilespmem:s17+$0x10];
	v22 =	vmax.f32 v22, $0.0e+00;
	v3 =	vmax.f32 v19, $0.0e+00;
	v19 =	vadd.f32 $1.024000000e+03, v37  }
0x2c2: {  	v10 =	vld.idx.msk [tilespmem:v10+s5+$0x0], $0xffff;
	v21 =	vmax.f32 v21, $0.0e+00;
	v22 =	vmin.f32 v22, $2.047000000e+03;
	v3 =	vmin.f32 v3, $2.047000000e+03  }
0x2c3: {  	[tilespmem:s7+$0xFFFFFF40] =	vst v24;
	v18 =	vld [tilespmem:s21+$0x70];
	v16 =	vadd.f32 v16, v6;
	v12 =	vmul.f32 v17, v12;
	v22 =	vtrunc.f32 v22  }
0x2c4: {  	v59 =	vld [tilespmem:s8+$0xFFFFFF50];
	v6 =	vmin.f32 v21, $2.047000000e+03;
	v40 =	vtrunc.f32 v3;
	v22 =	vcvt.f32.s32 v22  }
0x2c5: {  	[tilespmem:s23+$0x60] =	vst v11;
	v3 =	vld [tilespmem:s23+$0x70];
	v11 =	vmax.f32 v19, $0.0e+00;
	v19 =	vtrunc.f32 v6;
	v17 =	vcvt.f32.s32 v40  }
0x2c6: {  	v6 =	vld [tilespmem:s15+$0x70];
	[tilespmem:s17+$0x0] =	vst v12;
	v19 =	vcvt.f32.s32 v19  }
0x2c7: {  	s15 =	sor.u32 $0x440, s4;
	v43 =	vld [tilespmem:s9+$0x10]  }
0x2c8: {  	v42 =	vmul.f32 $1.280000000e+02, v16;
	v47 =	vld [tilespmem:s15+$0x100]  }
0x2c9: {  	v11 =	vmin.f32 v11, $2.047000000e+03;
	v45 =	vld [tilespmem:s28+$0x10]  }
0x2ca: {  	v12 =	vadd.f32 v35, v38;
	v11 =	vtrunc.f32 v11;
	v44 =	vadd.f32 $1.024000000e+03, v42;
	v22 =	vld.idx.msk [tilespmem:v22+s5+$0x0], $0xffff  }
0x2cb: {  	v11 =	vcvt.f32.s32 v11;
	v17 =	vld.idx.msk [tilespmem:v17+s5+$0x0], $0xffff  }
0x2cc: {  	s6 =	sor.u32 $0x460, s1;
	v12 =	vadd.f32 v39, v12;
	v23 =	vmax.f32 v44, $0.0e+00;
	[tilespmem:s7+$0xE0] =	vst v14;
	v20 =	vadd.f32 v41, v43;
	v19 =	vld.idx.msk [tilespmem:v19+s5+$0x0], $0xffff  }
0x2cd: {  	s21 =	sor.u32 $0x410, s14;
	v23 =	vmin.f32 v23, $2.047000000e+03;
	[tilespmem:s28+$0x90] =	vst v9;
	v54 =	vld [tilespmem:s6+$0x100]  }
0x2ce: {  	s23 =	sor.u32 $0x440, s20;
	v46 =	vmul.f32 $1.280000000e+02, v12;
	v9 =	vtrunc.f32 v23;
	[tilespmem:s7+$0xFFFFFFC0] =	vst v13;
	v48 =	vld [tilespmem:s21+$0x100];
	v13 =	vadd.f32 v45, v20  }
0x2cf: {  	v10 =	vmul.f32 v47, v10;
	v9 =	vcvt.f32.s32 v9;
	v51 =	vld [tilespmem:s23+$0x100]  }
0x2d0: {  	v49 =	vadd.f32 $1.024000000e+03, v46;
	v62 =	vld [tilespmem:s8+$0xFFFFFFD0];
	v53 =	vmul.f32 $1.280000000e+02, v13  }
0x2d1: {  	[tilespmem:s8+$0xFFFFFF40] =	vst v10;
	v11 =	vld.idx.msk [tilespmem:v11+s5+$0x0], $0xffff  }
0x2d2: {  	s0 =	sor.u32 $0x440, s24;
	v50 =	vmax.f32 v49, $0.0e+00;
	[tilespmem:s7+$0x40] =	vst v15;
	v60 =	vld [tilespmem:s7+$0xFFFFFF50];
	v14 =	vadd.f32 $1.024000000e+03, v53  }
0x2d3: {  	v15 =	vmin.f32 v50, $2.047000000e+03;
	v52 =	vld [tilespmem:s0+$0x100]  }
0x2d4: {  	v63 =	vld [tilespmem:s8+$0x50];
	v15 =	vtrunc.f32 v15;
	v17 =	vmul.f32 v48, v17;
	v14 =	vmax.f32 v14, $0.0e+00  }
0x2d5: {  	v15 =	vcvt.f32.s32 v15;
	v9 =	vld.idx.msk [tilespmem:v9+s5+$0x0], $0xffff;
	v14 =	vmin.f32 v14, $2.047000000e+03  }
0x2d6: {  	[tilespmem:s17+$0x90] =	vst v17;
	v17 =	vld [tilespmem:s17+$0xA0];
	v14 =	vtrunc.f32 v14  }
0x2d7: {  	s15 =	sor.u32 $0x410, s22;
	v19 =	vmul.f32 v51, v19;
	[tilespmem:s28+$0xFFFFFF10] =	vst v16;
	v55 =	vld [tilespmem:s12+$0x20];
	v14 =	vcvt.f32.s32 v14  }
0x2d8: {  	v16 =	vld [tilespmem:s15+$0x100]  }
0x2d9: {  	[tilespmem:s8+$0xFFFFFFC0] =	vst v19;
	v56 =	vld [tilespmem:s28+$0xA0]  }
0x2da: {  	v32 =	vld [tilespmem:s13+$0x50]  }
0x2db: {  	v18 =	vadd.f32 v36, v18;
	s21 =	sor.u32 $0x410, s3;
	v15 =	vld.idx.msk [tilespmem:v15+s5+$0x0], $0xffff;
	[tilespmem:s28+$0xFFFFFF90] =	vst v12  }
0x2dc: {  	v7 =	vadd.f32 v7, v8;
	v12 =	vld [tilespmem:s21+$0x100];
	v17 =	vadd.f32 v17, v55  }
0x2dd: {  	v18 =	vadd.f32 v58, v18;
	v11 =	vmul.f32 v52, v11;
	v10 =	vld.idx.msk [tilespmem:v14+s5+$0x0], $0xffff  }
0x2de: {  	v8 =	vadd.f32 v56, v17;
	v17 =	vadd.f32 v57, v7;
	v14 =	vld [tilespmem:s18+$0x50]  }
0x2df: {  	v22 =	vmul.f32 v54, v22;
	v36 =	vld [tilespmem:s17+$0xFFFFFF20];
	[tilespmem:s8+$0x40] =	vst v11;
	v11 =	vmul.f32 $1.280000000e+02, v18  }
0x2e0: {  	v34 =	vld [tilespmem:s7+$0xFFFFFFD0];
	v7 =	vmul.f32 $1.280000000e+02, v8;
	v61 =	vmul.f32 $1.280000000e+02, v17  }
0x2e1: {  	v33 =	vld [tilespmem:s19+$0x50];
	v11 =	vadd.f32 $1.024000000e+03, v11  }
0x2e2: {  	[tilespmem:s8+$0xE0] =	vst v22;
	v35 =	vld [tilespmem:s7+$0x50];
	v7 =	vadd.f32 $1.024000000e+03, v7;
	v19 =	vadd.f32 $1.024000000e+03, v61  }
0x2e3: {  	s23 =	sor.u32 $0x410, s30;
	v25 =	vadd.f32 v62, v32;
	v62 =	vld [tilespmem:s7+$0xF0];
	[tilespmem:s28+$0x10] =	vst v13;
	v12 =	vmul.f32 v12, v15;
	v14 =	vadd.f32 v59, v14  }
0x2e4: {  	v9 =	vmul.f32 v16, v9;
	v13 =	vld [tilespmem:s23+$0x100];
	v7 =	vmax.f32 v7, $0.0e+00;
	v19 =	vmax.f32 v19, $0.0e+00  }
0x2e5: {  	v32 =	vld [tilespmem:s11+$0x70];
	[tilespmem:s17+$0xFFFFFF90] =	vst v12;
	v7 =	vmin.f32 v7, $2.047000000e+03;
	v16 =	vmin.f32 v19, $2.047000000e+03;
	v14 =	vadd.f32 v60, v14  }
0x2e6: {  	v12 =	vld [tilespmem:s26+$0x20];
	v7 =	vtrunc.f32 v7;
	v15 =	vtrunc.f32 v16  }
0x2e7: {  	[tilespmem:s17+$0xFFFFFF10] =	vst v9;
	v9 =	vmax.f32 v11, $0.0e+00;
	v16 =	vld [tilespmem:s17+$0xFFFFFFA0];
	v7 =	vcvt.f32.s32 v7;
	v19 =	vmul.f32 $1.280000000e+02, v14  }
0x2e8: {  	v9 =	vmin.f32 v9, $2.047000000e+03;
	v37 =	vld [tilespmem:s28+$0xFFFFFF20]  }
0x2e9: {  	v40 =	vld [tilespmem:s28+$0xFFFFFFA0];
	v10 =	vmul.f32 v13, v10;
	v11 =	vcvt.f32.s32 v15;
	v15 =	vadd.f32 $1.024000000e+03, v19  }
0x2ea: {  	v9 =	vtrunc.f32 v9;
	v19 =	vld [tilespmem:s29+$0x20]  }
0x2eb: {  	v56 =	vld [tilespmem:s8+$0xF0];
	v38 =	vcvt.f32.s32 v9;
	[tilespmem:s17+$0x10] =	vst v10;
	v15 =	vmax.f32 v15, $0.0e+00  }
0x2ec: {  	v9 =	vadd.f32 v63, v33;
	v45 =	vld [tilespmem:s9+$0x20];
	v12 =	vadd.f32 v16, v12;
	v15 =	vmin.f32 v15, $2.047000000e+03  }
0x2ed: {  	s0 =	sor.u32 $0x420, s14;
	v39 =	vld.idx.msk [tilespmem:v7+s5+$0x0], $0xffff;
	[tilespmem:s28+$0xA0] =	vst v8;
	v7 =	vtrunc.f32 v15;
	v15 =	vadd.f32 v34, v25  }
0x2ee: {  	v24 =	vadd.f32 v35, v9;
	v12 =	vadd.f32 v40, v12;
	v41 =	vld [tilespmem:s0+$0x100]  }
0x2ef: {  	v42 =	vcvt.f32.s32 v7;
	v7 =	vld.idx.msk [tilespmem:v11+s5+$0x0], $0xffff;
	v11 =	vadd.f32 v36, v19;
	v8 =	vmul.f32 $1.280000000e+02, v15  }
0x2f0: {  	v48 =	vld [tilespmem:s28+$0x20];
	[tilespmem:s11+$0xFFFFFF70] =	vst v17;
	v17 =	vmul.f32 $1.280000000e+02, v24  }
0x2f1: {  	v46 =	vld [tilespmem:s17+$0xB0];
	v10 =	vmul.f32 $1.280000000e+02, v12;
	v11 =	vadd.f32 v37, v11;
	v16 =	vadd.f32 $1.024000000e+03, v8  }
0x2f2: {  	s6 =	sor.u32 $0x470, s25;
	v19 =	vld [tilespmem:s31+$0x70];
	v17 =	vadd.f32 $1.024000000e+03, v17  }
0x2f3: {  	v9 =	vld [tilespmem:s6+$0x100];
	v10 =	vadd.f32 $1.024000000e+03, v10;
	v43 =	vmul.f32 $1.280000000e+02, v11;
	v13 =	vmax.f32 v16, $0.0e+00  }
0x2f4: {  	v8 =	vld.idx.msk [tilespmem:v38+s5+$0x0], $0xffff;
	v20 =	vmul.f32 v41, v39;
	v17 =	vmax.f32 v17, $0.0e+00;
	v13 =	vmin.f32 v13, $2.047000000e+03  }
0x2f5: {  	s15 =	sor.u32 $0x470, s16;
	[tilespmem:s11+$0xFFFFFFF0] =	vst v18;
	v10 =	vmax.f32 v10, $0.0e+00;
	v16 =	vld [tilespmem:s17+$0x20];
	v17 =	vmin.f32 v17, $2.047000000e+03;
	v13 =	vtrunc.f32 v13  }
0x2f6: {  	v49 =	vmin.f32 v10, $2.047000000e+03;
	v10 =	vld [tilespmem:s15+$0x100];
	v17 =	vtrunc.f32 v17;
	v13 =	vcvt.f32.s32 v13  }
0x2f7: {  	v44 =	vld.idx.msk [tilespmem:v42+s5+$0x0], $0xffff;
	[tilespmem:s17+$0xA0] =	vst v20;
	v17 =	vcvt.f32.s32 v17  }
0x2f8: {  	s16 =	sor.u32 $0x450, s4;
	v21 =	vadd.f32 $1.024000000e+03, v43;
	[tilespmem:s7+$0xFFFFFF50] =	vst v14;
	v47 =	vld [tilespmem:s12+$0x30]  }
0x2f9: {  	v51 =	vld [tilespmem:s16+$0x100]  }
0x2fa: {  	v50 =	vld [tilespmem:s28+$0xB0];
	v21 =	vmax.f32 v21, $0.0e+00  }
0x2fb: {  	v58 =	vld [tilespmem:s8+$0xFFFFFF60];
	v21 =	vmin.f32 v21, $2.047000000e+03  }
0x2fc: {  	v18 =	vtrunc.f32 v21;
	v16 =	vadd.f32 v16, v45;
	v13 =	vld.idx.msk [tilespmem:v13+s5+$0x0], $0xffff  }
0x2fd: {  	s21 =	sor.u32 $0x450, s20;
	v14 =	vcvt.f32.s32 v18;
	[tilespmem:s7+$0xFFFFFFD0] =	vst v15;
	v15 =	vld.idx.msk [tilespmem:v17+s5+$0x0], $0xffff  }
0x2fe: {  	s23 =	sor.u32 $0x450, s24;
	v18 =	vtrunc.f32 v49;
	v16 =	vadd.f32 v48, v16;
	v21 =	vmul.f32 v51, v44;
	[tilespmem:s7+$0x50] =	vst v24;
	v17 =	vld [tilespmem:s21+$0x100]  }
0x2ff: {  	v18 =	vcvt.f32.s32 v18;
	v52 =	vld [tilespmem:s23+$0x100]  }
0x300: {  	v53 =	vmul.f32 $1.280000000e+02, v16;
	[tilespmem:s8+$0xFFFFFF50] =	vst v21;
	v59 =	vld [tilespmem:s8+$0xFFFFFFE0]  }
0x301: {  	v20 =	vadd.f32 v46, v47;
	v21 =	vld [tilespmem:s18+$0x60]  }
0x302: {  	v60 =	vld [tilespmem:s7+$0xFFFFFF60];
	v24 =	vadd.f32 $1.024000000e+03, v53  }
0x303: {  	v20 =	vadd.f32 v50, v20;
	v63 =	vld [tilespmem:s8+$0x60];
	v13 =	vmul.f32 v17, v13  }
0x304: {  	v14 =	vld.idx.msk [tilespmem:v14+s5+$0x0], $0xffff;
	[tilespmem:s28+$0xFFFFFF20] =	vst v11;
	v24 =	vmax.f32 v24, $0.0e+00  }
0x305: {  	v54 =	vmul.f32 $1.280000000e+02, v20;
	v11 =	vld.idx.msk [tilespmem:v18+s5+$0x0], $0xffff;
	v57 =	vmin.f32 v24, $2.047000000e+03;
	[tilespmem:s8+$0xFFFFFFD0] =	vst v13  }
0x306: {  	s25 =	sor.u32 $0x420, s22;
	v17 =	vtrunc.f32 v57;
	v13 =	vld [tilespmem:s13+$0x60]  }
0x307: {  	v18 =	vld [tilespmem:s25+$0x100];
	[tilespmem:s28+$0xFFFFFFA0] =	vst v12;
	v12 =	vadd.f32 $1.024000000e+03, v54;
	v17 =	vcvt.f32.s32 v17  }
0x308: {  	v61 =	vld [tilespmem:s7+$0xFFFFFFE0]  }
0x309: {  	s31 =	sor.u32 $0x420, s3;
	v34 =	vld [tilespmem:s17+$0xFFFFFF30];
	v12 =	vmax.f32 v12, $0.0e+00;
	v21 =	vadd.f32 v58, v21;
	v15 =	vmul.f32 v52, v15  }
0x30a: {  	v55 =	vld [tilespmem:s31+$0x100];
	v12 =	vmin.f32 v12, $2.047000000e+03  }
0x30b: {  	v36 =	vld [tilespmem:s17+$0xFFFFFFB0];
	v12 =	vtrunc.f32 v12;
	v21 =	vadd.f32 v60, v21;
	[tilespmem:s8+$0x50] =	vst v15;
	v13 =	vadd.f32 v59, v13  }
0x30c: {  	v19 =	vadd.f32 v56, v19;
	v12 =	vcvt.f32.s32 v12;
	v33 =	vld [tilespmem:s19+$0x60]  }
0x30d: {  	s0 =	sor.u32 $0x420, s30;
	v14 =	vmul.f32 v18, v14;
	v31 =	vmul.f32 $1.280000000e+02, v21;
	v17 =	vld.idx.msk [tilespmem:v17+s5+$0x0], $0xffff;
	[tilespmem:s28+$0x20] =	vst v16;
	v13 =	vadd.f32 v61, v13  }
0x30e: {  	v19 =	vadd.f32 v62, v19;
	v16 =	vld [tilespmem:s0+$0x100]  }
0x30f: {  	v35 =	vld [tilespmem:s7+$0x60];
	v11 =	vmul.f32 v55, v11;
	[tilespmem:s17+$0xFFFFFF20] =	vst v14;
	v23 =	vadd.f32 $1.024000000e+03, v31;
	v15 =	vmul.f32 $1.280000000e+02, v13  }
0x310: {  	v3 =	vadd.f32 v3, v6;
	v18 =	vmul.f32 $1.280000000e+02, v19;
	v37 =	vld [tilespmem:s29+$0x30]  }
0x311: {  	[tilespmem:s17+$0xFFFFFFA0] =	vst v11;
	v11 =	vld [tilespmem:s28+$0xFFFFFF30];
	v23 =	vmax.f32 v23, $0.0e+00;
	v15 =	vadd.f32 $1.024000000e+03, v15  }
0x312: {  	v24 =	vadd.f32 v32, v3;
	v18 =	vadd.f32 $1.024000000e+03, v18;
	v39 =	vld [tilespmem:s26+$0x30];
	v14 =	vmin.f32 v23, $2.047000000e+03  }
0x313: {  	s6 =	sor.u32 $0x430, s14;
	v12 =	vld.idx.msk [tilespmem:v12+s5+$0x0], $0xffff;
	[tilespmem:s28+$0xB0] =	vst v20;
	v14 =	vtrunc.f32 v14;
	v16 =	vmul.f32 v16, v17;
	v15 =	vmax.f32 v15, $0.0e+00  }
0x314: {  	v20 =	vld [tilespmem:s6+$0x100];
	v14 =	vcvt.f32.s32 v14;
	v17 =	vadd.f32 v63, v33;
	v15 =	vmin.f32 v15, $2.047000000e+03  }
0x315: {  	v42 =	vmul.f32 $1.280000000e+02, v24;
	v38 =	vld [tilespmem:s17+$0x30];
	[tilespmem:s17+$0x20] =	vst v16;
	v15 =	vtrunc.f32 v15  }
0x316: {  	v6 =	vmax.f32 v18, $0.0e+00;
	v16 =	vadd.f32 v35, v17;
	v17 =	vld [tilespmem:s9+$0x30];
	v15 =	vcvt.f32.s32 v15  }
0x317: {  	v40 =	vld [tilespmem:s28+$0xFFFFFFB0];
	v6 =	vmin.f32 v6, $2.047000000e+03;
	v18 =	vadd.f32 v34, v37  }
0x318: {  	v26 =	vadd.f32 $1.024000000e+03, v42;
	v3 =	vtrunc.f32 v6;
	v6 =	vld [tilespmem:s28+$0x30];
	v41 =	vmul.f32 $1.280000000e+02, v16  }
0x319: {  	v3 =	vcvt.f32.s32 v3;
	v46 =	vld [tilespmem:s17+$0xC0];
	v11 =	vadd.f32 v11, v18;
	v12 =	vmul.f32 v20, v12  }
0x31a: {  	s15 =	sor.u32 $0x460, s4;
	v44 =	vadd.f32 v36, v39;
	v14 =	vld.idx.msk [tilespmem:v14+s5+$0x0], $0xffff;
	[tilespmem:s7+$0xFFFFFF60] =	vst v21;
	v18 =	vadd.f32 $1.024000000e+03, v41  }
0x31b: {  	v45 =	vmul.f32 $1.280000000e+02, v11;
	[tilespmem:s17+$0xB0] =	vst v12;
	v43 =	vld [tilespmem:s15+$0x100];
	v17 =	vadd.f32 v38, v17  }
0x31c: {  	v47 =	vmax.f32 v26, $0.0e+00;
	v21 =	vadd.f32 v40, v44;
	v15 =	vld.idx.msk [tilespmem:v15+s5+$0x0], $0xffff;
	[tilespmem:s7+$0xFFFFFFE0] =	vst v13;
	v13 =	vmax.f32 v18, $0.0e+00  }
0x31d: {  	s16 =	sor.u32 $0x460, s20;
	v17 =	vadd.f32 v6, v17;
	v6 =	vld [tilespmem:s12+$0x40];
	v12 =	vmin.f32 v13, $2.047000000e+03;
	v13 =	vadd.f32 $1.024000000e+03, v45  }
0x31e: {  	v51 =	vmin.f32 v47, $2.047000000e+03;
	v18 =	vld [tilespmem:s16+$0x100];
	v12 =	vtrunc.f32 v12  }
0x31f: {  	v48 =	vld.idx.msk [tilespmem:v3+s5+$0x0], $0xffff;
	v12 =	vcvt.f32.s32 v12;
	v3 =	vmax.f32 v13, $0.0e+00;
	v13 =	vmul.f32 $1.280000000e+02, v21  }
0x320: {  	s1 =	sor.u32 $0x470, s1;
	[tilespmem:s7+$0xF0] =	vst v19;
	v50 =	vld [tilespmem:s28+$0xC0];
	v14 =	vmul.f32 v43, v14;
	v49 =	vmul.f32 $1.280000000e+02, v17;
	v3 =	vmin.f32 v3, $2.047000000e+03  }
0x321: {  	v20 =	vtrunc.f32 v51;
	v52 =	vld [tilespmem:s1+$0x100];
	v3 =	vtrunc.f32 v3;
	v13 =	vadd.f32 $1.024000000e+03, v13  }
0x322: {  	v20 =	vcvt.f32.s32 v20;
	v19 =	vld [tilespmem:s8+$0xFFFFFF70];
	[tilespmem:s8+$0xFFFFFF60] =	vst v14;
	v26 =	vadd.f32 $1.024000000e+03, v49;
	v3 =	vcvt.f32.s32 v3  }
0x323: {  	v14 =	vld [tilespmem:s18+$0x70];
	v6 =	vadd.f32 v46, v6;
	v15 =	vmul.f32 v18, v15;
	v13 =	vmax.f32 v13, $0.0e+00  }
0x324: {  	v53 =	vmax.f32 v26, $0.0e+00;
	v18 =	vld [tilespmem:s8+$0xFFFFFFF0];
	v13 =	vmin.f32 v13, $2.047000000e+03  }
0x325: {  	v22 =	vmin.f32 v53, $2.047000000e+03;
	v54 =	vadd.f32 v50, v6;
	[tilespmem:s8+$0xFFFFFFE0] =	vst v15;
	v12 =	vld.idx.msk [tilespmem:v12+s5+$0x0], $0xffff;
	v13 =	vtrunc.f32 v13  }
0x326: {  	s18 =	sor.u32 $0x460, s24;
	[tilespmem:s7+$0x60] =	vst v16;
	v55 =	vld [tilespmem:s13+$0x70];
	v6 =	vcvt.f32.s32 v13;
	v13 =	vtrunc.f32 v22  }
0x327: {  	v15 =	vmul.f32 $1.280000000e+02, v54;
	v16 =	vld [tilespmem:s18+$0x100];
	v13 =	vcvt.f32.s32 v13  }
0x328: {  	v56 =	vld.idx.msk [tilespmem:v3+s5+$0x0], $0xffff  }
0x329: {  	s21 =	sor.u32 $0x430, s22;
	v3 =	vld.idx.msk [tilespmem:v20+s5+$0x0], $0xffff;
	[tilespmem:s28+$0xFFFFFF30] =	vst v11;
	v11 =	vadd.f32 $1.024000000e+03, v15  }
0x32a: {  	v15 =	vld [tilespmem:s21+$0x100]  }
0x32b: {  	v57 =	vld [tilespmem:s17+$0xFFFFFF40];
	v11 =	vmax.f32 v11, $0.0e+00  }
0x32c: {  	v58 =	vld.idx.msk [tilespmem:v6+s5+$0x0], $0xffff;
	v6 =	vmin.f32 v11, $2.047000000e+03  }
0x32d: {  	s23 =	sor.u32 $0x430, s3;
	[tilespmem:s28+$0xFFFFFFB0] =	vst v21;
	v13 =	vld.idx.msk [tilespmem:v13+s5+$0x0], $0xffff;
	v6 =	vtrunc.f32 v6  }
0x32e: {  	v21 =	vld [tilespmem:s23+$0x100];
	v59 =	vcvt.f32.s32 v6  }
0x32f: {  	[tilespmem:s28+$0x30] =	vst v17;
	v17 =	vld [tilespmem:s17+$0xFFFFFFC0]  }
0x330: {  	s25 =	sor.u32 $0x430, s30;
	v6 =	vld [tilespmem:s8+$0x70];
	v11 =	vmul.f32 v15, v56  }
0x331: {  	v15 =	vld [tilespmem:s25+$0x100]  }
0x332: {  	[tilespmem:s17+$0xFFFFFF30] =	vst v11;
	v11 =	vld [tilespmem:s17+$0x40]  }
0x333: {  	[tilespmem:s11+$0x70] =	vst v24;
	v60 =	vld [tilespmem:s29+$0x40]  }
0x334: {  	s6 =	sor.u32 $0x470, s24;
	v61 =	vld.idx.msk [tilespmem:v59+s5+$0x0], $0xffff;
	[tilespmem:s28+$0xC0] =	vst v54  }
0x335: {  	s7 =	sor.u32 $0x470, s4;
	v12 =	vmul.f32 v16, v12;
	v16 =	vld [tilespmem:s28+$0xFFFFFF40];
	v21 =	vmul.f32 v21, v58;
	[dreg:$0x14] =	wrdreg s6  }
0x336: {  	s31 =	sor.u32 $0x440, s14;
	[dreg:$0x9] =	wrdreg s7  }
0x337: {  	s2 =	sld [smem:$0x7C8];
	[tilespmem:s17+$0xFFFFFFB0] =	vst v21;
	v62 =	vld [tilespmem:s31+$0x100]  }
0x338: {  	s11 =	sor.u32 $0x470, s30;
	v13 =	vmul.f32 v15, v13;
	[tilespmem:s8+$0x60] =	vst v12;
	v63 =	vld [tilespmem:s26+$0x40]  }
0x339: {  	v5 =	vmul.f32 v5, v4;
	v4 =	vld [tilespmem:s19+$0x70];
	[smem:$0x7C9] =	sst s11  }
0x33a: {  	s16 =	sor.u32 $0x440, s22;
	[tilespmem:s17+$0x30] =	vst v13  }
0x33b: {  	s4 =	simm.s32 $0x2A00;
	[dreg:$0x12] =	wrdreg s16  }
0x33c: {  	v7 =	vmul.f32 v9, v7;
	s18 =	sor.u32 $0x450, s22;
	[tilespmem:s4+$0xF0] =	vst v5  }
0x33d: {  	[dreg:$0xf] =	wrdreg s18  }
0x33e: {  	s19 =	sor.u32 $0x440, s3;
	v5 =	vmul.f32 v10, v8;
	v10 =	vld [tilespmem:s9+$0x40];
	[tilespmem:s4+$0xFFFFFF70] =	vst v7  }
0x33f: {  	s21 =	sor.u32 $0x470, s3;
	v12 =	vld [tilespmem:s28+$0xFFFFFFC0];
	[dreg:$0x13] =	wrdreg s19  }
0x340: {  	[dreg:$0xb] =	wrdreg s21  }
0x341: {  	[tilespmem:s4+$0xFFFFFFF0] =	vst v5  }
0x342: {  	s23 =	sld [smem:$0x7FB]  }
0x343: {  	p0 =	por !p0, !p0;
	v9 =	vadd.f32 v57, v60;
	s31 =	sld [smem:$0x7CA]  }
0x344: {  	s20 =	sor.u32 $0x470, s20;
	s1 =	simm.s32 $0x4200;
	s15 =	sor.u32 $0x440, s30  }
0x345: {  	s24 =	sor.u32 $0x450, s30;
	s13 =	sor.u32 $0x460, s30;
	s30 =	sor.u32 $0x470, s22;
	v9 =	vadd.f32 v16, v9  }
0x346: {  	s6 =	simm.s32 $0x4000;
	s11 =	simm.s32 $0x8;
	v8 =	vmul.f32 v52, v48;
	s0 =	sadd.s32 s23, s31  }
0x347: {  	s25 =	sor.u32 $0x470, s2;
	s16 =	sor.u32 $0x460, s22;
	v15 =	vmul.f32 $1.280000000e+02, v9;
	v7 =	vadd.f32 v18, v55;
	v13 =	vld [tilespmem:s28+$0x40];
	[smem:$0x7CB] =	sst s0  }
0x348: {  	s22 =	sor.u32 $0x450, s3;
	s18 =	sor.u32 $0x460, s3;
	v16 =	vadd.f32 v17, v63;
	s21 =	simm.s32 $0x2E00;
	v5 =	vadd.f32 v19, v14;
	v14 =	vmul.f32 v62, v61;
	[tilespmem:s8+$0xF0] =	vst v8;
	v8 =	vld [tilespmem:s6+$0xFFFFFF70]  }
.LBB2_3:
0x349: {  	[smem:$0x7B5] =	sst s20  }
0x34a: {  	[smem:$0x7B6] =	sst s25  }
0x34b: {  	[smem:$0x7BB] =	sst s22  }
0x34c: {  	[smem:$0x7B9] =	sst s4  }
0x34d: {  	[smem:$0x7BC] =	sst s24  }
0x34e: {  	[dreg:$0x1f] =	wrdreg s18  }
0x34f: {  	s23 =	sld [smem:$0x7C7];
	[tilespmem:s17+$0xC0] =	vst v14  }
0x350: {  	[dreg:$0x16] =	wrdreg s13;
	s0 =	simm.s32 $0x1;
	v14 =	vld [tilespmem:s12+$0x50]  }
0x351: {  	s3 =	rddreg [dreg:$0x8];
	s10 =	sadd.s32 $0x200, s10;
	s0 =	simm.s32 @!p0 $0x0;
	v15 =	vadd.f32 $1.024000000e+03, v15;
	v10 =	vadd.f32 v11, v10;
	v11 =	vld [tilespmem:s17+$0xD0]  }
0x352: {  	s3 =	sadd.s32 $0x2, s3;
	s31 =	sand.u32 $0x380, s10;
	v17 =	vld [tilespmem:s28+$0xD0];
	s25 =	sadd.s32 $0x400, s23;
	v12 =	vadd.f32 v12, v16  }
0x353: {  	s7 =	sadd.s32 $0xFFFFFE80, s10;
	v15 =	vmax.f32 v15, $0.0e+00;
	s24 =	sand.u32 $0x3800, s25;
	s17 =	sadd.s32 $0x200, s17;
	v10 =	vadd.f32 v13, v10;
	v13 =	vld [tilespmem:s6+$0xFFFFFFF0]  }
0x354: {  	[dreg:$0x8] =	wrdreg s3;
	s2 =	sand.u32 $0x3, s3;
	v15 =	vmin.f32 v15, $2.047000000e+03;
	v4 =	vadd.f32 v6, v4;
	s3 =	sor.u32 $0x100, s24;
	v18 =	vld [tilespmem:s17+$0xFFFFFF00];
	v16 =	vmul.f32 $1.280000000e+02, v12  }
0x355: {  	s13 =	sadd.s32 $0xFFFFFF00, s10;
	s22 =	sadd.s32 $0xFFFFFF80, s10;
	v5 =	vadd.f32 v8, v5;
	v6 =	vtrunc.f32 v15;
	v8 =	vld [tilespmem:s17+$0x80];
	s31 =	sadd.s32 s31, s3;
	v15 =	vmul.f32 $1.280000000e+02, v10  }
0x356: {  	s0 =	sshll.u32 s0, $0x9;
	s18 =	sand.u32 $0x200, s7;
	s2 =	sshll.u32 s2, $0x8;
	v19 =	vcvt.f32.s32 v6;
	v6 =	vadd.f32 $1.024000000e+03, v16;
	v16 =	vld [tilespmem:s31+$0x0];
	v11 =	vadd.f32 v11, v14  }
0x357: {  	s20 =	sand.u32 $0x280, s13;
	s28 =	sadd.s32 $0x200, s28;
	s2 =	sadd.s32 s25, s2;
	v20 =	vld [tilespmem:s17+$0xFFFFFF80];
	v14 =	vmul.f32 $1.280000000e+02, v5;
	v15 =	vadd.f32 $1.024000000e+03, v15  }
0x358: {  	s23 =	sand.u32 $0x300, s22;
	s2 =	sadd.s32 $0x100, s2;
	s13 =	sor.u32 s18, s3;
	v21 =	vmax.f32 v6, $0.0e+00;
	v6 =	vadd.f32 v13, v7;
	v7 =	vld [tilespmem:s28+$0x80];
	v11 =	vadd.f32 v17, v11  }
0x359: {  	s7 =	sor.u32 s20, s3;
	s23 =	sadd.s32 s23, s3;
	s24 =	sor.u32 $0x410, s2;
	v13 =	vmin.f32 v21, $2.047000000e+03;
	v17 =	vld [tilespmem:s13+$0x0];
	v14 =	vadd.f32 $1.024000000e+03, v14;
	v15 =	vmax.f32 v15, $0.0e+00  }
0x35a: {  	s3 =	sadd.s32 s0, s25;
	s22 =	sor.u32 $0x420, s2;
	v22 =	vld [tilespmem:s7+$0x0];
	[smem:$0x7B8] =	sst s24;
	v13 =	vtrunc.f32 v13;
	v15 =	vmin.f32 v15, $2.047000000e+03;
	v23 =	vmul.f32 $1.280000000e+02, v11  }
0x35b: {  	v25 =	vld [tilespmem:s28+$0xFFFFFF00];
	s18 =	sor.u32 $0x410, s3;
	[smem:$0x7C0] =	sst s22;
	v57 =	vmul.f32 $1.280000000e+02, v6;
	v8 =	vadd.f32 v8, v16;
	v13 =	vcvt.f32.s32 v13  }
0x35c: {  	v58 =	vld [tilespmem:s28+$0x0];
	s20 =	sor.u32 $0x420, s3;
	[smem:$0x7B7] =	sst s18;
	v14 =	vmax.f32 v14, $0.0e+00;
	v15 =	vtrunc.f32 v15;
	v23 =	vadd.f32 $1.024000000e+03, v23  }
0x35d: {  	v24 =	vld [tilespmem:s23+$0x0];
	s24 =	sor.u32 $0x430, s3;
	[smem:$0x7BE] =	sst s20;
	v15 =	vcvt.f32.s32 v15;
	v21 =	vadd.f32 $1.024000000e+03, v57;
	v26 =	vadd.f32 v7, v8  }
0x35e: {  	[dreg:$0x19] =	wrdreg s24;
	s20 =	sor.u32 $0x450, s3;
	v7 =	vmin.f32 v14, $2.047000000e+03;
	v8 =	vadd.f32 v18, v17;
	v14 =	vld [tilespmem:s28+$0xFFFFFF80];
	v17 =	vmax.f32 v23, $0.0e+00  }
0x35f: {  	s4 =	smov.u32 s30;
	[smem:$0x7BA] =	sst s20;
	s20 =	sor.u32 $0x460, s3;
	v20 =	vadd.f32 v20, v22;
	v16 =	vld [tilespmem:s17+$0x0];
	v59 =	vmul.f32 $1.280000000e+02, v26;
	v17 =	vmin.f32 v17, $2.047000000e+03  }
0x360: {  	s30 =	sor.u32 $0x400, s3;
	s22 =	sor.u32 $0x440, s3;
	[smem:$0x7C1] =	sst s20;
	v19 =	vld.idx.msk [tilespmem:v19+s5+$0x0], $0xffff;
	[tilespmem:s1+$0xFFFFFF40] =	vst v9;
	v18 =	vmax.f32 v21, $0.0e+00;
	v7 =	vtrunc.f32 v7;
	v9 =	vtrunc.f32 v17  }
0x361: {  	s18 =	sor.u32 $0x430, s2;
	s20 =	sor.u32 $0x470, s3;
	s3 =	rddreg [dreg:$0x12];
	v17 =	vmin.f32 v18, $2.047000000e+03;
	v13 =	vld.idx.msk [tilespmem:v13+s5+$0x0], $0xffff;
	v18 =	vadd.f32 $1.024000000e+03, v59;
	v9 =	vcvt.f32.s32 v9  }
0x362: {  	[dreg:$0x17] =	wrdreg s18;
	[tilespmem:s1+$0xFFFFFFC0] =	vst v12;
	v12 =	vadd.f32 v25, v8;
	v8 =	vcvt.f32.s32 v7;
	v7 =	vtrunc.f32 v17;
	v17 =	vld [tilespmem:s3+$0x100]  }
0x363: {  	s24 =	sor.u32 $0x450, s2;
	s3 =	rddreg [dreg:$0x13];
	v15 =	vld.idx.msk [tilespmem:v15+s5+$0x0], $0xffff;
	[tilespmem:s1+$0x40] =	vst v10;
	v10 =	vadd.f32 v14, v20;
	v14 =	vmax.f32 v18, $0.0e+00  }
0x364: {  	[smem:$0x7BD] =	sst s24;
	s24 =	sor.u32 $0x460, s2;
	v16 =	vadd.f32 v16, v24;
	v60 =	vld [tilespmem:s3+$0x100];
	v18 =	vmul.f32 $1.280000000e+02, v12;
	v14 =	vmin.f32 v14, $2.047000000e+03  }
0x365: {  	[dreg:$0x1c] =	wrdreg s24;
	v28 =	vld [tilespmem:s21+$0xFFFFFF50];
	v61 =	vmul.f32 $1.280000000e+02, v10;
	v14 =	vtrunc.f32 v14  }
0x366: {  	s18 =	sor.u32 $0x440, s2;
	s24 =	smov.u32 s22;
	v16 =	vadd.f32 v58, v16;
	v62 =	vld [tilespmem:s15+$0x100];
	s15 =	rddreg [dreg:$0x5];
	v18 =	vadd.f32 $1.024000000e+03, v18;
	v14 =	vcvt.f32.s32 v14  }
0x367: {  	[dreg:$0x12] =	wrdreg s24;
	s24 =	sor.u32 $0x450, s14;
	s0 =	sadd.s32 $0x4, s15;
	v21 =	vadd.f32 $1.024000000e+03, v61;
	v9 =	vld.idx.msk [tilespmem:v9+s5+$0x0], $0xffff;
	[tilespmem:s1+$0xD0] =	vst v11  }
0x368: {  	s22 =	smov.u32 s18;
	v63 =	vmul.f32 $1.280000000e+02, v16;
	s18 =	sand.u32 $0x7, s0;
	v17 =	vmul.f32 v17, v19;
	v11 =	vmax.f32 v18, $0.0e+00;
	v19 =	vld [tilespmem:s24+$0x100]  }
0x369: {  	[smem:$0x7C3] =	sst s22;
	v29 =	vld [tilespmem:s21+$0xFFFFFFD0];
	s22 =	sshll.u32 s18, $0x7;
	v13 =	vmul.f32 v60, v13;
	v11 =	vmin.f32 v11, $2.047000000e+03;
	v21 =	vmax.f32 v21, $0.0e+00  }
0x36a: {  	s3 =	sadd.s32 s22, s25;
	[tilespmem:s21+$0xFFFFFF40] =	vst v17;
	v17 =	vld [tilespmem:s21+$0x50];
	v11 =	vtrunc.f32 v11;
	v21 =	vmin.f32 v21, $2.047000000e+03  }
0x36b: {  	[smem:$0x7C7] =	sst s25;
	v18 =	vadd.f32 $1.024000000e+03, v63;
	s25 =	sadd.s32 $0x80, s3;
	s3 =	sadd.s32 $0x180, s3;
	v30 =	vld [tilespmem:s29+$0x50];
	[tilespmem:s21+$0xFFFFFFC0] =	vst v13;
	v11 =	vcvt.f32.s32 v11;
	v21 =	vtrunc.f32 v21  }
0x36c: {  	s18 =	sor.u32 $0x400, s3;
	v13 =	vcvt.f32.s32 v21;
	v14 =	vld.idx.msk [tilespmem:v14+s5+$0x0], $0xffff;
	[tilespmem:s28+$0x80] =	vst v26  }
0x36d: {  	v18 =	vmax.f32 v18, $0.0e+00;
	v31 =	vld [tilespmem:s18+$0x100];
	v9 =	vmul.f32 v19, v9  }
0x36e: {  	v15 =	vmul.f32 v62, v15;
	v18 =	vmin.f32 v18, $2.047000000e+03;
	v19 =	vld [tilespmem:s26+$0x50]  }
0x36f: {  	v18 =	vtrunc.f32 v18;
	[tilespmem:s21+$0xD0] =	vst v9;
	v9 =	vld [tilespmem:s21+$0xE0]  }
0x370: {  	[tilespmem:s21+$0x40] =	vst v15;
	v18 =	vcvt.f32.s32 v18;
	v15 =	vld [tilespmem:s12+$0x60]  }
0x371: {  	v11 =	vld.idx.msk [tilespmem:v11+s5+$0x0], $0xffff  }
0x372: {  	[tilespmem:s28+$0xFFFFFF00] =	vst v12;
	v13 =	vld.idx.msk [tilespmem:v13+s5+$0x0], $0xffff;
	v12 =	vmul.f32 v31, v14  }
0x373: {  	v14 =	vld [tilespmem:s1+$0xE0]  }
0x374: {  	[tilespmem:s17+$0x80] =	vst v12;
	v12 =	vld [tilespmem:s17+$0x90]  }
0x375: {  	[tilespmem:s28+$0xFFFFFF80] =	vst v10;
	v10 =	vadd.f32 v29, v19;
	v19 =	vld [tilespmem:s31+$0x10]  }
0x376: {  	v9 =	vadd.f32 v9, v15;
	v15 =	vld.idx.msk [tilespmem:v18+s5+$0x0], $0xffff  }
0x377: {  	[tilespmem:s28+$0x0] =	vst v16;
	v16 =	vld [tilespmem:s28+$0x90]  }
0x378: {  	v14 =	vadd.f32 v14, v9;
	v9 =	vld [tilespmem:s30+$0x100]  }
0x379: {  	s15 =	smov.u32 s29;
	s29 =	sor.u32 $0x400, s25  }
0x37a: {  	s19 =	smov.u32 s9;
	s9 =	sor.u32 $0x400, s2;
	v18 =	vld [tilespmem:s29+$0x100];
	v33 =	vmul.f32 $1.280000000e+02, v14  }
0x37b: {  	v34 =	vld [tilespmem:s9+$0x100];
	v12 =	vadd.f32 v12, v19  }
0x37c: {  	v35 =	vld [tilespmem:s17+$0xFFFFFF90];
	v20 =	vadd.f32 $1.024000000e+03, v33  }
0x37d: {  	v36 =	vld [tilespmem:s19+$0x50];
	v12 =	vadd.f32 v16, v12;
	v9 =	vmul.f32 v9, v11  }
0x37e: {  	v19 =	vld [tilespmem:s17+$0xFFFFFF10];
	v16 =	vmax.f32 v20, $0.0e+00  }
0x37f: {  	v13 =	vmul.f32 v18, v13;
	v11 =	vld [tilespmem:s17+$0x10];
	v18 =	vmul.f32 $1.280000000e+02, v12;
	v16 =	vmin.f32 v16, $2.047000000e+03;
	[tilespmem:s17+$0xFFFFFF00] =	vst v9  }
0x380: {  	v9 =	vmul.f32 v34, v15;
	v15 =	vld [tilespmem:s1+$0xFFFFFF50];
	v16 =	vtrunc.f32 v16  }
0x381: {  	[tilespmem:s17+$0xFFFFFF80] =	vst v13;
	v37 =	vld [tilespmem:s13+$0x10];
	v16 =	vcvt.f32.s32 v16  }
0x382: {  	v13 =	vadd.f32 $1.024000000e+03, v18;
	v18 =	vld [tilespmem:s7+$0x10];
	[tilespmem:s17+$0x0] =	vst v9  }
0x383: {  	v38 =	vld [tilespmem:s23+$0x10]  }
0x384: {  	v32 =	vadd.f32 v28, v30;
	v9 =	vmax.f32 v13, $0.0e+00;
	v13 =	vld [tilespmem:s28+$0xFFFFFF10]  }
0x385: {  	v39 =	vld [tilespmem:s28+$0xFFFFFF90];
	v9 =	vmin.f32 v9, $2.047000000e+03  }
0x386: {  	[dreg:$0x5] =	wrdreg s0;
	s0 =	sor.u32 $0x440, s25;
	v40 =	vtrunc.f32 v9;
	v9 =	vadd.f32 v15, v32;
	v15 =	vadd.f32 v19, v37;
	v19 =	vld [tilespmem:s28+$0x10]  }
0x387: {  	[dreg:$0x13] =	wrdreg s0;
	s0 =	sor.u32 $0x460, s14;
	v41 =	vcvt.f32.s32 v40;
	v16 =	vld.idx.msk [tilespmem:v16+s5+$0x0], $0xffff;
	[tilespmem:s1+$0xE0] =	vst v14  }
0x388: {  	v18 =	vadd.f32 v35, v18;
	v22 =	vmul.f32 $1.280000000e+02, v9;
	v14 =	vld [tilespmem:s0+$0x100]  }
0x389: {  	v42 =	vld [tilespmem:s1+$0xFFFFFFD0];
	v11 =	vadd.f32 v11, v38;
	v13 =	vadd.f32 v13, v15  }
0x38a: {  	s24 =	sor.u32 $0x420, s25;
	v43 =	vld [tilespmem:s1+$0x50];
	v18 =	vadd.f32 v39, v18;
	v15 =	vadd.f32 $1.024000000e+03, v22  }
0x38b: {  	v7 =	vcvt.f32.s32 v7;
	[smem:$0x7BF] =	sst s24;
	s24 =	sor.u32 $0x430, s25;
	v17 =	vadd.f32 v17, v36;
	v48 =	vld.idx.msk [tilespmem:v8+s5+$0x0], $0xffff;
	v44 =	vmul.f32 $1.280000000e+02, v13  }
0x38c: {  	[smem:$0x7C4] =	sst s24;
	s24 =	sor.u32 $0x460, s25;
	v11 =	vadd.f32 v19, v11;
	v19 =	vld [tilespmem:s6+$0x70];
	v45 =	vmul.f32 $1.280000000e+02, v18;
	v15 =	vmax.f32 v15, $0.0e+00  }
0x38d: {  	[smem:$0x7C2] =	sst s24;
	s24 =	sor.u32 $0x410, s3;
	v21 =	vld.idx.msk [tilespmem:v41+s5+$0x0], $0xffff;
	[tilespmem:s28+$0x90] =	vst v12;
	v12 =	vmin.f32 v15, $2.047000000e+03;
	v15 =	vadd.f32 $1.024000000e+03, v44;
	v14 =	vmul.f32 v14, v16  }
0x38e: {  	[tilespmem:s6+$0xFFFFFF70] =	vst v5;
	v10 =	vadd.f32 v42, v10;
	v46 =	vmul.f32 $1.280000000e+02, v11;
	v47 =	vld [tilespmem:s24+$0x100]  }
0x38f: {  	v8 =	vadd.f32 v43, v17;
	v16 =	vadd.f32 $1.024000000e+03, v45;
	v5 =	vmax.f32 v15, $0.0e+00;
	[tilespmem:s21+$0xE0] =	vst v14;
	v14 =	vld [tilespmem:s21+$0xF0]  }
0x390: {  	v17 =	vmul.f32 $1.280000000e+02, v10;
	s0 =	smov.u32 s4;
	s4 =	sld [smem:$0x7B6];
	v15 =	vadd.f32 $1.024000000e+03, v46;
	v5 =	vmin.f32 v5, $2.047000000e+03;
	v49 =	vld [tilespmem:s12+$0x70]  }
0x391: {  	v7 =	vld.idx.msk [tilespmem:v7+s5+$0x0], $0xffff;
	v52 =	vmul.f32 $1.280000000e+02, v8;
	s24 =	sld [smem:$0x7B5];
	v16 =	vmax.f32 v16, $0.0e+00;
	v5 =	vtrunc.f32 v5  }
0x392: {  	v16 =	vmin.f32 v16, $2.047000000e+03;
	v15 =	vmax.f32 v15, $0.0e+00;
	v50 =	vld [tilespmem:s1+$0xF0];
	v5 =	vcvt.f32.s32 v5  }
0x393: {  	[tilespmem:s6+$0xFFFFFFF0] =	vst v6;
	v58 =	vld [tilespmem:s4+$0x100];
	v6 =	vtrunc.f32 v16;
	v15 =	vmin.f32 v15, $2.047000000e+03;
	v16 =	vmul.f32 v47, v21  }
0x394: {  	v4 =	vadd.f32 v19, v4;
	v53 =	vld [tilespmem:s24+$0x100];
	v15 =	vtrunc.f32 v15;
	v6 =	vcvt.f32.s32 v6  }
0x395: {  	s12 =	smov.u32 s31;
	v15 =	vcvt.f32.s32 v15;
	[tilespmem:s17+$0x90] =	vst v16;
	v16 =	vld [tilespmem:s17+$0xA0];
	v14 =	vadd.f32 v14, v49  }
0x396: {  	v17 =	vadd.f32 $1.024000000e+03, v17;
	v24 =	vadd.f32 $1.024000000e+03, v52;
	v54 =	vmul.f32 $1.280000000e+02, v4;
	v19 =	vld [tilespmem:s12+$0x20]  }
0x397: {  	s9 =	rddreg [dreg:$0x14];
	v55 =	vld [tilespmem:s28+$0xA0];
	v14 =	vadd.f32 v50, v14  }
0x398: {  	s22 =	sor.u32 $0x410, s25;
	v17 =	vmax.f32 v17, $0.0e+00;
	s31 =	rddreg [dreg:$0x9];
	v57 =	vadd.f32 $1.024000000e+03, v54;
	v59 =	vld.idx.msk [tilespmem:v5+s5+$0x0], $0xffff;
	v5 =	vmax.f32 v24, $0.0e+00  }
0x399: {  	s18 =	sor.u32 $0x450, s25;
	s25 =	sor.u32 $0x470, s25;
	v12 =	vtrunc.f32 v12;
	[dreg:$0x9] =	wrdreg s0;
	v51 =	vld [tilespmem:s31+$0x100];
	[tilespmem:s28+$0xFFFFFF10] =	vst v13;
	v5 =	vmin.f32 v5, $2.047000000e+03;
	v13 =	vmul.f32 $1.280000000e+02, v14  }
0x39a: {  	v12 =	vcvt.f32.s32 v12;
	s0 =	smov.u32 s25;
	s25 =	smov.u32 s9;
	s9 =	sld [smem:$0x7B7];
	v6 =	vld.idx.msk [tilespmem:v6+s5+$0x0], $0xffff;
	[tilespmem:s28+$0xFFFFFF90] =	vst v18;
	v18 =	vmax.f32 v57, $0.0e+00;
	v5 =	vtrunc.f32 v5  }
0x39b: {  	s24 =	sld [smem:$0x7C9];
	v15 =	vld.idx.msk [tilespmem:v15+s5+$0x0], $0xffff;
	[tilespmem:s28+$0x10] =	vst v11;
	v16 =	vadd.f32 v16, v19;
	v11 =	vadd.f32 $1.024000000e+03, v13;
	v13 =	vmin.f32 v18, $2.047000000e+03  }
0x39c: {  	v17 =	vmin.f32 v17, $2.047000000e+03;
	v19 =	vcvt.f32.s32 v5;
	v5 =	vtrunc.f32 v13;
	v13 =	vld [tilespmem:s22+$0x100];
	s22 =	sld [smem:$0x7B8]  }
0x39d: {  	v17 =	vtrunc.f32 v17;
	v18 =	vld [tilespmem:s9+$0x100];
	v16 =	vadd.f32 v55, v16  }
0x39e: {  	s30 =	smov.u32 s20;
	v17 =	vcvt.f32.s32 v17;
	s31 =	rddreg [dreg:$0xb];
	v56 =	vmul.f32 v51, v48;
	v11 =	vmax.f32 v11, $0.0e+00  }
0x39f: {  	s20 =	smov.u32 s31;
	s31 =	smov.u32 s24;
	s24 =	sld [smem:$0x7B9];
	v7 =	vmul.f32 v53, v7;
	v61 =	vmul.f32 $1.280000000e+02, v16;
	v11 =	vmin.f32 v11, $2.047000000e+03;
	v60 =	vld [tilespmem:s22+$0x100]  }
0x3a0: {  	v3 =	vmul.f32 v58, v3;
	v62 =	vld [tilespmem:s17+$0xFFFFFF20];
	[tilespmem:s8+$0xFFFFFF70] =	vst v56;
	v11 =	vtrunc.f32 v11  }
0x3a1: {  	[tilespmem:s8+$0xFFFFFFF0] =	vst v7;
	v7 =	vld [tilespmem:s17+$0xFFFFFFA0];
	v21 =	vadd.f32 $1.024000000e+03, v61;
	v11 =	vcvt.f32.s32 v11  }
0x3a2: {  	v12 =	vld.idx.msk [tilespmem:v12+s5+$0x0], $0xffff;
	[tilespmem:s24+$0x70] =	vst v3;
	v3 =	vmul.f32 v18, v59  }
0x3a3: {  	[tilespmem:s1+$0xFFFFFF50] =	vst v9;
	v18 =	vld [tilespmem:s17+$0x20];
	v6 =	vmul.f32 v13, v6;
	v13 =	vmax.f32 v21, $0.0e+00  }
0x3a4: {  	[tilespmem:s17+$0xFFFFFF10] =	vst v3;
	v9 =	vmin.f32 v13, $2.047000000e+03;
	v13 =	vld.idx.msk [tilespmem:v17+s5+$0x0], $0xffff;
	v3 =	vmul.f32 v60, v15  }
0x3a5: {  	[tilespmem:s17+$0xFFFFFF90] =	vst v6;
	v15 =	vld [tilespmem:s13+$0x20]  }
0x3a6: {  	v6 =	vtrunc.f32 v9;
	v9 =	vld [tilespmem:s7+$0x20];
	[tilespmem:s17+$0x10] =	vst v3  }
0x3a7: {  	[dreg:$0x14] =	wrdreg s31;
	s31 =	sor.u32 $0x470, s14;
	v3 =	vcvt.f32.s32 v6;
	v6 =	vld.idx.msk [tilespmem:v11+s5+$0x0], $0xffff;
	[tilespmem:s1+$0xF0] =	vst v14  }
0x3a8: {  	[tilespmem:s1+$0xFFFFFFD0] =	vst v10;
	v10 =	vld [tilespmem:s31+$0x100]  }
0x3a9: {  	v11 =	vld [tilespmem:s23+$0x20];
	_ =	sdelay $0x1  }
0x3aa: {  	v14 =	vadd.f32 v62, v15;
	v15 =	vld [tilespmem:s28+$0xFFFFFF20]  }
0x3ab: {  	v7 =	vadd.f32 v7, v9;
	v9 =	vld [tilespmem:s28+$0xFFFFFFA0]  }
0x3ac: {  	s2 =	sor.u32 $0x470, s2;
	s14 =	smov.u32 s3;
	v3 =	vld.idx.msk [tilespmem:v3+s5+$0x0], $0xffff  }
0x3ad: {  	s4 =	smov.u32 s2;
	[dreg:$0xb] =	wrdreg s0;
	s0 =	sor.u32 $0x420, s14;
	[tilespmem:s28+$0xA0] =	vst v16;
	v6 =	vmul.f32 v10, v6;
	v10 =	vadd.f32 v18, v11;
	v11 =	vld [tilespmem:s28+$0x20]  }
0x3ae: {  	[smem:$0x7C9] =	sst s4;
	v16 =	vld [tilespmem:s0+$0x100]  }
0x3af: {  	s24 =	sld [smem:$0x7BB]  }
0x3b0: {  	s4 =	smov.u32 s8;
	s3 =	rddreg [dreg:$0xf];
	s8 =	smov.u32 s21;
	v14 =	vadd.f32 v15, v14;
	v15 =	vld.idx.msk [tilespmem:v19+s5+$0x0], $0xffff  }
0x3b1: {  	s31 =	sld [smem:$0x7BC];
	[tilespmem:s8+$0xF0] =	vst v6;
	v6 =	vadd.f32 v9, v7;
	v7 =	vld [tilespmem:s3+$0x100]  }
0x3b2: {  	[tilespmem:s1+$0x50] =	vst v8;
	v9 =	vld [tilespmem:s24+$0x100];
	v8 =	vmul.f32 $1.280000000e+02, v14  }
0x3b3: {  	v17 =	vmul.f32 $1.280000000e+02, v6;
	v10 =	vadd.f32 v11, v10;
	v11 =	vld [tilespmem:s8+$0xFFFFFF60];
	v3 =	vmul.f32 v16, v3  }
0x3b4: {  	v16 =	vld [tilespmem:s31+$0x100];
	v8 =	vadd.f32 $1.024000000e+03, v8  }
0x3b5: {  	v17 =	vadd.f32 $1.024000000e+03, v17;
	[tilespmem:s17+$0xA0] =	vst v3;
	v3 =	vld [tilespmem:s17+$0xB0]  }
0x3b6: {  	v18 =	vmul.f32 $1.280000000e+02, v10;
	v7 =	vmul.f32 v7, v12;
	v8 =	vmax.f32 v8, $0.0e+00;
	v19 =	vld [tilespmem:s12+$0x30]  }
0x3b7: {  	v9 =	vmul.f32 v9, v13;
	v13 =	vld [tilespmem:s8+$0xFFFFFFE0];
	v12 =	vmax.f32 v17, $0.0e+00;
	v8 =	vmin.f32 v8, $2.047000000e+03  }
0x3b8: {  	v12 =	vmin.f32 v12, $2.047000000e+03;
	v17 =	vadd.f32 $1.024000000e+03, v18;
	v18 =	vld [tilespmem:s28+$0xB0];
	[tilespmem:s8+$0xFFFFFF50] =	vst v7;
	v8 =	vtrunc.f32 v8  }
0x3b9: {  	[tilespmem:s8+$0xFFFFFFD0] =	vst v9;
	v7 =	vcvt.f32.s32 v8;
	v8 =	vtrunc.f32 v12;
	v12 =	vld [tilespmem:s15+$0x60]  }
0x3ba: {  	v9 =	vmax.f32 v17, $0.0e+00;
	v17 =	vld [tilespmem:s26+$0x60];
	v15 =	vmul.f32 v16, v15;
	v8 =	vcvt.f32.s32 v8  }
0x3bb: {  	v16 =	vld [tilespmem:s8+$0x60];
	v9 =	vmin.f32 v9, $2.047000000e+03;
	v3 =	vadd.f32 v3, v19  }
0x3bc: {  	s9 =	sld [smem:$0x7BA];
	v9 =	vtrunc.f32 v9;
	[tilespmem:s8+$0x50] =	vst v15;
	v19 =	vld [tilespmem:s1+$0xFFFFFF60]  }
0x3bd: {  	v9 =	vcvt.f32.s32 v9;
	v15 =	vld [tilespmem:s19+$0x60];
	v3 =	vadd.f32 v18, v3  }
0x3be: {  	s3 =	sld [smem:$0x7BE];
	v11 =	vadd.f32 v11, v12;
	v12 =	vld [tilespmem:s1+$0xFFFFFFE0]  }
0x3bf: {  	s22 =	smov.u32 s9;
	s9 =	sld [smem:$0x7BF];
	v7 =	vld.idx.msk [tilespmem:v7+s5+$0x0], $0xffff;
	[tilespmem:s28+$0xFFFFFF20] =	vst v14;
	v14 =	vmul.f32 $1.280000000e+02, v3  }
0x3c0: {  	[dreg:$0xf] =	wrdreg s22;
	v13 =	vadd.f32 v13, v17;
	v8 =	vld.idx.msk [tilespmem:v8+s5+$0x0], $0xffff  }
0x3c1: {  	s22 =	smov.u32 s18;
	s18 =	sld [smem:$0x7C0];
	[tilespmem:s28+$0xFFFFFFA0] =	vst v6;
	v6 =	vld [tilespmem:s3+$0x100];
	v11 =	vadd.f32 v19, v11;
	v14 =	vadd.f32 $1.024000000e+03, v14  }
0x3c2: {  	v17 =	vld [tilespmem:s9+$0x100]  }
0x3c3: {  	v9 =	vld.idx.msk [tilespmem:v9+s5+$0x0], $0xffff;
	[tilespmem:s28+$0x20] =	vst v10;
	v12 =	vadd.f32 v12, v13;
	v10 =	vmax.f32 v14, $0.0e+00;
	v14 =	vmul.f32 $1.280000000e+02, v11  }
0x3c4: {  	v15 =	vadd.f32 v16, v15;
	v13 =	vld [tilespmem:s18+$0x100];
	v10 =	vmin.f32 v10, $2.047000000e+03  }
0x3c5: {  	v16 =	vld [tilespmem:s17+$0xFFFFFF30];
	v18 =	vmul.f32 $1.280000000e+02, v12;
	v10 =	vtrunc.f32 v10;
	v14 =	vadd.f32 $1.024000000e+03, v14  }
0x3c6: {  	v6 =	vmul.f32 v6, v7;
	v7 =	vld [tilespmem:s17+$0xFFFFFFB0];
	v10 =	vcvt.f32.s32 v10  }
0x3c7: {  	v8 =	vmul.f32 v17, v8;
	v17 =	vld [tilespmem:s17+$0x30];
	v18 =	vadd.f32 $1.024000000e+03, v18;
	v14 =	vmax.f32 v14, $0.0e+00  }
0x3c8: {  	[tilespmem:s17+$0xFFFFFF20] =	vst v6;
	v6 =	vmin.f32 v14, $2.047000000e+03;
	v14 =	vld [tilespmem:s1+$0x60]  }
0x3c9: {  	v19 =	vld [tilespmem:s13+$0x30];
	[tilespmem:s17+$0xFFFFFFA0] =	vst v8;
	v8 =	vmul.f32 v13, v9;
	v9 =	vmax.f32 v18, $0.0e+00  }
0x3ca: {  	v13 =	vld [tilespmem:s7+$0x30];
	v6 =	vtrunc.f32 v6;
	v9 =	vmin.f32 v9, $2.047000000e+03  }
0x3cb: {  	v18 =	vld [tilespmem:s28+$0xFFFFFF30];
	[tilespmem:s17+$0x20] =	vst v8;
	v6 =	vcvt.f32.s32 v6;
	v8 =	vtrunc.f32 v9  }
0x3cc: {  	s31 =	sor.u32 $0x430, s14;
	v9 =	vld.idx.msk [tilespmem:v10+s5+$0x0], $0xffff;
	[tilespmem:s28+$0xB0] =	vst v3;
	v3 =	vcvt.f32.s32 v8  }
0x3cd: {  	v8 =	vld [tilespmem:s31+$0x100];
	v10 =	vadd.f32 v14, v15  }
0x3ce: {  	v14 =	vadd.f32 v16, v19;
	v15 =	vld [tilespmem:s23+$0x30]  }
0x3cf: {  	v7 =	vadd.f32 v7, v13;
	v13 =	vld [tilespmem:s28+$0xFFFFFFB0];
	v16 =	vmul.f32 $1.280000000e+02, v10  }
0x3d0: {  	v14 =	vadd.f32 v18, v14;
	v18 =	vld [tilespmem:s28+$0x30]  }
0x3d1: {  	v6 =	vld.idx.msk [tilespmem:v6+s5+$0x0], $0xffff;
	[tilespmem:s1+$0xFFFFFF60] =	vst v11;
	v11 =	vadd.f32 $1.024000000e+03, v16  }
0x3d2: {  	v16 =	vmul.f32 $1.280000000e+02, v14;
	v8 =	vmul.f32 v8, v9;
	v9 =	vld.idx.msk [tilespmem:v3+s5+$0x0], $0xffff  }
0x3d3: {  	v5 =	vcvt.f32.s32 v5;
	[tilespmem:s1+$0xFFFFFFE0] =	vst v12;
	v3 =	vadd.f32 v17, v15;
	v12 =	vld [tilespmem:s16+$0x100];
	v11 =	vmax.f32 v11, $0.0e+00  }
0x3d4: {  	v7 =	vadd.f32 v13, v7;
	v15 =	vadd.f32 $1.024000000e+03, v16;
	[tilespmem:s17+$0xB0] =	vst v8;
	v8 =	vld [tilespmem:s17+$0xC0];
	v11 =	vmin.f32 v11, $2.047000000e+03  }
0x3d5: {  	s3 =	rddreg [dreg:$0x1f];
	v13 =	vadd.f32 v18, v3;
	v3 =	vld [tilespmem:s12+$0x40];
	v11 =	vtrunc.f32 v11  }
0x3d6: {  	v17 =	vld [tilespmem:s3+$0x100];
	v16 =	vmul.f32 $1.280000000e+02, v7;
	v15 =	vmax.f32 v15, $0.0e+00;
	v11 =	vcvt.f32.s32 v11  }
0x3d7: {  	v19 =	vld [tilespmem:s28+$0xC0];
	v15 =	vmin.f32 v15, $2.047000000e+03;
	v18 =	vmul.f32 $1.280000000e+02, v13  }
0x3d8: {  	v63 =	vld [tilespmem:s8+$0xFFFFFFF0];
	v16 =	vadd.f32 $1.024000000e+03, v16;
	v15 =	vtrunc.f32 v15;
	v6 =	vmul.f32 v12, v6  }
0x3d9: {  	v12 =	vld [tilespmem:s8+$0xFFFFFF70];
	v15 =	vcvt.f32.s32 v15;
	v18 =	vadd.f32 $1.024000000e+03, v18  }
0x3da: {  	v16 =	vmax.f32 v16, $0.0e+00;
	[tilespmem:s8+$0xFFFFFF60] =	vst v6;
	v8 =	vadd.f32 v8, v3;
	v3 =	vld.idx.msk [tilespmem:v5+s5+$0x0], $0xffff  }
0x3db: {  	v9 =	vmul.f32 v17, v9;
	v5 =	vmin.f32 v16, $2.047000000e+03;
	v6 =	vmax.f32 v18, $0.0e+00;
	v16 =	vld [tilespmem:s15+$0x70];
	[tilespmem:s6+$0x70] =	vst v4;
	s6 =	smov.u32 s1  }
0x3dc: {  	s31 =	rddreg [dreg:$0x16];
	v4 =	vtrunc.f32 v5;
	v5 =	vmin.f32 v6, $2.047000000e+03;
	v8 =	vadd.f32 v19, v8;
	v6 =	vld.idx.msk [tilespmem:v11+s5+$0x0], $0xffff;
	[tilespmem:s6+$0x60] =	vst v10  }
0x3dd: {  	[tilespmem:s8+$0xFFFFFFE0] =	vst v9;
	v4 =	vcvt.f32.s32 v4;
	v5 =	vtrunc.f32 v5;
	v9 =	vld [tilespmem:s31+$0x100]  }
0x3de: {  	v11 =	vld [tilespmem:s26+$0x70];
	v10 =	vcvt.f32.s32 v5;
	v5 =	vmul.f32 $1.280000000e+02, v8  }
0x3df: {  	s3 =	rddreg [dreg:$0x19];
	v15 =	vld.idx.msk [tilespmem:v15+s5+$0x0], $0xffff;
	[tilespmem:s28+$0xFFFFFF30] =	vst v14  }
0x3e0: {  	v14 =	vld [tilespmem:s3+$0x100];
	v17 =	vadd.f32 $1.024000000e+03, v5  }
0x3e1: {  	v5 =	vadd.f32 v12, v16;
	v12 =	vld [tilespmem:s17+$0xFFFFFF40]  }
0x3e2: {  	s26 =	smov.u32 s7;
	s7 =	sld [smem:$0x7C4];
	v16 =	vmax.f32 v17, $0.0e+00;
	v9 =	vmul.f32 v9, v6;
	v6 =	vld [tilespmem:s8+$0x70]  }
0x3e3: {  	s9 =	sld [smem:$0x7C2];
	v4 =	vld.idx.msk [tilespmem:v4+s5+$0x0], $0xffff;
	v16 =	vmin.f32 v16, $2.047000000e+03  }
0x3e4: {  	[tilespmem:s28+$0xFFFFFFB0] =	vst v7;
	v7 =	vadd.f32 v63, v11;
	v10 =	vld.idx.msk [tilespmem:v10+s5+$0x0], $0xffff;
	v11 =	vtrunc.f32 v16  }
0x3e5: {  	[tilespmem:s28+$0x30] =	vst v13;
	v13 =	vmul.f32 v14, v15;
	v14 =	vld [tilespmem:s7+$0x100];
	v15 =	vcvt.f32.s32 v11  }
0x3e6: {  	s18 =	smov.u32 s9;
	s9 =	rddreg [dreg:$0x17];
	[tilespmem:s8+$0x60] =	vst v9;
	v16 =	vld [tilespmem:s17+$0xFFFFFFC0]  }
0x3e7: {  	v9 =	vld [tilespmem:s9+$0x100]  }
0x3e8: {  	s29 =	smov.u32 s13;
	v11 =	vld [tilespmem:s17+$0x40];
	[tilespmem:s17+$0xFFFFFF30] =	vst v13  }
0x3e9: {  	v13 =	vld [tilespmem:s29+$0x40]  }
0x3ea: {  	s2 =	sld [smem:$0x7BD];
	v17 =	vld [tilespmem:s28+$0xFFFFFF40];
	v4 =	vmul.f32 v14, v4  }
0x3eb: {  	s31 =	sor.u32 $0x440, s14;
	v14 =	vld.idx.msk [tilespmem:v15+s5+$0x0], $0xffff;
	[tilespmem:s28+$0xC0] =	vst v8  }
0x3ec: {  	s11 =	sadd.s32 $0x4, s11;
	v9 =	vmul.f32 v9, v10;
	[tilespmem:s17+$0xFFFFFFB0] =	vst v4;
	v4 =	vld [tilespmem:s31+$0x100]  }
0x3ed: {  	p1 =	slt.u32 s11, $0x24;
	s24 =	smov.u32 s2;
	s2 =	sld [smem:$0x7C1];
	v18 =	vld [tilespmem:s26+$0x40]  }
.Ltmp2:
0x3ee: {  	v8 =	vadd.f32 v12, v13;
	[tilespmem:s17+$0x30] =	vst v9;
	v12 =	vld [tilespmem:s28+$0xFFFFFFC0];
	(pc) =	sbr.rel @p1 .LBB2_3-.Ltmp2, $4  }
0x3ef: {  	v10 =	vld [tilespmem:s23+$0x40]  }
0x3f0: {  	s16 =	smov.u32 s2;
	s2 =	rddreg [dreg:$0x1c];
	v13 =	vld [tilespmem:s28+$0x40];
	v9 =	vadd.f32 v17, v8  }
0x3f1: {  	p0 =	por !p0, !p0;
	s21 =	smov.u32 s17;
	s13 =	smov.u32 s2;
	v8 =	vld [tilespmem:s6+$0xFFFFFF70]  }
0x3f2: {  	s15 =	sld [smem:$0x7C3];
	s1 =	smov.u32 s28;
	s9 =	smov.u32 s23;
	v15 =	vmul.f32 $1.280000000e+02, v9;
	v14 =	vmul.f32 v4, v14;
	v4 =	vld [tilespmem:s19+$0x70];
	v16 =	vadd.f32 v16, v18  }
0x3f3: {  	_ = 	snop  }
0x3f4: {  	v15 =	vadd.f32 $1.024000000e+03, v15  }
0x3f5: {  	v12 =	vadd.f32 v12, v16;
	v10 =	vadd.f32 v11, v10  }
0x3f6: {  	v18 =	vmax.f32 v15, $0.0e+00  }
0x3f7: {  	v63 =	vmul.f32 $1.280000000e+02, v12;
	v10 =	vadd.f32 v13, v10;
	v13 =	vmin.f32 v18, $2.047000000e+03  }
0x3f8: {  	v13 =	vtrunc.f32 v13  }
0x3f9: {  	v11 =	vadd.f32 $1.024000000e+03, v63;
	v13 =	vcvt.f32.s32 v13  }
0x3fa: {  	v19 =	vmul.f32 $1.280000000e+02, v10  }
0x3fb: {  	v11 =	vmax.f32 v11, $0.0e+00  }
0x3fc: {  	v15 =	vadd.f32 $1.024000000e+03, v19;
	v11 =	vmin.f32 v11, $2.047000000e+03  }
0x3fd: {  	v11 =	vtrunc.f32 v11  }
0x3fe: {  	[tilespmem:s17+$0xC0] =	vst v14;
	v15 =	vmax.f32 v15, $0.0e+00;
	v11 =	vcvt.f32.s32 v11  }
0x3ff: {  	v15 =	vmin.f32 v15, $2.047000000e+03;
	v13 =	vld.idx.msk [tilespmem:v13+s5+$0x0], $0xffff;
	[tilespmem:s1+$0xFFFFFF40] =	vst v9  }
0x400: {  	v21 =	vld [tilespmem:s17+$0xD0];
	v20 =	vtrunc.f32 v15;
	s0 =	rddreg [dreg:$0x12]  }
0x401: {  	v14 =	vcvt.f32.s32 v20;
	v23 =	vld [tilespmem:s0+$0x100]  }
0x402: {  	v24 =	vld [tilespmem:s12+$0x50]  }
0x403: {  	v17 =	vld [tilespmem:s28+$0xD0]  }
0x404: {  	v22 =	vld.idx.msk [tilespmem:v11+s5+$0x0], $0xffff;
	[tilespmem:s1+$0xFFFFFFC0] =	vst v12  }
0x405: {  	v25 =	vld [tilespmem:s21+$0xFFFFFF50];
	s10 =	rddreg [dreg:$0x13]  }
0x406: {  	v12 =	vld [tilespmem:s10+$0x100];
	v11 =	vmul.f32 v23, v13  }
0x407: {  	v14 =	vld.idx.msk [tilespmem:v14+s5+$0x0], $0xffff;
	[tilespmem:s1+$0x40] =	vst v10  }
0x408: {  	v26 =	vadd.f32 v21, v24;
	v10 =	vld [tilespmem:s15+$0x100];
	[tilespmem:s21+$0xFFFFFF40] =	vst v11  }
0x409: {  	v11 =	vld [tilespmem:s29+$0x50]  }
0x40a: {  	v28 =	vadd.f32 v17, v26  }
0x40b: {  	v30 =	vld [tilespmem:s1+$0xFFFFFF50];
	v9 =	vmul.f32 v12, v22  }
0x40c: {  	v17 =	vmul.f32 $1.280000000e+02, v28;
	v27 =	vld [tilespmem:s21+$0xFFFFFFD0]  }
0x40d: {  	v18 =	vld [tilespmem:s21+$0x50];
	v10 =	vmul.f32 v10, v14;
	[tilespmem:s21+$0xFFFFFFC0] =	vst v9  }
0x40e: {  	v17 =	vadd.f32 $1.024000000e+03, v17;
	v29 =	vld [tilespmem:s26+$0x50];
	v11 =	vadd.f32 v25, v11  }
0x40f: {  	v31 =	vld [tilespmem:s1+$0xFFFFFFD0];
	[tilespmem:s21+$0x40] =	vst v10  }
0x410: {  	v34 =	vmax.f32 v17, $0.0e+00;
	v33 =	vld [tilespmem:s9+$0x50];
	v11 =	vadd.f32 v30, v11  }
0x411: {  	v13 =	vmin.f32 v34, $2.047000000e+03  }
0x412: {  	v13 =	vtrunc.f32 v13;
	v35 =	vld [tilespmem:s1+$0x50];
	v36 =	vmul.f32 $1.280000000e+02, v11  }
0x413: {  	v13 =	vcvt.f32.s32 v13;
	v32 =	vadd.f32 v27, v29  }
0x414: {  	v14 =	vadd.f32 $1.024000000e+03, v36  }
0x415: {  	v12 =	vadd.f32 v18, v33;
	v10 =	vadd.f32 v31, v32  }
0x416: {  	v14 =	vmax.f32 v14, $0.0e+00  }
0x417: {  	v12 =	vadd.f32 v35, v12;
	v37 =	vmul.f32 $1.280000000e+02, v10;
	v14 =	vmin.f32 v14, $2.047000000e+03  }
0x418: {  	v14 =	vtrunc.f32 v14  }
0x419: {  	s11 =	sor.u32 $0x450, s14;
	v13 =	vld.idx.msk [tilespmem:v13+s5+$0x0], $0xffff;
	[tilespmem:s1+$0xD0] =	vst v28;
	v39 =	vmul.f32 $1.280000000e+02, v12;
	v16 =	vadd.f32 $1.024000000e+03, v37;
	v14 =	vcvt.f32.s32 v14  }
0x41a: {  	v41 =	vld [tilespmem:s11+$0x100]  }
0x41b: {  	v40 =	vadd.f32 $1.024000000e+03, v39;
	v38 =	vmax.f32 v16, $0.0e+00  }
0x41c: {  	v15 =	vmin.f32 v38, $2.047000000e+03  }
0x41d: {  	v9 =	vmax.f32 v40, $0.0e+00;
	v15 =	vtrunc.f32 v15  }
0x41e: {  	v9 =	vmin.f32 v9, $2.047000000e+03;
	v15 =	vcvt.f32.s32 v15  }
0x41f: {  	v13 =	vmul.f32 v41, v13;
	v9 =	vtrunc.f32 v9;
	v14 =	vld.idx.msk [tilespmem:v14+s5+$0x0], $0xffff;
	[tilespmem:s1+$0xFFFFFF50] =	vst v11  }
0x420: {  	v44 =	vld [tilespmem:s21+$0xE0];
	v9 =	vcvt.f32.s32 v9;
	s15 =	rddreg [dreg:$0xf]  }
0x421: {  	[tilespmem:s21+$0xD0] =	vst v13;
	v43 =	vld [tilespmem:s15+$0x100]  }
0x422: {  	v45 =	vld [tilespmem:s12+$0x60]  }
0x423: {  	v46 =	vld [tilespmem:s1+$0xE0]  }
0x424: {  	v42 =	vld.idx.msk [tilespmem:v15+s5+$0x0], $0xffff;
	[tilespmem:s1+$0xFFFFFFD0] =	vst v10  }
0x425: {  	v10 =	vld [tilespmem:s22+$0x100]  }
0x426: {  	v9 =	vld.idx.msk [tilespmem:v9+s5+$0x0], $0xffff;
	[tilespmem:s1+$0x50] =	vst v12  }
0x427: {  	v12 =	vld [tilespmem:s24+$0x100];
	v14 =	vmul.f32 v43, v14  }
0x428: {  	v47 =	vld [tilespmem:s21+$0xFFFFFF60];
	v13 =	vadd.f32 v44, v45  }
0x429: {  	v49 =	vld [tilespmem:s21+$0xFFFFFFE0];
	[tilespmem:s21+$0xFFFFFF50] =	vst v14  }
0x42a: {  	v13 =	vadd.f32 v46, v13;
	v10 =	vmul.f32 v10, v42;
	v48 =	vld [tilespmem:s29+$0x60]  }
0x42b: {  	v53 =	vld [tilespmem:s21+$0x60]  }
0x42c: {  	v50 =	vld [tilespmem:s1+$0xFFFFFF60];
	v51 =	vmul.f32 $1.280000000e+02, v13;
	v9 =	vmul.f32 v12, v9;
	[tilespmem:s21+$0xFFFFFFD0] =	vst v10  }
0x42d: {  	v52 =	vld [tilespmem:s26+$0x60]  }
0x42e: {  	v16 =	vadd.f32 $1.024000000e+03, v51;
	[tilespmem:s21+$0x50] =	vst v9;
	v55 =	vld [tilespmem:s1+$0xFFFFFFE0]  }
0x42f: {  	v56 =	vld [tilespmem:s9+$0x60];
	v54 =	vadd.f32 v47, v48  }
0x430: {  	v16 =	vmax.f32 v16, $0.0e+00  }
0x431: {  	v58 =	vld [tilespmem:s1+$0x60];
	v57 =	vmin.f32 v16, $2.047000000e+03;
	v9 =	vadd.f32 v50, v54  }
0x432: {  	v10 =	vtrunc.f32 v57;
	v14 =	vadd.f32 v49, v52  }
0x433: {  	v10 =	vcvt.f32.s32 v10;
	v59 =	vmul.f32 $1.280000000e+02, v9  }
0x434: {  	v12 =	vadd.f32 v53, v56;
	v11 =	vadd.f32 v55, v14  }
0x435: {  	v60 =	vadd.f32 $1.024000000e+03, v59  }
0x436: {  	v12 =	vadd.f32 v58, v12;
	v61 =	vmul.f32 $1.280000000e+02, v11  }
0x437: {  	v14 =	vmax.f32 v60, $0.0e+00  }
0x438: {  	v16 =	vmul.f32 $1.280000000e+02, v12;
	v15 =	vadd.f32 $1.024000000e+03, v61;
	v14 =	vmin.f32 v14, $2.047000000e+03  }
0x439: {  	s17 =	sor.u32 $0x460, s14;
	v10 =	vld.idx.msk [tilespmem:v10+s5+$0x0], $0xffff;
	[tilespmem:s1+$0xE0] =	vst v13;
	v14 =	vtrunc.f32 v14  }
0x43a: {  	v63 =	vadd.f32 $1.024000000e+03, v16;
	v20 =	vld [tilespmem:s17+$0x100];
	v15 =	vmax.f32 v15, $0.0e+00;
	v14 =	vcvt.f32.s32 v14  }
0x43b: {  	v62 =	vmin.f32 v15, $2.047000000e+03  }
0x43c: {  	v15 =	vmax.f32 v63, $0.0e+00;
	v13 =	vtrunc.f32 v62  }
0x43d: {  	v23 =	vld [tilespmem:s6+$0xFFFFFFF0];
	v15 =	vmin.f32 v15, $2.047000000e+03;
	v13 =	vcvt.f32.s32 v13  }
0x43e: {  	v28 =	vld [tilespmem:s6+$0x70];
	v15 =	vtrunc.f32 v15  }
0x43f: {  	v25 =	vld [tilespmem:s21+$0xF0];
	v15 =	vcvt.f32.s32 v15;
	v10 =	vmul.f32 v20, v10  }
0x440: {  	v14 =	vld.idx.msk [tilespmem:v14+s5+$0x0], $0xffff;
	[tilespmem:s1+$0xFFFFFF60] =	vst v9  }
0x441: {  	[tilespmem:s21+$0xE0] =	vst v10;
	v9 =	vld [tilespmem:s16+$0x100]  }
0x442: {  	v22 =	vld [tilespmem:s12+$0x70]  }
0x443: {  	v21 =	vld.idx.msk [tilespmem:v13+s5+$0x0], $0xffff;
	[tilespmem:s1+$0xFFFFFFE0] =	vst v11  }
0x444: {  	v11 =	vld [tilespmem:s18+$0x100]  }
0x445: {  	v15 =	vld.idx.msk [tilespmem:v15+s5+$0x0], $0xffff;
	[tilespmem:s1+$0x60] =	vst v12  }
0x446: {  	v4 =	vadd.f32 v6, v4;
	v12 =	vld [tilespmem:s13+$0x100]  }
0x447: {  	v5 =	vadd.f32 v8, v5;
	v24 =	vld [tilespmem:s21+$0xFFFFFF70];
	v9 =	vmul.f32 v9, v14  }
0x448: {  	v4 =	vadd.f32 v28, v4;
	v26 =	vld [tilespmem:s1+$0xF0]  }
0x449: {  	v27 =	vmul.f32 $1.280000000e+02, v5;
	v29 =	vld [tilespmem:s21+$0xFFFFFFF0];
	[tilespmem:s21+$0xFFFFFF60] =	vst v9  }
0x44a: {  	v7 =	vadd.f32 v23, v7;
	v18 =	vmul.f32 $1.280000000e+02, v4;
	v9 =	vld [tilespmem:s29+$0x70];
	v10 =	vmul.f32 v11, v21  }
0x44b: {  	v31 =	vld [tilespmem:s21+$0x70];
	v12 =	vmul.f32 v12, v15  }
0x44c: {  	v19 =	vmul.f32 $1.280000000e+02, v7;
	v43 =	vadd.f32 $1.024000000e+03, v18;
	v16 =	vadd.f32 $1.024000000e+03, v27;
	v30 =	vld [tilespmem:s1+$0xFFFFFF70];
	[tilespmem:s21+$0xFFFFFFE0] =	vst v10  }
0x44d: {  	v13 =	vadd.f32 v25, v22;
	v32 =	vld [tilespmem:s26+$0x70];
	[tilespmem:s21+$0x60] =	vst v12  }
0x44e: {  	v34 =	vadd.f32 $1.024000000e+03, v19;
	v33 =	vmax.f32 v16, $0.0e+00;
	v16 =	vmax.f32 v43, $0.0e+00;
	v12 =	vld [tilespmem:s9+$0x70]  }
0x44f: {  	v35 =	vmin.f32 v33, $2.047000000e+03;
	v8 =	vadd.f32 v26, v13;
	v38 =	vld [tilespmem:s1+$0xFFFFFFF0];
	v9 =	vadd.f32 v24, v9  }
0x450: {  	v36 =	vmax.f32 v34, $0.0e+00;
	v16 =	vmin.f32 v16, $2.047000000e+03;
	v6 =	vtrunc.f32 v35;
	v39 =	vld [tilespmem:s1+$0x70]  }
0x451: {  	v13 =	vmin.f32 v36, $2.047000000e+03;
	v37 =	vmul.f32 $1.280000000e+02, v8;
	v9 =	vadd.f32 v30, v9  }
0x452: {  	v6 =	vcvt.f32.s32 v6;
	v13 =	vtrunc.f32 v13;
	v11 =	vadd.f32 v29, v32  }
0x453: {  	v14 =	vadd.f32 $1.024000000e+03, v37;
	v40 =	vmul.f32 $1.280000000e+02, v9;
	v10 =	vadd.f32 v31, v12  }
0x454: {  	v47 =	vtrunc.f32 v16;
	v13 =	vcvt.f32.s32 v13;
	v11 =	vadd.f32 v38, v11  }
0x455: {  	v14 =	vmax.f32 v14, $0.0e+00;
	v42 =	vadd.f32 $1.024000000e+03, v40;
	v10 =	vadd.f32 v39, v10  }
0x456: {  	v50 =	vcvt.f32.s32 v47;
	v41 =	vmin.f32 v14, $2.047000000e+03;
	v44 =	vmul.f32 $1.280000000e+02, v11  }
0x457: {  	v12 =	vtrunc.f32 v41;
	v14 =	vmax.f32 v42, $0.0e+00;
	v45 =	vmul.f32 $1.280000000e+02, v10  }
0x458: {  	v6 =	vld.idx.msk [tilespmem:v6+s5+$0x0], $0xffff;
	[tilespmem:s6+$0xFFFFFF70] =	vst v5;
	v12 =	vcvt.f32.s32 v12;
	v14 =	vmin.f32 v14, $2.047000000e+03;
	v15 =	vadd.f32 $1.024000000e+03, v44  }
0x459: {  	v53 =	vld [tilespmem:s25+$0x100];
	s19 =	rddreg [dreg:$0x9];
	v14 =	vtrunc.f32 v14;
	v48 =	vadd.f32 $1.024000000e+03, v45  }
0x45a: {  	v49 =	vld [tilespmem:s19+$0x100];
	v14 =	vcvt.f32.s32 v14;
	v51 =	vmax.f32 v15, $0.0e+00  }
0x45b: {  	v46 =	vld.idx.msk [tilespmem:v13+s5+$0x0], $0xffff;
	v13 =	vmin.f32 v51, $2.047000000e+03;
	v16 =	vmax.f32 v48, $0.0e+00  }
0x45c: {  	[tilespmem:s6+$0xFFFFFFF0] =	vst v7;
	v7 =	vld.idx.msk [tilespmem:v50+s5+$0x0], $0xffff;
	v13 =	vtrunc.f32 v13;
	v16 =	vmin.f32 v16, $2.047000000e+03  }
0x45d: {  	v52 =	vld [tilespmem:s20+$0x100];
	v54 =	vcvt.f32.s32 v13;
	v55 =	vtrunc.f32 v16  }
0x45e: {  	s22 =	sor.u32 $0x470, s14;
	v12 =	vld.idx.msk [tilespmem:v12+s5+$0x0], $0xffff;
	[tilespmem:s1+$0xF0] =	vst v8;
	v13 =	vcvt.f32.s32 v55  }
0x45f: {  	[tilespmem:s6+$0x70] =	vst v4;
	v56 =	vld [tilespmem:s22+$0x100]  }
0x460: {  	v14 =	vld.idx.msk [tilespmem:v14+s5+$0x0], $0xffff;
	[tilespmem:s1+$0xFFFFFF70] =	vst v9  }
0x461: {  	v57 =	vld [tilespmem:s30+$0x100];
	s23 =	rddreg [dreg:$0x14]  }
0x462: {  	v58 =	vld [tilespmem:s23+$0x100]  }
0x463: {  	v8 =	vld.idx.msk [tilespmem:v54+s5+$0x0], $0xffff;
	[tilespmem:s1+$0xFFFFFFF0] =	vst v11  }
0x464: {  	v3 =	vmul.f32 v53, v3;
	v59 =	vld.idx.msk [tilespmem:v13+s5+$0x0], $0xffff;
	s24 =	rddreg [dreg:$0xb]  }
0x465: {  	v6 =	vmul.f32 v49, v6;
	[tilespmem:s1+$0x70] =	vst v10;
	v60 =	vld [tilespmem:s24+$0x100]  }
0x466: {  	v5 =	vmul.f32 v52, v46;
	[tilespmem:s4+$0x70] =	vst v3  }
0x467: {  	v62 =	vmul.f32 v56, v12;
	s25 =	sld [smem:$0x7C9];
	[tilespmem:s8+$0xFFFFFF70] =	vst v6  }
0x468: {  	[tilespmem:s8+$0xFFFFFFF0] =	vst v5;
	v4 =	vmul.f32 v57, v14  }
0x469: {  	[tilespmem:s21+$0xF0] =	vst v62;
	v61 =	vmul.f32 v58, v7  }
0x46a: {  	v3 =	vld [tilespmem:s25+$0x100];
	[tilespmem:s21+$0xFFFFFF70] =	vst v4;
	v63 =	vmul.f32 v60, v8  }
0x46b: {  	[tilespmem:s8+$0x70] =	vst v61  }
0x46c: {  	[tilespmem:s21+$0xFFFFFFF0] =	vst v63  }
0x46d: {  	s26 =	sld [smem:$0x7CB];
	_ =	sdelay $0x1  }
0x46e: {  	s3 =	simm.s32 $0x0;
	v3 =	vmul.f32 v3, v59  }
0x46f: {  	s7 =	simm.s32 $0x2900;
	s28 =	rddreg [dreg:$0x2];
	s0 =	sshll.u32 s26, $0x4  }
0x470: {  	s29 =	rddreg [dreg:$0x3];
	s8 =	simm.s32 $0x3D00;
	[tilespmem:s21+$0x70] =	vst v3;
	s0 =	sadd.s32 s28, s0  }
0x471: {  	[hbm4b:s0+s3] =	stream.linear.scatter [tilespmem:s8], [sflag:$0x5], $0x1400, $0x38;
	[tilespmem:$0x1EA00] =	vst v63  }
0x472: {  	s6 =	simm.s32 $0x28;
	s30 =	simm.s32 $0x7;
	s4 =	simm.s32 $0x80  }
0x473: {  	[spmem:s29] =	stream.indirect.scatter.add.f32 [tilespmem:s7], [sflag:$0x7], $0x80, s4, s6, $0xb8;
	[tilespmem:$0x1EA00] =	vst v63  }
0x474: {  	_ =	swait.ge [sflag:s30], $0x1400  }
0x475: {  	s31 =	sld [smem:$0x7C5];
	_ =	sdelay $0x2  }
0x476: {  	p0 =	seq.s32 s31, $0x7C  }
.Ltmp3:
0x477: {  	_ = 	snop;
	(pc) =	sbr.rel @!p0 .LBB2_5-.Ltmp3, $3  }
0x478: {  	_ =	sdelay $0x1  }
0x479: {  	[sflag:s30] =	ssyncset.done $0x0  }
0x47a: {  	[sflag:s30] =	ssyncadd.s32 $0xFFFFEC00  }
0x47b: {  	s0 =	simm.s32 $0x4  }
0x47c: {  	_ =	swait.ge [sflag:s0], $0x2800  }
0x47d: {  	[sflag:s0] =	ssyncset.done $0x0  }
0x47e: {  	[sflag:s0] =	ssyncadd.s32 $0xFFFFD800  }
0x47f: {  	_ =	swait.ge [sflag:s0], $0x1400  }
.Ltmp4:
0x480: {  	[sflag:s0] =	ssyncset.done $0x0;
	(pc) =	sbr.rel .LBB2_7-.Ltmp4, $4  }
0x481: {  	[sflag:s0] =	ssyncadd.s32 $0xFFFFEC00  }
0x482: {  	_ =	swait.ge [sflag:s0], $0x1400  }
0x483: {  	[sflag:s0] =	ssyncset.done $0x0  }
0x484: {  	[sflag:s0] =	ssyncadd.s32 $0xFFFFEC00  }
.LBB2_5:
0x485: {  	s0 =	sld [smem:$0x7FA]  }
0x486: {  	s1 =	sld [smem:$0x7CA];
	_ =	sdelay $0x1  }
0x487: {  	s2 =	sld [smem:$0x7E6]  }
0x488: {  	s0 =	sadd.s32 s1, s0  }
0x489: {  	s19 =	sld [smem:$0x7E8];
	s1 =	sshrl.u32 s0, $0x3  }
0x48a: {  	s2 =	sadd.s32 s2, s1  }
0x48b: {  	[tilespmem:s3], [sflag:$0x1] =	stream.linear.gather [hbm4b:s2+s3], $0x28, $0x38;
	[tilespmem:$0x1EA00] =	vst v63  }
0x48c: {  	s20 =	simm.s32 $0x4;
	s1 =	sadd.s32 s19, s1  }
0x48d: {  	[tilespmem:s4], [sflag:$0x1] =	stream.linear.gather [hbm4b:s1+s3], $0x28, $0x38;
	[tilespmem:$0x1EA00] =	vst v63  }
0x48e: {  	_ =	swait.ge [sflag:s20], $0x2800  }
0x48f: {  	[sflag:s20] =	ssyncset.done $0x0  }
0x490: {  	[sflag:s20] =	ssyncadd.s32 $0xFFFFD800  }
0x491: {  	_ =	swait.ge [sflag:s20], $0x1400  }
0x492: {  	[sflag:s20] =	ssyncset.done $0x0  }
0x493: {  	[sflag:s20] =	ssyncadd.s32 $0xFFFFEC00  }
0x494: {  	_ =	swait.ge [sflag:s20], $0x1400  }
0x495: {  	[sflag:s20] =	ssyncset.done $0x0  }
0x496: {  	s21 =	simm.s32 $0x5;
	[sflag:s20] =	ssyncadd.s32 $0xFFFFEC00  }
0x497: {  	_ =	swait.ge [sflag:s21], $0x1400  }
0x498: {  	[sflag:s21] =	ssyncset.done $0x0  }
0x499: {  	s22 =	simm.s32 $0x1;
	[sflag:s21] =	ssyncadd.s32 $0xFFFFEC00  }
0x49a: {  	_ =	swait.ge [sflag:s22], $0x28  }
0x49b: {  	[sflag:s22] =	ssyncset.done $0x0  }
0x49c: {  	[sflag:s22] =	ssyncadd.s32 $0xFFFFFFD8  }
0x49d: {  	_ =	swait.ge [sflag:s22], $0x28  }
0x49e: {  	[sflag:s22] =	ssyncset.done $0x0  }
0x49f: {  	[sflag:s22] =	ssyncadd.s32 $0xFFFFFFD8  }
0x4a0: {  	v3 =	vld [tilespmem:$0x0];
	_ =	sdelay $0x4  }
0x4a1: {  	v4 =	vshll.u32 v3, $0x1  }
0x4a2: {  	v3 =	vand.u32 $0x7, v3;
	v4 =	vand.u32 $0xFFFFFFF0, v4  }
0x4a3: {  	v3 =	vor.u32 v3, v4  }
0x4a4: {  	v4 =	vperm.xlane v3, v0;
	_ =	sdelay $0x1  }
0x4a5: {  	v3 =	vperm.xlane v3, v2;
	v4 =	vadd.s32 v1, v4;
	_ =	sdelay $0x1  }
0x4a6: {  	s23 =	sld [smem:$0x7DD];
	v3 =	vadd.s32 v1, v3;
	_ =	sdelay $0x1  }
0x4a7: {  	s24 =	simm.s32 $0x100  }
0x4a8: {  	[tilespmem:s24], [sflag:$0x3] =	stream.indirect_vreg.gather [hbm4b:s23+s3], $0x80, v4, vm0, $0xb8;
	[tilespmem:$0x1EA00] =	vst v63  }
0x4a9: {  	s25 =	simm.s32 $0x900  }
0x4aa: {  	[tilespmem:s25], [sflag:$0x3] =	stream.indirect_vreg.gather [hbm4b:s23+s3], $0x80, v3, vm0, $0xb8;
	[tilespmem:$0x1EA00] =	vst v63  }
0x4ab: {  	v3 =	vld [tilespmem:$0x10];
	_ =	sdelay $0x4  }
0x4ac: {  	v62 =	vshll.u32 v3, $0x1  }
0x4ad: {  	v3 =	vand.u32 $0x7, v3;
	v4 =	vand.u32 $0xFFFFFFF0, v62  }
0x4ae: {  	v3 =	vor.u32 v3, v4  }
0x4af: {  	v4 =	vperm.xlane v3, v0;
	_ =	sdelay $0x1  }
0x4b0: {  	v3 =	vperm.xlane v3, v2;
	v4 =	vadd.s32 v1, v4;
	_ =	sdelay $0x1  }
0x4b1: {  	v3 =	vadd.s32 v1, v3;
	_ =	sdelay $0x1  }
0x4b2: {  	s26 =	simm.s32 $0x1100  }
0x4b3: {  	[tilespmem:s26], [sflag:$0x3] =	stream.indirect_vreg.gather [hbm4b:s23+s3], $0x80, v4, vm0, $0xb8;
	[tilespmem:$0x1EA00] =	vst v63  }
0x4b4: {  	s28 =	simm.s32 $0x1900  }
0x4b5: {  	[tilespmem:s28], [sflag:$0x3] =	stream.indirect_vreg.gather [hbm4b:s23+s3], $0x80, v3, vm0, $0xb8;
	[tilespmem:$0x1EA00] =	vst v63  }
0x4b6: {  	v3 =	vld.msk [tilespmem:$0x20], $0xff;
	_ =	sdelay $0x4  }
0x4b7: {  	v63 =	vshll.u32 v3, $0x1  }
0x4b8: {  	v3 =	vand.u32 $0x7, v3;
	v4 =	vand.u32 $0xFFFFFFF0, v63  }
0x4b9: {  	v3 =	vor.u32 v3, v4  }
0x4ba: {  	v3 =	vperm.xlane v3, v0;
	_ =	sdelay $0x1  }
0x4bb: {  	v3 =	vadd.s32 v1, v3;
	_ =	sdelay $0x3  }
0x4bc: {  	s29 =	simm.s32 $0x2100;
	s31 =	sld [smem:$0x7E4]  }
0x4bd: {  	[tilespmem:s29], [sflag:$0x3] =	stream.indirect_vreg.gather [hbm4b:s23+s3], $0x80, v3, vm0, $0xb8;
	[tilespmem:$0x1EA00] =	vst v63  }
0x4be: {  	s0 =	sshll.u32 s0, $0x4;
	s30 =	rddreg [dreg:$0x1]  }
0x4bf: {  	[tilespmem:s7], [sflag:$0x3] =	stream.indirect.gather [hbm4b:s30+s6], $0x80, s4, s6, $0xb8;
	[tilespmem:$0x1EA00] =	vst v63  }
0x4c0: {  	s0 =	sadd.s32 s31, s0  }
0x4c1: {  	[tilespmem:s8], [sflag:$0x3] =	stream.linear.gather [hbm4b:s0+s3], $0x1400, $0x38;
	[tilespmem:$0x1EA00] =	vst v63  }
.LBB2_7:
0x4c2: {  	s0 =	simm.s32 $0x0  }
0x4c3: {  	s1 =	simm.s32 $0x180;
	s2 =	sand.u32 $0x3800, s0  }
0x4c4: {  	s13 =	simm.s32 $0x7B00;
	s1 =	sand.u32 $0x380, s1;
	s2 =	sadd.s32 $0x5200, s2  }
0x4c5: {  	v3 =	vld [tilespmem:s13+$0x80];
	s3 =	sadd.s32 s1, s2  }
0x4c6: {  	v4 =	vld [tilespmem:s3+$0x0]  }
0x4c7: {  	s11 =	simm.s32 $0x8F00  }
0x4c8: {  	v5 =	vld [tilespmem:s11+$0x80];
	_ =	sdelay $0x2  }
0x4c9: {  	v3 =	vadd.f32 v3, v4;
	_ =	sdelay $0x1  }
0x4ca: {  	v3 =	vadd.f32 v5, v3;
	_ =	sdelay $0x1  }
0x4cb: {  	v4 =	vmul.f32 $1.280000000e+02, v3;
	_ =	sdelay $0x1  }
0x4cc: {  	s24 =	simm.s32 $0x0;
	v6 =	vld [tilespmem:s13+$0xFFFFFF80];
	v4 =	vadd.f32 $1.024000000e+03, v4  }
0x4cd: {  	v10 =	vld [tilespmem:s13+$0x0];
	s1 =	sand.u32 $0x200, s24  }
0x4ce: {  	s4 =	simm.s32 $0x80;
	v11 =	vld [tilespmem:s11+$0xFFFFFF00];
	s15 =	sadd.s32 s1, s2;
	v4 =	vmax.f32 v4, $0.0e+00  }
0x4cf: {  	s7 =	simm.s32 $0x100;
	s4 =	sand.u32 $0x280, s4;
	v7 =	vld [tilespmem:s15+$0x0];
	v4 =	vmin.f32 v4, $2.047000000e+03  }
0x4d0: {  	s25 =	sand.u32 $0x300, s7;
	s7 =	sadd.s32 s4, s2;
	v5 =	vld [tilespmem:s13+$0xFFFFFF00];
	v4 =	vtrunc.f32 v4  }
0x4d1: {  	v8 =	vld [tilespmem:s7+$0x0];
	v4 =	vcvt.f32.s32 v4  }
0x4d2: {  	v12 =	vld [tilespmem:s11+$0xFFFFFF80];
	s22 =	sadd.s32 s25, s2  }
0x4d3: {  	s26 =	sand.u32 $0x7, s0;
	v9 =	vld [tilespmem:s22+$0x0]  }
0x4d4: {  	s1 =	sshll.u32 s26, $0x7  }
0x4d5: {  	v13 =	vld [tilespmem:s11+$0x0];
	s1 =	sadd.s32 $0x0, s1;
	v5 =	vadd.f32 v5, v7  }
0x4d6: {  	s2 =	sadd.s32 $0x180, s1;
	v6 =	vadd.f32 v6, v8  }
0x4d7: {  	s29 =	sor.u32 $0x400, s2;
	v5 =	vadd.f32 v11, v5;
	v4 =	vld.idx.msk [tilespmem:v4+s5+$0x0], $0xffff;
	[tilespmem:s11+$0x80] =	vst v3  }
0x4d8: {  	v6 =	vadd.f32 v12, v6;
	v3 =	vadd.f32 v10, v9;
	v7 =	vld [tilespmem:s29+$0x5200]  }
0x4d9: {  	v8 =	vmul.f32 $1.280000000e+02, v5  }
0x4da: {  	v9 =	vmul.f32 $1.280000000e+02, v6;
	v3 =	vadd.f32 v13, v3  }
0x4db: {  	v8 =	vadd.f32 $1.024000000e+03, v8  }
0x4dc: {  	v9 =	vadd.f32 $1.024000000e+03, v9;
	v10 =	vmul.f32 $1.280000000e+02, v3  }
0x4dd: {  	v4 =	vmul.f32 v7, v4;
	v7 =	vmax.f32 v8, $0.0e+00  }
0x4de: {  	v9 =	vmax.f32 v9, $0.0e+00;
	v8 =	vadd.f32 $1.024000000e+03, v10;
	v7 =	vmin.f32 v7, $2.047000000e+03  }
0x4df: {  	[tilespmem:s13+$0x80] =	vst v4;
	v4 =	vtrunc.f32 v7;
	v7 =	vmin.f32 v9, $2.047000000e+03  }
0x4e0: {  	v8 =	vmax.f32 v8, $0.0e+00;
	v9 =	vld [tilespmem:s13+$0x90];
	v4 =	vcvt.f32.s32 v4;
	v7 =	vtrunc.f32 v7  }
0x4e1: {  	v8 =	vmin.f32 v8, $2.047000000e+03;
	v10 =	vld [tilespmem:s3+$0x10];
	v7 =	vcvt.f32.s32 v7  }
0x4e2: {  	v8 =	vtrunc.f32 v8  }
0x4e3: {  	p1 =	por $0x0, $0x0;
	s4 =	simm.s32 $0x1;
	v11 =	vld [tilespmem:s11+$0x90];
	v8 =	vcvt.f32.s32 v8  }
0x4e4: {  	s4 =	simm.s32 @!p1 $0x0  }
0x4e5: {  	s4 =	sshll.u32 s4, $0x9  }
0x4e6: {  	s23 =	sadd.s32 $0x0, s4;
	v9 =	vadd.f32 v9, v10;
	v4 =	vld.idx.msk [tilespmem:v4+s5+$0x0], $0xffff  }
0x4e7: {  	s0 =	sand.u32 $0x3, s0;
	s4 =	sor.u32 $0x400, s23;
	[tilespmem:s11+$0xFFFFFF00] =	vst v5;
	v7 =	vld.idx.msk [tilespmem:v7+s5+$0x0], $0xffff  }
0x4e8: {  	s0 =	sshll.u32 s0, $0x8;
	s10 =	sadd.s32 $0x80, s1;
	v9 =	vadd.f32 v11, v9;
	[tilespmem:s11+$0xFFFFFF80] =	vst v6;
	v6 =	vld [tilespmem:s4+$0x5200]  }
0x4e9: {  	s0 =	sadd.s32 $0x0, s0;
	s1 =	sor.u32 $0x400, s10;
	v5 =	vld.idx.msk [tilespmem:v8+s5+$0x0], $0xffff  }
0x4ea: {  	s14 =	sadd.s32 $0x100, s0;
	[tilespmem:s11+$0x0] =	vst v3;
	v3 =	vld [tilespmem:s1+$0x5200];
	v8 =	vmul.f32 $1.280000000e+02, v9  }
0x4eb: {  	s6 =	sor.u32 $0x400, s14  }
0x4ec: {  	v10 =	vld [tilespmem:s6+$0x5200];
	v8 =	vadd.f32 $1.024000000e+03, v8;
	_ =	sdelay $0x1  }
0x4ed: {  	v11 =	vld [tilespmem:s13+$0xFFFFFF10];
	v4 =	vmul.f32 v6, v4;
	v8 =	vmax.f32 v8, $0.0e+00  }
0x4ee: {  	v3 =	vmul.f32 v3, v7;
	v7 =	vld [tilespmem:s13+$0x10];
	v6 =	vmin.f32 v8, $2.047000000e+03  }
0x4ef: {  	v8 =	vld [tilespmem:s13+$0xFFFFFF90];
	[tilespmem:s13+$0xFFFFFF00] =	vst v4;
	v6 =	vtrunc.f32 v6  }
0x4f0: {  	v4 =	vmul.f32 v10, v5;
	v10 =	vld [tilespmem:s11+$0xFFFFFF10];
	v5 =	vcvt.f32.s32 v6  }
0x4f1: {  	[tilespmem:s13+$0xFFFFFF80] =	vst v3;
	v6 =	vld [tilespmem:s15+$0x10]  }
0x4f2: {  	v3 =	vld [tilespmem:s7+$0x10]  }
0x4f3: {  	[tilespmem:s13+$0x0] =	vst v4;
	v12 =	vld [tilespmem:s11+$0xFFFFFF90]  }
0x4f4: {  	v4 =	vld [tilespmem:s22+$0x10]  }
0x4f5: {  	v13 =	vld [tilespmem:s11+$0x10]  }
0x4f6: {  	s8 =	sor.u32 $0x410, s2;
	v5 =	vld.idx.msk [tilespmem:v5+s5+$0x0], $0xffff;
	[tilespmem:s11+$0x90] =	vst v9  }
0x4f7: {  	v6 =	vadd.f32 v11, v6;
	v9 =	vld [tilespmem:s8+$0x5200]  }
0x4f8: {  	v3 =	vadd.f32 v8, v3  }
0x4f9: {  	v4 =	vadd.f32 v7, v4;
	v6 =	vadd.f32 v10, v6  }
0x4fa: {  	v3 =	vadd.f32 v12, v3  }
0x4fb: {  	v4 =	vadd.f32 v13, v4;
	v7 =	vmul.f32 $1.280000000e+02, v6  }
0x4fc: {  	v8 =	vmul.f32 $1.280000000e+02, v3;
	v5 =	vmul.f32 v9, v5  }
0x4fd: {  	v7 =	vadd.f32 $1.024000000e+03, v7;
	v9 =	vmul.f32 $1.280000000e+02, v4  }
0x4fe: {  	[tilespmem:s13+$0x90] =	vst v5;
	v5 =	vadd.f32 $1.024000000e+03, v8  }
0x4ff: {  	v7 =	vmax.f32 v7, $0.0e+00;
	v9 =	vadd.f32 $1.024000000e+03, v9  }
0x500: {  	v8 =	vld [tilespmem:s13+$0xA0];
	v7 =	vmin.f32 v7, $2.047000000e+03;
	v5 =	vmax.f32 v5, $0.0e+00  }
0x501: {  	v10 =	vld [tilespmem:s3+$0x20];
	v7 =	vtrunc.f32 v7;
	v9 =	vmax.f32 v9, $0.0e+00;
	v5 =	vmin.f32 v5, $2.047000000e+03  }
0x502: {  	v7 =	vcvt.f32.s32 v7;
	v9 =	vmin.f32 v9, $2.047000000e+03;
	v5 =	vtrunc.f32 v5  }
0x503: {  	v11 =	vld [tilespmem:s11+$0xA0];
	v9 =	vtrunc.f32 v9;
	v5 =	vcvt.f32.s32 v5  }
0x504: {  	v9 =	vcvt.f32.s32 v9;
	_ =	sdelay $0x1  }
0x505: {  	v8 =	vadd.f32 v8, v10;
	_ =	sdelay $0x1  }
0x506: {  	v8 =	vadd.f32 v11, v8;
	v7 =	vld.idx.msk [tilespmem:v7+s5+$0x0], $0xffff  }
0x507: {  	v5 =	vld.idx.msk [tilespmem:v5+s5+$0x0], $0xffff  }
0x508: {  	s9 =	sor.u32 $0x410, s23;
	[tilespmem:s11+$0xFFFFFF10] =	vst v6;
	v10 =	vmul.f32 $1.280000000e+02, v8;
	v6 =	vld.idx.msk [tilespmem:v9+s5+$0x0], $0xffff  }
0x509: {  	s12 =	sor.u32 $0x410, s10;
	[tilespmem:s11+$0xFFFFFF90] =	vst v3;
	v3 =	vld [tilespmem:s9+$0x5200]  }
0x50a: {  	v9 =	vadd.f32 $1.024000000e+03, v10;
	v10 =	vld [tilespmem:s12+$0x5200];
	_ =	sdelay $0x1  }
0x50b: {  	s16 =	sor.u32 $0x410, s14;
	[tilespmem:s11+$0x10] =	vst v4;
	v9 =	vmax.f32 v9, $0.0e+00  }
0x50c: {  	v4 =	vmin.f32 v9, $2.047000000e+03;
	v9 =	vld [tilespmem:s16+$0x5200]  }
0x50d: {  	v11 =	vld [tilespmem:s13+$0xFFFFFF20];
	v4 =	vtrunc.f32 v4;
	v3 =	vmul.f32 v3, v7  }
0x50e: {  	v12 =	vld [tilespmem:s13+$0xFFFFFFA0];
	v4 =	vcvt.f32.s32 v4;
	v5 =	vmul.f32 v10, v5  }
0x50f: {  	v7 =	vld [tilespmem:s13+$0x20];
	[tilespmem:s13+$0xFFFFFF10] =	vst v3  }
0x510: {  	v3 =	vld [tilespmem:s15+$0x20];
	[tilespmem:s13+$0xFFFFFF90] =	vst v5  }
0x511: {  	v5 =	vld [tilespmem:s7+$0x20];
	v6 =	vmul.f32 v9, v6  }
0x512: {  	v9 =	vld [tilespmem:s11+$0xFFFFFF20]  }
0x513: {  	[tilespmem:s13+$0x10] =	vst v6;
	v6 =	vld [tilespmem:s11+$0xFFFFFFA0]  }
0x514: {  	s17 =	sor.u32 $0x420, s2;
	v4 =	vld.idx.msk [tilespmem:v4+s5+$0x0], $0xffff;
	[tilespmem:s11+$0xA0] =	vst v8  }
0x515: {  	v8 =	vld [tilespmem:s17+$0x5200]  }
0x516: {  	v10 =	vld [tilespmem:s22+$0x20]  }
0x517: {  	v3 =	vadd.f32 v11, v3  }
0x518: {  	v5 =	vadd.f32 v12, v5  }
0x519: {  	v3 =	vadd.f32 v9, v3  }
0x51a: {  	v11 =	vld [tilespmem:s11+$0x20];
	v5 =	vadd.f32 v6, v5;
	v4 =	vmul.f32 v8, v4  }
0x51b: {  	v6 =	vadd.f32 v7, v10;
	v7 =	vmul.f32 $1.280000000e+02, v3  }
0x51c: {  	[tilespmem:s13+$0xA0] =	vst v4;
	v4 =	vmul.f32 $1.280000000e+02, v5  }
0x51d: {  	v8 =	vld [tilespmem:s13+$0xB0];
	v7 =	vadd.f32 $1.024000000e+03, v7  }
0x51e: {  	v9 =	vld [tilespmem:s3+$0x30];
	v4 =	vadd.f32 $1.024000000e+03, v4  }
0x51f: {  	v6 =	vadd.f32 v11, v6;
	v7 =	vmax.f32 v7, $0.0e+00  }
0x520: {  	v11 =	vld [tilespmem:s11+$0xB0];
	v7 =	vmin.f32 v7, $2.047000000e+03;
	v4 =	vmax.f32 v4, $0.0e+00  }
0x521: {  	v10 =	vmul.f32 $1.280000000e+02, v6;
	v7 =	vtrunc.f32 v7;
	v4 =	vmin.f32 v4, $2.047000000e+03  }
0x522: {  	v7 =	vcvt.f32.s32 v7;
	v4 =	vtrunc.f32 v4  }
0x523: {  	v10 =	vadd.f32 $1.024000000e+03, v10;
	v8 =	vadd.f32 v8, v9;
	v4 =	vcvt.f32.s32 v4;
	_ =	sdelay $0x1  }
0x524: {  	v9 =	vmax.f32 v10, $0.0e+00;
	v8 =	vadd.f32 v11, v8  }
0x525: {  	v9 =	vmin.f32 v9, $2.047000000e+03  }
0x526: {  	v9 =	vtrunc.f32 v9;
	v10 =	vmul.f32 $1.280000000e+02, v8  }
0x527: {  	v9 =	vcvt.f32.s32 v9;
	v7 =	vld.idx.msk [tilespmem:v7+s5+$0x0], $0xffff  }
0x528: {  	s18 =	sor.u32 $0x420, s23;
	[tilespmem:s11+$0xFFFFFF20] =	vst v3;
	v10 =	vadd.f32 $1.024000000e+03, v10;
	v3 =	vld.idx.msk [tilespmem:v4+s5+$0x0], $0xffff  }
0x529: {  	s19 =	sor.u32 $0x420, s10;
	[tilespmem:s11+$0xFFFFFFA0] =	vst v5;
	v4 =	vld [tilespmem:s18+$0x5200]  }
0x52a: {  	v5 =	vmax.f32 v10, $0.0e+00;
	v10 =	vld [tilespmem:s19+$0x5200]  }
0x52b: {  	v5 =	vmin.f32 v5, $2.047000000e+03  }
0x52c: {  	v11 =	vld [tilespmem:s13+$0xFFFFFF30];
	v5 =	vtrunc.f32 v5  }
0x52d: {  	s20 =	sor.u32 $0x420, s14;
	v9 =	vld.idx.msk [tilespmem:v9+s5+$0x0], $0xffff;
	[tilespmem:s11+$0x20] =	vst v6;
	v5 =	vcvt.f32.s32 v5  }
0x52e: {  	v6 =	vld [tilespmem:s20+$0x5200];
	v4 =	vmul.f32 v4, v7  }
0x52f: {  	v7 =	vld [tilespmem:s13+$0xFFFFFFB0];
	v3 =	vmul.f32 v10, v3  }
0x530: {  	v10 =	vld [tilespmem:s13+$0x30];
	[tilespmem:s13+$0xFFFFFF20] =	vst v4  }
0x531: {  	v4 =	vld [tilespmem:s15+$0x30];
	[tilespmem:s13+$0xFFFFFFA0] =	vst v3  }
0x532: {  	v12 =	vld [tilespmem:s11+$0xFFFFFFB0]  }
0x533: {  	v3 =	vld.idx.msk [tilespmem:v5+s5+$0x0], $0xffff  }
0x534: {  	s21 =	sor.u32 $0x430, s2;
	v5 =	vmul.f32 v6, v9;
	[tilespmem:s11+$0xB0] =	vst v8;
	v9 =	vld [tilespmem:s11+$0xFFFFFF30]  }
0x535: {  	v8 =	vld [tilespmem:s21+$0x5200]  }
0x536: {  	s24 =	simm.s32 $0x400;
	v6 =	vld [tilespmem:s7+$0x30];
	[tilespmem:s13+$0x20] =	vst v5  }
0x537: {  	s25 =	simm.s32 $0x380;
	s0 =	sand.u32 $0x3800, s24;
	s8 =	simm.s32 $0x7D00;
	v5 =	vld [tilespmem:s22+$0x30];
	v4 =	vadd.f32 v11, v4  }
0x538: {  	s26 =	sadd.s32 $0x5200, s0;
	s6 =	sand.u32 $0x380, s25;
	v11 =	vld [tilespmem:s8+$0x80]  }
0x539: {  	s31 =	sadd.s32 s6, s26;
	v4 =	vadd.f32 v9, v4;
	v9 =	vld [tilespmem:s11+$0x30]  }
0x53a: {  	v3 =	vmul.f32 v8, v3;
	v8 =	vld [tilespmem:s31+$0x0]  }
0x53b: {  	s19 =	simm.s32 $0x9100;
	v6 =	vadd.f32 v7, v6;
	v7 =	vmul.f32 $1.280000000e+02, v4  }
0x53c: {  	[tilespmem:s13+$0xB0] =	vst v3;
	v3 =	vld [tilespmem:s19+$0x80];
	v5 =	vadd.f32 v10, v5  }
0x53d: {  	v13 =	vld [tilespmem:s13+$0xC0];
	v6 =	vadd.f32 v12, v6;
	v7 =	vadd.f32 $1.024000000e+03, v7  }
0x53e: {  	v10 =	vld [tilespmem:s3+$0x40];
	v5 =	vadd.f32 v9, v5  }
0x53f: {  	v9 =	vmul.f32 $1.280000000e+02, v6;
	v8 =	vadd.f32 v11, v8;
	v7 =	vmax.f32 v7, $0.0e+00  }
0x540: {  	v11 =	vld [tilespmem:s11+$0xC0];
	v7 =	vmin.f32 v7, $2.047000000e+03  }
0x541: {  	v9 =	vadd.f32 $1.024000000e+03, v9;
	v3 =	vadd.f32 v3, v8;
	v8 =	vmul.f32 $1.280000000e+02, v5  }
0x542: {  	v7 =	vtrunc.f32 v7  }
0x543: {  	v10 =	vadd.f32 v13, v10;
	v9 =	vmax.f32 v9, $0.0e+00;
	v8 =	vadd.f32 $1.024000000e+03, v8  }
0x544: {  	v7 =	vcvt.f32.s32 v7;
	v12 =	vmul.f32 $1.280000000e+02, v3;
	v9 =	vmin.f32 v9, $2.047000000e+03  }
0x545: {  	v10 =	vadd.f32 v11, v10;
	v9 =	vtrunc.f32 v9;
	v8 =	vmax.f32 v8, $0.0e+00  }
0x546: {  	v11 =	vadd.f32 $1.024000000e+03, v12;
	v9 =	vcvt.f32.s32 v9;
	v8 =	vmin.f32 v8, $2.047000000e+03  }
0x547: {  	v12 =	vmul.f32 $1.280000000e+02, v10;
	v8 =	vtrunc.f32 v8  }
0x548: {  	v11 =	vmax.f32 v11, $0.0e+00;
	v8 =	vcvt.f32.s32 v8  }
0x549: {  	v11 =	vmin.f32 v11, $2.047000000e+03;
	v12 =	vadd.f32 $1.024000000e+03, v12  }
0x54a: {  	s9 =	sor.u32 $0x430, s23;
	v7 =	vld.idx.msk [tilespmem:v7+s5+$0x0], $0xffff;
	[tilespmem:s11+$0xFFFFFF30] =	vst v4;
	v11 =	vtrunc.f32 v11  }
0x54b: {  	v11 =	vcvt.f32.s32 v11;
	v4 =	vmax.f32 v12, $0.0e+00;
	v12 =	vld [tilespmem:s9+$0x5200]  }
0x54c: {  	v13 =	vld [tilespmem:s13+$0xFFFFFF40]  }
0x54d: {  	s12 =	simm.s32 $0x4;
	v4 =	vmin.f32 v4, $2.047000000e+03;
	v9 =	vld.idx.msk [tilespmem:v9+s5+$0x0], $0xffff  }
0x54e: {  	s0 =	sand.u32 $0x7, s12;
	s18 =	sor.u32 $0x430, s14;
	v4 =	vtrunc.f32 v4;
	v8 =	vld.idx.msk [tilespmem:v8+s5+$0x0], $0xffff;
	[tilespmem:s11+$0x30] =	vst v5  }
0x54f: {  	s0 =	sshll.u32 s0, $0x7;
	[tilespmem:s11+$0xFFFFFFB0] =	vst v6;
	v4 =	vcvt.f32.s32 v4;
	v5 =	vld [tilespmem:s18+$0x5200]  }
0x550: {  	s9 =	sadd.s32 $0x400, s0;
	v7 =	vmul.f32 v12, v7;
	v12 =	vld [tilespmem:s13+$0xFFFFFFC0]  }
0x551: {  	s16 =	sor.u32 $0x430, s10;
	s0 =	sadd.s32 $0x180, s9;
	v6 =	vld.idx.msk [tilespmem:v11+s5+$0x0], $0xffff  }
0x552: {  	s17 =	sor.u32 $0x400, s0;
	v11 =	vld [tilespmem:s16+$0x5200];
	[tilespmem:s19+$0x80] =	vst v3  }
0x553: {  	v3 =	vld [tilespmem:s17+$0x5200];
	[tilespmem:s13+$0xFFFFFF30] =	vst v7  }
0x554: {  	v14 =	vld [tilespmem:s11+$0xFFFFFF40]  }
0x555: {  	v4 =	vld.idx.msk [tilespmem:v4+s5+$0x0], $0xffff  }
0x556: {  	s20 =	sor.u32 $0x440, s2;
	[tilespmem:s11+$0xC0] =	vst v10;
	v10 =	vld [tilespmem:s15+$0x40]  }
0x557: {  	v7 =	vld [tilespmem:s20+$0x5200];
	v5 =	vmul.f32 v5, v8  }
0x558: {  	v8 =	vld [tilespmem:s13+$0xD0]  }
0x559: {  	v3 =	vmul.f32 v3, v6;
	v6 =	vld [tilespmem:s13+$0x40];
	[tilespmem:s13+$0x30] =	vst v5  }
0x55a: {  	v9 =	vmul.f32 v11, v9;
	v11 =	vld [tilespmem:s22+$0x40]  }
0x55b: {  	[tilespmem:s8+$0x80] =	vst v3;
	v3 =	vld [tilespmem:s8+$0x90]  }
0x55c: {  	[tilespmem:s13+$0xFFFFFFB0] =	vst v9;
	v4 =	vmul.f32 v7, v4;
	v7 =	vld [tilespmem:s31+$0x10]  }
0x55d: {  	v9 =	vld [tilespmem:s7+$0x40]  }
0x55e: {  	v10 =	vadd.f32 v13, v10;
	v13 =	vld [tilespmem:s11+$0xFFFFFFC0]  }
0x55f: {  	[tilespmem:s13+$0xC0] =	vst v4;
	v4 =	vld [tilespmem:s19+$0x90]  }
0x560: {  	v5 =	vld [tilespmem:s3+$0x50]  }
0x561: {  	v3 =	vadd.f32 v3, v7;
	v7 =	vadd.f32 v14, v10;
	v10 =	vld [tilespmem:s11+$0xD0]  }
0x562: {  	v9 =	vadd.f32 v12, v9;
	v14 =	vld [tilespmem:s11+$0x40];
	_ =	sdelay $0x1  }
0x563: {  	v9 =	vadd.f32 v13, v9;
	v3 =	vadd.f32 v4, v3;
	v4 =	vmul.f32 $1.280000000e+02, v7  }
0x564: {  	s12 =	simm.s32 $0x300;
	v6 =	vadd.f32 v6, v11;
	v5 =	vadd.f32 v8, v5  }
0x565: {  	s25 =	sand.u32 $0x300, s12;
	v12 =	vmul.f32 $1.280000000e+02, v9;
	v8 =	vmul.f32 $1.280000000e+02, v3;
	v4 =	vadd.f32 $1.024000000e+03, v4  }
0x566: {  	s1 =	sadd.s32 s25, s26;
	v5 =	vadd.f32 v10, v5;
	v6 =	vadd.f32 v14, v6  }
0x567: {  	v17 =	vld [tilespmem:s1+$0x0];
	s21 =	simm.s32 $0x200;
	v12 =	vadd.f32 $1.024000000e+03, v12;
	v8 =	vadd.f32 $1.024000000e+03, v8;
	v4 =	vmax.f32 v4, $0.0e+00  }
0x568: {  	s24 =	simm.s32 $0x280;
	v18 =	vld [tilespmem:s19+$0xFFFFFF00];
	s4 =	sand.u32 $0x200, s21;
	v11 =	vmul.f32 $1.280000000e+02, v5;
	v4 =	vmin.f32 v4, $2.047000000e+03  }
0x569: {  	s6 =	smov.u32 s10;
	s10 =	sand.u32 $0x280, s24;
	s29 =	sadd.s32 s4, s26;
	v10 =	vld [tilespmem:s8+$0xFFFFFF00];
	v15 =	vmul.f32 $1.280000000e+02, v6;
	v12 =	vmax.f32 v12, $0.0e+00;
	v8 =	vmax.f32 v8, $0.0e+00  }
0x56a: {  	s21 =	sadd.s32 s10, s26;
	v14 =	vld [tilespmem:s29+$0x0];
	v4 =	vtrunc.f32 v4;
	v8 =	vmin.f32 v8, $2.047000000e+03;
	v11 =	vadd.f32 $1.024000000e+03, v11  }
0x56b: {  	v16 =	vld [tilespmem:s21+$0x0];
	v15 =	vadd.f32 $1.024000000e+03, v15;
	v4 =	vcvt.f32.s32 v4;
	v8 =	vtrunc.f32 v8  }
0x56c: {  	v13 =	vld [tilespmem:s8+$0xFFFFFF80];
	v12 =	vmin.f32 v12, $2.047000000e+03;
	v8 =	vcvt.f32.s32 v8;
	v11 =	vmax.f32 v11, $0.0e+00  }
0x56d: {  	v19 =	vld [tilespmem:s8+$0x0];
	v12 =	vtrunc.f32 v12;
	v15 =	vmax.f32 v15, $0.0e+00;
	v11 =	vmin.f32 v11, $2.047000000e+03  }
0x56e: {  	v20 =	vld [tilespmem:s19+$0xFFFFFF80];
	v12 =	vcvt.f32.s32 v12;
	v15 =	vmin.f32 v15, $2.047000000e+03;
	v11 =	vtrunc.f32 v11  }
0x56f: {  	v10 =	vadd.f32 v10, v14;
	v15 =	vtrunc.f32 v15;
	v11 =	vcvt.f32.s32 v11  }
0x570: {  	v14 =	vld [tilespmem:s19+$0x0];
	v15 =	vcvt.f32.s32 v15  }
0x571: {  	v13 =	vadd.f32 v13, v16;
	v10 =	vadd.f32 v18, v10;
	v4 =	vld.idx.msk [tilespmem:v4+s5+$0x0], $0xffff  }
0x572: {  	s26 =	sor.u32 $0x410, s0;
	v8 =	vld.idx.msk [tilespmem:v8+s5+$0x0], $0xffff;
	[tilespmem:s19+$0x90] =	vst v3  }
0x573: {  	v13 =	vadd.f32 v20, v13;
	v3 =	vadd.f32 v19, v17;
	v17 =	vmul.f32 $1.280000000e+02, v10;
	v16 =	vld [tilespmem:s26+$0x5200]  }
0x574: {  	v12 =	vld.idx.msk [tilespmem:v12+s5+$0x0], $0xffff  }
0x575: {  	[tilespmem:s11+$0xFFFFFF40] =	vst v7;
	v3 =	vadd.f32 v14, v3;
	v14 =	vmul.f32 $1.280000000e+02, v13;
	v17 =	vadd.f32 $1.024000000e+03, v17;
	v11 =	vld.idx.msk [tilespmem:v11+s5+$0x0], $0xffff  }
0x576: {  	s10 =	sor.u32 $0x450, s2;
	[tilespmem:s11+$0xD0] =	vst v5;
	v7 =	vld.idx.msk [tilespmem:v15+s5+$0x0], $0xffff  }
0x577: {  	s12 =	sor.u32 $0x440, s23;
	[tilespmem:s11+$0xFFFFFFC0] =	vst v9;
	v18 =	vld [tilespmem:s10+$0x5200];
	v14 =	vadd.f32 $1.024000000e+03, v14;
	v15 =	vmax.f32 v17, $0.0e+00  }
0x578: {  	s18 =	sor.u32 $0x440, s14;
	v9 =	vld [tilespmem:s12+$0x5200];
	[tilespmem:s11+$0x40] =	vst v6;
	v5 =	vmul.f32 $1.280000000e+02, v3;
	v15 =	vmin.f32 v15, $2.047000000e+03;
	v8 =	vmul.f32 v16, v8  }
0x579: {  	s17 =	sor.u32 $0x440, s6;
	v17 =	vld [tilespmem:s18+$0x5200];
	v14 =	vmax.f32 v14, $0.0e+00;
	v15 =	vtrunc.f32 v15  }
0x57a: {  	v5 =	vadd.f32 $1.024000000e+03, v5;
	v16 =	vld [tilespmem:s17+$0x5200];
	[tilespmem:s8+$0x90] =	vst v8;
	v8 =	vmin.f32 v14, $2.047000000e+03;
	v14 =	vcvt.f32.s32 v15  }
0x57b: {  	v15 =	vld [tilespmem:s8+$0xA0]  }
0x57c: {  	v5 =	vmax.f32 v5, $0.0e+00;
	v6 =	vtrunc.f32 v8;
	v8 =	vmul.f32 v18, v11;
	v11 =	vld [tilespmem:s31+$0x20]  }
0x57d: {  	p1 =	por !p1, !p1;
	s4 =	simm.s32 $0x1;
	v5 =	vmin.f32 v5, $2.047000000e+03;
	v18 =	vld [tilespmem:s13+$0xE0]  }
0x57e: {  	s4 =	simm.s32 @!p1 $0x0;
	v6 =	vcvt.f32.s32 v6;
	v5 =	vtrunc.f32 v5;
	[tilespmem:s13+$0xD0] =	vst v8;
	v8 =	vld [tilespmem:s19+$0xA0]  }
0x57f: {  	s4 =	sshll.u32 s4, $0x9;
	v5 =	vcvt.f32.s32 v5;
	v19 =	vld [tilespmem:s3+$0x60]  }
0x580: {  	s4 =	sadd.s32 $0x400, s4;
	v14 =	vld.idx.msk [tilespmem:v14+s5+$0x0], $0xffff  }
0x581: {  	s24 =	sor.u32 $0x400, s4;
	v11 =	vadd.f32 v15, v11;
	v15 =	vld [tilespmem:s11+$0xE0];
	[tilespmem:s19+$0xFFFFFF00] =	vst v10  }
0x582: {  	s20 =	simm.s32 $0x2;
	v10 =	vld [tilespmem:s24+$0x5200]  }
0x583: {  	s10 =	sand.u32 $0x3, s20;
	v21 =	vld [tilespmem:s8+$0xFFFFFF10]  }
0x584: {  	s12 =	sadd.s32 $0x80, s9;
	s10 =	sshll.u32 s10, $0x8;
	v6 =	vld.idx.msk [tilespmem:v6+s5+$0x0], $0xffff;
	v8 =	vadd.f32 v8, v11  }
0x585: {  	s9 =	sor.u32 $0x400, s12;
	s10 =	sadd.s32 $0x400, s10;
	[tilespmem:s19+$0xFFFFFF80] =	vst v13;
	v5 =	vld.idx.msk [tilespmem:v5+s5+$0x0], $0xffff  }
0x586: {  	s30 =	sadd.s32 $0x100, s10;
	v13 =	vadd.f32 v18, v19;
	[tilespmem:s19+$0x0] =	vst v3;
	v3 =	vld [tilespmem:s9+$0x5200];
	v11 =	vmul.f32 $1.280000000e+02, v8  }
0x587: {  	s10 =	sor.u32 $0x400, s30;
	v19 =	vld [tilespmem:s13+$0xFFFFFF50]  }
0x588: {  	v18 =	vld [tilespmem:s10+$0x5200];
	v13 =	vadd.f32 v15, v13;
	v11 =	vadd.f32 $1.024000000e+03, v11  }
0x589: {  	v41 =	vld [tilespmem:s8+$0x10];
	v10 =	vmul.f32 v10, v14  }
0x58a: {  	v15 =	vld [tilespmem:s13+$0xFFFFFFD0];
	v40 =	vmul.f32 $1.280000000e+02, v13;
	v11 =	vmax.f32 v11, $0.0e+00  }
0x58b: {  	v14 =	vld [tilespmem:s8+$0xFFFFFF90];
	v3 =	vmul.f32 v3, v6;
	[tilespmem:s8+$0xFFFFFF00] =	vst v10;
	v11 =	vmin.f32 v11, $2.047000000e+03  }
0x58c: {  	v10 =	vld [tilespmem:s29+$0x10];
	v6 =	vtrunc.f32 v11;
	v11 =	vadd.f32 $1.024000000e+03, v40  }
0x58d: {  	v5 =	vmul.f32 v18, v5;
	v18 =	vld [tilespmem:s19+$0xFFFFFF10];
	[tilespmem:s8+$0xFFFFFF80] =	vst v3;
	v6 =	vcvt.f32.s32 v6  }
0x58e: {  	v22 =	vld [tilespmem:s19+$0xFFFFFF90];
	v3 =	vmax.f32 v11, $0.0e+00  }
0x58f: {  	v4 =	vmul.f32 v9, v4;
	v9 =	vmul.f32 v16, v12;
	[tilespmem:s8+$0x0] =	vst v5;
	v11 =	vld [tilespmem:s21+$0x10];
	v3 =	vmin.f32 v3, $2.047000000e+03  }
0x590: {  	v5 =	vld [tilespmem:s1+$0x10];
	v3 =	vtrunc.f32 v3  }
0x591: {  	[tilespmem:s13+$0xFFFFFFC0] =	vst v9;
	v12 =	vld [tilespmem:s19+$0x10];
	v3 =	vcvt.f32.s32 v3  }
0x592: {  	v9 =	vadd.f32 v21, v10;
	v10 =	vld [tilespmem:s7+$0x50]  }
0x593: {  	s25 =	sor.u32 $0x420, s0;
	v6 =	vld.idx.msk [tilespmem:v6+s5+$0x0], $0xffff;
	[tilespmem:s19+$0xA0] =	vst v8  }
0x594: {  	[tilespmem:s13+$0xFFFFFF40] =	vst v4;
	v4 =	vld [tilespmem:s25+$0x5200]  }
0x595: {  	v8 =	vld [tilespmem:s15+$0x50];
	v11 =	vadd.f32 v14, v11  }
0x596: {  	v9 =	vadd.f32 v18, v9;
	v5 =	vadd.f32 v41, v5;
	v14 =	vld [tilespmem:s11+$0xFFFFFF50]  }
0x597: {  	s26 =	sor.u32 $0x460, s2;
	v11 =	vadd.f32 v22, v11;
	v3 =	vld.idx.msk [tilespmem:v3+s5+$0x0], $0xffff;
	[tilespmem:s11+$0xE0] =	vst v13  }
0x598: {  	v16 =	vmul.f32 $1.280000000e+02, v9;
	v5 =	vadd.f32 v12, v5;
	v13 =	vld [tilespmem:s26+$0x5200]  }
0x599: {  	v12 =	vld [tilespmem:s11+$0xFFFFFFD0];
	v4 =	vmul.f32 v4, v6;
	v6 =	vmul.f32 $1.280000000e+02, v11  }
0x59a: {  	v16 =	vadd.f32 $1.024000000e+03, v16;
	v18 =	vmul.f32 $1.280000000e+02, v5;
	v8 =	vadd.f32 v19, v8  }
0x59b: {  	[tilespmem:s8+$0xA0] =	vst v4;
	v4 =	vmul.f32 v17, v7;
	v7 =	vadd.f32 v15, v10;
	v6 =	vadd.f32 $1.024000000e+03, v6;
	v10 =	vld [tilespmem:s8+$0xB0]  }
0x59c: {  	v8 =	vadd.f32 v14, v8;
	v14 =	vmax.f32 v16, $0.0e+00;
	v15 =	vadd.f32 $1.024000000e+03, v18;
	v16 =	vld [tilespmem:s31+$0x30]  }
0x59d: {  	v17 =	vld [tilespmem:s13+$0x50];
	v3 =	vmul.f32 v13, v3;
	v13 =	vmin.f32 v14, $2.047000000e+03;
	v6 =	vmax.f32 v6, $0.0e+00  }
0x59e: {  	[tilespmem:s13+$0x40] =	vst v4;
	v14 =	vld [tilespmem:s19+$0xB0];
	v7 =	vadd.f32 v12, v7;
	v4 =	vtrunc.f32 v13;
	v6 =	vmin.f32 v6, $2.047000000e+03  }
0x59f: {  	v12 =	vld [tilespmem:s13+$0xF0];
	v13 =	vmax.f32 v15, $0.0e+00;
	[tilespmem:s13+$0xE0] =	vst v3;
	v3 =	vtrunc.f32 v6;
	v4 =	vcvt.f32.s32 v4  }
0x5a0: {  	v15 =	vld [tilespmem:s22+$0x50];
	v6 =	vmin.f32 v13, $2.047000000e+03;
	v13 =	vmul.f32 $1.280000000e+02, v8;
	v3 =	vcvt.f32.s32 v3  }
0x5a1: {  	v6 =	vtrunc.f32 v6;
	v18 =	vld [tilespmem:s3+$0x70];
	v10 =	vadd.f32 v10, v16  }
0x5a2: {  	v6 =	vcvt.f32.s32 v6;
	v16 =	vmul.f32 $1.280000000e+02, v7;
	v13 =	vadd.f32 $1.024000000e+03, v13  }
0x5a3: {  	v19 =	vld [tilespmem:s11+$0xF0];
	v10 =	vadd.f32 v14, v10  }
0x5a4: {  	v14 =	vld [tilespmem:s11+$0x50];
	v16 =	vadd.f32 $1.024000000e+03, v16;
	v13 =	vmax.f32 v13, $0.0e+00  }
0x5a5: {  	v15 =	vadd.f32 v17, v15;
	v13 =	vmin.f32 v13, $2.047000000e+03;
	v4 =	vld.idx.msk [tilespmem:v4+s5+$0x0], $0xffff;
	v17 =	vmul.f32 $1.280000000e+02, v10  }
0x5a6: {  	s10 =	sor.u32 $0x410, s4;
	v16 =	vmax.f32 v16, $0.0e+00;
	v12 =	vadd.f32 v12, v18;
	v13 =	vtrunc.f32 v13;
	[tilespmem:s19+$0xFFFFFF10] =	vst v9;
	v3 =	vld.idx.msk [tilespmem:v3+s5+$0x0], $0xffff  }
0x5a7: {  	v16 =	vmin.f32 v16, $2.047000000e+03;
	v13 =	vcvt.f32.s32 v13;
	[tilespmem:s19+$0xFFFFFF90] =	vst v11;
	v11 =	vld [tilespmem:s10+$0x5200]  }
0x5a8: {  	s16 =	smov.u32 s6;
	s6 =	smov.u32 s14;
	s14 =	sor.u32 $0x410, s12;
	v6 =	vld.idx.msk [tilespmem:v6+s5+$0x0], $0xffff;
	v9 =	vadd.f32 $1.024000000e+03, v17;
	v16 =	vtrunc.f32 v16;
	v12 =	vadd.f32 v19, v12  }
0x5a9: {  	[tilespmem:s19+$0x10] =	vst v5;
	v5 =	vld [tilespmem:s14+$0x5200];
	v16 =	vcvt.f32.s32 v16;
	v14 =	vadd.f32 v14, v15  }
0x5aa: {  	v18 =	vld [tilespmem:s8+$0xFFFFFF20];
	v9 =	vmax.f32 v9, $0.0e+00;
	v15 =	vmul.f32 $1.280000000e+02, v12  }
0x5ab: {  	s17 =	sor.u32 $0x410, s30;
	v42 =	vld [tilespmem:s8+$0xFFFFFFA0];
	v9 =	vmin.f32 v9, $2.047000000e+03;
	v19 =	vmul.f32 $1.280000000e+02, v14  }
0x5ac: {  	v17 =	vld [tilespmem:s17+$0x5200];
	v9 =	vtrunc.f32 v9;
	v15 =	vadd.f32 $1.024000000e+03, v15  }
0x5ad: {  	v4 =	vmul.f32 v11, v4;
	v11 =	vld [tilespmem:s8+$0x20];
	v9 =	vcvt.f32.s32 v9;
	v19 =	vadd.f32 $1.024000000e+03, v19  }
0x5ae: {  	v3 =	vmul.f32 v5, v3;
	v5 =	vld.idx.msk [tilespmem:v13+s5+$0x0], $0xffff;
	v15 =	vmax.f32 v15, $0.0e+00  }
0x5af: {  	[tilespmem:s8+$0xFFFFFF10] =	vst v4;
	v13 =	vmin.f32 v15, $2.047000000e+03;
	v15 =	vld.idx.msk [tilespmem:v16+s5+$0x0], $0xffff;
	v4 =	vmax.f32 v19, $0.0e+00  }
0x5b0: {  	v16 =	vld [tilespmem:s29+$0x20];
	[tilespmem:s8+$0xFFFFFF90] =	vst v3;
	v13 =	vtrunc.f32 v13;
	v3 =	vmin.f32 v4, $2.047000000e+03  }
0x5b1: {  	v4 =	vcvt.f32.s32 v13;
	v13 =	vld [tilespmem:s21+$0x20];
	v3 =	vtrunc.f32 v3  }
0x5b2: {  	v19 =	vcvt.f32.s32 v3;
	v3 =	vmul.f32 v17, v6;
	v6 =	vld [tilespmem:s19+$0xFFFFFF20]  }
0x5b3: {  	s18 =	sor.u32 $0x430, s0;
	v9 =	vld.idx.msk [tilespmem:v9+s5+$0x0], $0xffff;
	[tilespmem:s19+$0xB0] =	vst v10  }
0x5b4: {  	v10 =	vld [tilespmem:s18+$0x5200]  }
0x5b5: {  	v17 =	vld [tilespmem:s19+$0xFFFFFFA0];
	[tilespmem:s8+$0x10] =	vst v3  }
0x5b6: {  	v43 =	vld [tilespmem:s1+$0x20]  }
0x5b7: {  	v3 =	vld.idx.msk [tilespmem:v4+s5+$0x0], $0xffff;
	v4 =	vadd.f32 v18, v16  }
0x5b8: {  	[tilespmem:s11+$0xFFFFFF50] =	vst v8;
	v16 =	vld [tilespmem:s19+$0x20]  }
0x5b9: {  	s20 =	sor.u32 $0x450, s23;
	v13 =	vadd.f32 v42, v13;
	v8 =	vld.idx.msk [tilespmem:v19+s5+$0x0], $0xffff;
	[smem:$0x7B1] =	sst s16;
	v6 =	vadd.f32 v6, v4;
	v4 =	vmul.f32 v10, v9  }
0x5ba: {  	[tilespmem:s11+$0xFFFFFFD0] =	vst v7;
	v9 =	vld [tilespmem:s20+$0x5200]  }
0x5bb: {  	s24 =	sor.u32 $0x450, s16;
	v7 =	vadd.f32 v17, v13;
	v17 =	vld [tilespmem:s8+$0xC0];
	[tilespmem:s8+$0xB0] =	vst v4  }
0x5bc: {  	v10 =	vadd.f32 v11, v43;
	v13 =	vld [tilespmem:s24+$0x5200];
	v11 =	vmul.f32 $1.280000000e+02, v6;
	[smem:$0x7B2] =	sst s6  }
0x5bd: {  	v4 =	vmul.f32 $1.280000000e+02, v7;
	[tilespmem:s11+$0x50] =	vst v14;
	v14 =	vld [tilespmem:s31+$0x40]  }
0x5be: {  	s17 =	simm.s32 $0x7F00;
	v10 =	vadd.f32 v16, v10;
	v11 =	vadd.f32 $1.024000000e+03, v11;
	v19 =	vld [tilespmem:s19+$0xC0]  }
0x5bf: {  	s25 =	sor.u32 $0x450, s6;
	v18 =	vadd.f32 $1.024000000e+03, v4;
	v47 =	vld [tilespmem:s17+$0xFFFFFF00]  }
0x5c0: {  	s2 =	sor.u32 $0x470, s2;
	[tilespmem:s11+$0xF0] =	vst v12;
	v16 =	vld [tilespmem:s25+$0x5200];
	v12 =	vmul.f32 $1.280000000e+02, v10;
	v11 =	vmax.f32 v11, $0.0e+00  }
0x5c1: {  	v4 =	vld [tilespmem:s2+$0x5200];
	v5 =	vmul.f32 v9, v5;
	v9 =	vmin.f32 v11, $2.047000000e+03;
	v11 =	vmax.f32 v18, $0.0e+00  }
0x5c2: {  	v13 =	vmul.f32 v13, v15;
	v15 =	vld [tilespmem:s13+$0xFFFFFFE0];
	v12 =	vadd.f32 $1.024000000e+03, v12;
	v11 =	vmin.f32 v11, $2.047000000e+03  }
0x5c3: {  	v18 =	vld [tilespmem:s13+$0xFFFFFF60];
	[tilespmem:s13+$0xFFFFFF50] =	vst v5;
	v9 =	vtrunc.f32 v9;
	v5 =	vtrunc.f32 v11  }
0x5c4: {  	[tilespmem:s13+$0xFFFFFFD0] =	vst v13;
	v11 =	vadd.f32 v17, v14;
	v9 =	vcvt.f32.s32 v9;
	v14 =	vld [tilespmem:s15+$0x60];
	v12 =	vmax.f32 v12, $0.0e+00  }
0x5c5: {  	v13 =	vld [tilespmem:s7+$0x60];
	v5 =	vcvt.f32.s32 v5;
	v8 =	vmul.f32 v16, v8;
	v12 =	vmin.f32 v12, $2.047000000e+03  }
0x5c6: {  	v17 =	vld [tilespmem:s11+$0xFFFFFF60];
	v11 =	vadd.f32 v19, v11;
	v12 =	vtrunc.f32 v12  }
0x5c7: {  	v44 =	vld [tilespmem:s11+$0xFFFFFFE0];
	[tilespmem:s13+$0x50] =	vst v8;
	v8 =	vcvt.f32.s32 v12  }
0x5c8: {  	v16 =	vld [tilespmem:s13+$0x60];
	v12 =	vmul.f32 $1.280000000e+02, v11  }
0x5c9: {  	v19 =	vld [tilespmem:s22+$0x60]  }
0x5ca: {  	v12 =	vadd.f32 $1.024000000e+03, v12;
	v9 =	vld.idx.msk [tilespmem:v9+s5+$0x0], $0xffff  }
0x5cb: {  	s26 =	sor.u32 $0x420, s4;
	[tilespmem:s19+$0xFFFFFF20] =	vst v6;
	v5 =	vld.idx.msk [tilespmem:v5+s5+$0x0], $0xffff  }
0x5cc: {  	v14 =	vadd.f32 v18, v14;
	v6 =	vmax.f32 v12, $0.0e+00;
	v12 =	vld [tilespmem:s26+$0x5200]  }
0x5cd: {  	s3 =	sor.u32 $0x420, s12;
	[tilespmem:s19+$0xFFFFFFA0] =	vst v7;
	v6 =	vmin.f32 v6, $2.047000000e+03;
	v7 =	vld.idx.msk [tilespmem:v8+s5+$0x0], $0xffff  }
0x5ce: {  	v14 =	vadd.f32 v17, v14;
	v8 =	vld [tilespmem:s3+$0x5200];
	v6 =	vtrunc.f32 v6  }
0x5cf: {  	v46 =	vld [tilespmem:s11+$0x60];
	v6 =	vcvt.f32.s32 v6  }
0x5d0: {  	s18 =	smov.u32 s6;
	s6 =	sor.u32 $0x420, s30;
	v18 =	vld [tilespmem:s8+$0xFFFFFF30];
	[tilespmem:s19+$0x20] =	vst v10;
	v10 =	vmul.f32 $1.280000000e+02, v14  }
0x5d1: {  	v17 =	vld [tilespmem:s6+$0x5200];
	v9 =	vmul.f32 v12, v9  }
0x5d2: {  	v45 =	vld [tilespmem:s8+$0xFFFFFFB0];
	v10 =	vadd.f32 $1.024000000e+03, v10  }
0x5d3: {  	v12 =	vld [tilespmem:s8+$0x30];
	v5 =	vmul.f32 v8, v5;
	[tilespmem:s8+$0xFFFFFF20] =	vst v9  }
0x5d4: {  	v10 =	vmax.f32 v10, $0.0e+00;
	v9 =	vld [tilespmem:s29+$0x30]  }
0x5d5: {  	v10 =	vmin.f32 v10, $2.047000000e+03;
	[tilespmem:s8+$0xFFFFFFA0] =	vst v5;
	v6 =	vld.idx.msk [tilespmem:v6+s5+$0x0], $0xffff  }
0x5d6: {  	v8 =	vtrunc.f32 v10;
	v5 =	vmul.f32 v17, v7;
	v10 =	vld [tilespmem:s21+$0x30]  }
0x5d7: {  	s9 =	sor.u32 $0x440, s0;
	v8 =	vcvt.f32.s32 v8;
	[tilespmem:s19+$0xC0] =	vst v11;
	v11 =	vadd.f32 v15, v13;
	v13 =	vld [tilespmem:s19+$0xFFFFFF30]  }
0x5d8: {  	s6 =	simm.s32 $0x800;
	v7 =	vld [tilespmem:s9+$0x5200];
	[tilespmem:s8+$0x20] =	vst v5  }
0x5d9: {  	s25 =	simm.s32 $0x400;
	s14 =	sand.u32 $0x3800, s6;
	v5 =	vld [tilespmem:s1+$0x30]  }
0x5da: {  	s20 =	sadd.s32 $0x5200, s14;
	v15 =	vld [tilespmem:s19+$0xFFFFFFB0];
	s9 =	sand.u32 $0x200, s25  }
0x5db: {  	v16 =	vadd.f32 v16, v19;
	v11 =	vadd.f32 v44, v11;
	v17 =	vld [tilespmem:s19+$0x30];
	s25 =	sadd.s32 s9, s20  }
0x5dc: {  	v25 =	vld [tilespmem:s25+$0x0]  }
0x5dd: {  	s10 =	sor.u32 $0x460, s23;
	v8 =	vld.idx.msk [tilespmem:v8+s5+$0x0], $0xffff;
	[tilespmem:s11+$0xFFFFFF60] =	vst v14;
	v14 =	vadd.f32 v46, v16;
	v6 =	vmul.f32 v7, v6;
	v7 =	vmul.f32 $1.280000000e+02, v11  }
0x5de: {  	v10 =	vadd.f32 v45, v10;
	v16 =	vld [tilespmem:s10+$0x5200];
	v5 =	vadd.f32 v12, v5  }
0x5df: {  	s10 =	simm.s32 $0x580;
	v12 =	vld [tilespmem:s17+$0x80];
	[tilespmem:s8+$0xC0] =	vst v6;
	v6 =	vadd.f32 $1.024000000e+03, v7;
	v7 =	vadd.f32 v18, v9  }
0x5e0: {  	s24 =	sand.u32 $0x380, s10;
	v9 =	vld [tilespmem:s8+$0xD0];
	v18 =	vmul.f32 $1.280000000e+02, v14  }
0x5e1: {  	v10 =	vadd.f32 v15, v10;
	s2 =	sadd.s32 s24, s20;
	v19 =	vld [tilespmem:s31+$0x50];
	v13 =	vadd.f32 v13, v7  }
0x5e2: {  	s26 =	simm.s32 $0x480;
	v20 =	vadd.f32 v47, v25;
	v15 =	vld [tilespmem:s2+$0x0];
	v6 =	vmax.f32 v6, $0.0e+00;
	v18 =	vadd.f32 $1.024000000e+03, v18  }
0x5e3: {  	s28 =	simm.s32 $0x9300;
	s14 =	sand.u32 $0x280, s26;
	v17 =	vadd.f32 v17, v5;
	v7 =	vld [tilespmem:s19+$0xD0];
	v6 =	vmin.f32 v6, $2.047000000e+03;
	v48 =	vmul.f32 $1.280000000e+02, v13  }
0x5e4: {  	v23 =	vld [tilespmem:s28+$0x80];
	s24 =	sadd.s32 s14, s20;
	s14 =	simm.s32 $0x500;
	v8 =	vmul.f32 v16, v8;
	v6 =	vtrunc.f32 v6;
	v18 =	vmax.f32 v18, $0.0e+00  }
0x5e5: {  	s9 =	sand.u32 $0x300, s14;
	v16 =	vld [tilespmem:s28+$0xFFFFFF00];
	v6 =	vcvt.f32.s32 v6;
	v18 =	vmin.f32 v18, $2.047000000e+03;
	v21 =	vadd.f32 $1.024000000e+03, v48  }
0x5e6: {  	v49 =	vld [tilespmem:s17+$0xFFFFFF80];
	s26 =	sadd.s32 s9, s20;
	v5 =	vtrunc.f32 v18;
	v18 =	vmul.f32 $1.280000000e+02, v10;
	v9 =	vadd.f32 v9, v19  }
0x5e7: {  	v26 =	vld [tilespmem:s26+$0x0];
	v12 =	vadd.f32 v12, v15;
	v24 =	vcvt.f32.s32 v5;
	v5 =	vmul.f32 $1.280000000e+02, v17  }
0x5e8: {  	v19 =	vld [tilespmem:s24+$0x0];
	v21 =	vmax.f32 v21, $0.0e+00;
	v18 =	vadd.f32 $1.024000000e+03, v18;
	v9 =	vadd.f32 v7, v9  }
0x5e9: {  	v15 =	vld [tilespmem:s17+$0x0];
	v12 =	vadd.f32 v23, v12;
	v21 =	vmin.f32 v21, $2.047000000e+03;
	v5 =	vadd.f32 $1.024000000e+03, v5  }
0x5ea: {  	v16 =	vadd.f32 v16, v20;
	v21 =	vtrunc.f32 v21;
	v18 =	vmax.f32 v18, $0.0e+00  }
0x5eb: {  	v50 =	vld [tilespmem:s28+$0xFFFFFF80];
	v7 =	vmin.f32 v18, $2.047000000e+03;
	v5 =	vmax.f32 v5, $0.0e+00;
	v18 =	vmul.f32 $1.280000000e+02, v9  }
0x5ec: {  	v51 =	vld [tilespmem:s28+$0x0];
	[tilespmem:s13+$0xFFFFFF60] =	vst v8;
	v21 =	vcvt.f32.s32 v21;
	v7 =	vtrunc.f32 v7;
	v27 =	vmin.f32 v5, $2.047000000e+03  }
0x5ed: {  	v5 =	vld.idx.msk [tilespmem:v6+s5+$0x0], $0xffff;
	[tilespmem:s11+$0xFFFFFFE0] =	vst v11;
	v11 =	vadd.f32 v49, v19;
	v19 =	vmul.f32 $1.280000000e+02, v12;
	v18 =	vadd.f32 $1.024000000e+03, v18  }
0x5ee: {  	v8 =	vld [tilespmem:s15+$0x70];
	v53 =	vmul.f32 $1.280000000e+02, v16;
	v15 =	vadd.f32 v15, v26;
	v28 =	vcvt.f32.s32 v7  }
0x5ef: {  	s20 =	sor.u32 $0x460, s16;
	v6 =	vtrunc.f32 v27;
	v7 =	vld [tilespmem:s13+$0xFFFFFF70];
	v19 =	vadd.f32 $1.024000000e+03, v19;
	v18 =	vmax.f32 v18, $0.0e+00  }
0x5f0: {  	v22 =	vadd.f32 $1.024000000e+03, v53;
	v52 =	vld [tilespmem:s20+$0x5200];
	v6 =	vcvt.f32.s32 v6;
	v18 =	vmin.f32 v18, $2.047000000e+03  }
0x5f1: {  	v24 =	vld.idx.msk [tilespmem:v24+s5+$0x0], $0xffff;
	[tilespmem:s11+$0x60] =	vst v14;
	v11 =	vadd.f32 v50, v11;
	v19 =	vmax.f32 v19, $0.0e+00;
	v18 =	vtrunc.f32 v18  }
0x5f2: {  	s9 =	sor.u32 $0x460, s18;
	v15 =	vadd.f32 v51, v15;
	v14 =	vld.idx.msk [tilespmem:v21+s5+$0x0], $0xffff;
	[tilespmem:s19+$0xFFFFFF30] =	vst v13;
	v13 =	vmin.f32 v19, $2.047000000e+03;
	v18 =	vcvt.f32.s32 v18  }
0x5f3: {  	s14 =	sor.u32 $0x430, s4;
	v55 =	vld [tilespmem:s9+$0x5200];
	v22 =	vmax.f32 v22, $0.0e+00;
	v54 =	vmul.f32 $1.280000000e+02, v11;
	v13 =	vtrunc.f32 v13  }
0x5f4: {  	v22 =	vmin.f32 v22, $2.047000000e+03;
	v19 =	vmul.f32 $1.280000000e+02, v15;
	v56 =	vld [tilespmem:s14+$0x5200];
	v13 =	vcvt.f32.s32 v13  }
0x5f5: {  	v22 =	vtrunc.f32 v22;
	v57 =	vld.idx.msk [tilespmem:v28+s5+$0x0], $0xffff  }
0x5f6: {  	s15 =	sor.u32 $0x430, s12;
	v58 =	vcvt.f32.s32 v22;
	v21 =	vadd.f32 $1.024000000e+03, v54;
	v19 =	vadd.f32 $1.024000000e+03, v19;
	[tilespmem:s19+$0xFFFFFFB0] =	vst v10;
	v6 =	vld.idx.msk [tilespmem:v6+s5+$0x0], $0xffff  }
0x5f7: {  	s16 =	simm.s32 $0x8;
	s20 =	simm.s32 $0x8;
	v59 =	vld [tilespmem:s15+$0x5200];
	[tilespmem:s19+$0x30] =	vst v17  }
0x5f8: {  	s18 =	sor.u32 $0x430, s30;
	s14 =	sand.u32 $0x7, s16;
	v10 =	vmax.f32 v21, $0.0e+00;
	v19 =	vmax.f32 v19, $0.0e+00;
	v17 =	vld.idx.msk [tilespmem:v18+s5+$0x0], $0xffff;
	[dreg:$0x6] =	wrdreg s20  }
0x5f9: {  	p1 =	por !p1, !p1;
	s9 =	simm.s32 $0x1;
	s15 =	sshll.u32 s14, $0x7;
	v10 =	vmin.f32 v10, $2.047000000e+03;
	v18 =	vmin.f32 v19, $2.047000000e+03;
	v19 =	vld [tilespmem:s18+$0x5200]  }
0x5fa: {  	s9 =	simm.s32 @!p1 $0x0;
	s16 =	sor.u32 $0x450, s0;
	s3 =	sadd.s32 $0x800, s15;
	v10 =	vtrunc.f32 v10;
	[tilespmem:s19+$0xD0] =	vst v9;
	v13 =	vld.idx.msk [tilespmem:v13+s5+$0x0], $0xffff  }
0x5fb: {  	s9 =	sshll.u32 s9, $0x9;
	v9 =	vcvt.f32.s32 v10;
	v10 =	vtrunc.f32 v18;
	[tilespmem:s28+$0x80] =	vst v12;
	v18 =	vld [tilespmem:s16+$0x5200];
	s16 =	sadd.s32 $0x180, s3  }
0x5fc: {  	s14 =	sadd.s32 $0x800, s9;
	s20 =	simm.s32 $0x4;
	v12 =	vld.idx.msk [tilespmem:v58+s5+$0x0], $0xffff;
	[tilespmem:s28+$0xFFFFFF00] =	vst v16;
	s18 =	sor.u32 $0x400, s16  }
0x5fd: {  	v60 =	vld [tilespmem:s18+$0x5200];
	[dreg:$0x7] =	wrdreg s20;
	s20 =	sor.u32 $0x400, s14  }
0x5fe: {  	v14 =	vmul.f32 v56, v14;
	v16 =	vld [tilespmem:s20+$0x5200]  }
0x5ff: {  	v61 =	vld [tilespmem:s8+$0xFFFFFF40]  }
0x600: {  	[tilespmem:s8+$0xFFFFFF30] =	vst v14;
	v14 =	vld [tilespmem:s8+$0xFFFFFFC0]  }
0x601: {  	v63 =	vld [tilespmem:s8+$0x40]  }
0x602: {  	v22 =	vmul.f32 v59, v57;
	v10 =	vcvt.f32.s32 v10;
	v43 =	vld [tilespmem:s13+$0xFFFFFFF0]  }
0x603: {  	v62 =	vld [tilespmem:s29+$0x40]  }
0x604: {  	s15 =	simm.s32 $0x4;
	[tilespmem:s8+$0xFFFFFFB0] =	vst v22;
	v32 =	vld [tilespmem:s19+$0xFFFFFF40]  }
0x605: {  	s18 =	sand.u32 $0x3, s15;
	v6 =	vmul.f32 v19, v6;
	v19 =	vld [tilespmem:s21+$0x40]  }
0x606: {  	s9 =	sshll.u32 s18, $0x8;
	v35 =	vld [tilespmem:s19+$0xFFFFFFC0]  }
0x607: {  	s15 =	sadd.s32 $0x80, s3;
	s9 =	sadd.s32 $0x800, s9;
	v9 =	vld.idx.msk [tilespmem:v9+s5+$0x0], $0xffff  }
0x608: {  	s3 =	sor.u32 $0x400, s15;
	s20 =	sadd.s32 $0x100, s9;
	[tilespmem:s28+$0xFFFFFF80] =	vst v11;
	v10 =	vld.idx.msk [tilespmem:v10+s5+$0x0], $0xffff  }
0x609: {  	v11 =	vld [tilespmem:s3+$0x5200];
	[tilespmem:s28+$0x0] =	vst v15;
	s18 =	sor.u32 $0x400, s20  }
0x60a: {  	[tilespmem:s8+$0x30] =	vst v6;
	v15 =	vld [tilespmem:s18+$0x5200];
	v13 =	vmul.f32 v60, v13  }
0x60b: {  	v34 =	vld [tilespmem:s1+$0x40]  }
0x60c: {  	[tilespmem:s17+$0x80] =	vst v13;
	v13 =	vld [tilespmem:s17+$0x90]  }
0x60d: {  	v33 =	vadd.f32 v61, v62;
	v6 =	vld [tilespmem:s2+$0x10]  }
0x60e: {  	v17 =	vmul.f32 v18, v17;
	v36 =	vld [tilespmem:s19+$0x40]  }
0x60f: {  	v18 =	vld [tilespmem:s28+$0x90];
	v21 =	vadd.f32 v32, v33  }
0x610: {  	[tilespmem:s8+$0xD0] =	vst v17;
	v17 =	vld [tilespmem:s8+$0xE0]  }
0x611: {  	v60 =	vld [tilespmem:s11+$0xFFFFFF70];
	v12 =	vmul.f32 v16, v12;
	v37 =	vmul.f32 $1.280000000e+02, v21  }
0x612: {  	v16 =	vld [tilespmem:s17+$0xFFFFFF10];
	v6 =	vadd.f32 v13, v6  }
0x613: {  	v38 =	vld [tilespmem:s31+$0x60];
	[tilespmem:s17+$0xFFFFFF00] =	vst v12;
	v13 =	vadd.f32 v14, v19;
	v14 =	vadd.f32 $1.024000000e+03, v37  }
0x614: {  	v42 =	vld [tilespmem:s28+$0xFFFFFF10];
	v19 =	vadd.f32 v63, v34;
	v18 =	vadd.f32 v18, v6  }
0x615: {  	v9 =	vmul.f32 v11, v9;
	v6 =	vmul.f32 v52, v5;
	v12 =	vadd.f32 v35, v13;
	v13 =	vld [tilespmem:s25+$0x10]  }
0x616: {  	v5 =	vmax.f32 v14, $0.0e+00;
	v14 =	vadd.f32 v36, v19;
	v19 =	vld [tilespmem:s19+$0xE0];
	v39 =	vmul.f32 $1.280000000e+02, v18  }
0x617: {  	v7 =	vadd.f32 v7, v8;
	v11 =	vld [tilespmem:s17+$0xFFFFFF90];
	v10 =	vmul.f32 v15, v10;
	[tilespmem:s17+$0xFFFFFF80] =	vst v9;
	v5 =	vmin.f32 v5, $2.047000000e+03  }
0x618: {  	v46 =	vld [tilespmem:s24+$0x10];
	v41 =	vmul.f32 $1.280000000e+02, v12;
	v44 =	vtrunc.f32 v5;
	v20 =	vadd.f32 $1.024000000e+03, v39  }
0x619: {  	v17 =	vadd.f32 v17, v38;
	[tilespmem:s17+$0x0] =	vst v10;
	v48 =	vld [tilespmem:s28+$0xFFFFFF90];
	v45 =	vmul.f32 $1.280000000e+02, v14;
	v27 =	vcvt.f32.s32 v44  }
0x61a: {  	v47 =	vld [tilespmem:s26+$0x10];
	v13 =	vadd.f32 v16, v13;
	v16 =	vadd.f32 $1.024000000e+03, v41;
	v15 =	vmax.f32 v20, $0.0e+00  }
0x61b: {  	v5 =	vld [tilespmem:s13+$0x70];
	[tilespmem:s13+$0xFFFFFFE0] =	vst v6;
	v17 =	vadd.f32 v19, v17;
	v9 =	vmin.f32 v15, $2.047000000e+03;
	v15 =	vadd.f32 $1.024000000e+03, v45  }
0x61c: {  	v50 =	vld [tilespmem:s7+$0x70];
	v10 =	vadd.f32 v42, v13;
	v13 =	vmax.f32 v16, $0.0e+00;
	v9 =	vtrunc.f32 v9  }
0x61d: {  	v19 =	vld [tilespmem:s17+$0x10];
	v16 =	vmul.f32 $1.280000000e+02, v17;
	v13 =	vmin.f32 v13, $2.047000000e+03;
	v9 =	vcvt.f32.s32 v9  }
0x61e: {  	v40 =	vmul.f32 v55, v24;
	v8 =	vld [tilespmem:s11+$0xFFFFFFF0];
	v15 =	vmax.f32 v15, $0.0e+00;
	v6 =	vtrunc.f32 v13  }
0x61f: {  	v13 =	vmin.f32 v15, $2.047000000e+03;
	v15 =	vadd.f32 $1.024000000e+03, v16;
	v16 =	vld [tilespmem:s28+$0x10];
	v51 =	vcvt.f32.s32 v6  }
0x620: {  	s7 =	sor.u32 $0x440, s4;
	v52 =	vld.idx.msk [tilespmem:v27+s5+$0x0], $0xffff;
	[tilespmem:s19+$0xFFFFFF40] =	vst v21  }
0x621: {  	[tilespmem:s13+$0x60] =	vst v40;
	v49 =	vmul.f32 $1.280000000e+02, v10;
	v55 =	vld [tilespmem:s7+$0x5200];
	v13 =	vtrunc.f32 v13  }
0x622: {  	v6 =	vld [tilespmem:s22+$0x70];
	v19 =	vadd.f32 v19, v47;
	v13 =	vcvt.f32.s32 v13  }
0x623: {  	s9 =	sor.u32 $0x410, s16;
	v11 =	vadd.f32 v11, v46;
	v25 =	vadd.f32 $1.024000000e+03, v49;
	v9 =	vld.idx.msk [tilespmem:v9+s5+$0x0], $0xffff;
	[tilespmem:s28+$0x90] =	vst v18  }
0x624: {  	v15 =	vmax.f32 v15, $0.0e+00;
	v16 =	vadd.f32 v16, v19;
	v19 =	vld [tilespmem:s9+$0x5200]  }
0x625: {  	s18 =	sor.u32 $0x440, s12;
	v11 =	vadd.f32 v48, v11;
	v15 =	vmin.f32 v15, $2.047000000e+03;
	v53 =	vmax.f32 v25, $0.0e+00;
	v22 =	vld.idx.msk [tilespmem:v51+s5+$0x0], $0xffff;
	[tilespmem:s19+$0xFFFFFFC0] =	vst v12  }
0x626: {  	v15 =	vtrunc.f32 v15;
	v54 =	vmin.f32 v53, $2.047000000e+03;
	v20 =	vmul.f32 v55, v52;
	v58 =	vld [tilespmem:s18+$0x5200]  }
0x627: {  	v15 =	vcvt.f32.s32 v15;
	v18 =	vtrunc.f32 v54;
	v63 =	vld [tilespmem:s8+$0xFFFFFFD0]  }
0x628: {  	v56 =	vmul.f32 $1.280000000e+02, v11;
	v18 =	vcvt.f32.s32 v18;
	[tilespmem:s8+$0xFFFFFF40] =	vst v20;
	v12 =	vld.idx.msk [tilespmem:v13+s5+$0x0], $0xffff  }
0x629: {  	v57 =	vmul.f32 $1.280000000e+02, v16;
	v36 =	vld [tilespmem:s29+$0x50]  }
0x62a: {  	s22 =	sor.u32 $0x440, s30;
	v13 =	vadd.f32 $1.024000000e+03, v56;
	[tilespmem:s19+$0x40] =	vst v14;
	v39 =	vld [tilespmem:s19+$0xFFFFFF50]  }
0x62b: {  	v14 =	vadd.f32 $1.024000000e+03, v57;
	v59 =	vld [tilespmem:s22+$0x5200]  }
0x62c: {  	v34 =	vld [tilespmem:s8+$0x50];
	v13 =	vmax.f32 v13, $0.0e+00  }
0x62d: {  	v15 =	vld.idx.msk [tilespmem:v15+s5+$0x0], $0xffff;
	v13 =	vmin.f32 v13, $2.047000000e+03;
	v14 =	vmax.f32 v14, $0.0e+00  }
0x62e: {  	s7 =	sor.u32 $0x460, s0;
	[tilespmem:s19+$0xE0] =	vst v17;
	v9 =	vmul.f32 v19, v9;
	v13 =	vtrunc.f32 v13;
	v14 =	vmin.f32 v14, $2.047000000e+03;
	v17 =	vld.idx.msk [tilespmem:v18+s5+$0x0], $0xffff  }
0x62f: {  	v18 =	vld [tilespmem:s7+$0x5200];
	v14 =	vtrunc.f32 v14;
	v13 =	vcvt.f32.s32 v13  }
0x630: {  	[tilespmem:s17+$0x90] =	vst v9;
	v9 =	vld [tilespmem:s17+$0xA0];
	v14 =	vcvt.f32.s32 v14  }
0x631: {  	v62 =	vadd.f32 v60, v7;
	s9 =	sor.u32 $0x410, s14;
	[tilespmem:s28+$0xFFFFFF10] =	vst v10;
	v7 =	vmul.f32 v58, v22;
	v19 =	vld [tilespmem:s2+$0x20]  }
0x632: {  	v33 =	vadd.f32 v43, v50;
	v10 =	vld [tilespmem:s9+$0x5200]  }
0x633: {  	v61 =	vld [tilespmem:s28+$0xA0];
	[tilespmem:s8+$0xFFFFFFC0] =	vst v7  }
0x634: {  	v37 =	vadd.f32 v8, v33;
	v8 =	vld [tilespmem:s21+$0x50]  }
0x635: {  	v13 =	vld.idx.msk [tilespmem:v13+s5+$0x0], $0xffff  }
0x636: {  	v35 =	vmul.f32 $1.280000000e+02, v62;
	s18 =	sor.u32 $0x410, s15;
	v12 =	vmul.f32 v59, v12;
	[tilespmem:s28+$0xFFFFFF90] =	vst v11;
	v9 =	vadd.f32 v9, v19;
	v11 =	vld.idx.msk [tilespmem:v14+s5+$0x0], $0xffff  }
0x637: {  	v14 =	vld [tilespmem:s18+$0x5200]  }
0x638: {  	v25 =	vmul.f32 $1.280000000e+02, v37;
	[tilespmem:s8+$0x40] =	vst v12;
	v12 =	vadd.f32 $1.024000000e+03, v35;
	v19 =	vld [tilespmem:s8+$0xFFFFFF50];
	v9 =	vadd.f32 v61, v9  }
0x639: {  	v40 =	vld [tilespmem:s19+$0xFFFFFFD0]  }
0x63a: {  	v25 =	vadd.f32 $1.024000000e+03, v25;
	v38 =	vld [tilespmem:s1+$0x50];
	v12 =	vmax.f32 v12, $0.0e+00;
	v32 =	vmul.f32 $1.280000000e+02, v9  }
0x63b: {  	v29 =	vld [tilespmem:s19+$0x50];
	v15 =	vmul.f32 v18, v15;
	v10 =	vmul.f32 v10, v17;
	v12 =	vmin.f32 v12, $2.047000000e+03  }
0x63c: {  	v12 =	vtrunc.f32 v12;
	v41 =	vld [tilespmem:s17+$0xFFFFFFA0];
	v7 =	vadd.f32 $1.024000000e+03, v32;
	v13 =	vmul.f32 v14, v13  }
0x63d: {  	[tilespmem:s17+$0xFFFFFF10] =	vst v10;
	v8 =	vadd.f32 v63, v8;
	v63 =	vld [tilespmem:s8+$0xF0];
	v17 =	vadd.f32 v19, v36;
	v14 =	vmax.f32 v25, $0.0e+00  }
0x63e: {  	v10 =	vcvt.f32.s32 v12;
	v19 =	vld [tilespmem:s17+$0xFFFFFF20];
	v7 =	vmax.f32 v7, $0.0e+00;
	[tilespmem:s17+$0xFFFFFF90] =	vst v13;
	v13 =	vmin.f32 v14, $2.047000000e+03  }
0x63f: {  	s22 =	sor.u32 $0x410, s20;
	[tilespmem:s28+$0x10] =	vst v16;
	v12 =	vadd.f32 v39, v17;
	v17 =	vld [tilespmem:s25+$0x20];
	v7 =	vmin.f32 v7, $2.047000000e+03;
	v13 =	vtrunc.f32 v13  }
0x640: {  	v16 =	vld [tilespmem:s22+$0x5200];
	v20 =	vadd.f32 v34, v38;
	v7 =	vtrunc.f32 v7;
	v13 =	vcvt.f32.s32 v13  }
0x641: {  	[tilespmem:s8+$0xE0] =	vst v15;
	v43 =	vadd.f32 v40, v8;
	v8 =	vld [tilespmem:s28+$0xFFFFFF20];
	v7 =	vcvt.f32.s32 v7  }
0x642: {  	v20 =	vadd.f32 v29, v20;
	v29 =	vld [tilespmem:s19+$0xF0]  }
0x643: {  	v14 =	vld [tilespmem:s24+$0x20]  }
0x644: {  	v45 =	vld [tilespmem:s28+$0xFFFFFFA0];
	v15 =	vadd.f32 v19, v17;
	v19 =	vmul.f32 $1.280000000e+02, v20  }
0x645: {  	v42 =	vmul.f32 $1.280000000e+02, v12;
	v17 =	vld [tilespmem:s31+$0x70]  }
0x646: {  	v15 =	vadd.f32 v8, v15;
	v8 =	vld.idx.msk [tilespmem:v13+s5+$0x0], $0xffff;
	v13 =	vadd.f32 $1.024000000e+03, v19  }
0x647: {  	s7 =	sor.u32 $0x420, s16;
	v44 =	vld.idx.msk [tilespmem:v7+s5+$0x0], $0xffff;
	v7 =	vadd.f32 $1.024000000e+03, v42;
	[tilespmem:s28+$0xA0] =	vst v9  }
0x648: {  	v18 =	vmul.f32 $1.280000000e+02, v43;
	v11 =	vmul.f32 v16, v11;
	v46 =	vld [tilespmem:s7+$0x5200];
	v13 =	vmax.f32 v13, $0.0e+00  }
0x649: {  	v19 =	vld [tilespmem:s17+$0x20];
	v47 =	vmul.f32 $1.280000000e+02, v15;
	v9 =	vmax.f32 v7, $0.0e+00;
	v13 =	vmin.f32 v13, $2.047000000e+03  }
0x64a: {  	v7 =	vld.idx.msk [tilespmem:v10+s5+$0x0], $0xffff;
	v10 =	vadd.f32 $1.024000000e+03, v18;
	[tilespmem:s11+$0xFFFFFF70] =	vst v62;
	v18 =	vmin.f32 v9, $2.047000000e+03;
	v13 =	vtrunc.f32 v13  }
0x64b: {  	s9 =	sor.u32 $0x470, s23;
	v51 =	vld [tilespmem:s17+$0xB0];
	s18 =	sld [smem:$0x7B1];
	v18 =	vtrunc.f32 v18;
	v13 =	vcvt.f32.s32 v13  }
0x64c: {  	v21 =	vadd.f32 $1.024000000e+03, v47;
	v9 =	vld [tilespmem:s9+$0x5200];
	[tilespmem:s17+$0x10] =	vst v11;
	v16 =	vcvt.f32.s32 v18  }
0x64d: {  	v49 =	vld [tilespmem:s26+$0x20];
	v48 =	vmul.f32 v46, v44  }
0x64e: {  	[tilespmem:s11+$0xFFFFFFF0] =	vst v37;
	v21 =	vmax.f32 v21, $0.0e+00;
	v10 =	vmax.f32 v10, $0.0e+00;
	v50 =	vld [tilespmem:s28+$0x20];
	s3 =	sor.u32 $0x470, s18  }
0x64f: {  	v14 =	vadd.f32 v41, v14;
	v21 =	vmin.f32 v21, $2.047000000e+03;
	v18 =	vmin.f32 v10, $2.047000000e+03;
	v10 =	vld [tilespmem:s3+$0x5200];
	[tilespmem:s17+$0xA0] =	vst v48  }
0x650: {  	v21 =	vtrunc.f32 v21;
	v52 =	vld [tilespmem:s2+$0x30]  }
0x651: {  	v14 =	vadd.f32 v45, v14;
	v21 =	vcvt.f32.s32 v21;
	v13 =	vld.idx.msk [tilespmem:v13+s5+$0x0], $0xffff  }
0x652: {  	v18 =	vtrunc.f32 v18;
	[tilespmem:s19+$0x50] =	vst v20;
	v16 =	vld.idx.msk [tilespmem:v16+s5+$0x0], $0xffff  }
0x653: {  	s7 =	sor.u32 $0x450, s30;
	v11 =	vmul.f32 $1.280000000e+02, v14;
	v18 =	vcvt.f32.s32 v18;
	[tilespmem:s19+$0xFFFFFF50] =	vst v12;
	v12 =	vadd.f32 v19, v49;
	v19 =	vld [tilespmem:s28+$0xB0]  }
0x654: {  	v56 =	vld [tilespmem:s7+$0x5200]  }
0x655: {  	s22 =	sor.u32 $0x450, s4;
	v11 =	vadd.f32 $1.024000000e+03, v11;
	v30 =	vld [tilespmem:s8+$0x60]  }
0x656: {  	v53 =	vld [tilespmem:s22+$0x5200]  }
0x657: {  	v11 =	vmax.f32 v11, $0.0e+00;
	v21 =	vld.idx.msk [tilespmem:v21+s5+$0x0], $0xffff  }
0x658: {  	v11 =	vmin.f32 v11, $2.047000000e+03;
	v58 =	vld [tilespmem:s8+$0xFFFFFF60]  }
0x659: {  	s23 =	sor.u32 $0x450, s12;
	v11 =	vtrunc.f32 v11;
	v18 =	vld.idx.msk [tilespmem:v18+s5+$0x0], $0xffff;
	[tilespmem:s19+$0xFFFFFFD0] =	vst v43  }
0x65a: {  	s9 =	sor.u32 $0x420, s14;
	v11 =	vcvt.f32.s32 v11;
	[tilespmem:s28+$0xFFFFFF20] =	vst v15;
	v12 =	vadd.f32 v50, v12;
	v22 =	vadd.f32 v51, v52;
	v54 =	vld [tilespmem:s23+$0x5200]  }
0x65b: {  	v57 =	vld [tilespmem:s9+$0x5200]  }
0x65c: {  	v33 =	vld [tilespmem:s17+$0xFFFFFF30];
	v55 =	vmul.f32 $1.280000000e+02, v12;
	v19 =	vadd.f32 v19, v22;
	v16 =	vmul.f32 v53, v16  }
0x65d: {  	v59 =	vld [tilespmem:s8+$0xFFFFFFE0]  }
0x65e: {  	v51 =	vld [tilespmem:s11+$0x70];
	v20 =	vadd.f32 $1.024000000e+03, v55;
	v15 =	vmul.f32 $1.280000000e+02, v19;
	[tilespmem:s8+$0xFFFFFF50] =	vst v16  }
0x65f: {  	v18 =	vmul.f32 v54, v18;
	v60 =	vld [tilespmem:s29+$0x60]  }
0x660: {  	v11 =	vld.idx.msk [tilespmem:v11+s5+$0x0], $0xffff;
	v20 =	vmax.f32 v20, $0.0e+00;
	v15 =	vadd.f32 $1.024000000e+03, v15  }
0x661: {  	v20 =	vmin.f32 v20, $2.047000000e+03;
	v61 =	vld [tilespmem:s19+$0xFFFFFF60];
	[tilespmem:s8+$0xFFFFFFD0] =	vst v18  }
0x662: {  	s18 =	sor.u32 $0x420, s15;
	[tilespmem:s28+$0xFFFFFFA0] =	vst v14;
	v20 =	vtrunc.f32 v20;
	v15 =	vmax.f32 v15, $0.0e+00;
	v18 =	vld [tilespmem:s21+$0x60]  }
0x663: {  	v13 =	vmul.f32 v56, v13;
	v14 =	vld [tilespmem:s18+$0x5200];
	v16 =	vcvt.f32.s32 v20;
	v15 =	vmin.f32 v15, $2.047000000e+03  }
0x664: {  	v62 =	vld [tilespmem:s19+$0xFFFFFFE0];
	v15 =	vtrunc.f32 v15;
	v20 =	vadd.f32 v58, v60  }
0x665: {  	v35 =	vld [tilespmem:s17+$0xFFFFFFB0];
	[tilespmem:s8+$0x50] =	vst v13;
	v21 =	vmul.f32 v57, v21;
	v15 =	vcvt.f32.s32 v15  }
0x666: {  	v32 =	vld [tilespmem:s1+$0x60];
	v20 =	vadd.f32 v61, v20  }
0x667: {  	v36 =	vld [tilespmem:s19+$0x60];
	[tilespmem:s17+$0xFFFFFF20] =	vst v21;
	v18 =	vadd.f32 v59, v18  }
0x668: {  	v17 =	vadd.f32 v63, v17;
	v37 =	vld [tilespmem:s25+$0x30];
	v31 =	vmul.f32 $1.280000000e+02, v20  }
0x669: {  	s22 =	sor.u32 $0x420, s20;
	v16 =	vld.idx.msk [tilespmem:v16+s5+$0x0], $0xffff;
	[tilespmem:s28+$0x20] =	vst v12;
	v18 =	vadd.f32 v62, v18  }
0x66a: {  	v17 =	vadd.f32 v29, v17;
	v12 =	vld [tilespmem:s22+$0x5200];
	v25 =	vadd.f32 $1.024000000e+03, v31  }
0x66b: {  	s23 =	sor.u32 $0x430, s16;
	v11 =	vmul.f32 v14, v11;
	v15 =	vld.idx.msk [tilespmem:v15+s5+$0x0], $0xffff;
	[tilespmem:s28+$0xB0] =	vst v19;
	v13 =	vmul.f32 $1.280000000e+02, v18  }
0x66c: {  	v34 =	vmul.f32 $1.280000000e+02, v17;
	v23 =	vadd.f32 v30, v32;
	v19 =	vld [tilespmem:s23+$0x5200];
	v25 =	vmax.f32 v25, $0.0e+00  }
0x66d: {  	[tilespmem:s17+$0xFFFFFFA0] =	vst v11;
	v11 =	vld [tilespmem:s28+$0xFFFFFF30];
	v13 =	vadd.f32 $1.024000000e+03, v13;
	v14 =	vmin.f32 v25, $2.047000000e+03  }
0x66e: {  	v22 =	vadd.f32 $1.024000000e+03, v34;
	v38 =	vld [tilespmem:s24+$0x30];
	v21 =	vadd.f32 v36, v23;
	v14 =	vtrunc.f32 v14  }
0x66f: {  	v41 =	vld [tilespmem:s28+$0xFFFFFFB0];
	v12 =	vmul.f32 v12, v16;
	v13 =	vmax.f32 v13, $0.0e+00;
	v14 =	vcvt.f32.s32 v14  }
0x670: {  	v40 =	vadd.f32 v33, v37;
	v42 =	vmul.f32 $1.280000000e+02, v21;
	v48 =	vld [tilespmem:s17+$0xC0];
	v13 =	vmin.f32 v13, $2.047000000e+03  }
0x671: {  	v16 =	vld [tilespmem:s17+$0x30];
	[tilespmem:s17+$0x20] =	vst v12;
	v12 =	vmax.f32 v22, $0.0e+00;
	v13 =	vtrunc.f32 v13;
	v15 =	vmul.f32 v19, v15  }
0x672: {  	v11 =	vadd.f32 v11, v40;
	v39 =	vld [tilespmem:s26+$0x30];
	v12 =	vmin.f32 v12, $2.047000000e+03;
	v13 =	vcvt.f32.s32 v13  }
0x673: {  	v44 =	vadd.f32 $1.024000000e+03, v42;
	v43 =	vld [tilespmem:s28+$0x30];
	v12 =	vtrunc.f32 v12;
	[tilespmem:s17+$0xB0] =	vst v15  }
0x674: {  	v46 =	vmul.f32 $1.280000000e+02, v11;
	v12 =	vcvt.f32.s32 v12;
	v49 =	vld [tilespmem:s2+$0x40]  }
0x675: {  	v45 =	vadd.f32 v35, v38;
	v14 =	vld.idx.msk [tilespmem:v14+s5+$0x0], $0xffff;
	[tilespmem:s19+$0xFFFFFF60] =	vst v20;
	v20 =	vmax.f32 v44, $0.0e+00  }
0x676: {  	s7 =	sor.u32 $0x460, s4;
	v15 =	vadd.f32 $1.024000000e+03, v46;
	v50 =	vld [tilespmem:s28+$0xC0];
	v20 =	vmin.f32 v20, $2.047000000e+03  }
0x677: {  	v47 =	vadd.f32 v41, v45;
	v16 =	vadd.f32 v16, v39;
	v19 =	vld [tilespmem:s7+$0x5200];
	v20 =	vtrunc.f32 v20  }
0x678: {  	s9 =	sor.u32 $0x460, s12;
	v15 =	vmax.f32 v15, $0.0e+00;
	v13 =	vld.idx.msk [tilespmem:v13+s5+$0x0], $0xffff;
	[tilespmem:s19+$0xFFFFFFE0] =	vst v18;
	v20 =	vcvt.f32.s32 v20  }
0x679: {  	v25 =	vmul.f32 $1.280000000e+02, v47;
	v15 =	vmin.f32 v15, $2.047000000e+03;
	v16 =	vadd.f32 v43, v16;
	v18 =	vld [tilespmem:s9+$0x5200]  }
0x67a: {  	v15 =	vtrunc.f32 v15;
	v12 =	vld.idx.msk [tilespmem:v12+s5+$0x0], $0xffff  }
0x67b: {  	s0 =	sor.u32 $0x470, s0;
	v25 =	vadd.f32 $1.024000000e+03, v25;
	v15 =	vcvt.f32.s32 v15;
	[tilespmem:s19+$0xF0] =	vst v17;
	v53 =	vld [tilespmem:s8+$0xFFFFFFF0];
	v17 =	vmul.f32 $1.280000000e+02, v16  }
0x67c: {  	v23 =	vadd.f32 v48, v49;
	v52 =	vld [tilespmem:s0+$0x5200];
	v14 =	vmul.f32 v19, v14  }
0x67d: {  	v25 =	vmax.f32 v25, $0.0e+00;
	v19 =	vld [tilespmem:s8+$0xFFFFFF70];
	v17 =	vadd.f32 $1.024000000e+03, v17  }
0x67e: {  	v25 =	vmin.f32 v25, $2.047000000e+03;
	v23 =	vadd.f32 v50, v23;
	[tilespmem:s8+$0xFFFFFF60] =	vst v14;
	v13 =	vmul.f32 v18, v13;
	v20 =	vld.idx.msk [tilespmem:v20+s5+$0x0], $0xffff  }
0x67f: {  	s18 =	sor.u32 $0x460, s30;
	v14 =	vmax.f32 v17, $0.0e+00;
	v17 =	vtrunc.f32 v25;
	v54 =	vld [tilespmem:s29+$0x70];
	[tilespmem:s19+$0x60] =	vst v21  }
0x680: {  	v55 =	vmul.f32 $1.280000000e+02, v23;
	v17 =	vcvt.f32.s32 v17;
	v18 =	vld [tilespmem:s18+$0x5200];
	[tilespmem:s8+$0xFFFFFFE0] =	vst v13  }
0x681: {  	v5 =	vadd.f32 v5, v6;
	v14 =	vmin.f32 v14, $2.047000000e+03;
	s19 =	sor.u32 $0x430, s14;
	v13 =	vld.idx.msk [tilespmem:v15+s5+$0x0], $0xffff;
	[tilespmem:s28+$0xFFFFFF30] =	vst v11  }
0x682: {  	v14 =	vtrunc.f32 v14;
	v11 =	vadd.f32 $1.024000000e+03, v55;
	v56 =	vld [tilespmem:s19+$0x5200]  }
0x683: {  	v15 =	vadd.f32 v51, v5;
	v5 =	vld [tilespmem:s8+$0x70];
	v6 =	vcvt.f32.s32 v14  }
0x684: {  	v14 =	vld [tilespmem:s21+$0x70];
	v11 =	vmax.f32 v11, $0.0e+00  }
0x685: {  	v57 =	vld [tilespmem:s17+$0xFFFFFF40];
	v27 =	vmul.f32 $1.280000000e+02, v15;
	v11 =	vmin.f32 v11, $2.047000000e+03  }
0x686: {  	s22 =	sor.u32 $0x430, s15;
	v11 =	vtrunc.f32 v11;
	v17 =	vld.idx.msk [tilespmem:v17+s5+$0x0], $0xffff;
	[tilespmem:s28+$0xFFFFFFB0] =	vst v47  }
0x687: {  	v27 =	vadd.f32 $1.024000000e+03, v27;
	v58 =	vcvt.f32.s32 v11;
	v11 =	vmul.f32 v56, v13;
	v13 =	vld [tilespmem:s22+$0x5200]  }
0x688: {  	v60 =	vld [tilespmem:s17+$0xFFFFFFC0]  }
0x689: {  	s23 =	sor.u32 $0x430, s20;
	v6 =	vld.idx.msk [tilespmem:v6+s5+$0x0], $0xffff;
	[tilespmem:s28+$0x30] =	vst v16;
	v16 =	vmax.f32 v27, $0.0e+00  }
0x68a: {  	v59 =	vld [tilespmem:s23+$0x5200];
	v16 =	vmin.f32 v16, $2.047000000e+03;
	[tilespmem:s17+$0xFFFFFF30] =	vst v11  }
0x68b: {  	v18 =	vmul.f32 v18, v20;
	v11 =	vtrunc.f32 v16;
	v16 =	vld [tilespmem:s25+$0x40]  }
0x68c: {  	v62 =	vld [tilespmem:s28+$0xFFFFFF40]  }
0x68d: {  	[tilespmem:s8+$0x60] =	vst v18;
	v61 =	vcvt.f32.s32 v11;
	v11 =	vld [tilespmem:s17+$0x40];
	v13 =	vmul.f32 v13, v17  }
0x68e: {  	s18 =	smov.u32 s26;
	s26 =	sor.u32 $0x440, s16;
	v17 =	vld.idx.msk [tilespmem:v58+s5+$0x0], $0xffff;
	[tilespmem:s28+$0xC0] =	vst v23  }
0x68f: {  	s3 =	sor.u32 $0x470, s4;
	v63 =	vld [tilespmem:s26+$0x5200];
	[tilespmem:s17+$0xFFFFFFB0] =	vst v13  }
0x690: {  	v3 =	vmul.f32 v4, v3;
	s4 =	sor.u32 $0x470, s12;
	v18 =	vld [tilespmem:s24+$0x40];
	[dreg:$0xc] =	wrdreg s3  }
0x691: {  	[smem:$0x7B3] =	sst s4  }
0x692: {  	s7 =	sor.u32 $0x440, s20;
	s29 =	sld [smem:$0x7B2];
	[tilespmem:s13+$0xF0] =	vst v3  }
0x693: {  	s12 =	sor.u32 $0x440, s14;
	[dreg:$0x10] =	wrdreg s7  }
0x694: {  	s19 =	sor.u32 $0x450, s14;
	v4 =	vld [tilespmem:s1+$0x70];
	[dreg:$0x11] =	wrdreg s12  }
0x695: {  	s22 =	sor.u32 $0x450, s20;
	v6 =	vmul.f32 v59, v6;
	[dreg:$0xe] =	wrdreg s19  }
0x696: {  	[dreg:$0xd] =	wrdreg s22  }
0x697: {  	p1 =	por !p1, !p1;
	[tilespmem:s17+$0x30] =	vst v6  }
0x698: {  	s31 =	simm.s32 $0x7B00;
	v7 =	vmul.f32 v9, v7;
	s9 =	sor.u32 $0x470, s30;
	s23 =	sor.u32 $0x470, s14;
	v9 =	vadd.f32 v57, v16;
	v3 =	vld.idx.msk [tilespmem:v61+s5+$0x0], $0xffff;
	[tilespmem:s11+$0x70] =	vst v15  }
0x699: {  	s30 =	smov.u32 s2;
	s2 =	sor.u32 $0x450, s15;
	v6 =	vmul.f32 v10, v8;
	v10 =	vld [tilespmem:s18+$0x40];
	[dreg:$0xa] =	wrdreg s23  }
0x69a: {  	s26 =	simm.s32 $0x9100;
	v9 =	vadd.f32 v62, v9;
	s21 =	sor.u32 $0x470, s29;
	s29 =	sor.u32 $0x470, s15;
	[tilespmem:s13+$0xFFFFFF70] =	vst v7  }
0x69b: {  	s4 =	sor.u32 $0x460, s20;
	s7 =	simm.s32 $0x7F00;
	v8 =	vmul.f32 v52, v12;
	v12 =	vld [tilespmem:s28+$0xFFFFFFC0];
	[smem:$0x7B4] =	sst s29  }
0x69c: {  	s22 =	sor.u32 $0x470, s20;
	s12 =	sor.u32 $0x460, s14;
	s19 =	sor.u32 $0x460, s15;
	v15 =	vmul.f32 $1.280000000e+02, v9;
	v16 =	vadd.f32 v60, v18;
	[tilespmem:s13+$0xFFFFFFF0] =	vst v6;
	v13 =	vld [tilespmem:s28+$0x40]  }
0x69d: {  	s1 =	simm.s32 $0x9300;
	s11 =	sor.u32 $0x440, s15;
	s15 =	simm.s32 $0x8;
	v7 =	vadd.f32 v19, v54;
	v6 =	vadd.f32 v53, v14;
	[tilespmem:s8+$0xF0] =	vst v8;
	v14 =	vmul.f32 v63, v17;
	v8 =	vld [tilespmem:s26+$0xFFFFFF70]  }
.LBB2_8:
0x69e: {  	[smem:$0x7A8] =	sst s2  }
0x69f: {  	[dreg:$0x1e] =	wrdreg s19  }
0x6a0: {  	[dreg:$0x15] =	wrdreg s4  }
0x6a1: {  	s14 =	rddreg [dreg:$0x7];
	s6 =	sadd.s32 $0x400, s6;
	[tilespmem:s17+$0xC0] =	vst v14  }
0x6a2: {  	s10 =	sadd.s32 $0x200, s10;
	v15 =	vadd.f32 $1.024000000e+03, v15;
	s4 =	sadd.s32 $0x2, s14;
	s19 =	sand.u32 $0x3800, s6;
	v14 =	vld [tilespmem:s30+$0x50]  }
0x6a3: {  	s13 =	sadd.s32 $0xFFFFFF00, s10;
	s14 =	sadd.s32 $0xFFFFFF80, s10;
	[dreg:$0x7] =	wrdreg s4;
	v10 =	vadd.f32 v11, v10;
	v11 =	vld [tilespmem:s17+$0xD0];
	v12 =	vadd.f32 v12, v16  }
0x6a4: {  	s3 =	sand.u32 $0x3, s4;
	v17 =	vld [tilespmem:s28+$0xD0];
	s4 =	sadd.s32 $0x5200, s19;
	s2 =	sand.u32 $0x280, s13;
	v15 =	vmax.f32 v15, $0.0e+00  }
0x6a5: {  	s5 =	sand.u32 $0x300, s14;
	s14 =	sadd.s32 s2, s4;
	v15 =	vmin.f32 v15, $2.047000000e+03;
	v10 =	vadd.f32 v13, v10;
	v13 =	vld [tilespmem:s26+$0xFFFFFFF0];
	v16 =	vmul.f32 $1.280000000e+02, v12  }
0x6a6: {  	s20 =	sand.u32 $0x380, s10;
	s17 =	sadd.s32 $0x200, s17;
	v4 =	vadd.f32 v5, v4;
	v5 =	vadd.f32 v8, v7;
	v22 =	vld [tilespmem:s14+$0x0];
	v15 =	vtrunc.f32 v15  }
0x6a7: {  	s29 =	sadd.s32 s20, s4;
	v7 =	vld [tilespmem:s17+$0x80];
	v8 =	vcvt.f32.s32 v15;
	v19 =	vmul.f32 $1.280000000e+02, v10;
	v15 =	vadd.f32 $1.024000000e+03, v16  }
0x6a8: {  	[smem:$0x7A3] =	sst s21;
	s0 =	simm.s32 $0x1;
	s21 =	sadd.s32 $0xFFFFFE80, s10;
	v16 =	vld [tilespmem:s29+$0x0];
	v11 =	vadd.f32 v11, v14  }
0x6a9: {  	s0 =	simm.s32 @!p1 $0x0;
	s23 =	sand.u32 $0x200, s21;
	s28 =	sadd.s32 $0x200, s28;
	v18 =	vld [tilespmem:s17+$0xFFFFFF00];
	v14 =	vmul.f32 $1.280000000e+02, v5;
	v19 =	vadd.f32 $1.024000000e+03, v19;
	v15 =	vmax.f32 v15, $0.0e+00  }
0x6aa: {  	[smem:$0x7A4] =	sst s9;
	s0 =	sshll.u32 s0, $0x9;
	s13 =	sadd.s32 s23, s4;
	v6 =	vadd.f32 v13, v6;
	v13 =	vld [tilespmem:s28+$0x80];
	v15 =	vmin.f32 v15, $2.047000000e+03;
	v11 =	vadd.f32 v17, v11  }
0x6ab: {  	[dreg:$0x1b] =	wrdreg s12;
	s3 =	sshll.u32 s3, $0x8;
	s20 =	sadd.s32 s0, s6;
	v17 =	vld [tilespmem:s13+$0x0];
	v14 =	vadd.f32 $1.024000000e+03, v14;
	v19 =	vmax.f32 v19, $0.0e+00;
	v15 =	vtrunc.f32 v15  }
0x6ac: {  	s23 =	sadd.s32 s5, s4;
	s3 =	sadd.s32 s6, s3;
	s21 =	sor.u32 $0x410, s20;
	v20 =	vld [tilespmem:s17+$0xFFFFFF80];
	v19 =	vmin.f32 v19, $2.047000000e+03;
	v21 =	vmul.f32 $1.280000000e+02, v6;
	v23 =	vmul.f32 $1.280000000e+02, v11  }
0x6ad: {  	s4 =	sor.u32 $0x420, s20;
	v24 =	vld [tilespmem:s23+$0x0];
	s3 =	sadd.s32 $0x100, s3;
	[smem:$0x7A5] =	sst s21;
	v7 =	vadd.f32 v7, v16;
	v15 =	vcvt.f32.s32 v15;
	v19 =	vtrunc.f32 v19  }
0x6ae: {  	s5 =	smov.u32 s16;
	[smem:$0x7AA] =	sst s4;
	s16 =	sor.u32 $0x410, s3;
	v16 =	vcvt.f32.s32 v19;
	v19 =	vld [tilespmem:s17+$0x0];
	v23 =	vadd.f32 $1.024000000e+03, v23  }
0x6af: {  	v25 =	vld [tilespmem:s28+$0xFFFFFF00];
	s21 =	sor.u32 $0x430, s3;
	[smem:$0x7A6] =	sst s16;
	v14 =	vmax.f32 v14, $0.0e+00;
	v21 =	vadd.f32 $1.024000000e+03, v21;
	v13 =	vadd.f32 v13, v7  }
0x6b0: {  	s16 =	sor.u32 $0x430, s20;
	[dreg:$0x18] =	wrdreg s21;
	v7 =	vmin.f32 v14, $2.047000000e+03;
	v14 =	vadd.f32 v18, v17;
	v17 =	vld [tilespmem:s28+$0xFFFFFF80];
	v18 =	vmax.f32 v23, $0.0e+00  }
0x6b1: {  	s19 =	simm.s32 $0xA200;
	v58 =	vld [tilespmem:s28+$0x0];
	[dreg:$0x1a] =	wrdreg s16;
	s16 =	sor.u32 $0x450, s3;
	v20 =	vadd.f32 v20, v22;
	v59 =	vmul.f32 $1.280000000e+02, v13;
	v18 =	vmin.f32 v18, $2.047000000e+03  }
0x6b2: {  	s4 =	sor.u32 $0x450, s20;
	[smem:$0x7A9] =	sst s16;
	s16 =	sor.u32 $0x460, s3;
	v26 =	vld.idx.msk [tilespmem:v8+s19+$0x0], $0xffff;
	v21 =	vmax.f32 v21, $0.0e+00;
	v7 =	vtrunc.f32 v7;
	v8 =	vtrunc.f32 v18  }
0x6b3: {  	s9 =	sor.u32 $0x400, s3;
	s12 =	sor.u32 $0x420, s3;
	[dreg:$0x1d] =	wrdreg s16;
	v15 =	vld.idx.msk [tilespmem:v15+s19+$0x0], $0xffff;
	[tilespmem:s1+$0xFFFFFFC0] =	vst v12;
	v18 =	vadd.f32 v19, v24;
	v19 =	vadd.f32 $1.024000000e+03, v59;
	v12 =	vcvt.f32.s32 v8  }
0x6b4: {  	s21 =	sor.u32 $0x440, s3;
	s16 =	sor.u32 $0x470, s3;
	s3 =	rddreg [dreg:$0x11];
	[tilespmem:s1+$0xFFFFFF40] =	vst v9;
	v9 =	vmin.f32 v21, $2.047000000e+03;
	v14 =	vadd.f32 v25, v14;
	v8 =	vcvt.f32.s32 v7;
	v16 =	vld.idx.msk [tilespmem:v16+s19+$0x0], $0xffff  }
0x6b5: {  	s2 =	sor.u32 $0x400, s20;
	[smem:$0x7A7] =	sst s4;
	s4 =	sor.u32 $0x460, s20;
	v7 =	vtrunc.f32 v9;
	[tilespmem:s1+$0x40] =	vst v10;
	v9 =	vadd.f32 v17, v20;
	v17 =	vld [tilespmem:s3+$0x5200];
	v10 =	vmax.f32 v19, $0.0e+00  }
0x6b6: {  	[smem:$0x7AC] =	sst s12;
	s12 =	smov.u32 s22;
	s22 =	sor.u32 $0x440, s20;
	v60 =	vld [tilespmem:s11+$0x5200];
	v19 =	vmul.f32 $1.280000000e+02, v14;
	v18 =	vadd.f32 v58, v18;
	v10 =	vmin.f32 v10, $2.047000000e+03  }
0x6b7: {  	[smem:$0x7AD] =	sst s4;
	s4 =	smov.u32 s31;
	s31 =	sor.u32 $0x470, s20;
	v28 =	vld [tilespmem:s7+$0xFFFFFF50];
	v61 =	vmul.f32 $1.280000000e+02, v9;
	v10 =	vtrunc.f32 v10  }
0x6b8: {  	s20 =	smov.u32 s22;
	s11 =	smov.u32 s21;
	s21 =	rddreg [dreg:$0x6];
	v30 =	vld [tilespmem:s7+$0xFFFFFFD0];
	v19 =	vadd.f32 $1.024000000e+03, v19;
	v63 =	vmul.f32 $1.280000000e+02, v18;
	v10 =	vcvt.f32.s32 v10  }
0x6b9: {  	[dreg:$0x11] =	wrdreg s20;
	s20 =	sor.u32 $0x450, s5;
	s0 =	sadd.s32 $0x4, s21;
	v21 =	vadd.f32 $1.024000000e+03, v61;
	v12 =	vld.idx.msk [tilespmem:v12+s19+$0x0], $0xffff;
	[tilespmem:s1+$0xD0] =	vst v11  }
0x6ba: {  	s3 =	rddreg [dreg:$0x10];
	s22 =	sand.u32 $0x7, s0;
	v11 =	vmax.f32 v19, $0.0e+00;
	v19 =	vadd.f32 $1.024000000e+03, v63;
	v17 =	vmul.f32 v17, v26;
	v29 =	vld [tilespmem:s20+$0x5200]  }
0x6bb: {  	v62 =	vld [tilespmem:s3+$0x5200];
	[dreg:$0x6] =	wrdreg s0;
	s0 =	sshll.u32 s22, $0x7;
	v15 =	vmul.f32 v60, v15;
	v11 =	vmin.f32 v11, $2.047000000e+03;
	v21 =	vmax.f32 v21, $0.0e+00  }
0x6bc: {  	s3 =	sadd.s32 s0, s6;
	v11 =	vtrunc.f32 v11;
	v21 =	vmin.f32 v21, $2.047000000e+03;
	v19 =	vmax.f32 v19, $0.0e+00;
	[tilespmem:s7+$0xFFFFFF40] =	vst v17;
	v17 =	vld [tilespmem:s7+$0x50]  }
0x6bd: {  	s22 =	sadd.s32 $0x80, s3;
	s3 =	sadd.s32 $0x180, s3;
	[tilespmem:s7+$0xFFFFFFC0] =	vst v15;
	v11 =	vcvt.f32.s32 v11;
	v21 =	vtrunc.f32 v21;
	v19 =	vmin.f32 v19, $2.047000000e+03;
	v31 =	vld [tilespmem:s25+$0x50]  }
0x6be: {  	[dreg:$0x10] =	wrdreg s11;
	s11 =	smov.u32 s25;
	s25 =	sor.u32 $0x400, s3;
	v15 =	vcvt.f32.s32 v21;
	v19 =	vtrunc.f32 v19;
	v10 =	vld.idx.msk [tilespmem:v10+s19+$0x0], $0xffff;
	[tilespmem:s28+$0x80] =	vst v13  }
0x6bf: {  	v13 =	vcvt.f32.s32 v19;
	v19 =	vld [tilespmem:s25+$0x5200];
	v12 =	vmul.f32 v29, v12  }
0x6c0: {  	v16 =	vmul.f32 v62, v16;
	v32 =	vld [tilespmem:s24+$0x50]  }
0x6c1: {  	[tilespmem:s7+$0xD0] =	vst v12;
	v12 =	vld [tilespmem:s7+$0xE0]  }
0x6c2: {  	[tilespmem:s7+$0x40] =	vst v16;
	v16 =	vld [tilespmem:s30+$0x60]  }
0x6c3: {  	v11 =	vld.idx.msk [tilespmem:v11+s19+$0x0], $0xffff  }
0x6c4: {  	[tilespmem:s28+$0xFFFFFF00] =	vst v14;
	v14 =	vld [tilespmem:s1+$0xE0];
	v10 =	vmul.f32 v19, v10  }
0x6c5: {  	v15 =	vld.idx.msk [tilespmem:v15+s19+$0x0], $0xffff;
	[tilespmem:s28+$0xFFFFFF80] =	vst v9  }
0x6c6: {  	v9 =	vld [tilespmem:s17+$0x90];
	[tilespmem:s17+$0x80] =	vst v10  }
0x6c7: {  	v10 =	vld [tilespmem:s29+$0x10];
	v12 =	vadd.f32 v12, v16  }
0x6c8: {  	v16 =	vld [tilespmem:s28+$0x90]  }
0x6c9: {  	v12 =	vadd.f32 v14, v12;
	v14 =	vld [tilespmem:s2+$0x5200]  }
0x6ca: {  	s0 =	sor.u32 $0x400, s22;
	v13 =	vld.idx.msk [tilespmem:v13+s19+$0x0], $0xffff  }
0x6cb: {  	[tilespmem:s28+$0x0] =	vst v18;
	v18 =	vld [tilespmem:s0+$0x5200];
	v34 =	vmul.f32 $1.280000000e+02, v12  }
0x6cc: {  	v35 =	vld [tilespmem:s9+$0x5200];
	v9 =	vadd.f32 v9, v10  }
0x6cd: {  	v36 =	vld [tilespmem:s17+$0xFFFFFF90];
	v20 =	vadd.f32 $1.024000000e+03, v34  }
0x6ce: {  	v37 =	vld [tilespmem:s18+$0x50];
	v16 =	vadd.f32 v16, v9;
	v9 =	vmul.f32 v14, v11  }
0x6cf: {  	v10 =	vld [tilespmem:s17+$0xFFFFFF10];
	v14 =	vmax.f32 v20, $0.0e+00  }
0x6d0: {  	v15 =	vmul.f32 v18, v15;
	v11 =	vld [tilespmem:s17+$0x10];
	v18 =	vmul.f32 $1.280000000e+02, v16;
	v14 =	vmin.f32 v14, $2.047000000e+03;
	[tilespmem:s17+$0xFFFFFF00] =	vst v9  }
0x6d1: {  	v9 =	vmul.f32 v35, v13;
	v13 =	vld [tilespmem:s1+$0xFFFFFF50];
	v14 =	vtrunc.f32 v14  }
0x6d2: {  	[tilespmem:s17+$0xFFFFFF80] =	vst v15;
	v38 =	vld [tilespmem:s13+$0x10];
	v15 =	vadd.f32 $1.024000000e+03, v18;
	v14 =	vcvt.f32.s32 v14  }
0x6d3: {  	v18 =	vld [tilespmem:s14+$0x10];
	[tilespmem:s17+$0x0] =	vst v9  }
0x6d4: {  	v39 =	vld [tilespmem:s23+$0x10];
	v9 =	vmax.f32 v15, $0.0e+00  }
0x6d5: {  	v33 =	vadd.f32 v28, v31;
	v15 =	vld [tilespmem:s28+$0xFFFFFF10];
	v9 =	vmin.f32 v9, $2.047000000e+03  }
0x6d6: {  	v40 =	vld [tilespmem:s28+$0xFFFFFF90];
	v41 =	vtrunc.f32 v9  }
0x6d7: {  	v9 =	vadd.f32 v13, v33;
	v13 =	vld [tilespmem:s28+$0x10];
	v42 =	vcvt.f32.s32 v41  }
0x6d8: {  	s9 =	sor.u32 $0x460, s5;
	v10 =	vadd.f32 v10, v38;
	v14 =	vld.idx.msk [tilespmem:v14+s19+$0x0], $0xffff;
	[tilespmem:s1+$0xE0] =	vst v12  }
0x6d9: {  	s21 =	sor.u32 $0x420, s22;
	v18 =	vadd.f32 v36, v18;
	v22 =	vmul.f32 $1.280000000e+02, v9;
	v12 =	vld [tilespmem:s9+$0x5200]  }
0x6da: {  	[smem:$0x7AB] =	sst s21;
	s21 =	sor.u32 $0x430, s22;
	v43 =	vld [tilespmem:s1+$0xFFFFFFD0];
	v11 =	vadd.f32 v11, v39;
	v15 =	vadd.f32 v15, v10  }
0x6db: {  	v7 =	vcvt.f32.s32 v7;
	[smem:$0x7B0] =	sst s21;
	s21 =	sor.u32 $0x440, s22;
	v44 =	vld [tilespmem:s1+$0x50];
	v18 =	vadd.f32 v40, v18;
	v10 =	vadd.f32 $1.024000000e+03, v22  }
0x6dc: {  	[smem:$0x7AF] =	sst s21;
	s21 =	sor.u32 $0x460, s22;
	v19 =	vadd.f32 v30, v32;
	v45 =	vmul.f32 $1.280000000e+02, v15;
	v11 =	vadd.f32 v13, v11;
	v13 =	vld [tilespmem:s26+$0x70]  }
0x6dd: {  	[smem:$0x7AE] =	sst s21;
	s21 =	sor.u32 $0x410, s3;
	v17 =	vadd.f32 v17, v37;
	v46 =	vmul.f32 $1.280000000e+02, v18;
	v10 =	vmax.f32 v10, $0.0e+00;
	v21 =	vld.idx.msk [tilespmem:v42+s19+$0x0], $0xffff;
	[tilespmem:s28+$0x90] =	vst v16  }
0x6de: {  	v10 =	vmin.f32 v10, $2.047000000e+03;
	v16 =	vadd.f32 $1.024000000e+03, v45;
	v48 =	vld [tilespmem:s21+$0x5200];
	v12 =	vmul.f32 v12, v14  }
0x6df: {  	v47 =	vmul.f32 $1.280000000e+02, v11;
	v49 =	vtrunc.f32 v10;
	v10 =	vadd.f32 v43, v19;
	v19 =	vld.idx.msk [tilespmem:v8+s19+$0x0], $0xffff;
	[tilespmem:s26+$0xFFFFFF70] =	vst v5  }
0x6e0: {  	s2 =	rddreg [dreg:$0xc];
	v14 =	vadd.f32 $1.024000000e+03, v46;
	v8 =	vadd.f32 v44, v17;
	v5 =	vmax.f32 v16, $0.0e+00;
	[tilespmem:s7+$0xE0] =	vst v12;
	v12 =	vld [tilespmem:s7+$0xF0]  }
0x6e1: {  	s9 =	rddreg [dreg:$0xa];
	v16 =	vadd.f32 $1.024000000e+03, v47;
	v5 =	vmin.f32 v5, $2.047000000e+03;
	v17 =	vmul.f32 $1.280000000e+02, v10;
	v50 =	vld [tilespmem:s30+$0x70]  }
0x6e2: {  	v52 =	vld [tilespmem:s2+$0x5200];
	s2 =	sld [smem:$0x7B3];
	v14 =	vmax.f32 v14, $0.0e+00;
	v53 =	vmul.f32 $1.280000000e+02, v8;
	v5 =	vtrunc.f32 v5  }
0x6e3: {  	s21 =	smov.u32 s9;
	s9 =	sld [smem:$0x7B4];
	v14 =	vmin.f32 v14, $2.047000000e+03;
	v16 =	vmax.f32 v16, $0.0e+00;
	v51 =	vld [tilespmem:s1+$0xF0];
	v5 =	vcvt.f32.s32 v5  }
0x6e4: {  	v7 =	vld.idx.msk [tilespmem:v7+s19+$0x0], $0xffff;
	[tilespmem:s26+$0xFFFFFFF0] =	vst v6;
	v6 =	vtrunc.f32 v14;
	v14 =	vmin.f32 v16, $2.047000000e+03;
	v16 =	vmul.f32 v48, v21  }
0x6e5: {  	[dreg:$0xc] =	wrdreg s21;
	v4 =	vadd.f32 v13, v4;
	v55 =	vld [tilespmem:s2+$0x5200];
	v14 =	vtrunc.f32 v14;
	v6 =	vcvt.f32.s32 v6  }
0x6e6: {  	s30 =	smov.u32 s29;
	s21 =	smov.u32 s9;
	s9 =	sld [smem:$0x7A4];
	v17 =	vadd.f32 $1.024000000e+03, v17;
	v14 =	vcvt.f32.s32 v14;
	[tilespmem:s17+$0x90] =	vst v16;
	v16 =	vld [tilespmem:s17+$0xA0];
	v12 =	vadd.f32 v12, v50  }
0x6e7: {  	v56 =	vmul.f32 $1.280000000e+02, v4;
	v23 =	vadd.f32 $1.024000000e+03, v53;
	s2 =	sld [smem:$0x7A3];
	v13 =	vld [tilespmem:s30+$0x20]  }
0x6e8: {  	v54 =	vcvt.f32.s32 v49;
	v17 =	vmax.f32 v17, $0.0e+00;
	v57 =	vld [tilespmem:s28+$0xA0];
	v12 =	vadd.f32 v51, v12  }
0x6e9: {  	s20 =	sor.u32 $0x410, s22;
	s29 =	smov.u32 s31;
	[smem:$0x7B3] =	sst s21;
	v19 =	vmul.f32 v52, v19;
	v58 =	vadd.f32 $1.024000000e+03, v56;
	v60 =	vld.idx.msk [tilespmem:v5+s19+$0x0], $0xffff;
	v5 =	vmax.f32 v23, $0.0e+00  }
0x6ea: {  	s21 =	smov.u32 s9;
	s9 =	smov.u32 s12;
	s12 =	sld [smem:$0x7A5];
	v17 =	vmin.f32 v17, $2.047000000e+03;
	v59 =	vld [tilespmem:s2+$0x5200];
	[tilespmem:s28+$0xFFFFFF10] =	vst v15;
	v5 =	vmin.f32 v5, $2.047000000e+03;
	v15 =	vmul.f32 $1.280000000e+02, v12  }
0x6eb: {  	s25 =	sor.u32 $0x450, s22;
	s22 =	sor.u32 $0x470, s22;
	[dreg:$0xa] =	wrdreg s29;
	v17 =	vtrunc.f32 v17;
	v6 =	vld.idx.msk [tilespmem:v6+s19+$0x0], $0xffff;
	v5 =	vtrunc.f32 v5  }
0x6ec: {  	s29 =	smov.u32 s22;
	s22 =	smov.u32 s16;
	s16 =	sld [smem:$0x7A6];
	v14 =	vld.idx.msk [tilespmem:v14+s19+$0x0], $0xffff;
	[tilespmem:s28+$0x10] =	vst v11;
	v13 =	vadd.f32 v16, v13;
	v16 =	vmax.f32 v58, $0.0e+00;
	v11 =	vadd.f32 $1.024000000e+03, v15  }
0x6ed: {  	v17 =	vcvt.f32.s32 v17;
	[tilespmem:s28+$0xFFFFFF90] =	vst v18;
	v18 =	vcvt.f32.s32 v5;
	v15 =	vmin.f32 v16, $2.047000000e+03;
	v16 =	vld [tilespmem:s12+$0x5200]  }
0x6ee: {  	v13 =	vadd.f32 v57, v13;
	v5 =	vtrunc.f32 v15;
	v15 =	vld [tilespmem:s20+$0x5200];
	v11 =	vmax.f32 v11, $0.0e+00  }
0x6ef: {  	v7 =	vmul.f32 v55, v7;
	v3 =	vmul.f32 v59, v3;
	[tilespmem:s8+$0xFFFFFF70] =	vst v19;
	v19 =	vld [tilespmem:s16+$0x5200];
	v11 =	vmin.f32 v11, $2.047000000e+03  }
0x6f0: {  	v62 =	vld [tilespmem:s17+$0xFFFFFF20];
	v61 =	vmul.f32 $1.280000000e+02, v13;
	v11 =	vtrunc.f32 v11  }
0x6f1: {  	[tilespmem:s8+$0xFFFFFFF0] =	vst v7;
	v7 =	vld [tilespmem:s17+$0xFFFFFFA0];
	v11 =	vcvt.f32.s32 v11  }
0x6f2: {  	[tilespmem:s4+$0x70] =	vst v3;
	v20 =	vld.idx.msk [tilespmem:v54+s19+$0x0], $0xffff;
	v21 =	vadd.f32 $1.024000000e+03, v61;
	v3 =	vmul.f32 v16, v60  }
0x6f3: {  	[tilespmem:s1+$0xFFFFFF50] =	vst v9;
	v16 =	vld [tilespmem:s17+$0x20];
	v6 =	vmul.f32 v15, v6  }
0x6f4: {  	v15 =	vmax.f32 v21, $0.0e+00;
	[tilespmem:s17+$0xFFFFFF10] =	vst v3;
	v3 =	vmul.f32 v19, v14;
	v14 =	vld.idx.msk [tilespmem:v17+s19+$0x0], $0xffff  }
0x6f5: {  	v9 =	vmin.f32 v15, $2.047000000e+03;
	v15 =	vld [tilespmem:s13+$0x20];
	[tilespmem:s17+$0xFFFFFF90] =	vst v6  }
0x6f6: {  	v6 =	vtrunc.f32 v9;
	v9 =	vld [tilespmem:s14+$0x20]  }
0x6f7: {  	[tilespmem:s17+$0x10] =	vst v3;
	v3 =	vcvt.f32.s32 v6;
	v6 =	vld.idx.msk [tilespmem:v11+s19+$0x0], $0xffff  }
0x6f8: {  	[tilespmem:s1+$0xF0] =	vst v12;
	s19 =	sor.u32 $0x470, s5;
	v11 =	vld [tilespmem:s23+$0x20]  }
0x6f9: {  	[tilespmem:s1+$0xFFFFFFD0] =	vst v10;
	v10 =	vld [tilespmem:s19+$0x5200]  }
0x6fa: {  	v12 =	vadd.f32 v62, v15;
	v15 =	vld [tilespmem:s28+$0xFFFFFF20]  }
0x6fb: {  	v7 =	vadd.f32 v7, v9;
	v9 =	vld [tilespmem:s28+$0xFFFFFFA0]  }
0x6fc: {  	s16 =	smov.u32 s3;
	s5 =	simm.s32 $0xA200  }
0x6fd: {  	[smem:$0x7B4] =	sst s29;
	s20 =	sor.u32 $0x420, s16;
	v3 =	vld.idx.msk [tilespmem:v3+s5+$0x0], $0xffff;
	[tilespmem:s28+$0xA0] =	vst v13  }
0x6fe: {  	s4 =	sld [smem:$0x7A8];
	v13 =	vld [tilespmem:s20+$0x5200];
	v6 =	vmul.f32 v10, v6  }
0x6ff: {  	s31 =	smov.u32 s8;
	s29 =	rddreg [dreg:$0xe];
	s8 =	smov.u32 s7;
	v10 =	vadd.f32 v16, v11;
	v11 =	vld [tilespmem:s28+$0x20]  }
0x700: {  	v12 =	vadd.f32 v15, v12;
	[tilespmem:s8+$0xF0] =	vst v6;
	v6 =	vadd.f32 v9, v7;
	v7 =	vld [tilespmem:s29+$0x5200]  }
0x701: {  	v9 =	vld [tilespmem:s4+$0x5200]  }
0x702: {  	s12 =	rddreg [dreg:$0xd];
	v15 =	vld.idx.msk [tilespmem:v18+s5+$0x0], $0xffff;
	[tilespmem:s1+$0x50] =	vst v8;
	v8 =	vmul.f32 $1.280000000e+02, v12  }
0x703: {  	v16 =	vmul.f32 $1.280000000e+02, v6;
	v3 =	vmul.f32 v13, v3;
	v13 =	vld [tilespmem:s12+$0x5200]  }
0x704: {  	v8 =	vadd.f32 $1.024000000e+03, v8;
	v10 =	vadd.f32 v11, v10;
	v11 =	vld [tilespmem:s8+$0xFFFFFF60]  }
0x705: {  	v16 =	vadd.f32 $1.024000000e+03, v16;
	[tilespmem:s17+$0xA0] =	vst v3;
	v3 =	vld [tilespmem:s17+$0xB0]  }
0x706: {  	v8 =	vmax.f32 v8, $0.0e+00;
	v7 =	vmul.f32 v7, v20;
	v9 =	vmul.f32 v9, v14;
	v14 =	vld [tilespmem:s8+$0xFFFFFFE0]  }
0x707: {  	v17 =	vmul.f32 $1.280000000e+02, v10;
	v18 =	vld [tilespmem:s30+$0x30];
	v8 =	vmin.f32 v8, $2.047000000e+03;
	v16 =	vmax.f32 v16, $0.0e+00  }
0x708: {  	v19 =	vld [tilespmem:s28+$0xB0];
	v8 =	vtrunc.f32 v8;
	v16 =	vmin.f32 v16, $2.047000000e+03;
	[tilespmem:s8+$0xFFFFFF50] =	vst v7  }
0x709: {  	v17 =	vadd.f32 $1.024000000e+03, v17;
	v7 =	vcvt.f32.s32 v8;
	v8 =	vtrunc.f32 v16;
	v16 =	vld [tilespmem:s11+$0x60]  }
0x70a: {  	[tilespmem:s8+$0xFFFFFFD0] =	vst v9;
	v13 =	vmul.f32 v13, v15;
	v15 =	vld [tilespmem:s8+$0x60];
	v8 =	vcvt.f32.s32 v8  }
0x70b: {  	v9 =	vmax.f32 v17, $0.0e+00;
	v17 =	vld [tilespmem:s24+$0x60]  }
0x70c: {  	v9 =	vmin.f32 v9, $2.047000000e+03;
	[tilespmem:s8+$0x50] =	vst v13;
	v3 =	vadd.f32 v3, v18;
	v18 =	vld [tilespmem:s1+$0xFFFFFF60]  }
0x70d: {  	s0 =	sld [smem:$0x7A7];
	v9 =	vtrunc.f32 v9;
	v13 =	vld [tilespmem:s18+$0x60]  }
0x70e: {  	s2 =	smov.u32 s25;
	s25 =	sld [smem:$0x7AA];
	v9 =	vcvt.f32.s32 v9;
	v3 =	vadd.f32 v19, v3;
	v11 =	vadd.f32 v11, v16;
	v16 =	vld [tilespmem:s1+$0xFFFFFFE0]  }
0x70f: {  	v7 =	vld.idx.msk [tilespmem:v7+s5+$0x0], $0xffff  }
0x710: {  	s3 =	smov.u32 s0;
	s29 =	sld [smem:$0x7AB];
	[tilespmem:s28+$0xFFFFFF20] =	vst v12;
	v12 =	vmul.f32 $1.280000000e+02, v3;
	v8 =	vld.idx.msk [tilespmem:v8+s5+$0x0], $0xffff  }
0x711: {  	[dreg:$0xe] =	wrdreg s3;
	v14 =	vadd.f32 v14, v17;
	[tilespmem:s28+$0xFFFFFFA0] =	vst v6;
	v6 =	vld [tilespmem:s25+$0x5200]  }
0x712: {  	s3 =	sld [smem:$0x7AC];
	v12 =	vadd.f32 $1.024000000e+03, v12  }
0x713: {  	v11 =	vadd.f32 v18, v11;
	v17 =	vld [tilespmem:s29+$0x5200];
	v14 =	vadd.f32 v16, v14  }
0x714: {  	v13 =	vadd.f32 v15, v13;
	v9 =	vld.idx.msk [tilespmem:v9+s5+$0x0], $0xffff;
	[tilespmem:s28+$0x20] =	vst v10;
	v10 =	vmax.f32 v12, $0.0e+00  }
0x715: {  	v12 =	vmul.f32 $1.280000000e+02, v11;
	v15 =	vld [tilespmem:s3+$0x5200];
	v10 =	vmin.f32 v10, $2.047000000e+03;
	v18 =	vmul.f32 $1.280000000e+02, v14  }
0x716: {  	v16 =	vld [tilespmem:s17+$0xFFFFFF30];
	v6 =	vmul.f32 v6, v7;
	v10 =	vtrunc.f32 v10  }
0x717: {  	v7 =	vld [tilespmem:s17+$0xFFFFFFB0];
	v12 =	vadd.f32 $1.024000000e+03, v12;
	v10 =	vcvt.f32.s32 v10  }
0x718: {  	v8 =	vmul.f32 v17, v8;
	v17 =	vld [tilespmem:s17+$0x30];
	v18 =	vadd.f32 $1.024000000e+03, v18;
	[tilespmem:s17+$0xFFFFFF20] =	vst v6  }
0x719: {  	v12 =	vmax.f32 v12, $0.0e+00;
	v19 =	vld [tilespmem:s13+$0x30]  }
0x71a: {  	[tilespmem:s17+$0xFFFFFFA0] =	vst v8;
	v6 =	vmin.f32 v12, $2.047000000e+03;
	v12 =	vld [tilespmem:s1+$0x60];
	v8 =	vmul.f32 v15, v9;
	v9 =	vmax.f32 v18, $0.0e+00  }
0x71b: {  	v15 =	vld [tilespmem:s14+$0x30];
	v6 =	vtrunc.f32 v6;
	v9 =	vmin.f32 v9, $2.047000000e+03  }
0x71c: {  	v18 =	vld [tilespmem:s28+$0xFFFFFF30];
	v6 =	vcvt.f32.s32 v6;
	[tilespmem:s17+$0x20] =	vst v8;
	v8 =	vtrunc.f32 v9  }
0x71d: {  	s4 =	sor.u32 $0x430, s16;
	v9 =	vld.idx.msk [tilespmem:v10+s5+$0x0], $0xffff;
	[tilespmem:s28+$0xB0] =	vst v3;
	v3 =	vcvt.f32.s32 v8  }
0x71e: {  	v8 =	vld [tilespmem:s4+$0x5200]  }
0x71f: {  	v10 =	vadd.f32 v12, v13;
	v12 =	vadd.f32 v16, v19;
	v13 =	vld [tilespmem:s23+$0x30]  }
0x720: {  	s19 =	sld [smem:$0x7A9];
	v7 =	vadd.f32 v7, v15;
	v15 =	vld [tilespmem:s28+$0xFFFFFFB0]  }
0x721: {  	v16 =	vmul.f32 $1.280000000e+02, v10;
	v12 =	vadd.f32 v18, v12;
	v18 =	vld [tilespmem:s28+$0x30]  }
0x722: {  	v6 =	vld.idx.msk [tilespmem:v6+s5+$0x0], $0xffff  }
0x723: {  	s20 =	smov.u32 s19;
	s12 =	rddreg [dreg:$0x1b];
	[tilespmem:s1+$0xFFFFFF60] =	vst v11;
	v11 =	vadd.f32 $1.024000000e+03, v16;
	v8 =	vmul.f32 v8, v9;
	v9 =	vld.idx.msk [tilespmem:v3+s5+$0x0], $0xffff  }
0x724: {  	[dreg:$0xd] =	wrdreg s20;
	v16 =	vmul.f32 $1.280000000e+02, v12;
	v3 =	vadd.f32 v17, v13;
	v13 =	vld [tilespmem:s12+$0x5200]  }
0x725: {  	s20 =	rddreg [dreg:$0x1e];
	[tilespmem:s1+$0xFFFFFFE0] =	vst v14;
	v15 =	vadd.f32 v15, v7;
	v7 =	vld [tilespmem:s17+$0xC0];
	v11 =	vmax.f32 v11, $0.0e+00  }
0x726: {  	v5 =	vcvt.f32.s32 v5;
	v14 =	vadd.f32 $1.024000000e+03, v16;
	v17 =	vld [tilespmem:s20+$0x5200];
	[tilespmem:s17+$0xB0] =	vst v8;
	v8 =	vmin.f32 v11, $2.047000000e+03  }
0x727: {  	v11 =	vadd.f32 v18, v3;
	v3 =	vld [tilespmem:s30+$0x40];
	v8 =	vtrunc.f32 v8  }
0x728: {  	v16 =	vmul.f32 $1.280000000e+02, v15;
	v14 =	vmax.f32 v14, $0.0e+00;
	v8 =	vcvt.f32.s32 v8  }
0x729: {  	v19 =	vld [tilespmem:s28+$0xC0];
	v14 =	vmin.f32 v14, $2.047000000e+03;
	v18 =	vmul.f32 $1.280000000e+02, v11  }
0x72a: {  	v63 =	vld [tilespmem:s8+$0xFFFFFFF0];
	v16 =	vadd.f32 $1.024000000e+03, v16;
	v14 =	vtrunc.f32 v14;
	v6 =	vmul.f32 v13, v6  }
0x72b: {  	v13 =	vld [tilespmem:s8+$0xFFFFFF70];
	v14 =	vcvt.f32.s32 v14;
	v18 =	vadd.f32 $1.024000000e+03, v18  }
0x72c: {  	v16 =	vmax.f32 v16, $0.0e+00;
	v9 =	vmul.f32 v17, v9;
	[tilespmem:s8+$0xFFFFFF60] =	vst v6;
	v7 =	vadd.f32 v7, v3;
	v3 =	vld.idx.msk [tilespmem:v5+s5+$0x0], $0xffff  }
0x72d: {  	s19 =	sld [smem:$0x7AD];
	v5 =	vmin.f32 v16, $2.047000000e+03;
	v6 =	vmax.f32 v18, $0.0e+00;
	v16 =	vld [tilespmem:s11+$0x70];
	[tilespmem:s26+$0x70] =	vst v4  }
0x72e: {  	s25 =	sld [smem:$0x7AE];
	s26 =	smov.u32 s1;
	[tilespmem:s8+$0xFFFFFFE0] =	vst v9;
	v4 =	vtrunc.f32 v5;
	v5 =	vmin.f32 v6, $2.047000000e+03;
	v17 =	vadd.f32 v19, v7;
	v6 =	vld.idx.msk [tilespmem:v8+s5+$0x0], $0xffff  }
0x72f: {  	s29 =	rddreg [dreg:$0x15];
	[tilespmem:s26+$0x60] =	vst v10;
	v4 =	vcvt.f32.s32 v4;
	v5 =	vtrunc.f32 v5;
	v10 =	vld [tilespmem:s24+$0x70]  }
0x730: {  	s12 =	smov.u32 s19;
	v8 =	vld [tilespmem:s29+$0x5200];
	v9 =	vcvt.f32.s32 v5;
	v5 =	vmul.f32 $1.280000000e+02, v17  }
0x731: {  	s19 =	smov.u32 s25;
	s25 =	smov.u32 s13;
	s13 =	rddreg [dreg:$0x1a];
	v14 =	vld.idx.msk [tilespmem:v14+s5+$0x0], $0xffff;
	[tilespmem:s28+$0xFFFFFF30] =	vst v12  }
0x732: {  	v12 =	vld [tilespmem:s13+$0x5200];
	v5 =	vadd.f32 $1.024000000e+03, v5  }
0x733: {  	v7 =	vadd.f32 v13, v16;
	v13 =	vld [tilespmem:s17+$0xFFFFFF40]  }
0x734: {  	s24 =	smov.u32 s14;
	s14 =	sld [smem:$0x7B0];
	v16 =	vmax.f32 v5, $0.0e+00;
	v5 =	vld [tilespmem:s8+$0x70]  }
0x735: {  	v4 =	vld.idx.msk [tilespmem:v4+s5+$0x0], $0xffff;
	[tilespmem:s28+$0xFFFFFFB0] =	vst v15;
	v15 =	vmin.f32 v16, $2.047000000e+03  }
0x736: {  	v8 =	vmul.f32 v8, v6;
	v6 =	vadd.f32 v63, v10;
	v9 =	vld.idx.msk [tilespmem:v9+s5+$0x0], $0xffff;
	v10 =	vtrunc.f32 v15  }
0x737: {  	[tilespmem:s28+$0x30] =	vst v11;
	v11 =	vmul.f32 v12, v14;
	v12 =	vld [tilespmem:s14+$0x5200];
	v10 =	vcvt.f32.s32 v10  }
0x738: {  	s20 =	rddreg [dreg:$0x18];
	v16 =	vld [tilespmem:s17+$0xFFFFFFC0];
	[tilespmem:s8+$0x60] =	vst v8  }
0x739: {  	v8 =	vld [tilespmem:s20+$0x5200]  }
0x73a: {  	[tilespmem:s17+$0xFFFFFF30] =	vst v11;
	v11 =	vld [tilespmem:s17+$0x40]  }
0x73b: {  	v14 =	vld [tilespmem:s25+$0x40]  }
0x73c: {  	v15 =	vld [tilespmem:s28+$0xFFFFFF40];
	v4 =	vmul.f32 v12, v4  }
0x73d: {  	s29 =	sor.u32 $0x440, s16;
	v18 =	vld.idx.msk [tilespmem:v10+s5+$0x0], $0xffff;
	[tilespmem:s28+$0xC0] =	vst v17  }
0x73e: {  	s15 =	sadd.s32 $0x4, s15;
	[tilespmem:s17+$0xFFFFFFB0] =	vst v4;
	v4 =	vld [tilespmem:s29+$0x5200]  }
0x73f: {  	p2 =	slt.u32 s15, $0x24;
	v8 =	vmul.f32 v8, v9;
	v17 =	vld [tilespmem:s24+$0x40]  }
.Ltmp5:
0x740: {  	v9 =	vadd.f32 v13, v14;
	v12 =	vld [tilespmem:s28+$0xFFFFFFC0];
	(pc) =	sbr.rel @p2 .LBB2_8-.Ltmp5, $4  }
0x741: {  	[tilespmem:s17+$0x30] =	vst v8;
	v8 =	vld [tilespmem:s26+$0xFFFFFF70]  }
0x742: {  	s3 =	rddreg [dreg:$0x1d];
	v10 =	vld [tilespmem:s23+$0x40];
	v9 =	vadd.f32 v15, v9  }
0x743: {  	p1 =	por !p1, !p1;
	s7 =	smov.u32 s17;
	s4 =	smov.u32 s3;
	v13 =	vld [tilespmem:s28+$0x40]  }
0x744: {  	s11 =	sld [smem:$0x7AF];
	s1 =	smov.u32 s28;
	v15 =	vmul.f32 $1.280000000e+02, v9;
	v14 =	vmul.f32 v4, v18;
	v4 =	vld [tilespmem:s18+$0x70];
	s18 =	smov.u32 s23;
	v16 =	vadd.f32 v16, v17  }
0x745: {  	_ = 	snop  }
0x746: {  	v12 =	vadd.f32 v12, v16;
	v15 =	vadd.f32 $1.024000000e+03, v15  }
0x747: {  	v10 =	vadd.f32 v11, v10  }
0x748: {  	v63 =	vmul.f32 $1.280000000e+02, v12;
	v18 =	vmax.f32 v15, $0.0e+00  }
0x749: {  	v10 =	vadd.f32 v13, v10;
	v13 =	vmin.f32 v18, $2.047000000e+03  }
0x74a: {  	v11 =	vadd.f32 $1.024000000e+03, v63;
	v13 =	vtrunc.f32 v13  }
0x74b: {  	v19 =	vmul.f32 $1.280000000e+02, v10;
	v13 =	vcvt.f32.s32 v13  }
0x74c: {  	v11 =	vmax.f32 v11, $0.0e+00  }
0x74d: {  	v11 =	vmin.f32 v11, $2.047000000e+03;
	v15 =	vadd.f32 $1.024000000e+03, v19  }
0x74e: {  	v11 =	vtrunc.f32 v11  }
0x74f: {  	v11 =	vcvt.f32.s32 v11;
	v15 =	vmax.f32 v15, $0.0e+00  }
0x750: {  	[tilespmem:s17+$0xC0] =	vst v14;
	v15 =	vmin.f32 v15, $2.047000000e+03  }
0x751: {  	v20 =	vtrunc.f32 v15;
	v13 =	vld.idx.msk [tilespmem:v13+s5+$0x0], $0xffff;
	[tilespmem:s1+$0xFFFFFF40] =	vst v9  }
0x752: {  	v21 =	vld [tilespmem:s17+$0xD0];
	v14 =	vcvt.f32.s32 v20;
	s0 =	rddreg [dreg:$0x11]  }
0x753: {  	v23 =	vld [tilespmem:s0+$0x5200]  }
0x754: {  	v24 =	vld [tilespmem:s30+$0x50]  }
0x755: {  	v22 =	vld.idx.msk [tilespmem:v11+s5+$0x0], $0xffff;
	[tilespmem:s1+$0xFFFFFFC0] =	vst v12  }
0x756: {  	v12 =	vld [tilespmem:s11+$0x5200]  }
0x757: {  	v17 =	vld [tilespmem:s28+$0xD0]  }
0x758: {  	v14 =	vld.idx.msk [tilespmem:v14+s5+$0x0], $0xffff;
	[tilespmem:s1+$0x40] =	vst v10;
	v11 =	vmul.f32 v23, v13  }
0x759: {  	v25 =	vld [tilespmem:s7+$0xFFFFFF50];
	s13 =	rddreg [dreg:$0x10]  }
0x75a: {  	v10 =	vld [tilespmem:s13+$0x5200];
	[tilespmem:s7+$0xFFFFFF40] =	vst v11  }
0x75b: {  	v9 =	vmul.f32 v12, v22;
	v11 =	vld [tilespmem:s25+$0x50]  }
0x75c: {  	v26 =	vadd.f32 v21, v24;
	v27 =	vld [tilespmem:s7+$0xFFFFFFD0]  }
0x75d: {  	v30 =	vld [tilespmem:s1+$0xFFFFFF50];
	[tilespmem:s7+$0xFFFFFFC0] =	vst v9  }
0x75e: {  	v28 =	vadd.f32 v17, v26;
	v29 =	vld [tilespmem:s24+$0x50]  }
0x75f: {  	v10 =	vmul.f32 v10, v14  }
0x760: {  	v17 =	vmul.f32 $1.280000000e+02, v28;
	v31 =	vld [tilespmem:s1+$0xFFFFFFD0];
	v11 =	vadd.f32 v25, v11  }
0x761: {  	v18 =	vld [tilespmem:s7+$0x50];
	[tilespmem:s7+$0x40] =	vst v10  }
0x762: {  	v17 =	vadd.f32 $1.024000000e+03, v17;
	v33 =	vld [tilespmem:s18+$0x50];
	v11 =	vadd.f32 v30, v11  }
0x763: {  	v32 =	vadd.f32 v27, v29  }
0x764: {  	v34 =	vmax.f32 v17, $0.0e+00;
	v35 =	vld [tilespmem:s1+$0x50];
	v36 =	vmul.f32 $1.280000000e+02, v11  }
0x765: {  	v13 =	vmin.f32 v34, $2.047000000e+03;
	v10 =	vadd.f32 v31, v32  }
0x766: {  	v13 =	vtrunc.f32 v13;
	v14 =	vadd.f32 $1.024000000e+03, v36  }
0x767: {  	v13 =	vcvt.f32.s32 v13;
	v37 =	vmul.f32 $1.280000000e+02, v10;
	v12 =	vadd.f32 v18, v33  }
0x768: {  	v14 =	vmax.f32 v14, $0.0e+00  }
0x769: {  	v16 =	vadd.f32 $1.024000000e+03, v37;
	v12 =	vadd.f32 v35, v12;
	v14 =	vmin.f32 v14, $2.047000000e+03  }
0x76a: {  	v14 =	vtrunc.f32 v14  }
0x76b: {  	v38 =	vmax.f32 v16, $0.0e+00;
	v39 =	vmul.f32 $1.280000000e+02, v12;
	v14 =	vcvt.f32.s32 v14  }
0x76c: {  	v15 =	vmin.f32 v38, $2.047000000e+03  }
0x76d: {  	s14 =	sor.u32 $0x450, s16;
	v13 =	vld.idx.msk [tilespmem:v13+s5+$0x0], $0xffff;
	[tilespmem:s1+$0xD0] =	vst v28;
	v15 =	vtrunc.f32 v15;
	v40 =	vadd.f32 $1.024000000e+03, v39  }
0x76e: {  	v41 =	vld [tilespmem:s14+$0x5200];
	v15 =	vcvt.f32.s32 v15  }
0x76f: {  	v9 =	vmax.f32 v40, $0.0e+00  }
0x770: {  	v44 =	vld [tilespmem:s7+$0xE0];
	v9 =	vmin.f32 v9, $2.047000000e+03  }
0x771: {  	v9 =	vtrunc.f32 v9;
	v14 =	vld.idx.msk [tilespmem:v14+s5+$0x0], $0xffff;
	[tilespmem:s1+$0xFFFFFF50] =	vst v11  }
0x772: {  	v9 =	vcvt.f32.s32 v9;
	s15 =	rddreg [dreg:$0xe];
	v47 =	vld [tilespmem:s7+$0xFFFFFF60]  }
0x773: {  	v13 =	vmul.f32 v41, v13;
	v43 =	vld [tilespmem:s15+$0x5200]  }
0x774: {  	v42 =	vld.idx.msk [tilespmem:v15+s5+$0x0], $0xffff;
	[tilespmem:s1+$0xFFFFFFD0] =	vst v10  }
0x775: {  	[tilespmem:s7+$0xD0] =	vst v13;
	v10 =	vld [tilespmem:s2+$0x5200]  }
0x776: {  	v45 =	vld [tilespmem:s30+$0x60]  }
0x777: {  	v46 =	vld [tilespmem:s1+$0xE0]  }
0x778: {  	v9 =	vld.idx.msk [tilespmem:v9+s5+$0x0], $0xffff;
	[tilespmem:s1+$0x50] =	vst v12;
	v14 =	vmul.f32 v43, v14  }
0x779: {  	v49 =	vld [tilespmem:s7+$0xFFFFFFE0];
	s17 =	rddreg [dreg:$0xd]  }
0x77a: {  	v12 =	vld [tilespmem:s17+$0x5200];
	[tilespmem:s7+$0xFFFFFF50] =	vst v14;
	v10 =	vmul.f32 v10, v42  }
0x77b: {  	v13 =	vadd.f32 v44, v45;
	v48 =	vld [tilespmem:s25+$0x60]  }
0x77c: {  	v50 =	vld [tilespmem:s1+$0xFFFFFF60];
	[tilespmem:s7+$0xFFFFFFD0] =	vst v10  }
0x77d: {  	v13 =	vadd.f32 v46, v13;
	v52 =	vld [tilespmem:s24+$0x60];
	_ =	sdelay $0x1  }
0x77e: {  	v51 =	vmul.f32 $1.280000000e+02, v13;
	v55 =	vld [tilespmem:s1+$0xFFFFFFE0];
	v9 =	vmul.f32 v12, v9  }
0x77f: {  	v54 =	vadd.f32 v47, v48  }
0x780: {  	v53 =	vld [tilespmem:s7+$0x60];
	v16 =	vadd.f32 $1.024000000e+03, v51;
	[tilespmem:s7+$0x50] =	vst v9  }
0x781: {  	v56 =	vld [tilespmem:s18+$0x60];
	v9 =	vadd.f32 v50, v54;
	v14 =	vadd.f32 v49, v52  }
0x782: {  	v16 =	vmax.f32 v16, $0.0e+00  }
0x783: {  	v57 =	vmin.f32 v16, $2.047000000e+03;
	v58 =	vld [tilespmem:s1+$0x60];
	v59 =	vmul.f32 $1.280000000e+02, v9;
	v11 =	vadd.f32 v55, v14  }
0x784: {  	v10 =	vtrunc.f32 v57  }
0x785: {  	v10 =	vcvt.f32.s32 v10;
	v60 =	vadd.f32 $1.024000000e+03, v59;
	v61 =	vmul.f32 $1.280000000e+02, v11  }
0x786: {  	v12 =	vadd.f32 v53, v56  }
0x787: {  	v14 =	vmax.f32 v60, $0.0e+00;
	v15 =	vadd.f32 $1.024000000e+03, v61  }
0x788: {  	v12 =	vadd.f32 v58, v12;
	v14 =	vmin.f32 v14, $2.047000000e+03  }
0x789: {  	v14 =	vtrunc.f32 v14;
	v15 =	vmax.f32 v15, $0.0e+00  }
0x78a: {  	v16 =	vmul.f32 $1.280000000e+02, v12;
	v14 =	vcvt.f32.s32 v14;
	v62 =	vmin.f32 v15, $2.047000000e+03  }
0x78b: {  	s20 =	sor.u32 $0x460, s16;
	v10 =	vld.idx.msk [tilespmem:v10+s5+$0x0], $0xffff;
	[tilespmem:s1+$0xE0] =	vst v13;
	v13 =	vtrunc.f32 v62  }
0x78c: {  	v20 =	vld [tilespmem:s20+$0x5200];
	v63 =	vadd.f32 $1.024000000e+03, v16;
	v13 =	vcvt.f32.s32 v13  }
0x78d: {  	v23 =	vld [tilespmem:s26+$0xFFFFFFF0]  }
0x78e: {  	v28 =	vld [tilespmem:s26+$0x70];
	v15 =	vmax.f32 v63, $0.0e+00  }
0x78f: {  	v25 =	vld [tilespmem:s7+$0xF0];
	v15 =	vmin.f32 v15, $2.047000000e+03  }
0x790: {  	v15 =	vtrunc.f32 v15;
	v14 =	vld.idx.msk [tilespmem:v14+s5+$0x0], $0xffff;
	[tilespmem:s1+$0xFFFFFF60] =	vst v9  }
0x791: {  	v10 =	vmul.f32 v20, v10;
	v15 =	vcvt.f32.s32 v15;
	v9 =	vld [tilespmem:s12+$0x5200]  }
0x792: {  	v21 =	vld.idx.msk [tilespmem:v13+s5+$0x0], $0xffff;
	[tilespmem:s1+$0xFFFFFFE0] =	vst v11  }
0x793: {  	[tilespmem:s7+$0xE0] =	vst v10;
	v11 =	vld [tilespmem:s19+$0x5200]  }
0x794: {  	v22 =	vld [tilespmem:s30+$0x70]  }
0x795: {  	v24 =	vld [tilespmem:s7+$0xFFFFFF70]  }
0x796: {  	v4 =	vadd.f32 v5, v4;
	v26 =	vld [tilespmem:s1+$0xF0]  }
0x797: {  	v6 =	vadd.f32 v23, v6;
	v9 =	vmul.f32 v9, v14;
	v15 =	vld.idx.msk [tilespmem:v15+s5+$0x0], $0xffff;
	[tilespmem:s1+$0x60] =	vst v12  }
0x798: {  	v7 =	vadd.f32 v8, v7;
	v4 =	vadd.f32 v28, v4;
	v12 =	vld [tilespmem:s4+$0x5200];
	v10 =	vmul.f32 v11, v21  }
0x799: {  	v19 =	vmul.f32 $1.280000000e+02, v6;
	v29 =	vld [tilespmem:s7+$0xFFFFFFF0];
	[tilespmem:s7+$0xFFFFFF60] =	vst v9  }
0x79a: {  	v27 =	vmul.f32 $1.280000000e+02, v7;
	v18 =	vmul.f32 $1.280000000e+02, v4;
	v9 =	vld [tilespmem:s25+$0x70];
	[tilespmem:s7+$0xFFFFFFE0] =	vst v10  }
0x79b: {  	v34 =	vadd.f32 $1.024000000e+03, v19;
	v32 =	vld [tilespmem:s24+$0x70]  }
0x79c: {  	v43 =	vadd.f32 $1.024000000e+03, v18;
	v16 =	vadd.f32 $1.024000000e+03, v27;
	v30 =	vld [tilespmem:s1+$0xFFFFFF70]  }
0x79d: {  	v13 =	vadd.f32 v25, v22;
	v38 =	vld [tilespmem:s1+$0xFFFFFFF0];
	v12 =	vmul.f32 v12, v15  }
0x79e: {  	v36 =	vmax.f32 v34, $0.0e+00;
	v33 =	vmax.f32 v16, $0.0e+00;
	v16 =	vmax.f32 v43, $0.0e+00  }
0x79f: {  	v35 =	vmin.f32 v33, $2.047000000e+03;
	v31 =	vld [tilespmem:s7+$0x70];
	v8 =	vadd.f32 v26, v13;
	v9 =	vadd.f32 v24, v9;
	[tilespmem:s7+$0x60] =	vst v12  }
0x7a0: {  	v16 =	vmin.f32 v16, $2.047000000e+03;
	v5 =	vtrunc.f32 v35;
	v12 =	vld [tilespmem:s18+$0x70];
	v11 =	vadd.f32 v29, v32  }
0x7a1: {  	v13 =	vmin.f32 v36, $2.047000000e+03;
	v37 =	vmul.f32 $1.280000000e+02, v8;
	v9 =	vadd.f32 v30, v9  }
0x7a2: {  	v47 =	vtrunc.f32 v16;
	v13 =	vtrunc.f32 v13;
	v39 =	vld [tilespmem:s1+$0x70];
	v11 =	vadd.f32 v38, v11  }
0x7a3: {  	v13 =	vcvt.f32.s32 v13;
	v14 =	vadd.f32 $1.024000000e+03, v37;
	v40 =	vmul.f32 $1.280000000e+02, v9  }
0x7a4: {  	v5 =	vcvt.f32.s32 v5;
	v44 =	vmul.f32 $1.280000000e+02, v11  }
0x7a5: {  	v14 =	vmax.f32 v14, $0.0e+00;
	v42 =	vadd.f32 $1.024000000e+03, v40;
	v10 =	vadd.f32 v31, v12  }
0x7a6: {  	v50 =	vcvt.f32.s32 v47;
	v41 =	vmin.f32 v14, $2.047000000e+03;
	v15 =	vadd.f32 $1.024000000e+03, v44  }
0x7a7: {  	v12 =	vtrunc.f32 v41;
	v14 =	vmax.f32 v42, $0.0e+00;
	v10 =	vadd.f32 v39, v10  }
0x7a8: {  	v12 =	vcvt.f32.s32 v12;
	v14 =	vmin.f32 v14, $2.047000000e+03;
	v51 =	vmax.f32 v15, $0.0e+00  }
0x7a9: {  	v46 =	vld.idx.msk [tilespmem:v13+s5+$0x0], $0xffff;
	v14 =	vtrunc.f32 v14;
	v45 =	vmul.f32 $1.280000000e+02, v10;
	v13 =	vmin.f32 v51, $2.047000000e+03  }
0x7aa: {  	v53 =	vld [tilespmem:s21+$0x5200];
	v14 =	vcvt.f32.s32 v14;
	v13 =	vtrunc.f32 v13  }
0x7ab: {  	v5 =	vld.idx.msk [tilespmem:v5+s5+$0x0], $0xffff;
	[tilespmem:s26+$0xFFFFFF70] =	vst v7;
	v48 =	vadd.f32 $1.024000000e+03, v45;
	v54 =	vcvt.f32.s32 v13  }
0x7ac: {  	s23 =	rddreg [dreg:$0xc];
	[tilespmem:s26+$0xFFFFFFF0] =	vst v6;
	v6 =	vld.idx.msk [tilespmem:v50+s5+$0x0], $0xffff  }
0x7ad: {  	v49 =	vld [tilespmem:s23+$0x5200];
	s24 =	sld [smem:$0x7B3];
	[tilespmem:s26+$0x70] =	vst v4;
	v16 =	vmax.f32 v48, $0.0e+00  }
0x7ae: {  	v58 =	vld [tilespmem:s9+$0x5200];
	v16 =	vmin.f32 v16, $2.047000000e+03  }
0x7af: {  	v12 =	vld.idx.msk [tilespmem:v12+s5+$0x0], $0xffff;
	[tilespmem:s1+$0xF0] =	vst v8;
	v55 =	vtrunc.f32 v16  }
0x7b0: {  	v14 =	vld.idx.msk [tilespmem:v14+s5+$0x0], $0xffff;
	[tilespmem:s1+$0xFFFFFF70] =	vst v9;
	v13 =	vcvt.f32.s32 v55  }
0x7b1: {  	s28 =	rddreg [dreg:$0xa];
	v8 =	vld.idx.msk [tilespmem:v54+s5+$0x0], $0xffff;
	[tilespmem:s1+$0xFFFFFFF0] =	vst v11  }
0x7b2: {  	s25 =	sor.u32 $0x470, s16;
	v52 =	vld [tilespmem:s24+$0x5200];
	s29 =	sld [smem:$0x7B4]  }
0x7b3: {  	v56 =	vld [tilespmem:s25+$0x5200]  }
0x7b4: {  	v57 =	vld [tilespmem:s28+$0x5200]  }
0x7b5: {  	v3 =	vmul.f32 v53, v3;
	v60 =	vld [tilespmem:s29+$0x5200]  }
0x7b6: {  	v5 =	vmul.f32 v49, v5;
	v59 =	vld.idx.msk [tilespmem:v13+s5+$0x0], $0xffff;
	[tilespmem:s1+$0x70] =	vst v10  }
0x7b7: {  	v7 =	vmul.f32 v52, v46;
	[tilespmem:s31+$0x70] =	vst v3;
	v3 =	vld [tilespmem:s22+$0x5200]  }
0x7b8: {  	v61 =	vmul.f32 v58, v6;
	[tilespmem:s8+$0xFFFFFF70] =	vst v5  }
0x7b9: {  	[tilespmem:s8+$0xFFFFFFF0] =	vst v7;
	v62 =	vmul.f32 v56, v12  }
0x7ba: {  	[tilespmem:s8+$0x70] =	vst v61;
	v4 =	vmul.f32 v57, v14  }
0x7bb: {  	[tilespmem:s7+$0xF0] =	vst v62;
	v63 =	vmul.f32 v60, v8  }
0x7bc: {  	[tilespmem:s7+$0xFFFFFF70] =	vst v4;
	v3 =	vmul.f32 v3, v59  }
0x7bd: {  	[tilespmem:s7+$0xFFFFFFF0] =	vst v63  }
0x7be: {  	[tilespmem:s7+$0x70] =	vst v3  }
0x7bf: {  	s1 =	sld [smem:$0x7C6]  }
0x7c0: {  	s6 =	simm.s32 $0x28  }
0x7c1: {  	s3 =	simm.s32 $0x7;
	s11 =	simm.s32 $0x7A00;
	s30 =	rddreg [dreg:$0x2]  }
0x7c2: {  	s12 =	simm.s32 $0x8E00;
	s23 =	simm.s32 $0x0;
	s0 =	sadd.s32 s30, s1  }
0x7c3: {  	[hbm4b:s0+s23] =	stream.linear.scatter [tilespmem:s12], [sflag:$0x6], $0x1400, $0x38;
	[tilespmem:$0x1EA00] =	vst v63  }
.Ltmp6:
0x7c4: {  	s9 =	simm.s32 $0x5180;
	s31 =	rddreg [dreg:$0x3];
	(pc) =	sbr.rel @p0 .LBB2_11-.Ltmp6, $4  }
0x7c5: {  	[spmem:s31] =	stream.indirect.scatter.add.f32 [tilespmem:s11], [sflag:$0x7], $0x80, s9, s6, $0xb8;
	[tilespmem:$0x1EA00] =	vst v63  }
0x7c6: {  	_ =	swait.ge [sflag:s3], $0x1400  }
0x7c7: {  	[sflag:s3] =	ssyncset.done $0x0  }
0x7c8: {  	[sflag:s3] =	ssyncadd.s32 $0xFFFFEC00  }
0x7c9: {  	s0 =	sld [smem:$0x7FC]  }
0x7ca: {  	s1 =	sld [smem:$0x7CA];
	_ =	sdelay $0x1  }
0x7cb: {  	s30 =	sld [smem:$0x7E6]  }
0x7cc: {  	s31 =	sld [smem:$0x7E8];
	s0 =	sadd.s32 s1, s0  }
.Ltmp7:
0x7cd: {  	s3 =	sld [smem:$0x7C5];
	s0 =	sshrl.u32 s0, $0x3;
	(pc) =	sbr.rel .LBB2_2-.Ltmp7, $4  }
0x7ce: {  	s2 =	simm.s32 $0x5100;
	s1 =	sadd.s32 s30, s0  }
0x7cf: {  	[tilespmem:s2], [sflag:$0x2] =	stream.linear.gather [hbm4b:s1+s23], $0x28, $0x38;
	[tilespmem:$0x1EA00] =	vst v63  }
0x7d0: {  	s3 =	sadd.s32 $0x1, s3;
	s0 =	sadd.s32 s31, s0  }
0x7d1: {  	[tilespmem:s9], [sflag:$0x2] =	stream.linear.gather [hbm4b:s0+s23], $0x28, $0x38;
	[tilespmem:$0x1EA00] =	vst v63  }
.LBB2_12:
0x7d2: {  	_ =	sfence.sel $0x180000  }
0x7d3: {  	[bflag:$0x0] =	sbarrier.arrive $0xFFFF  }
0x7d4: {  	_ =	strace $0x9000004A  }
0x7d5: {  	s0 =	stileid.u32;
	[bflag:$0x2] =	sbarrier.arrive $0xFFFF  }
0x7d6: {  	p0 =	sne.s32 s0, $0x0;
	s0 =	rddreg [dreg:$0x4]  }
0x7d7: {  	s0 =	sadd.s32 @!p0 $0x100000, s0  }
0x7d8: {  	[sflag:s0] =	ssyncadd.tile.s32 @!p0 $0x1;
	_ =	shalt  }
.Lfunc_end2:
_tile_overlayer_lowered:
.L_overlay_start_2:
0x7d9: {  	(tag) =	ssettag $0x2  }
0x7da: {  	s0 =	rddreg [dreg:$0x0];
	s2 =	stileid.u32  }
0x7db: {  	s1 =	rddreg [dreg:$0x1];
	p0 =	sne.s32 s2, $0x0  }
0x7dc: {  	s3 =	rddreg [dreg:$0x2];
	[bflag:$0x3] =	sbarrier.arrive $0xFFFF;
	s2 =	simm.s32 @!p0 $0x1C07  }
0x7dd: {  	[timem:s3], [sflag:s2] =	dma.local @!p0 [hbm:s0], s1  }
0x7de: {  	s0 =	simm.s32 @!p0 $0x7  }
0x7df: {  	_ =	swait.ge @!p0 [sflag:s0], s1  }
0x7e0: {  	s1 =	ssub.s32 @!p0 $0x0, s1;
	[sflag:s0] =	ssyncset.done @!p0 $0x0  }
0x7e1: {  	[sflag:s0] =	ssyncadd.s32 @!p0 s1  }
0x7e2: {  	[bflag:$0x3] =	sbarrier.arrive $0xFFFF  }
0x7e3: {  	_ =	shalt  }

// kernel: kernel.7.cloned.1.call-start
scs
__scs_entry_jumppad:
0x0: {  	(pc) =	sbr.rel $0x88, $3  }
0x1: {  	(tag) =	ssettag $0x0;
	lr =	simm.s32 $0x1  }
0x2: {  	[smem:$0x3F96] =	sst lr;
	_ =	strace $0xD0000000  }
0x3: {  	_ = 	snop  }
0x4: {  	_ = 	snop  }
0x5: {  	_ = 	snop  }
0x6: {  	_ = 	snop  }
0x7: {  	_ = 	snop  }
__scs_overlays_trampoline_lowered:
0x8: {  	[smem:$0x3FA5] =	sst s0  }
0x9: {  	[smem:$0x3FA6] =	sst s1  }
0xa: {  	[smem:$0x3FA7] =	sst s2  }
0xb: {  	[smem:$0x3FA8] =	sst s3  }
0xc: {  	[smem:$0x3FA9] =	sst s4  }
0xd: {  	[smem:$0x3FAA] =	sst s5  }
0xe: {  	[smem:$0x3FAB] =	sst s6  }
0xf: {  	[smem:$0x3FAC] =	sst s7  }
0x10: {  	[smem:$0x3FAD] =	sst s8  }
0x11: {  	[smem:$0x3FAE] =	sst s9;
	s0 =	simm.s32 @!p0 $0x0  }
0x12: {  	s1 =	sld [smem:$0x3F94];
	s0 =	simm.s32 @p0 $0x1  }
0x13: {  	[smem:$0x3FAF] =	sst s0;
	s0 =	simm.s32 @!p1 $0x0  }
0x14: {  	s2 =	sld [smem:$0x3F93];
	s0 =	simm.s32 @p1 $0x1  }
0x15: {  	[smem:$0x3FB0] =	sst s0;
	s0 =	simm.s32 @!p2 $0x0  }
0x16: {  	s3 =	sld [smem:$0x3FDB];
	s0 =	simm.s32 @p2 $0x1  }
0x17: {  	s4 =	simm.s32 $0x1BF5;
	[smem:$0x3FB2] =	sst s0  }
0x18: {  	s0 =	sld [smem:$0x3F95];
	_ =	swait.ge [sflag:s4], $0x0  }
0x19: {  	s7 =	sld [smem:$0x3F96]  }
0x1a: {  	s8 =	sadd.s32 $0xFFFFE003, lr  }
0x1b: {  	s9 =	sadd.s32 $0xFFFFFEF7, lr;
	s5 =	simm.s32 $0xFFFFFFFF;
	p2 =	slt.u32 s8, $0xFFFFF086  }
0x1c: {  	p1 =	slt.u32 s9, $0xF7A;
	s5 =	simm.s32 @!p2 $0x0  }
0x1d: {  	s5 =	simm.s32 @p1 $0x1;
	p0 =	seq.s32 s7, s2  }
0x1e: {  	s7 =	smul.u32 @!p0 $0xF7A, s2;
	p2 =	seq.s32 @!p0 s5, $0x0  }
0x1f: {  	s9 =	smul.u32 $0xF7A, s1;
	s8 =	simm.s32 @!p0 $0x1BF5;
	p2 =	por !p2, p0  }
0x20: {  	[sflag:s8] =	ssyncset.s32 @!p0 $0xFFFFF086;
	s6 =	sadd.s32 @!p0 s3, s7;
	s7 =	simm.s32 @!p0 $0x108  }
0x21: {  	s3 =	sadd.s32 s3, s9;
	s6 =	sadd.s32 @!p0 $0x88, s6;
	s7 =	simm.s32 @p2 $0x1082  }
0x22: {  	[simem:s7], [sflag:s8] =	dma.local @!p0 [hbm:s6], $0xF7A  }
0x23: {  	s9 =	sor.u32 $0xD0000000, s2;
	s6 =	simm.s32 $0x108;
	_ =	swait.ge @!p0 [sflag:s8], $0x0  }
0x24: {  	s3 =	sadd.s32 $0x88, s3;
	s6 =	simm.s32 @!p1 $0x1082;
	[sflag:s4] =	ssyncset.s32 $0xFFFFF086  }
0x25: {  	[simem:s6], [sflag:s4] =	dma.local [hbm:s3], $0xF7A  }
0x26: {  	[smem:$0x3F96] =	sst s1;
	(tag) =	ssettag s2;
	_ =	strace s9  }
0x27: {  	s1 =	sld [smem:$0x3FA6]  }
0x28: {  	s2 =	sld [smem:$0x3FA7]  }
0x29: {  	s4 =	sld [smem:$0x3FA9]  }
0x2a: {  	p0 =	seq.s32 s5, $0x0;
	s5 =	sld [smem:$0x3FAA]  }
0x2b: {  	s6 =	sld [smem:$0x3FAB]  }
0x2c: {  	s7 =	sld [smem:$0x3FAC]  }
0x2d: {  	s3 =	simm.s32 $0x108;
	s8 =	sld [smem:$0x3FAD]  }
0x2e: {  	s3 =	simm.s32 @!p0 $0x1082;
	s9 =	sld [smem:$0x3FAE]  }
0x2f: {  	lr =	sadd.s32 s0, s3;
	s0 =	sld [smem:$0x3FA5]  }
0x30: {  	s3 =	sld [smem:$0x3FA8]  }
0x31: {  	[smem:$0x3FB1] =	sst s10  }
0x32: {  	s10 =	sld [smem:$0x3FAF];
	_ =	sdelay $0x3  }
0x33: {  	p0 =	seq.s32 s10, $0x1;
	s10 =	sld [smem:$0x3FB1];
	_ =	sdelay $0x3  }
0x34: {  	[smem:$0x3FB1] =	sst s10  }
0x35: {  	s10 =	sld [smem:$0x3FB0];
	_ =	sdelay $0x3  }
0x36: {  	p1 =	seq.s32 s10, $0x1;
	s10 =	sld [smem:$0x3FB1];
	_ =	sdelay $0x3  }
0x37: {  	[smem:$0x3FB1] =	sst s10  }
0x38: {  	s10 =	sld [smem:$0x3FB2]  }
0x39: {  	_ = 	snop;
	(pc) =	sbr.ind lr, $3  }
0x3a: {  	_ = 	snop  }
0x3b: {  	_ = 	snop  }
0x3c: {  	p2 =	seq.s32 s10, $0x1;
	s10 =	sld [smem:$0x3FB1]  }
0x3d: {  	_ =	shalt  }
0x3e: {  	_ =	shalt  }
0x3f: {  	_ =	shalt  }
0x40: {  	_ =	shalt  }
0x41: {  	_ =	shalt  }
0x42: {  	_ =	shalt  }
0x43: {  	_ =	shalt  }
0x44: {  	_ =	shalt  }
0x45: {  	_ =	shalt  }
0x46: {  	_ =	shalt  }
0x47: {  	_ =	shalt  }
0x48: {  	_ =	shalt  }
0x49: {  	_ =	shalt  }
0x4a: {  	_ =	shalt  }
0x4b: {  	_ =	shalt  }
0x4c: {  	_ =	shalt  }
0x4d: {  	_ =	shalt  }
0x4e: {  	_ =	shalt  }
0x4f: {  	_ =	shalt  }
0x50: {  	_ =	shalt  }
0x51: {  	_ =	shalt  }
0x52: {  	_ =	shalt  }
0x53: {  	_ =	shalt  }
0x54: {  	_ =	shalt  }
0x55: {  	_ =	shalt  }
0x56: {  	_ =	shalt  }
0x57: {  	_ =	shalt  }
0x58: {  	_ =	shalt  }
0x59: {  	_ =	shalt  }
0x5a: {  	_ =	shalt  }
0x5b: {  	_ =	shalt  }
0x5c: {  	_ =	shalt  }
0x5d: {  	_ =	shalt  }
0x5e: {  	_ =	shalt  }
0x5f: {  	_ =	shalt  }
0x60: {  	_ =	shalt  }
0x61: {  	_ =	shalt  }
0x62: {  	_ =	shalt  }
0x63: {  	_ =	shalt  }
0x64: {  	_ =	shalt  }
0x65: {  	_ =	shalt  }
0x66: {  	_ =	shalt  }
0x67: {  	_ =	shalt  }
0x68: {  	_ =	shalt  }
0x69: {  	_ =	shalt  }
0x6a: {  	_ =	shalt  }
0x6b: {  	_ =	shalt  }
0x6c: {  	_ =	shalt  }
0x6d: {  	_ =	shalt  }
0x6e: {  	_ =	shalt  }
0x6f: {  	_ =	shalt  }
0x70: {  	_ =	shalt  }
0x71: {  	_ =	shalt  }
0x72: {  	_ =	shalt  }
0x73: {  	_ =	shalt  }
0x74: {  	_ =	shalt  }
0x75: {  	_ =	shalt  }
0x76: {  	_ =	shalt  }
0x77: {  	_ =	shalt  }
0x78: {  	_ =	shalt  }
0x79: {  	_ =	shalt  }
0x7a: {  	_ =	shalt  }
0x7b: {  	_ =	shalt  }
0x7c: {  	_ =	shalt  }
0x7d: {  	_ =	shalt  }
0x7e: {  	_ =	shalt  }
0x7f: {  	_ =	shalt  }
0x80: {  	_ =	shalt  }
0x81: {  	_ =	shalt  }
0x82: {  	_ =	shalt  }
0x83: {  	_ =	shalt  }
0x84: {  	_ =	shalt  }
0x85: {  	_ =	shalt  }
0x86: {  	_ =	shalt  }
0x87: {  	_ =	shalt  }
.Lfunc_end0:
.L_simem_size_0:
called_computation_lowered:
.L_overlay_start_0:
0x88: {  	s2 =	sld [smem:$0x3FD9]  }
0x89: {  	s3 =	sld [smem:$0x3FFE];
	_ =	sdelay $0x1  }
0x8a: {  	s1 =	srdreg.scid  }
0x8b: {  	s0 =	sand.u32 $0x1, s1  }
0x8c: {  	s15 =	sshll.u32 s0, $0xA;
	s2 =	sadd.s32 s3, s2  }
0x8d: {  	s2 =	sadd.s32 s2, s15  }
0x8e: {  	[smem:$0x3FBD] =	sst s2  }
0x8f: {  	_ = 	snop  }
0x90: {  	s2 =	sld [smem:$0x3FD0];
	_ =	sdelay $0x2  }
0x91: {  	s16 =	simm.s32 $0xA;
	s4 =	simm.s32 $0x10  }
0x92: {  	[smem:s4], [sflag:s16] =	dma.local [hbm:s2], $0x1  }
0x93: {  	_ =	swait.eq [sflag:s16], $0x1  }
0x94: {  	[sflag:s16] =	ssyncset.done $0x0  }
0x95: {  	s17 =	sld [smem:$0x10];
	[sflag:s16] =	ssyncadd.s32 $0xFFFFFFFF  }
0x96: {  	s18 =	sld [smem:$0x11];
	(tm) =	ssettm $0x1  }
0x97: {  	s19 =	sld [smem:$0x3FFB];
	_ =	sdelay $0x3  }
0x98: {  	_ =	strace s19  }
0x99: {  	s4 =	sld [smem:$0x3FFC];
	_ =	sdelay $0x3  }
0x9a: {  	_ =	strace s4  }
0x9b: {  	s4 =	sld [smem:$0x3FFD];
	_ =	sdelay $0x3  }
0x9c: {  	_ =	strace s4  }
0x9d: {  	_ =	strace $0x8FFFFFFF  }
0x9e: {  	s20 =	sld [smem:$0x3FDB];
	_ =	sdelay $0x1  }
0x9f: {  	s5 =	simm.s32 $_scs_section_size  }
0xa0: {  	s6 =	simm.s32 $_size__tile_overlayer_lowered;
	s7 =	simm.s32 $_tile_overlayer_lowered  }
0xa1: {  	s23 =	simm.s32 $0x1BFF;
	s22 =	sshll.u32 s7, $0x1;
	s4 =	sadd.s32 s5, s20  }
0xa2: {  	s8 =	simm.s32 $0x0;
	s21 =	sshll.u32 s6, $0x1;
	s6 =	sadd.s32 s22, s4  }
0xa3: {  	[timem:s8], [sflag:s23] =	dma.local [hbm:s6], s21  }
0xa4: {  	_ =	swait.ge [sflag:s23], s21  }
0xa5: {  	s5 =	ssub.s32 $0x0, s21;
	[sflag:s23] =	ssyncset.done $0x0  }
0xa6: {  	[sflag:s23] =	ssyncadd.s32 s5;
	_ =	sdelay $0x1  }
0xa7: {  	s24 =	simm.s32 $0x1B8B  }
0xa8: {  	_ =	swait.ge [sflag:s24], $0x1  }
0xa9: {  	[sflag:s24] =	ssyncset.done $0x0  }
0xaa: {  	s25 =	simm.s32 $0x1B8E;
	[sflag:s24] =	ssyncadd.s32 $0xFFFFFFFF  }
0xab: {  	s26 =	simm.s32 $execute0_lowered;
	[smem:$0x3FD2] =	sst s25  }
0xac: {  	s5 =	sshll.u32 s26, $0x1;
	_ =	strace $0x80000046;
	[dreg:$0x1] =	wrdreg $0xFFFFFFFF  }
0xad: {  	s28 =	simm.s32 $_size_execute0_lowered;
	s4 =	sadd.s32 s4, s5;
	[dreg:$0x0] =	wrdreg $0x0  }
0xae: {  	s5 =	sshll.u32 s28, $0x1;
	[dreg:$0x2] =	wrdreg s4  }
0xaf: {  	[dreg:$0x3] =	wrdreg s5  }
0xb0: {  	[dreg:$0x4] =	wrdreg $0xC0  }
0xb1: {  	_ =	task [dreg:s8], $0x5FFFF  }
0xb2: {  	[dreg:$0x1] =	wrdreg $0xFFFFFFFF  }
0xb3: {  	[dreg:$0x0] =	wrdreg $0x60  }
0xb4: {  	[dreg:$0x2] =	wrdreg s17  }
0xb5: {  	[dreg:$0x3] =	wrdreg s18  }
0xb6: {  	[dreg:$0x4] =	wrdreg $0x9  }
0xb7: {  	_ =	task.clear_ibuf [dreg:s8], $0x5FFFF;
	_ =	strace $0x90000046  }
0xb8: {  	s29 =	simm.s32 $0x9;
	_ =	strace $0x80000048  }
0xb9: {  	_ =	swait.ge [sflag:s29], $0x1  }
0xba: {  	[sflag:s29] =	ssyncadd.s32 $0xFFFFFFFF  }
0xbb: {  	_ =	strace $0x90000048  }
0xbc: {  	_ =	sfence  }
0xbd: {  	s30 =	sld [smem:$0x0];
	_ =	sdelay $0x2  }
0xbe: {  	s31 =	sshll.u32 s1, $0xD;
	s1 =	sshrl.u32 s1, $0x2  }
0xbf: {  	s3 =	sand.u32 $0x4000, s31;
	s1 =	sadd.s32 s1, s30  }
0xc0: {  	s0 =	sor.u32 s3, s0;
	s1 =	sshll.u32 s1, $0x11  }
0xc1: {  	s0 =	sor.u32 s1, s0  }
0xc2: {  	s0 =	sadd.s32 $0x8F2B, s0  }
0xc3: {  	[sflag:s0] =	ssyncadd.remote.s32 $0x1  }
0xc4: {  	_ =	sfence.sel $0xFFFF  }
0xc5: {  	[dreg:$0x0] =	wrdreg $0xFFFFFFFF;
	(pc) =	sbr.abs _section_cstart, $3  }
0xc6: {  	[dreg:$0x1] =	wrdreg $0xFFFFFFFF  }
0xc7: {  	_ =	task.clear_ibuf [dreg:s8], $0x2FFFF;
	_ =	strace $0x9FFFFFFF  }
0xc8: {  	(tm) =	ssettm $0x7FFFFFFF  }
0xc9: {  	_ =	shalt  }
tec
execute0_lowered:
.L_overlay_start_1:
0x0: {  	(tag) =	ssettag $0x1  }
0x1: {  	s3 =	rddreg [dreg:$0x0]  }
0x2: {  	s4 =	rddreg [dreg:$0x1];
	s1 =	srdreg.scid  }
0x3: {  	s0 =	rddreg [dreg:$0x2];
	s5 =	sand.u32 $0x1, s1  }
0x4: {  	s2 =	simm.s32 $0x0;
	s1 =	stileid.u32;
	s6 =	smul.u32 $0x4E200, s5  }
0x5: {  	[smem:$0x7FF] =	sst s2;
	s7 =	smul.u32 $0x4E20, s1  }
0x6: {  	s8 =	sshll.u32 s5, $0x4;
	s5 =	ssub.s32 $0x2, s5;
	_ =	strace $0x80000047  }
0x7: {  	s8 =	sor.u32 s1, s8;
	s31 =	sshrl.u32 s5, $0x1;
	s6 =	sadd.s32 s7, s6  }
0x8: {  	s8 =	smul.u32 $0x500, s8;
	s5 =	ssub.s32 s5, s31;
	s6 =	sshrl.u32 s6, $0x3  }
0x9: {  	s7 =	simm.s32 $0x4E80;
	s5 =	smax.u32 s5, $0x1;
	s3 =	sadd.s32 s3, s6  }
0xa: {  	v0 =	vimm.f32 $0.0e+00;
	v1 =	vimm.f32 $1.000000000e+00;
	s4 =	sadd.s32 s4, s8;
	s6 =	simm.s32 $0x1;
	s8 =	simm.s32 $0x0  }
.LBB2_1:
0xb: {  	s9 =	simm.s32 $0x40;
	s10 =	simm.s32 $0x0  }
.LBB2_2:
0xc: {  	p0 =	sne.s32 s9, $0x9FC0;
	[tilespmem:s10+$0x4E80] =	vst v0;
	s10 =	smov.u32 s9;
	s9 =	sadd.s32 $0x40, s9  }
.Ltmp0:
0xd: {  	(pc) =	sbr.rel @p0 .LBB2_2-.Ltmp0, $2  }
0xe: {  	_ =	sdelay $0x2  }
0xf: {  	s10 =	sshra.s32 s10, $0x2  }
0x10: {  	[tilespmem:s10+$0x4E80] =	vst v0;
	s9 =	simm.s32 $0x0  }
0x11: {  	[tilespmem:s9], [sflag:$0x1] =	stream.linear.gather [hbm4b:s3+s9], $0x4E20, $0x38;
	[tilespmem:$0x7680] =	vst v63  }
0x12: {  	_ =	swait.ge [sflag:s6], $0x4E20  }
0x13: {  	[sflag:s6] =	ssyncset.done $0x0  }
0x14: {  	s10 =	simm.s32 $0x0;
	s9 =	simm.s32 $0x40;
	[sflag:s6] =	ssyncadd.s32 $0xFFFFB1E0  }
.LBB2_4:
0x15: {  	p0 =	sne.s32 s9, $0x13840;
	v2 =	vld [tilespmem:s10+$0x0];
	_ =	sdelay $0x3  }
.Ltmp1:
0x16: {  	(pc) =	sbr.rel @p0 .LBB2_4-.Ltmp1, $2  }
0x17: {  	_ =	sdelay $0x2  }
0x18: {  	s10 =	sshra.s32 s9, $0x2;
	s9 =	sadd.s32 $0x40, s9;
	[tilespmem:v2+s7+$0x0] =	vst.idx.add.f32.msk $0xffff, v1  }
0x19: {  	v2 =	vld [tilespmem:s10+$0x0];
	_ =	sdelay $0x5  }
0x1a: {  	s8 =	sadd.s32 $0x1, s8  }
0x1b: {  	p0 =	sne.s32 s8, s5  }
.Ltmp2:
0x1c: {  	[tilespmem:v2+s7+$0x0] =	vst.idx.add.f32.msk $0xffff, v1;
	(pc) =	sbr.rel @p0 .LBB2_1-.Ltmp2, $4  }
0x1d: {  	[hbm4b:s4+s2] =	stream.linear.scatter [tilespmem:s7], [sflag:$0x1], $0x2800, $0x38;
	[tilespmem:$0x7680] =	vst v63  }
0x1e: {  	_ =	swait.ge [sflag:s6], $0x2800  }
0x1f: {  	[sflag:s6] =	ssyncset.done $0x0  }
0x20: {  	[sflag:s6] =	ssyncadd.s32 $0xFFFFD800  }
0x21: {  	_ =	sfence.sel $0x180000  }
0x22: {  	[bflag:$0x0] =	sbarrier.arrive $0xFFFF  }
0x23: {  	p0 =	sne.s32 s1, $0x0;
	_ =	strace $0x90000047  }
0x24: {  	s0 =	sadd.s32 @!p0 $0x100000, s0;
	[bflag:$0x2] =	sbarrier.arrive $0xFFFF  }
0x25: {  	[sflag:s0] =	ssyncadd.tile.s32 @!p0 $0x1;
	_ =	shalt  }
.Lfunc_end2:
_tile_overlayer_lowered:
.L_overlay_start_2:
0x26: {  	(tag) =	ssettag $0x2  }
0x27: {  	s0 =	rddreg [dreg:$0x0];
	s2 =	stileid.u32  }
0x28: {  	s1 =	rddreg [dreg:$0x1];
	p0 =	sne.s32 s2, $0x0  }
0x29: {  	s3 =	rddreg [dreg:$0x2];
	[bflag:$0x3] =	sbarrier.arrive $0xFFFF;
	s2 =	simm.s32 @!p0 $0x1C01  }
0x2a: {  	[timem:s3], [sflag:s2] =	dma.local @!p0 [hbm:s0], s1  }
0x2b: {  	s0 =	simm.s32 @!p0 $0x1  }
0x2c: {  	_ =	swait.ge @!p0 [sflag:s0], s1  }
0x2d: {  	s1 =	ssub.s32 @!p0 $0x0, s1;
	[sflag:s0] =	ssyncset.done @!p0 $0x0  }
0x2e: {  	[sflag:s0] =	ssyncadd.s32 @!p0 s1  }
0x2f: {  	[bflag:$0x3] =	sbarrier.arrive $0xFFFF  }
0x30: {  	_ =	shalt  }

</sc_bundles>
